<compile_context>
chip_gen: v7x
topology: tpu7x:2x2x1
jax: 0.10.2.dev20260603
libtpu: 0.0.44.dev20260713+nightly
codegen_flags: <defaults>
</compile_context>

<pallas_src>
import functools
import math

import jax
import jax.numpy as jnp
from jax import lax
from jax.experimental import pallas as pl
from jax.experimental.pallas import tpu as pltpu
from jax.experimental.pallas import tpu_sc as plsc

_VOCAB = 100000
_EMB = 128
_SCALE = math.sqrt(float(_EMB))

_B = 4096 * 200
_NW = 32
_BPW = _B // _NW
_C = 128
_NCHUNK = _BPW // _C
_NBUF = 5
_GA = 3

_mesh = plsc.VectorSubcoreMesh(core_axis_name="c", subcore_axis_name="s")


@functools.partial(
    pl.kernel,
    mesh=_mesh,
    out_type=jax.ShapeDtypeStruct((_B, _EMB), jnp.float32),
    scratch_types=[
        pltpu.VMEM((_NCHUNK, _C), jnp.int32),
        pltpu.VMEM((_NBUF, _C, _EMB), jnp.float32),
        pltpu.SemaphoreType.DMA,
        pltpu.SemaphoreType.DMA,
    ],
)
def _gather(tokens_hbm, table_hbm, out_hbm, idx_v, rows_v, gsem, ssem):
    cid = lax.axis_index("c")
    sid = lax.axis_index("s")
    wid = sid * 2 + cid
    base = wid * _BPW

    pltpu.sync_copy(tokens_hbm.at[wid], idx_v)

    def g_copy(g, b):
        return pltpu.make_async_copy(
            table_hbm.at[idx_v.at[g]], rows_v.at[b], gsem
        )

    def s_copy(g, b):
        return pltpu.make_async_copy(
            rows_v.at[b], out_hbm.at[pl.ds(base + g * _C, _C)], ssem
        )

    def scale(b):
        def sbody(r, carry):
            for c in range(_EMB // 16):
                sl = pl.ds(c * 16, 16)
                rows_v[b, r, sl] = rows_v[b, r, sl] * _SCALE
            return carry

        lax.fori_loop(0, _C, sbody, 0)

    def chunk(g, b, wait_s, issue_g):
        g_copy(g, b).wait()
        scale(b)
        s_copy(g, b).start()
        if wait_s:
            s_copy(g - (_NBUF - _GA), (b - (_NBUF - _GA)) % _NBUF).wait()
        if issue_g:
            g_copy(g + _GA, (b + _GA) % _NBUF).start()

    for g in range(_GA):
        g_copy(g, g).start()

    for b in range(_NBUF):
        chunk(b, b, wait_s=(b >= _NBUF - _GA), issue_g=True)

    def body(i, carry):
        g0 = i * _NBUF
        for b in range(_NBUF):
            chunk(g0 + b, b, wait_s=True, issue_g=True)
        return carry

    lax.fori_loop(1, _NCHUNK // _NBUF - 1, body, 0)

    g0 = _NCHUNK - _NBUF
    for b in range(_NBUF):
        chunk(g0 + b, b, wait_s=True, issue_g=(b + _GA < _NBUF))

    for g in range(_NCHUNK - (_NBUF - _GA), _NCHUNK):
        s_copy(g, g % _NBUF).wait()


def kernel(tokens, table):
    tok = tokens.reshape(_NW, _NCHUNK, _C).astype(jnp.int32)
    out = _gather(tok, table)
    return out.reshape(tokens.shape[0], tokens.shape[1], _EMB)

# --- scband reference (transcript-rebuilt; emitter-appended) ---
"""Pipeline reference for scband-token-embedding-1271310320366 (READ-ONLY COPY).

The authoritative reference and input builder live on the scoring server;
editing this copy changes nothing except your own understanding.
"""

import jax, jax.numpy as jnp
import numpy as np
import math

VOCAB = 100000
EMB = 128

def setup_inputs(seed: int = 0) -> dict:
    key = jax.random.key(seed)
    k_tok, k_tab = jax.random.split(key)
    tokens = jax.random.randint(k_tok, (4096, 200), 0, VOCAB, dtype=jnp.int64 if jax.config.jax_enable_x64 else jnp.int32)
    table = jax.random.normal(k_tab, (VOCAB, EMB), dtype=jnp.float32)
    return {"tokens": tokens, "table": table}

def reference(tokens, table):
    # TokenEmbedding.forward: embedding(tokens.long()) * sqrt(emb_size)
    emb = jnp.take(table, tokens, axis=0)
    return emb * math.sqrt(EMB)

if __name__ == "__main__":
    import jax
    _d = setup_inputs()
    print(jax.jit(kernel)(*tuple(_d.values())))

</pallas_src>

<mosaic_0001>
#map = affine_map<(d0, d1) -> (0, 0, 0)>
#map1 = affine_map<(d0, d1) -> (0, 0)>
module attributes {stable_mosaic.version = 14 : i64} {
  func.func @_gather(%arg0: i32, %arg1: i32, %arg2: memref<32x200x128xi32, #tpu.memory_space<hbm>>, %arg3: memref<100000x128xf32, #tpu.memory_space<hbm>>, %arg4: memref<819200x128xf32, #tpu.memory_space<hbm>>, %arg5: memref<200x128xi32, #tpu.memory_space<vmem>>, %arg6: memref<5x128x128xf32, #tpu.memory_space<vmem>>, %arg7: memref<!tpu.dma_semaphore, #tpu.memory_space<semaphore_mem>>, %arg8: memref<!tpu.dma_semaphore, #tpu.memory_space<semaphore_mem>>) attributes {dimension_semantics = [#tpu.dimension_semantics<core_parallel>, #tpu.dimension_semantics<subcore_parallel>], iteration_bounds = array<i64: 2, 16>, scalar_prefetch = 0 : i64, scratch_operands = 4 : i64, tpu.core_type = #tpu.core_type<sc_vector_subcore>, window_params = [{transform_indices = #map}, {transform_indices = #map1}, {transform_indices = #map1}]} {
    %mul3A = arith.constant 2 : i32
    %mul3A_0 = arith.muli %arg1, %mul3A : i32
    %add3A = arith.addi %mul3A_0, %arg0 : i32
    %mul3A_1 = arith.constant 25600 : i32
    %mul3A_2 = arith.muli %add3A, %mul3A_1 : i32
    "tpu.region"() ({
      %run_scoped3A = tpu.sem_alloc : memref<!tpu.dma_semaphore, #tpu.memory_space<semaphore_mem>>
      %dma_start3A_606 = arith.constant 0 : i32
      %dma_start3A_607 = arith.constant 0 : i32
      %dma_start3A_608 = tpu.memref_slice %arg2[%add3A, %dma_start3A_606, %dma_start3A_607] : memref<32x200x128xi32, #tpu.memory_space<hbm>> -> memref<1x200x128xi32, #tpu.memory_space<hbm>>
      %dma_start3A_609 = tpu.memref_squeeze %dma_start3A_608 : memref<1x200x128xi32, #tpu.memory_space<hbm>> -> memref<200x128xi32, #tpu.memory_space<hbm>>
      %dma_start3A_610 = arith.constant 0 : i32
      %dma_start3A_611 = arith.constant 0 : i32
      %dma_start3A_612 = tpu.memref_slice %arg2[%add3A, %dma_start3A_610, %dma_start3A_611] : memref<32x200x128xi32, #tpu.memory_space<hbm>> -> memref<1x200x128xi32, #tpu.memory_space<hbm>>
      %dma_start3A_613 = tpu.memref_squeeze %dma_start3A_612 : memref<1x200x128xi32, #tpu.memory_space<hbm>> -> memref<200x128xi32, #tpu.memory_space<hbm>>
      tpu.enqueue_dma source(%dma_start3A_613 : memref<200x128xi32, #tpu.memory_space<hbm>>) target(%arg5 : memref<200x128xi32, #tpu.memory_space<vmem>>) target_semaphore(%run_scoped3A : memref<!tpu.dma_semaphore, #tpu.memory_space<semaphore_mem>>)
      %dma_wait3A_614 = arith.constant 0 : i32
      %dma_wait3A_615 = arith.constant 0 : i32
      %dma_wait3A_616 = tpu.memref_slice %arg2[%add3A, %dma_wait3A_614, %dma_wait3A_615] : memref<32x200x128xi32, #tpu.memory_space<hbm>> -> memref<1x200x128xi32, #tpu.memory_space<hbm>>
      %dma_wait3A_617 = tpu.memref_squeeze %dma_wait3A_616 : memref<1x200x128xi32, #tpu.memory_space<hbm>> -> memref<200x128xi32, #tpu.memory_space<hbm>>
      %dma_wait3A_618 = arith.constant 0 : i32
      %dma_wait3A_619 = arith.constant 0 : i32
      %dma_wait3A_620 = tpu.memref_slice %arg2[%add3A, %dma_wait3A_618, %dma_wait3A_619] : memref<32x200x128xi32, #tpu.memory_space<hbm>> -> memref<1x200x128xi32, #tpu.memory_space<hbm>>
      %dma_wait3A_621 = tpu.memref_squeeze %dma_wait3A_620 : memref<1x200x128xi32, #tpu.memory_space<hbm>> -> memref<200x128xi32, #tpu.memory_space<hbm>>
      tpu.wait_dma2 semaphore(%run_scoped3A : memref<!tpu.dma_semaphore, #tpu.memory_space<semaphore_mem>>) src(%dma_wait3A_621 : memref<200x128xi32, #tpu.memory_space<hbm>>) dst(%arg5 : memref<200x128xi32, #tpu.memory_space<vmem>>)
      tpu.yield
    }) : () -> ()
    %dma_start3A = arith.constant 0 : i32
    %dma_start3A_3 = arith.constant 0 : i32
    %dma_start3A_4 = arith.constant 0 : i32
    %dma_start3A_5 = arith.constant 0 : i32
    %dma_start3A_6 = tpu.memref_slice %arg6[%dma_start3A_3, %dma_start3A_4, %dma_start3A_5] : memref<5x128x128xf32, #tpu.memory_space<vmem>> -> memref<1x128x128xf32, #tpu.memory_space<vmem>>
    %dma_start3A_7 = tpu.memref_squeeze %dma_start3A_6 : memref<1x128x128xf32, #tpu.memory_space<vmem>> -> memref<128x128xf32, #tpu.memory_space<vmem>>
    %dma_start3A_8 = arith.constant 0 : i32
    %dma_start3A_9 = tpu.memref_slice %arg5[%dma_start3A, %dma_start3A_8] : memref<200x128xi32, #tpu.memory_space<vmem>> -> memref<1x128xi32, #tpu.memory_space<vmem>>
    %dma_start3A_10 = tpu.memref_squeeze %dma_start3A_9 : memref<1x128xi32, #tpu.memory_space<vmem>> -> memref<128xi32, #tpu.memory_space<vmem>>
    %dma_start3A_11 = arith.constant 0 : i32
    %dma_start3A_12 = arith.constant 0 : i32
    %dma_start3A_13 = tpu.memref_slice %arg3[%dma_start3A_11, %dma_start3A_12] : memref<100000x128xf32, #tpu.memory_space<hbm>> -> memref<100000x128xf32, #tpu.memory_space<hbm>>
    tpu.enqueue_indirect_dma source(%dma_start3A_13 : memref<100000x128xf32, #tpu.memory_space<hbm>>) target(%dma_start3A_7 : memref<128x128xf32, #tpu.memory_space<vmem>>) offsets(%dma_start3A_10 : memref<128xi32, #tpu.memory_space<vmem>>) semaphore(%arg7 : memref<!tpu.dma_semaphore, #tpu.memory_space<semaphore_mem>>)
    %dma_start3A_14 = arith.constant 1 : i32
    %dma_start3A_15 = arith.constant 1 : i32
    %dma_start3A_16 = arith.constant 0 : i32
    %dma_start3A_17 = arith.constant 0 : i32
    %dma_start3A_18 = tpu.memref_slice %arg6[%dma_start3A_15, %dma_start3A_16, %dma_start3A_17] : memref<5x128x128xf32, #tpu.memory_space<vmem>> -> memref<1x128x128xf32, #tpu.memory_space<vmem>>
    %dma_start3A_19 = tpu.memref_squeeze %dma_start3A_18 : memref<1x128x128xf32, #tpu.memory_space<vmem>> -> memref<128x128xf32, #tpu.memory_space<vmem>>
    %dma_start3A_20 = arith.constant 0 : i32
    %dma_start3A_21 = tpu.memref_slice %arg5[%dma_start3A_14, %dma_start3A_20] : memref<200x128xi32, #tpu.memory_space<vmem>> -> memref<1x128xi32, #tpu.memory_space<vmem>>
    %dma_start3A_22 = tpu.memref_squeeze %dma_start3A_21 : memref<1x128xi32, #tpu.memory_space<vmem>> -> memref<128xi32, #tpu.memory_space<vmem>>
    %dma_start3A_23 = arith.constant 0 : i32
    %dma_start3A_24 = arith.constant 0 : i32
    %dma_start3A_25 = tpu.memref_slice %arg3[%dma_start3A_23, %dma_start3A_24] : memref<100000x128xf32, #tpu.memory_space<hbm>> -> memref<100000x128xf32, #tpu.memory_space<hbm>>
    tpu.enqueue_indirect_dma source(%dma_start3A_25 : memref<100000x128xf32, #tpu.memory_space<hbm>>) target(%dma_start3A_19 : memref<128x128xf32, #tpu.memory_space<vmem>>) offsets(%dma_start3A_22 : memref<128xi32, #tpu.memory_space<vmem>>) semaphore(%arg7 : memref<!tpu.dma_semaphore, #tpu.memory_space<semaphore_mem>>)
    %dma_start3A_26 = arith.constant 2 : i32
    %dma_start3A_27 = arith.constant 2 : i32
    %dma_start3A_28 = arith.constant 0 : i32
    %dma_start3A_29 = arith.constant 0 : i32
    %dma_start3A_30 = tpu.memref_slice %arg6[%dma_start3A_27, %dma_start3A_28, %dma_start3A_29] : memref<5x128x128xf32, #tpu.memory_space<vmem>> -> memref<1x128x128xf32, #tpu.memory_space<vmem>>
    %dma_start3A_31 = tpu.memref_squeeze %dma_start3A_30 : memref<1x128x128xf32, #tpu.memory_space<vmem>> -> memref<128x128xf32, #tpu.memory_space<vmem>>
    %dma_start3A_32 = arith.constant 0 : i32
    %dma_start3A_33 = tpu.memref_slice %arg5[%dma_start3A_26, %dma_start3A_32] : memref<200x128xi32, #tpu.memory_space<vmem>> -> memref<1x128xi32, #tpu.memory_space<vmem>>
    %dma_start3A_34 = tpu.memref_squeeze %dma_start3A_33 : memref<1x128xi32, #tpu.memory_space<vmem>> -> memref<128xi32, #tpu.memory_space<vmem>>
    %dma_start3A_35 = arith.constant 0 : i32
    %dma_start3A_36 = arith.constant 0 : i32
    %dma_start3A_37 = tpu.memref_slice %arg3[%dma_start3A_35, %dma_start3A_36] : memref<100000x128xf32, #tpu.memory_space<hbm>> -> memref<100000x128xf32, #tpu.memory_space<hbm>>
    tpu.enqueue_indirect_dma source(%dma_start3A_37 : memref<100000x128xf32, #tpu.memory_space<hbm>>) target(%dma_start3A_31 : memref<128x128xf32, #tpu.memory_space<vmem>>) offsets(%dma_start3A_34 : memref<128xi32, #tpu.memory_space<vmem>>) semaphore(%arg7 : memref<!tpu.dma_semaphore, #tpu.memory_space<semaphore_mem>>)
    %dma_wait3A = arith.constant 0 : i32
    %dma_wait3A_38 = arith.constant 0 : i32
    %dma_wait3A_39 = arith.constant 0 : i32
    %dma_wait3A_40 = arith.constant 0 : i32
    %dma_wait3A_41 = tpu.memref_slice %arg6[%dma_wait3A_38, %dma_wait3A_39, %dma_wait3A_40] : memref<5x128x128xf32, #tpu.memory_space<vmem>> -> memref<1x128x128xf32, #tpu.memory_space<vmem>>
    %dma_wait3A_42 = tpu.memref_squeeze %dma_wait3A_41 : memref<1x128x128xf32, #tpu.memory_space<vmem>> -> memref<128x128xf32, #tpu.memory_space<vmem>>
    %dma_wait3A_43 = arith.constant 0 : i32
    %dma_wait3A_44 = tpu.memref_slice %arg5[%dma_wait3A, %dma_wait3A_43] : memref<200x128xi32, #tpu.memory_space<vmem>> -> memref<1x128xi32, #tpu.memory_space<vmem>>
    %dma_wait3A_45 = tpu.memref_squeeze %dma_wait3A_44 : memref<1x128xi32, #tpu.memory_space<vmem>> -> memref<128xi32, #tpu.memory_space<vmem>>
    %dma_wait3A_46 = arith.constant 0 : i32
    %dma_wait3A_47 = arith.constant 0 : i32
    %dma_wait3A_48 = tpu.memref_slice %arg3[%dma_wait3A_46, %dma_wait3A_47] : memref<100000x128xf32, #tpu.memory_space<hbm>> -> memref<100000x128xf32, #tpu.memory_space<hbm>>
    tpu.wait_indirect_dma semaphore(%arg7 : memref<!tpu.dma_semaphore, #tpu.memory_space<semaphore_mem>>) src(%dma_wait3A_48 : memref<100000x128xf32, #tpu.memory_space<hbm>>) dst(%dma_wait3A_42 : memref<128x128xf32, #tpu.memory_space<vmem>>)
    %scan3A = arith.constant 0 : i32
    %scan3A_49 = arith.constant 0 : i32
    %scan3A_50 = arith.constant 128 : i32
    %scan3A_51 = arith.addi %scan3A_49, %scan3A_50 : i32
    %scan3A_52 = arith.constant 1 : i32
    scf.for %scan3A_606 = %scan3A_49 to %scan3A_51 step %scan3A_52  : i32 {
      %get3A = arith.constant 0 : i32
      %get3A_607 = arith.index_cast %get3A : i32 to index
      %get3A_608 = arith.index_cast %scan3A_606 : i32 to index
      %get3A_609 = arith.constant 0 : index
      %get3A_610 = tpu.vector_load %arg6[%get3A_607, %get3A_608, %get3A_609] {strides = array<i32>} : memref<5x128x128xf32, #tpu.memory_space<vmem>>, vector<1x1x16xf32>,
      %get3A_611 = vector.shape_cast %get3A_610 : vector<1x1x16xf32> to vector<16xf32>
      %mul3A_612 = arith.constant 11.3137083 : f32
      %mul3A_613 = vector.broadcast %mul3A_612 : f32 to vector<16xf32>
      %mul3A_614 = arith.mulf %get3A_611, %mul3A_613 : vector<16xf32>
      %swap3A = arith.constant 0 : i32
      %swap3A_615 = arith.index_cast %swap3A : i32 to index
      %swap3A_616 = arith.index_cast %scan3A_606 : i32 to index
      %swap3A_617 = arith.constant 0 : index
      %swap3A_618 = tpu.vector_load %arg6[%swap3A_615, %swap3A_616, %swap3A_617] {strides = array<i32>} : memref<5x128x128xf32, #tpu.memory_space<vmem>>, vector<1x1x16xf32>,
      %swap3A_619 = vector.shape_cast %swap3A_618 : vector<1x1x16xf32> to vector<16xf32>
      %swap3A_620 = vector.shape_cast %mul3A_614 : vector<16xf32> to vector<1x1x16xf32>
      tpu.vector_store %arg6[%swap3A_615, %swap3A_616, %swap3A_617], %swap3A_620 {strides = array<i32>} : memref<5x128x128xf32, #tpu.memory_space<vmem>>, vector<1x1x16xf32>,
      %get3A_621 = arith.constant 0 : i32
      %get3A_622 = arith.index_cast %get3A_621 : i32 to index
      %get3A_623 = arith.index_cast %scan3A_606 : i32 to index
      %get3A_624 = arith.constant 16 : index
      %get3A_625 = tpu.vector_load %arg6[%get3A_622, %get3A_623, %get3A_624] {strides = array<i32>} : memref<5x128x128xf32, #tpu.memory_space<vmem>>, vector<1x1x16xf32>,
      %get3A_626 = vector.shape_cast %get3A_625 : vector<1x1x16xf32> to vector<16xf32>
      %mul3A_627 = arith.constant 11.3137083 : f32
      %mul3A_628 = vector.broadcast %mul3A_627 : f32 to vector<16xf32>
      %mul3A_629 = arith.mulf %get3A_626, %mul3A_628 : vector<16xf32>
      %swap3A_630 = arith.constant 0 : i32
      %swap3A_631 = arith.index_cast %swap3A_630 : i32 to index
      %swap3A_632 = arith.index_cast %scan3A_606 : i32 to index
      %swap3A_633 = arith.constant 16 : index
      %swap3A_634 = tpu.vector_load %arg6[%swap3A_631, %swap3A_632, %swap3A_633] {strides = array<i32>} : memref<5x128x128xf32, #tpu.memory_space<vmem>>, vector<1x1x16xf32>,
      %swap3A_635 = vector.shape_cast %swap3A_634 : vector<1x1x16xf32> to vector<16xf32>
      %swap3A_636 = vector.shape_cast %mul3A_629 : vector<16xf32> to vector<1x1x16xf32>
      tpu.vector_store %arg6[%swap3A_631, %swap3A_632, %swap3A_633], %swap3A_636 {strides = array<i32>} : memref<5x128x128xf32, #tpu.memory_space<vmem>>, vector<1x1x16xf32>,
      %get3A_637 = arith.constant 0 : i32
      %get3A_638 = arith.index_cast %get3A_637 : i32 to index
      %get3A_639 = arith.index_cast %scan3A_606 : i32 to index
      %get3A_640 = arith.constant 32 : index
      %get3A_641 = tpu.vector_load %arg6[%get3A_638, %get3A_639, %get3A_640] {strides = array<i32>} : memref<5x128x128xf32, #tpu.memory_space<vmem>>, vector<1x1x16xf32>,
      %get3A_642 = vector.shape_cast %get3A_641 : vector<1x1x16xf32> to vector<16xf32>
      %mul3A_643 = arith.constant 11.3137083 : f32
      %mul3A_644 = vector.broadcast %mul3A_643 : f32 to vector<16xf32>
      %mul3A_645 = arith.mulf %get3A_642, %mul3A_644 : vector<16xf32>
      %swap3A_646 = arith.constant 0 : i32
      %swap3A_647 = arith.index_cast %swap3A_646 : i32 to index
      %swap3A_648 = arith.index_cast %scan3A_606 : i32 to index
      %swap3A_649 = arith.constant 32 : index
      %swap3A_650 = tpu.vector_load %arg6[%swap3A_647, %swap3A_648, %swap3A_649] {strides = array<i32>} : memref<5x128x128xf32, #tpu.memory_space<vmem>>, vector<1x1x16xf32>,
      %swap3A_651 = vector.shape_cast %swap3A_650 : vector<1x1x16xf32> to vector<16xf32>
      %swap3A_652 = vector.shape_cast %mul3A_645 : vector<16xf32> to vector<1x1x16xf32>
      tpu.vector_store %arg6[%swap3A_647, %swap3A_648, %swap3A_649], %swap3A_652 {strides = array<i32>} : memref<5x128x128xf32, #tpu.memory_space<vmem>>, vector<1x1x16xf32>,
      %get3A_653 = arith.constant 0 : i32
      %get3A_654 = arith.index_cast %get3A_653 : i32 to index
      %get3A_655 = arith.index_cast %scan3A_606 : i32 to index
      %get3A_656 = arith.constant 48 : index
      %get3A_657 = tpu.vector_load %arg6[%get3A_654, %get3A_655, %get3A_656] {strides = array<i32>} : memref<5x128x128xf32, #tpu.memory_space<vmem>>, vector<1x1x16xf32>,
      %get3A_658 = vector.shape_cast %get3A_657 : vector<1x1x16xf32> to vector<16xf32>
      %mul3A_659 = arith.constant 11.3137083 : f32
      %mul3A_660 = vector.broadcast %mul3A_659 : f32 to vector<16xf32>
      %mul3A_661 = arith.mulf %get3A_658, %mul3A_660 : vector<16xf32>
      %swap3A_662 = arith.constant 0 : i32
      %swap3A_663 = arith.index_cast %swap3A_662 : i32 to index
      %swap3A_664 = arith.index_cast %scan3A_606 : i32 to index
      %swap3A_665 = arith.constant 48 : index
      %swap3A_666 = tpu.vector_load %arg6[%swap3A_663, %swap3A_664, %swap3A_665] {strides = array<i32>} : memref<5x128x128xf32, #tpu.memory_space<vmem>>, vector<1x1x16xf32>,
      %swap3A_667 = vector.shape_cast %swap3A_666 : vector<1x1x16xf32> to vector<16xf32>
      %swap3A_668 = vector.shape_cast %mul3A_661 : vector<16xf32> to vector<1x1x16xf32>
      tpu.vector_store %arg6[%swap3A_663, %swap3A_664, %swap3A_665], %swap3A_668 {strides = array<i32>} : memref<5x128x128xf32, #tpu.memory_space<vmem>>, vector<1x1x16xf32>,
      %get3A_669 = arith.constant 0 : i32
      %get3A_670 = arith.index_cast %get3A_669 : i32 to index
      %get3A_671 = arith.index_cast %scan3A_606 : i32 to index
      %get3A_672 = arith.constant 64 : index
      %get3A_673 = tpu.vector_load %arg6[%get3A_670, %get3A_671, %get3A_672] {strides = array<i32>} : memref<5x128x128xf32, #tpu.memory_space<vmem>>, vector<1x1x16xf32>,
      %get3A_674 = vector.shape_cast %get3A_673 : vector<1x1x16xf32> to vector<16xf32>
      %mul3A_675 = arith.constant 11.3137083 : f32
      %mul3A_676 = vector.broadcast %mul3A_675 : f32 to vector<16xf32>
      %mul3A_677 = arith.mulf %get3A_674, %mul3A_676 : vector<16xf32>
      %swap3A_678 = arith.constant 0 : i32
      %swap3A_679 = arith.index_cast %swap3A_678 : i32 to index
      %swap3A_680 = arith.index_cast %scan3A_606 : i32 to index
      %swap3A_681 = arith.constant 64 : index
      %swap3A_682 = tpu.vector_load %arg6[%swap3A_679, %swap3A_680, %swap3A_681] {strides = array<i32>} : memref<5x128x128xf32, #tpu.memory_space<vmem>>, vector<1x1x16xf32>,
      %swap3A_683 = vector.shape_cast %swap3A_682 : vector<1x1x16xf32> to vector<16xf32>
      %swap3A_684 = vector.shape_cast %mul3A_677 : vector<16xf32> to vector<1x1x16xf32>
      tpu.vector_store %arg6[%swap3A_679, %swap3A_680, %swap3A_681], %swap3A_684 {strides = array<i32>} : memref<5x128x128xf32, #tpu.memory_space<vmem>>, vector<1x1x16xf32>,
      %get3A_685 = arith.constant 0 : i32
      %get3A_686 = arith.index_cast %get3A_685 : i32 to index
      %get3A_687 = arith.index_cast %scan3A_606 : i32 to index
      %get3A_688 = arith.constant 80 : index
      %get3A_689 = tpu.vector_load %arg6[%get3A_686, %get3A_687, %get3A_688] {strides = array<i32>} : memref<5x128x128xf32, #tpu.memory_space<vmem>>, vector<1x1x16xf32>,
      %get3A_690 = vector.shape_cast %get3A_689 : vector<1x1x16xf32> to vector<16xf32>
      %mul3A_691 = arith.constant 11.3137083 : f32
      %mul3A_692 = vector.broadcast %mul3A_691 : f32 to vector<16xf32>
      %mul3A_693 = arith.mulf %get3A_690, %mul3A_692 : vector<16xf32>
      %swap3A_694 = arith.constant 0 : i32
      %swap3A_695 = arith.index_cast %swap3A_694 : i32 to index
      %swap3A_696 = arith.index_cast %scan3A_606 : i32 to index
      %swap3A_697 = arith.constant 80 : index
      %swap3A_698 = tpu.vector_load %arg6[%swap3A_695, %swap3A_696, %swap3A_697] {strides = array<i32>} : memref<5x128x128xf32, #tpu.memory_space<vmem>>, vector<1x1x16xf32>,
      %swap3A_699 = vector.shape_cast %swap3A_698 : vector<1x1x16xf32> to vector<16xf32>
      %swap3A_700 = vector.shape_cast %mul3A_693 : vector<16xf32> to vector<1x1x16xf32>
      tpu.vector_store %arg6[%swap3A_695, %swap3A_696, %swap3A_697], %swap3A_700 {strides = array<i32>} : memref<5x128x128xf32, #tpu.memory_space<vmem>>, vector<1x1x16xf32>,
      %get3A_701 = arith.constant 0 : i32
      %get3A_702 = arith.index_cast %get3A_701 : i32 to index
      %get3A_703 = arith.index_cast %scan3A_606 : i32 to index
      %get3A_704 = arith.constant 96 : index
      %get3A_705 = tpu.vector_load %arg6[%get3A_702, %get3A_703, %get3A_704] {strides = array<i32>} : memref<5x128x128xf32, #tpu.memory_space<vmem>>, vector<1x1x16xf32>,
      %get3A_706 = vector.shape_cast %get3A_705 : vector<1x1x16xf32> to vector<16xf32>
      %mul3A_707 = arith.constant 11.3137083 : f32
      %mul3A_708 = vector.broadcast %mul3A_707 : f32 to vector<16xf32>
      %mul3A_709 = arith.mulf %get3A_706, %mul3A_708 : vector<16xf32>
      %swap3A_710 = arith.constant 0 : i32
      %swap3A_711 = arith.index_cast %swap3A_710 : i32 to index
      %swap3A_712 = arith.index_cast %scan3A_606 : i32 to index
      %swap3A_713 = arith.constant 96 : index
      %swap3A_714 = tpu.vector_load %arg6[%swap3A_711, %swap3A_712, %swap3A_713] {strides = array<i32>} : memref<5x128x128xf32, #tpu.memory_space<vmem>>, vector<1x1x16xf32>,
      %swap3A_715 = vector.shape_cast %swap3A_714 : vector<1x1x16xf32> to vector<16xf32>
      %swap3A_716 = vector.shape_cast %mul3A_709 : vector<16xf32> to vector<1x1x16xf32>
      tpu.vector_store %arg6[%swap3A_711, %swap3A_712, %swap3A_713], %swap3A_716 {strides = array<i32>} : memref<5x128x128xf32, #tpu.memory_space<vmem>>, vector<1x1x16xf32>,
      %get3A_717 = arith.constant 0 : i32
      %get3A_718 = arith.index_cast %get3A_717 : i32 to index
      %get3A_719 = arith.index_cast %scan3A_606 : i32 to index
      %get3A_720 = arith.constant 112 : index
      %get3A_721 = tpu.vector_load %arg6[%get3A_718, %get3A_719, %get3A_720] {strides = array<i32>} : memref<5x128x128xf32, #tpu.memory_space<vmem>>, vector<1x1x16xf32>,
      %get3A_722 = vector.shape_cast %get3A_721 : vector<1x1x16xf32> to vector<16xf32>
      %mul3A_723 = arith.constant 11.3137083 : f32
      %mul3A_724 = vector.broadcast %mul3A_723 : f32 to vector<16xf32>
      %mul3A_725 = arith.mulf %get3A_722, %mul3A_724 : vector<16xf32>
      %swap3A_726 = arith.constant 0 : i32
      %swap3A_727 = arith.index_cast %swap3A_726 : i32 to index
      %swap3A_728 = arith.index_cast %scan3A_606 : i32 to index
      %swap3A_729 = arith.constant 112 : index
      %swap3A_730 = tpu.vector_load %arg6[%swap3A_727, %swap3A_728, %swap3A_729] {strides = array<i32>} : memref<5x128x128xf32, #tpu.memory_space<vmem>>, vector<1x1x16xf32>,
      %swap3A_731 = vector.shape_cast %swap3A_730 : vector<1x1x16xf32> to vector<16xf32>
      %swap3A_732 = vector.shape_cast %mul3A_725 : vector<16xf32> to vector<1x1x16xf32>
      tpu.vector_store %arg6[%swap3A_727, %swap3A_728, %swap3A_729], %swap3A_732 {strides = array<i32>} : memref<5x128x128xf32, #tpu.memory_space<vmem>>, vector<1x1x16xf32>,
    }
    %scan3A_53 = arith.constant 128 : i32
    %add3A_54 = arith.constant 0 : i32
    %add3A_55 = arith.addi %mul3A_2, %add3A_54 : i32
    %dma_start3A_56 = arith.constant 0 : i32
    %dma_start3A_57 = arith.constant 0 : i32
    %dma_start3A_58 = arith.constant 0 : i32
    %dma_start3A_59 = tpu.memref_slice %arg6[%dma_start3A_56, %dma_start3A_57, %dma_start3A_58] : memref<5x128x128xf32, #tpu.memory_space<vmem>> -> memref<1x128x128xf32, #tpu.memory_space<vmem>>
    %dma_start3A_60 = tpu.memref_squeeze %dma_start3A_59 : memref<1x128x128xf32, #tpu.memory_space<vmem>> -> memref<128x128xf32, #tpu.memory_space<vmem>>
    %dma_start3A_61 = arith.constant 0 : i32
    %dma_start3A_62 = tpu.memref_slice %arg4[%add3A_55, %dma_start3A_61] : memref<819200x128xf32, #tpu.memory_space<hbm>> -> memref<128x128xf32, #tpu.memory_space<hbm>>
    %dma_start3A_63 = arith.constant 0 : i32
    %dma_start3A_64 = tpu.memref_slice %arg4[%add3A_55, %dma_start3A_63] : memref<819200x128xf32, #tpu.memory_space<hbm>> -> memref<128x128xf32, #tpu.memory_space<hbm>>
    %dma_start3A_65 = arith.constant 0 : i32
    %dma_start3A_66 = arith.constant 0 : i32
    %dma_start3A_67 = tpu.memref_slice %arg6[%dma_start3A_56, %dma_start3A_65, %dma_start3A_66] : memref<5x128x128xf32, #tpu.memory_space<vmem>> -> memref<1x128x128xf32, #tpu.memory_space<vmem>>
    %dma_start3A_68 = tpu.memref_squeeze %dma_start3A_67 : memref<1x128x128xf32, #tpu.memory_space<vmem>> -> memref<128x128xf32, #tpu.memory_space<vmem>>
    tpu.enqueue_dma source(%dma_start3A_68 : memref<128x128xf32, #tpu.memory_space<vmem>>) target(%dma_start3A_64 : memref<128x128xf32, #tpu.memory_space<hbm>>) target_semaphore(%arg8 : memref<!tpu.dma_semaphore, #tpu.memory_space<semaphore_mem>>)
    %dma_start3A_69 = arith.constant 3 : i32
    %dma_start3A_70 = arith.constant 3 : i32
    %dma_start3A_71 = arith.constant 0 : i32
    %dma_start3A_72 = arith.constant 0 : i32
    %dma_start3A_73 = tpu.memref_slice %arg6[%dma_start3A_70, %dma_start3A_71, %dma_start3A_72] : memref<5x128x128xf32, #tpu.memory_space<vmem>> -> memref<1x128x128xf32, #tpu.memory_space<vmem>>
    %dma_start3A_74 = tpu.memref_squeeze %dma_start3A_73 : memref<1x128x128xf32, #tpu.memory_space<vmem>> -> memref<128x128xf32, #tpu.memory_space<vmem>>
    %dma_start3A_75 = arith.constant 0 : i32
    %dma_start3A_76 = tpu.memref_slice %arg5[%dma_start3A_69, %dma_start3A_75] : memref<200x128xi32, #tpu.memory_space<vmem>> -> memref<1x128xi32, #tpu.memory_space<vmem>>
    %dma_start3A_77 = tpu.memref_squeeze %dma_start3A_76 : memref<1x128xi32, #tpu.memory_space<vmem>> -> memref<128xi32, #tpu.memory_space<vmem>>
    %dma_start3A_78 = arith.constant 0 : i32
    %dma_start3A_79 = arith.constant 0 : i32
    %dma_start3A_80 = tpu.memref_slice %arg3[%dma_start3A_78, %dma_start3A_79] : memref<100000x128xf32, #tpu.memory_space<hbm>> -> memref<100000x128xf32, #tpu.memory_space<hbm>>
    tpu.enqueue_indirect_dma source(%dma_start3A_80 : memref<100000x128xf32, #tpu.memory_space<hbm>>) target(%dma_start3A_74 : memref<128x128xf32, #tpu.memory_space<vmem>>) offsets(%dma_start3A_77 : memref<128xi32, #tpu.memory_space<vmem>>) semaphore(%arg7 : memref<!tpu.dma_semaphore, #tpu.memory_space<semaphore_mem>>)
    %dma_wait3A_81 = arith.constant 1 : i32
    %dma_wait3A_82 = arith.constant 1 : i32
    %dma_wait3A_83 = arith.constant 0 : i32
    %dma_wait3A_84 = arith.constant 0 : i32
    %dma_wait3A_85 = tpu.memref_slice %arg6[%dma_wait3A_82, %dma_wait3A_83, %dma_wait3A_84] : memref<5x128x128xf32, #tpu.memory_space<vmem>> -> memref<1x128x128xf32, #tpu.memory_space<vmem>>
    %dma_wait3A_86 = tpu.memref_squeeze %dma_wait3A_85 : memref<1x128x128xf32, #tpu.memory_space<vmem>> -> memref<128x128xf32, #tpu.memory_space<vmem>>
    %dma_wait3A_87 = arith.constant 0 : i32
    %dma_wait3A_88 = tpu.memref_slice %arg5[%dma_wait3A_81, %dma_wait3A_87] : memref<200x128xi32, #tpu.memory_space<vmem>> -> memref<1x128xi32, #tpu.memory_space<vmem>>
    %dma_wait3A_89 = tpu.memref_squeeze %dma_wait3A_88 : memref<1x128xi32, #tpu.memory_space<vmem>> -> memref<128xi32, #tpu.memory_space<vmem>>
    %dma_wait3A_90 = arith.constant 0 : i32
    %dma_wait3A_91 = arith.constant 0 : i32
    %dma_wait3A_92 = tpu.memref_slice %arg3[%dma_wait3A_90, %dma_wait3A_91] : memref<100000x128xf32, #tpu.memory_space<hbm>> -> memref<100000x128xf32, #tpu.memory_space<hbm>>
    tpu.wait_indirect_dma semaphore(%arg7 : memref<!tpu.dma_semaphore, #tpu.memory_space<semaphore_mem>>) src(%dma_wait3A_92 : memref<100000x128xf32, #tpu.memory_space<hbm>>) dst(%dma_wait3A_86 : memref<128x128xf32, #tpu.memory_space<vmem>>)
    %scan3A_93 = arith.constant 0 : i32
    %scan3A_94 = arith.constant 0 : i32
    %scan3A_95 = arith.constant 128 : i32
    %scan3A_96 = arith.addi %scan3A_94, %scan3A_95 : i32
    %scan3A_97 = arith.constant 1 : i32
    scf.for %scan3A_606 = %scan3A_94 to %scan3A_96 step %scan3A_97  : i32 {
      %get3A = arith.constant 1 : i32
      %get3A_607 = arith.index_cast %get3A : i32 to index
      %get3A_608 = arith.index_cast %scan3A_606 : i32 to index
      %get3A_609 = arith.constant 0 : index
      %get3A_610 = tpu.vector_load %arg6[%get3A_607, %get3A_608, %get3A_609] {strides = array<i32>} : memref<5x128x128xf32, #tpu.memory_space<vmem>>, vector<1x1x16xf32>,
      %get3A_611 = vector.shape_cast %get3A_610 : vector<1x1x16xf32> to vector<16xf32>
      %mul3A_612 = arith.constant 11.3137083 : f32
      %mul3A_613 = vector.broadcast %mul3A_612 : f32 to vector<16xf32>
      %mul3A_614 = arith.mulf %get3A_611, %mul3A_613 : vector<16xf32>
      %swap3A = arith.constant 1 : i32
      %swap3A_615 = arith.index_cast %swap3A : i32 to index
      %swap3A_616 = arith.index_cast %scan3A_606 : i32 to index
      %swap3A_617 = arith.constant 0 : index
      %swap3A_618 = tpu.vector_load %arg6[%swap3A_615, %swap3A_616, %swap3A_617] {strides = array<i32>} : memref<5x128x128xf32, #tpu.memory_space<vmem>>, vector<1x1x16xf32>,
      %swap3A_619 = vector.shape_cast %swap3A_618 : vector<1x1x16xf32> to vector<16xf32>
      %swap3A_620 = vector.shape_cast %mul3A_614 : vector<16xf32> to vector<1x1x16xf32>
      tpu.vector_store %arg6[%swap3A_615, %swap3A_616, %swap3A_617], %swap3A_620 {strides = array<i32>} : memref<5x128x128xf32, #tpu.memory_space<vmem>>, vector<1x1x16xf32>,
      %get3A_621 = arith.constant 1 : i32
      %get3A_622 = arith.index_cast %get3A_621 : i32 to index
      %get3A_623 = arith.index_cast %scan3A_606 : i32 to index
      %get3A_624 = arith.constant 16 : index
      %get3A_625 = tpu.vector_load %arg6[%get3A_622, %get3A_623, %get3A_624] {strides = array<i32>} : memref<5x128x128xf32, #tpu.memory_space<vmem>>, vector<1x1x16xf32>,
      %get3A_626 = vector.shape_cast %get3A_625 : vector<1x1x16xf32> to vector<16xf32>
      %mul3A_627 = arith.constant 11.3137083 : f32
      %mul3A_628 = vector.broadcast %mul3A_627 : f32 to vector<16xf32>
      %mul3A_629 = arith.mulf %get3A_626, %mul3A_628 : vector<16xf32>
      %swap3A_630 = arith.constant 1 : i32
      %swap3A_631 = arith.index_cast %swap3A_630 : i32 to index
      %swap3A_632 = arith.index_cast %scan3A_606 : i32 to index
      %swap3A_633 = arith.constant 16 : index
      %swap3A_634 = tpu.vector_load %arg6[%swap3A_631, %swap3A_632, %swap3A_633] {strides = array<i32>} : memref<5x128x128xf32, #tpu.memory_space<vmem>>, vector<1x1x16xf32>,
      %swap3A_635 = vector.shape_cast %swap3A_634 : vector<1x1x16xf32> to vector<16xf32>
      %swap3A_636 = vector.shape_cast %mul3A_629 : vector<16xf32> to vector<1x1x16xf32>
      tpu.vector_store %arg6[%swap3A_631, %swap3A_632, %swap3A_633], %swap3A_636 {strides = array<i32>} : memref<5x128x128xf32, #tpu.memory_space<vmem>>, vector<1x1x16xf32>,
      %get3A_637 = arith.constant 1 : i32
      %get3A_638 = arith.index_cast %get3A_637 : i32 to index
      %get3A_639 = arith.index_cast %scan3A_606 : i32 to index
      %get3A_640 = arith.constant 32 : index
      %get3A_641 = tpu.vector_load %arg6[%get3A_638, %get3A_639, %get3A_640] {strides = array<i32>} : memref<5x128x128xf32, #tpu.memory_space<vmem>>, vector<1x1x16xf32>,
      %get3A_642 = vector.shape_cast %get3A_641 : vector<1x1x16xf32> to vector<16xf32>
      %mul3A_643 = arith.constant 11.3137083 : f32
      %mul3A_644 = vector.broadcast %mul3A_643 : f32 to vector<16xf32>
      %mul3A_645 = arith.mulf %get3A_642, %mul3A_644 : vector<16xf32>
      %swap3A_646 = arith.constant 1 : i32
      %swap3A_647 = arith.index_cast %swap3A_646 : i32 to index
      %swap3A_648 = arith.index_cast %scan3A_606 : i32 to index
      %swap3A_649 = arith.constant 32 : index
      %swap3A_650 = tpu.vector_load %arg6[%swap3A_647, %swap3A_648, %swap3A_649] {strides = array<i32>} : memref<5x128x128xf32, #tpu.memory_space<vmem>>, vector<1x1x16xf32>,
      %swap3A_651 = vector.shape_cast %swap3A_650 : vector<1x1x16xf32> to vector<16xf32>
      %swap3A_652 = vector.shape_cast %mul3A_645 : vector<16xf32> to vector<1x1x16xf32>
      tpu.vector_store %arg6[%swap3A_647, %swap3A_648, %swap3A_649], %swap3A_652 {strides = array<i32>} : memref<5x128x128xf32, #tpu.memory_space<vmem>>, vector<1x1x16xf32>,
      %get3A_653 = arith.constant 1 : i32
      %get3A_654 = arith.index_cast %get3A_653 : i32 to index
      %get3A_655 = arith.index_cast %scan3A_606 : i32 to index
      %get3A_656 = arith.constant 48 : index
      %get3A_657 = tpu.vector_load %arg6[%get3A_654, %get3A_655, %get3A_656] {strides = array<i32>} : memref<5x128x128xf32, #tpu.memory_space<vmem>>, vector<1x1x16xf32>,
      %get3A_658 = vector.shape_cast %get3A_657 : vector<1x1x16xf32> to vector<16xf32>
      %mul3A_659 = arith.constant 11.3137083 : f32
      %mul3A_660 = vector.broadcast %mul3A_659 : f32 to vector<16xf32>
      %mul3A_661 = arith.mulf %get3A_658, %mul3A_660 : vector<16xf32>
      %swap3A_662 = arith.constant 1 : i32
      %swap3A_663 = arith.index_cast %swap3A_662 : i32 to index
      %swap3A_664 = arith.index_cast %scan3A_606 : i32 to index
      %swap3A_665 = arith.constant 48 : index
      %swap3A_666 = tpu.vector_load %arg6[%swap3A_663, %swap3A_664, %swap3A_665] {strides = array<i32>} : memref<5x128x128xf32, #tpu.memory_space<vmem>>, vector<1x1x16xf32>,
      %swap3A_667 = vector.shape_cast %swap3A_666 : vector<1x1x16xf32> to vector<16xf32>
      %swap3A_668 = vector.shape_cast %mul3A_661 : vector<16xf32> to vector<1x1x16xf32>
      tpu.vector_store %arg6[%swap3A_663, %swap3A_664, %swap3A_665], %swap3A_668 {strides = array<i32>} : memref<5x128x128xf32, #tpu.memory_space<vmem>>, vector<1x1x16xf32>,
      %get3A_669 = arith.constant 1 : i32
      %get3A_670 = arith.index_cast %get3A_669 : i32 to index
      %get3A_671 = arith.index_cast %scan3A_606 : i32 to index
      %get3A_672 = arith.constant 64 : index
      %get3A_673 = tpu.vector_load %arg6[%get3A_670, %get3A_671, %get3A_672] {strides = array<i32>} : memref<5x128x128xf32, #tpu.memory_space<vmem>>, vector<1x1x16xf32>,
      %get3A_674 = vector.shape_cast %get3A_673 : vector<1x1x16xf32> to vector<16xf32>
      %mul3A_675 = arith.constant 11.3137083 : f32
      %mul3A_676 = vector.broadcast %mul3A_675 : f32 to vector<16xf32>
      %mul3A_677 = arith.mulf %get3A_674, %mul3A_676 : vector<16xf32>
      %swap3A_678 = arith.constant 1 : i32
      %swap3A_679 = arith.index_cast %swap3A_678 : i32 to index
      %swap3A_680 = arith.index_cast %scan3A_606 : i32 to index
      %swap3A_681 = arith.constant 64 : index
      %swap3A_682 = tpu.vector_load %arg6[%swap3A_679, %swap3A_680, %swap3A_681] {strides = array<i32>} : memref<5x128x128xf32, #tpu.memory_space<vmem>>, vector<1x1x16xf32>,
      %swap3A_683 = vector.shape_cast %swap3A_682 : vector<1x1x16xf32> to vector<16xf32>
      %swap3A_684 = vector.shape_cast %mul3A_677 : vector<16xf32> to vector<1x1x16xf32>
      tpu.vector_store %arg6[%swap3A_679, %swap3A_680, %swap3A_681], %swap3A_684 {strides = array<i32>} : memref<5x128x128xf32, #tpu.memory_space<vmem>>, vector<1x1x16xf32>,
      %get3A_685 = arith.constant 1 : i32
      %get3A_686 = arith.index_cast %get3A_685 : i32 to index
      %get3A_687 = arith.index_cast %scan3A_606 : i32 to index
      %get3A_688 = arith.constant 80 : index
      %get3A_689 = tpu.vector_load %arg6[%get3A_686, %get3A_687, %get3A_688] {strides = array<i32>} : memref<5x128x128xf32, #tpu.memory_space<vmem>>, vector<1x1x16xf32>,
      %get3A_690 = vector.shape_cast %get3A_689 : vector<1x1x16xf32> to vector<16xf32>
      %mul3A_691 = arith.constant 11.3137083 : f32
      %mul3A_692 = vector.broadcast %mul3A_691 : f32 to vector<16xf32>
      %mul3A_693 = arith.mulf %get3A_690, %mul3A_692 : vector<16xf32>
      %swap3A_694 = arith.constant 1 : i32
      %swap3A_695 = arith.index_cast %swap3A_694 : i32 to index
      %swap3A_696 = arith.index_cast %scan3A_606 : i32 to index
      %swap3A_697 = arith.constant 80 : index
      %swap3A_698 = tpu.vector_load %arg6[%swap3A_695, %swap3A_696, %swap3A_697] {strides = array<i32>} : memref<5x128x128xf32, #tpu.memory_space<vmem>>, vector<1x1x16xf32>,
      %swap3A_699 = vector.shape_cast %swap3A_698 : vector<1x1x16xf32> to vector<16xf32>
      %swap3A_700 = vector.shape_cast %mul3A_693 : vector<16xf32> to vector<1x1x16xf32>
      tpu.vector_store %arg6[%swap3A_695, %swap3A_696, %swap3A_697], %swap3A_700 {strides = array<i32>} : memref<5x128x128xf32, #tpu.memory_space<vmem>>, vector<1x1x16xf32>,
      %get3A_701 = arith.constant 1 : i32
      %get3A_702 = arith.index_cast %get3A_701 : i32 to index
      %get3A_703 = arith.index_cast %scan3A_606 : i32 to index
      %get3A_704 = arith.constant 96 : index
      %get3A_705 = tpu.vector_load %arg6[%get3A_702, %get3A_703, %get3A_704] {strides = array<i32>} : memref<5x128x128xf32, #tpu.memory_space<vmem>>, vector<1x1x16xf32>,
      %get3A_706 = vector.shape_cast %get3A_705 : vector<1x1x16xf32> to vector<16xf32>
      %mul3A_707 = arith.constant 11.3137083 : f32
      %mul3A_708 = vector.broadcast %mul3A_707 : f32 to vector<16xf32>
      %mul3A_709 = arith.mulf %get3A_706, %mul3A_708 : vector<16xf32>
      %swap3A_710 = arith.constant 1 : i32
      %swap3A_711 = arith.index_cast %swap3A_710 : i32 to index
      %swap3A_712 = arith.index_cast %scan3A_606 : i32 to index
      %swap3A_713 = arith.constant 96 : index
      %swap3A_714 = tpu.vector_load %arg6[%swap3A_711, %swap3A_712, %swap3A_713] {strides = array<i32>} : memref<5x128x128xf32, #tpu.memory_space<vmem>>, vector<1x1x16xf32>,
      %swap3A_715 = vector.shape_cast %swap3A_714 : vector<1x1x16xf32> to vector<16xf32>
      %swap3A_716 = vector.shape_cast %mul3A_709 : vector<16xf32> to vector<1x1x16xf32>
      tpu.vector_store %arg6[%swap3A_711, %swap3A_712, %swap3A_713], %swap3A_716 {strides = array<i32>} : memref<5x128x128xf32, #tpu.memory_space<vmem>>, vector<1x1x16xf32>,
      %get3A_717 = arith.constant 1 : i32
      %get3A_718 = arith.index_cast %get3A_717 : i32 to index
      %get3A_719 = arith.index_cast %scan3A_606 : i32 to index
      %get3A_720 = arith.constant 112 : index
      %get3A_721 = tpu.vector_load %arg6[%get3A_718, %get3A_719, %get3A_720] {strides = array<i32>} : memref<5x128x128xf32, #tpu.memory_space<vmem>>, vector<1x1x16xf32>,
      %get3A_722 = vector.shape_cast %get3A_721 : vector<1x1x16xf32> to vector<16xf32>
      %mul3A_723 = arith.constant 11.3137083 : f32
      %mul3A_724 = vector.broadcast %mul3A_723 : f32 to vector<16xf32>
      %mul3A_725 = arith.mulf %get3A_722, %mul3A_724 : vector<16xf32>
      %swap3A_726 = arith.constant 1 : i32
      %swap3A_727 = arith.index_cast %swap3A_726 : i32 to index
      %swap3A_728 = arith.index_cast %scan3A_606 : i32 to index
      %swap3A_729 = arith.constant 112 : index
      %swap3A_730 = tpu.vector_load %arg6[%swap3A_727, %swap3A_728, %swap3A_729] {strides = array<i32>} : memref<5x128x128xf32, #tpu.memory_space<vmem>>, vector<1x1x16xf32>,
      %swap3A_731 = vector.shape_cast %swap3A_730 : vector<1x1x16xf32> to vector<16xf32>
      %swap3A_732 = vector.shape_cast %mul3A_725 : vector<16xf32> to vector<1x1x16xf32>
      tpu.vector_store %arg6[%swap3A_727, %swap3A_728, %swap3A_729], %swap3A_732 {strides = array<i32>} : memref<5x128x128xf32, #tpu.memory_space<vmem>>, vector<1x1x16xf32>,
    }
    %scan3A_98 = arith.constant 128 : i32
    %add3A_99 = arith.constant 128 : i32
    %add3A_100 = arith.addi %mul3A_2, %add3A_99 : i32
    %dma_start3A_101 = arith.constant 1 : i32
    %dma_start3A_102 = arith.constant 0 : i32
    %dma_start3A_103 = arith.constant 0 : i32
    %dma_start3A_104 = tpu.memref_slice %arg6[%dma_start3A_101, %dma_start3A_102, %dma_start3A_103] : memref<5x128x128xf32, #tpu.memory_space<vmem>> -> memref<1x128x128xf32, #tpu.memory_space<vmem>>
    %dma_start3A_105 = tpu.memref_squeeze %dma_start3A_104 : memref<1x128x128xf32, #tpu.memory_space<vmem>> -> memref<128x128xf32, #tpu.memory_space<vmem>>
    %dma_start3A_106 = arith.constant 0 : i32
    %dma_start3A_107 = tpu.memref_slice %arg4[%add3A_100, %dma_start3A_106] : memref<819200x128xf32, #tpu.memory_space<hbm>> -> memref<128x128xf32, #tpu.memory_space<hbm>>
    %dma_start3A_108 = arith.constant 0 : i32
    %dma_start3A_109 = tpu.memref_slice %arg4[%add3A_100, %dma_start3A_108] : memref<819200x128xf32, #tpu.memory_space<hbm>> -> memref<128x128xf32, #tpu.memory_space<hbm>>
    %dma_start3A_110 = arith.constant 0 : i32
    %dma_start3A_111 = arith.constant 0 : i32
    %dma_start3A_112 = tpu.memref_slice %arg6[%dma_start3A_101, %dma_start3A_110, %dma_start3A_111] : memref<5x128x128xf32, #tpu.memory_space<vmem>> -> memref<1x128x128xf32, #tpu.memory_space<vmem>>
    %dma_start3A_113 = tpu.memref_squeeze %dma_start3A_112 : memref<1x128x128xf32, #tpu.memory_space<vmem>> -> memref<128x128xf32, #tpu.memory_space<vmem>>
    tpu.enqueue_dma source(%dma_start3A_113 : memref<128x128xf32, #tpu.memory_space<vmem>>) target(%dma_start3A_109 : memref<128x128xf32, #tpu.memory_space<hbm>>) target_semaphore(%arg8 : memref<!tpu.dma_semaphore, #tpu.memory_space<semaphore_mem>>)
    %dma_start3A_114 = arith.constant 4 : i32
    %dma_start3A_115 = arith.constant 4 : i32
    %dma_start3A_116 = arith.constant 0 : i32
    %dma_start3A_117 = arith.constant 0 : i32
    %dma_start3A_118 = tpu.memref_slice %arg6[%dma_start3A_115, %dma_start3A_116, %dma_start3A_117] : memref<5x128x128xf32, #tpu.memory_space<vmem>> -> memref<1x128x128xf32, #tpu.memory_space<vmem>>
    %dma_start3A_119 = tpu.memref_squeeze %dma_start3A_118 : memref<1x128x128xf32, #tpu.memory_space<vmem>> -> memref<128x128xf32, #tpu.memory_space<vmem>>
    %dma_start3A_120 = arith.constant 0 : i32
    %dma_start3A_121 = tpu.memref_slice %arg5[%dma_start3A_114, %dma_start3A_120] : memref<200x128xi32, #tpu.memory_space<vmem>> -> memref<1x128xi32, #tpu.memory_space<vmem>>
    %dma_start3A_122 = tpu.memref_squeeze %dma_start3A_121 : memref<1x128xi32, #tpu.memory_space<vmem>> -> memref<128xi32, #tpu.memory_space<vmem>>
    %dma_start3A_123 = arith.constant 0 : i32
    %dma_start3A_124 = arith.constant 0 : i32
    %dma_start3A_125 = tpu.memref_slice %arg3[%dma_start3A_123, %dma_start3A_124] : memref<100000x128xf32, #tpu.memory_space<hbm>> -> memref<100000x128xf32, #tpu.memory_space<hbm>>
    tpu.enqueue_indirect_dma source(%dma_start3A_125 : memref<100000x128xf32, #tpu.memory_space<hbm>>) target(%dma_start3A_119 : memref<128x128xf32, #tpu.memory_space<vmem>>) offsets(%dma_start3A_122 : memref<128xi32, #tpu.memory_space<vmem>>) semaphore(%arg7 : memref<!tpu.dma_semaphore, #tpu.memory_space<semaphore_mem>>)
    %dma_wait3A_126 = arith.constant 2 : i32
    %dma_wait3A_127 = arith.constant 2 : i32
    %dma_wait3A_128 = arith.constant 0 : i32
    %dma_wait3A_129 = arith.constant 0 : i32
    %dma_wait3A_130 = tpu.memref_slice %arg6[%dma_wait3A_127, %dma_wait3A_128, %dma_wait3A_129] : memref<5x128x128xf32, #tpu.memory_space<vmem>> -> memref<1x128x128xf32, #tpu.memory_space<vmem>>
    %dma_wait3A_131 = tpu.memref_squeeze %dma_wait3A_130 : memref<1x128x128xf32, #tpu.memory_space<vmem>> -> memref<128x128xf32, #tpu.memory_space<vmem>>
    %dma_wait3A_132 = arith.constant 0 : i32
    %dma_wait3A_133 = tpu.memref_slice %arg5[%dma_wait3A_126, %dma_wait3A_132] : memref<200x128xi32, #tpu.memory_space<vmem>> -> memref<1x128xi32, #tpu.memory_space<vmem>>
    %dma_wait3A_134 = tpu.memref_squeeze %dma_wait3A_133 : memref<1x128xi32, #tpu.memory_space<vmem>> -> memref<128xi32, #tpu.memory_space<vmem>>
    %dma_wait3A_135 = arith.constant 0 : i32
    %dma_wait3A_136 = arith.constant 0 : i32
    %dma_wait3A_137 = tpu.memref_slice %arg3[%dma_wait3A_135, %dma_wait3A_136] : memref<100000x128xf32, #tpu.memory_space<hbm>> -> memref<100000x128xf32, #tpu.memory_space<hbm>>
    tpu.wait_indirect_dma semaphore(%arg7 : memref<!tpu.dma_semaphore, #tpu.memory_space<semaphore_mem>>) src(%dma_wait3A_137 : memref<100000x128xf32, #tpu.memory_space<hbm>>) dst(%dma_wait3A_131 : memref<128x128xf32, #tpu.memory_space<vmem>>)
    %scan3A_138 = arith.constant 0 : i32
    %scan3A_139 = arith.constant 0 : i32
    %scan3A_140 = arith.constant 128 : i32
    %scan3A_141 = arith.addi %scan3A_139, %scan3A_140 : i32
    %scan3A_142 = arith.constant 1 : i32
    scf.for %scan3A_606 = %scan3A_139 to %scan3A_141 step %scan3A_142  : i32 {
      %get3A = arith.constant 2 : i32
      %get3A_607 = arith.index_cast %get3A : i32 to index
      %get3A_608 = arith.index_cast %scan3A_606 : i32 to index
      %get3A_609 = arith.constant 0 : index
      %get3A_610 = tpu.vector_load %arg6[%get3A_607, %get3A_608, %get3A_609] {strides = array<i32>} : memref<5x128x128xf32, #tpu.memory_space<vmem>>, vector<1x1x16xf32>,
      %get3A_611 = vector.shape_cast %get3A_610 : vector<1x1x16xf32> to vector<16xf32>
      %mul3A_612 = arith.constant 11.3137083 : f32
      %mul3A_613 = vector.broadcast %mul3A_612 : f32 to vector<16xf32>
      %mul3A_614 = arith.mulf %get3A_611, %mul3A_613 : vector<16xf32>
      %swap3A = arith.constant 2 : i32
      %swap3A_615 = arith.index_cast %swap3A : i32 to index
      %swap3A_616 = arith.index_cast %scan3A_606 : i32 to index
      %swap3A_617 = arith.constant 0 : index
      %swap3A_618 = tpu.vector_load %arg6[%swap3A_615, %swap3A_616, %swap3A_617] {strides = array<i32>} : memref<5x128x128xf32, #tpu.memory_space<vmem>>, vector<1x1x16xf32>,
      %swap3A_619 = vector.shape_cast %swap3A_618 : vector<1x1x16xf32> to vector<16xf32>
      %swap3A_620 = vector.shape_cast %mul3A_614 : vector<16xf32> to vector<1x1x16xf32>
      tpu.vector_store %arg6[%swap3A_615, %swap3A_616, %swap3A_617], %swap3A_620 {strides = array<i32>} : memref<5x128x128xf32, #tpu.memory_space<vmem>>, vector<1x1x16xf32>,
      %get3A_621 = arith.constant 2 : i32
      %get3A_622 = arith.index_cast %get3A_621 : i32 to index
      %get3A_623 = arith.index_cast %scan3A_606 : i32 to index
      %get3A_624 = arith.constant 16 : index
      %get3A_625 = tpu.vector_load %arg6[%get3A_622, %get3A_623, %get3A_624] {strides = array<i32>} : memref<5x128x128xf32, #tpu.memory_space<vmem>>, vector<1x1x16xf32>,
      %get3A_626 = vector.shape_cast %get3A_625 : vector<1x1x16xf32> to vector<16xf32>
      %mul3A_627 = arith.constant 11.3137083 : f32
      %mul3A_628 = vector.broadcast %mul3A_627 : f32 to vector<16xf32>
      %mul3A_629 = arith.mulf %get3A_626, %mul3A_628 : vector<16xf32>
      %swap3A_630 = arith.constant 2 : i32
      %swap3A_631 = arith.index_cast %swap3A_630 : i32 to index
      %swap3A_632 = arith.index_cast %scan3A_606 : i32 to index
      %swap3A_633 = arith.constant 16 : index
      %swap3A_634 = tpu.vector_load %arg6[%swap3A_631, %swap3A_632, %swap3A_633] {strides = array<i32>} : memref<5x128x128xf32, #tpu.memory_space<vmem>>, vector<1x1x16xf32>,
      %swap3A_635 = vector.shape_cast %swap3A_634 : vector<1x1x16xf32> to vector<16xf32>
      %swap3A_636 = vector.shape_cast %mul3A_629 : vector<16xf32> to vector<1x1x16xf32>
      tpu.vector_store %arg6[%swap3A_631, %swap3A_632, %swap3A_633], %swap3A_636 {strides = array<i32>} : memref<5x128x128xf32, #tpu.memory_space<vmem>>, vector<1x1x16xf32>,
      %get3A_637 = arith.constant 2 : i32
      %get3A_638 = arith.index_cast %get3A_637 : i32 to index
      %get3A_639 = arith.index_cast %scan3A_606 : i32 to index
      %get3A_640 = arith.constant 32 : index
      %get3A_641 = tpu.vector_load %arg6[%get3A_638, %get3A_639, %get3A_640] {strides = array<i32>} : memref<5x128x128xf32, #tpu.memory_space<vmem>>, vector<1x1x16xf32>,
      %get3A_642 = vector.shape_cast %get3A_641 : vector<1x1x16xf32> to vector<16xf32>
      %mul3A_643 = arith.constant 11.3137083 : f32
      %mul3A_644 = vector.broadcast %mul3A_643 : f32 to vector<16xf32>
      %mul3A_645 = arith.mulf %get3A_642, %mul3A_644 : vector<16xf32>
      %swap3A_646 = arith.constant 2 : i32
      %swap3A_647 = arith.index_cast %swap3A_646 : i32 to index
      %swap3A_648 = arith.index_cast %scan3A_606 : i32 to index
      %swap3A_649 = arith.constant 32 : index
      %swap3A_650 = tpu.vector_load %arg6[%swap3A_647, %swap3A_648, %swap3A_649] {strides = array<i32>} : memref<5x128x128xf32, #tpu.memory_space<vmem>>, vector<1x1x16xf32>,
      %swap3A_651 = vector.shape_cast %swap3A_650 : vector<1x1x16xf32> to vector<16xf32>
      %swap3A_652 = vector.shape_cast %mul3A_645 : vector<16xf32> to vector<1x1x16xf32>
      tpu.vector_store %arg6[%swap3A_647, %swap3A_648, %swap3A_649], %swap3A_652 {strides = array<i32>} : memref<5x128x128xf32, #tpu.memory_space<vmem>>, vector<1x1x16xf32>,
      %get3A_653 = arith.constant 2 : i32
      %get3A_654 = arith.index_cast %get3A_653 : i32 to index
      %get3A_655 = arith.index_cast %scan3A_606 : i32 to index
      %get3A_656 = arith.constant 48 : index
      %get3A_657 = tpu.vector_load %arg6[%get3A_654, %get3A_655, %get3A_656] {strides = array<i32>} : memref<5x128x128xf32, #tpu.memory_space<vmem>>, vector<1x1x16xf32>,
      %get3A_658 = vector.shape_cast %get3A_657 : vector<1x1x16xf32> to vector<16xf32>
      %mul3A_659 = arith.constant 11.3137083 : f32
      %mul3A_660 = vector.broadcast %mul3A_659 : f32 to vector<16xf32>
      %mul3A_661 = arith.mulf %get3A_658, %mul3A_660 : vector<16xf32>
      %swap3A_662 = arith.constant 2 : i32
      %swap3A_663 = arith.index_cast %swap3A_662 : i32 to index
      %swap3A_664 = arith.index_cast %scan3A_606 : i32 to index
      %swap3A_665 = arith.constant 48 : index
      %swap3A_666 = tpu.vector_load %arg6[%swap3A_663, %swap3A_664, %swap3A_665] {strides = array<i32>} : memref<5x128x128xf32, #tpu.memory_space<vmem>>, vector<1x1x16xf32>,
      %swap3A_667 = vector.shape_cast %swap3A_666 : vector<1x1x16xf32> to vector<16xf32>
      %swap3A_668 = vector.shape_cast %mul3A_661 : vector<16xf32> to vector<1x1x16xf32>
      tpu.vector_store %arg6[%swap3A_663, %swap3A_664, %swap3A_665], %swap3A_668 {strides = array<i32>} : memref<5x128x128xf32, #tpu.memory_space<vmem>>, vector<1x1x16xf32>,
      %get3A_669 = arith.constant 2 : i32
      %get3A_670 = arith.index_cast %get3A_669 : i32 to index
      %get3A_671 = arith.index_cast %scan3A_606 : i32 to index
      %get3A_672 = arith.constant 64 : index
      %get3A_673 = tpu.vector_load %arg6[%get3A_670, %get3A_671, %get3A_672] {strides = array<i32>} : memref<5x128x128xf32, #tpu.memory_space<vmem>>, vector<1x1x16xf32>,
      %get3A_674 = vector.shape_cast %get3A_673 : vector<1x1x16xf32> to vector<16xf32>
      %mul3A_675 = arith.constant 11.3137083 : f32
      %mul3A_676 = vector.broadcast %mul3A_675 : f32 to vector<16xf32>
      %mul3A_677 = arith.mulf %get3A_674, %mul3A_676 : vector<16xf32>
      %swap3A_678 = arith.constant 2 : i32
      %swap3A_679 = arith.index_cast %swap3A_678 : i32 to index
      %swap3A_680 = arith.index_cast %scan3A_606 : i32 to index
      %swap3A_681 = arith.constant 64 : index
      %swap3A_682 = tpu.vector_load %arg6[%swap3A_679, %swap3A_680, %swap3A_681] {strides = array<i32>} : memref<5x128x128xf32, #tpu.memory_space<vmem>>, vector<1x1x16xf32>,
      %swap3A_683 = vector.shape_cast %swap3A_682 : vector<1x1x16xf32> to vector<16xf32>
      %swap3A_684 = vector.shape_cast %mul3A_677 : vector<16xf32> to vector<1x1x16xf32>
      tpu.vector_store %arg6[%swap3A_679, %swap3A_680, %swap3A_681], %swap3A_684 {strides = array<i32>} : memref<5x128x128xf32, #tpu.memory_space<vmem>>, vector<1x1x16xf32>,
      %get3A_685 = arith.constant 2 : i32
      %get3A_686 = arith.index_cast %get3A_685 : i32 to index
      %get3A_687 = arith.index_cast %scan3A_606 : i32 to index
      %get3A_688 = arith.constant 80 : index
      %get3A_689 = tpu.vector_load %arg6[%get3A_686, %get3A_687, %get3A_688] {strides = array<i32>} : memref<5x128x128xf32, #tpu.memory_space<vmem>>, vector<1x1x16xf32>,
      %get3A_690 = vector.shape_cast %get3A_689 : vector<1x1x16xf32> to vector<16xf32>
      %mul3A_691 = arith.constant 11.3137083 : f32
      %mul3A_692 = vector.broadcast %mul3A_691 : f32 to vector<16xf32>
      %mul3A_693 = arith.mulf %get3A_690, %mul3A_692 : vector<16xf32>
      %swap3A_694 = arith.constant 2 : i32
      %swap3A_695 = arith.index_cast %swap3A_694 : i32 to index
      %swap3A_696 = arith.index_cast %scan3A_606 : i32 to index
      %swap3A_697 = arith.constant 80 : index
      %swap3A_698 = tpu.vector_load %arg6[%swap3A_695, %swap3A_696, %swap3A_697] {strides = array<i32>} : memref<5x128x128xf32, #tpu.memory_space<vmem>>, vector<1x1x16xf32>,
      %swap3A_699 = vector.shape_cast %swap3A_698 : vector<1x1x16xf32> to vector<16xf32>
      %swap3A_700 = vector.shape_cast %mul3A_693 : vector<16xf32> to vector<1x1x16xf32>
      tpu.vector_store %arg6[%swap3A_695, %swap3A_696, %swap3A_697], %swap3A_700 {strides = array<i32>} : memref<5x128x128xf32, #tpu.memory_space<vmem>>, vector<1x1x16xf32>,
      %get3A_701 = arith.constant 2 : i32
      %get3A_702 = arith.index_cast %get3A_701 : i32 to index
      %get3A_703 = arith.index_cast %scan3A_606 : i32 to index
      %get3A_704 = arith.constant 96 : index
      %get3A_705 = tpu.vector_load %arg6[%get3A_702, %get3A_703, %get3A_704] {strides = array<i32>} : memref<5x128x128xf32, #tpu.memory_space<vmem>>, vector<1x1x16xf32>,
      %get3A_706 = vector.shape_cast %get3A_705 : vector<1x1x16xf32> to vector<16xf32>
      %mul3A_707 = arith.constant 11.3137083 : f32
      %mul3A_708 = vector.broadcast %mul3A_707 : f32 to vector<16xf32>
      %mul3A_709 = arith.mulf %get3A_706, %mul3A_708 : vector<16xf32>
      %swap3A_710 = arith.constant 2 : i32
      %swap3A_711 = arith.index_cast %swap3A_710 : i32 to index
      %swap3A_712 = arith.index_cast %scan3A_606 : i32 to index
      %swap3A_713 = arith.constant 96 : index
      %swap3A_714 = tpu.vector_load %arg6[%swap3A_711, %swap3A_712, %swap3A_713] {strides = array<i32>} : memref<5x128x128xf32, #tpu.memory_space<vmem>>, vector<1x1x16xf32>,
      %swap3A_715 = vector.shape_cast %swap3A_714 : vector<1x1x16xf32> to vector<16xf32>
      %swap3A_716 = vector.shape_cast %mul3A_709 : vector<16xf32> to vector<1x1x16xf32>
      tpu.vector_store %arg6[%swap3A_711, %swap3A_712, %swap3A_713], %swap3A_716 {strides = array<i32>} : memref<5x128x128xf32, #tpu.memory_space<vmem>>, vector<1x1x16xf32>,
      %get3A_717 = arith.constant 2 : i32
      %get3A_718 = arith.index_cast %get3A_717 : i32 to index
      %get3A_719 = arith.index_cast %scan3A_606 : i32 to index
      %get3A_720 = arith.constant 112 : index
      %get3A_721 = tpu.vector_load %arg6[%get3A_718, %get3A_719, %get3A_720] {strides = array<i32>} : memref<5x128x128xf32, #tpu.memory_space<vmem>>, vector<1x1x16xf32>,
      %get3A_722 = vector.shape_cast %get3A_721 : vector<1x1x16xf32> to vector<16xf32>
      %mul3A_723 = arith.constant 11.3137083 : f32
      %mul3A_724 = vector.broadcast %mul3A_723 : f32 to vector<16xf32>
      %mul3A_725 = arith.mulf %get3A_722, %mul3A_724 : vector<16xf32>
      %swap3A_726 = arith.constant 2 : i32
      %swap3A_727 = arith.index_cast %swap3A_726 : i32 to index
      %swap3A_728 = arith.index_cast %scan3A_606 : i32 to index
      %swap3A_729 = arith.constant 112 : index
      %swap3A_730 = tpu.vector_load %arg6[%swap3A_727, %swap3A_728, %swap3A_729] {strides = array<i32>} : memref<5x128x128xf32, #tpu.memory_space<vmem>>, vector<1x1x16xf32>,
      %swap3A_731 = vector.shape_cast %swap3A_730 : vector<1x1x16xf32> to vector<16xf32>
      %swap3A_732 = vector.shape_cast %mul3A_725 : vector<16xf32> to vector<1x1x16xf32>
      tpu.vector_store %arg6[%swap3A_727, %swap3A_728, %swap3A_729], %swap3A_732 {strides = array<i32>} : memref<5x128x128xf32, #tpu.memory_space<vmem>>, vector<1x1x16xf32>,
    }
    %scan3A_143 = arith.constant 128 : i32
    %add3A_144 = arith.constant 256 : i32
    %add3A_145 = arith.addi %mul3A_2, %add3A_144 : i32
    %dma_start3A_146 = arith.constant 2 : i32
    %dma_start3A_147 = arith.constant 0 : i32
    %dma_start3A_148 = arith.constant 0 : i32
    %dma_start3A_149 = tpu.memref_slice %arg6[%dma_start3A_146, %dma_start3A_147, %dma_start3A_148] : memref<5x128x128xf32, #tpu.memory_space<vmem>> -> memref<1x128x128xf32, #tpu.memory_space<vmem>>
    %dma_start3A_150 = tpu.memref_squeeze %dma_start3A_149 : memref<1x128x128xf32, #tpu.memory_space<vmem>> -> memref<128x128xf32, #tpu.memory_space<vmem>>
    %dma_start3A_151 = arith.constant 0 : i32
    %dma_start3A_152 = tpu.memref_slice %arg4[%add3A_145, %dma_start3A_151] : memref<819200x128xf32, #tpu.memory_space<hbm>> -> memref<128x128xf32, #tpu.memory_space<hbm>>
    %dma_start3A_153 = arith.constant 0 : i32
    %dma_start3A_154 = tpu.memref_slice %arg4[%add3A_145, %dma_start3A_153] : memref<819200x128xf32, #tpu.memory_space<hbm>> -> memref<128x128xf32, #tpu.memory_space<hbm>>
    %dma_start3A_155 = arith.constant 0 : i32
    %dma_start3A_156 = arith.constant 0 : i32
    %dma_start3A_157 = tpu.memref_slice %arg6[%dma_start3A_146, %dma_start3A_155, %dma_start3A_156] : memref<5x128x128xf32, #tpu.memory_space<vmem>> -> memref<1x128x128xf32, #tpu.memory_space<vmem>>
    %dma_start3A_158 = tpu.memref_squeeze %dma_start3A_157 : memref<1x128x128xf32, #tpu.memory_space<vmem>> -> memref<128x128xf32, #tpu.memory_space<vmem>>
    tpu.enqueue_dma source(%dma_start3A_158 : memref<128x128xf32, #tpu.memory_space<vmem>>) target(%dma_start3A_154 : memref<128x128xf32, #tpu.memory_space<hbm>>) target_semaphore(%arg8 : memref<!tpu.dma_semaphore, #tpu.memory_space<semaphore_mem>>)
    %add3A_159 = arith.constant 0 : i32
    %add3A_160 = arith.addi %mul3A_2, %add3A_159 : i32
    %dma_wait3A_161 = arith.constant 0 : i32
    %dma_wait3A_162 = arith.constant 0 : i32
    %dma_wait3A_163 = arith.constant 0 : i32
    %dma_wait3A_164 = tpu.memref_slice %arg6[%dma_wait3A_161, %dma_wait3A_162, %dma_wait3A_163] : memref<5x128x128xf32, #tpu.memory_space<vmem>> -> memref<1x128x128xf32, #tpu.memory_space<vmem>>
    %dma_wait3A_165 = tpu.memref_squeeze %dma_wait3A_164 : memref<1x128x128xf32, #tpu.memory_space<vmem>> -> memref<128x128xf32, #tpu.memory_space<vmem>>
    %dma_wait3A_166 = arith.constant 0 : i32
    %dma_wait3A_167 = tpu.memref_slice %arg4[%add3A_160, %dma_wait3A_166] : memref<819200x128xf32, #tpu.memory_space<hbm>> -> memref<128x128xf32, #tpu.memory_space<hbm>>
    %dma_wait3A_168 = arith.constant 0 : i32
    %dma_wait3A_169 = tpu.memref_slice %arg4[%add3A_160, %dma_wait3A_168] : memref<819200x128xf32, #tpu.memory_space<hbm>> -> memref<128x128xf32, #tpu.memory_space<hbm>>
    %dma_wait3A_170 = arith.constant 0 : i32
    %dma_wait3A_171 = arith.constant 0 : i32
    %dma_wait3A_172 = tpu.memref_slice %arg6[%dma_wait3A_161, %dma_wait3A_170, %dma_wait3A_171] : memref<5x128x128xf32, #tpu.memory_space<vmem>> -> memref<1x128x128xf32, #tpu.memory_space<vmem>>
    %dma_wait3A_173 = tpu.memref_squeeze %dma_wait3A_172 : memref<1x128x128xf32, #tpu.memory_space<vmem>> -> memref<128x128xf32, #tpu.memory_space<vmem>>
    tpu.wait_dma2 semaphore(%arg8 : memref<!tpu.dma_semaphore, #tpu.memory_space<semaphore_mem>>) src(%dma_wait3A_173 : memref<128x128xf32, #tpu.memory_space<vmem>>) dst(%dma_wait3A_169 : memref<128x128xf32, #tpu.memory_space<hbm>>)
    %dma_start3A_174 = arith.constant 5 : i32
    %dma_start3A_175 = arith.constant 0 : i32
    %dma_start3A_176 = arith.constant 0 : i32
    %dma_start3A_177 = arith.constant 0 : i32
    %dma_start3A_178 = tpu.memref_slice %arg6[%dma_start3A_175, %dma_start3A_176, %dma_start3A_177] : memref<5x128x128xf32, #tpu.memory_space<vmem>> -> memref<1x128x128xf32, #tpu.memory_space<vmem>>
    %dma_start3A_179 = tpu.memref_squeeze %dma_start3A_178 : memref<1x128x128xf32, #tpu.memory_space<vmem>> -> memref<128x128xf32, #tpu.memory_space<vmem>>
    %dma_start3A_180 = arith.constant 0 : i32
    %dma_start3A_181 = tpu.memref_slice %arg5[%dma_start3A_174, %dma_start3A_180] : memref<200x128xi32, #tpu.memory_space<vmem>> -> memref<1x128xi32, #tpu.memory_space<vmem>>
    %dma_start3A_182 = tpu.memref_squeeze %dma_start3A_181 : memref<1x128xi32, #tpu.memory_space<vmem>> -> memref<128xi32, #tpu.memory_space<vmem>>
    %dma_start3A_183 = arith.constant 0 : i32
    %dma_start3A_184 = arith.constant 0 : i32
    %dma_start3A_185 = tpu.memref_slice %arg3[%dma_start3A_183, %dma_start3A_184] : memref<100000x128xf32, #tpu.memory_space<hbm>> -> memref<100000x128xf32, #tpu.memory_space<hbm>>
    tpu.enqueue_indirect_dma source(%dma_start3A_185 : memref<100000x128xf32, #tpu.memory_space<hbm>>) target(%dma_start3A_179 : memref<128x128xf32, #tpu.memory_space<vmem>>) offsets(%dma_start3A_182 : memref<128xi32, #tpu.memory_space<vmem>>) semaphore(%arg7 : memref<!tpu.dma_semaphore, #tpu.memory_space<semaphore_mem>>)
    %dma_wait3A_186 = arith.constant 3 : i32
    %dma_wait3A_187 = arith.constant 3 : i32
    %dma_wait3A_188 = arith.constant 0 : i32
    %dma_wait3A_189 = arith.constant 0 : i32
    %dma_wait3A_190 = tpu.memref_slice %arg6[%dma_wait3A_187, %dma_wait3A_188, %dma_wait3A_189] : memref<5x128x128xf32, #tpu.memory_space<vmem>> -> memref<1x128x128xf32, #tpu.memory_space<vmem>>
    %dma_wait3A_191 = tpu.memref_squeeze %dma_wait3A_190 : memref<1x128x128xf32, #tpu.memory_space<vmem>> -> memref<128x128xf32, #tpu.memory_space<vmem>>
    %dma_wait3A_192 = arith.constant 0 : i32
    %dma_wait3A_193 = tpu.memref_slice %arg5[%dma_wait3A_186, %dma_wait3A_192] : memref<200x128xi32, #tpu.memory_space<vmem>> -> memref<1x128xi32, #tpu.memory_space<vmem>>
    %dma_wait3A_194 = tpu.memref_squeeze %dma_wait3A_193 : memref<1x128xi32, #tpu.memory_space<vmem>> -> memref<128xi32, #tpu.memory_space<vmem>>
    %dma_wait3A_195 = arith.constant 0 : i32
    %dma_wait3A_196 = arith.constant 0 : i32
    %dma_wait3A_197 = tpu.memref_slice %arg3[%dma_wait3A_195, %dma_wait3A_196] : memref<100000x128xf32, #tpu.memory_space<hbm>> -> memref<100000x128xf32, #tpu.memory_space<hbm>>
    tpu.wait_indirect_dma semaphore(%arg7 : memref<!tpu.dma_semaphore, #tpu.memory_space<semaphore_mem>>) src(%dma_wait3A_197 : memref<100000x128xf32, #tpu.memory_space<hbm>>) dst(%dma_wait3A_191 : memref<128x128xf32, #tpu.memory_space<vmem>>)
    %scan3A_198 = arith.constant 0 : i32
    %scan3A_199 = arith.constant 0 : i32
    %scan3A_200 = arith.constant 128 : i32
    %scan3A_201 = arith.addi %scan3A_199, %scan3A_200 : i32
    %scan3A_202 = arith.constant 1 : i32
    scf.for %scan3A_606 = %scan3A_199 to %scan3A_201 step %scan3A_202  : i32 {
      %get3A = arith.constant 3 : i32
      %get3A_607 = arith.index_cast %get3A : i32 to index
      %get3A_608 = arith.index_cast %scan3A_606 : i32 to index
      %get3A_609 = arith.constant 0 : index
      %get3A_610 = tpu.vector_load %arg6[%get3A_607, %get3A_608, %get3A_609] {strides = array<i32>} : memref<5x128x128xf32, #tpu.memory_space<vmem>>, vector<1x1x16xf32>,
      %get3A_611 = vector.shape_cast %get3A_610 : vector<1x1x16xf32> to vector<16xf32>
      %mul3A_612 = arith.constant 11.3137083 : f32
      %mul3A_613 = vector.broadcast %mul3A_612 : f32 to vector<16xf32>
      %mul3A_614 = arith.mulf %get3A_611, %mul3A_613 : vector<16xf32>
      %swap3A = arith.constant 3 : i32
      %swap3A_615 = arith.index_cast %swap3A : i32 to index
      %swap3A_616 = arith.index_cast %scan3A_606 : i32 to index
      %swap3A_617 = arith.constant 0 : index
      %swap3A_618 = tpu.vector_load %arg6[%swap3A_615, %swap3A_616, %swap3A_617] {strides = array<i32>} : memref<5x128x128xf32, #tpu.memory_space<vmem>>, vector<1x1x16xf32>,
      %swap3A_619 = vector.shape_cast %swap3A_618 : vector<1x1x16xf32> to vector<16xf32>
      %swap3A_620 = vector.shape_cast %mul3A_614 : vector<16xf32> to vector<1x1x16xf32>
      tpu.vector_store %arg6[%swap3A_615, %swap3A_616, %swap3A_617], %swap3A_620 {strides = array<i32>} : memref<5x128x128xf32, #tpu.memory_space<vmem>>, vector<1x1x16xf32>,
      %get3A_621 = arith.constant 3 : i32
      %get3A_622 = arith.index_cast %get3A_621 : i32 to index
      %get3A_623 = arith.index_cast %scan3A_606 : i32 to index
      %get3A_624 = arith.constant 16 : index
      %get3A_625 = tpu.vector_load %arg6[%get3A_622, %get3A_623, %get3A_624] {strides = array<i32>} : memref<5x128x128xf32, #tpu.memory_space<vmem>>, vector<1x1x16xf32>,
      %get3A_626 = vector.shape_cast %get3A_625 : vector<1x1x16xf32> to vector<16xf32>
      %mul3A_627 = arith.constant 11.3137083 : f32
      %mul3A_628 = vector.broadcast %mul3A_627 : f32 to vector<16xf32>
      %mul3A_629 = arith.mulf %get3A_626, %mul3A_628 : vector<16xf32>
      %swap3A_630 = arith.constant 3 : i32
      %swap3A_631 = arith.index_cast %swap3A_630 : i32 to index
      %swap3A_632 = arith.index_cast %scan3A_606 : i32 to index
      %swap3A_633 = arith.constant 16 : index
      %swap3A_634 = tpu.vector_load %arg6[%swap3A_631, %swap3A_632, %swap3A_633] {strides = array<i32>} : memref<5x128x128xf32, #tpu.memory_space<vmem>>, vector<1x1x16xf32>,
      %swap3A_635 = vector.shape_cast %swap3A_634 : vector<1x1x16xf32> to vector<16xf32>
      %swap3A_636 = vector.shape_cast %mul3A_629 : vector<16xf32> to vector<1x1x16xf32>
      tpu.vector_store %arg6[%swap3A_631, %swap3A_632, %swap3A_633], %swap3A_636 {strides = array<i32>} : memref<5x128x128xf32, #tpu.memory_space<vmem>>, vector<1x1x16xf32>,
      %get3A_637 = arith.constant 3 : i32
      %get3A_638 = arith.index_cast %get3A_637 : i32 to index
      %get3A_639 = arith.index_cast %scan3A_606 : i32 to index
      %get3A_640 = arith.constant 32 : index
      %get3A_641 = tpu.vector_load %arg6[%get3A_638, %get3A_639, %get3A_640] {strides = array<i32>} : memref<5x128x128xf32, #tpu.memory_space<vmem>>, vector<1x1x16xf32>,
      %get3A_642 = vector.shape_cast %get3A_641 : vector<1x1x16xf32> to vector<16xf32>
      %mul3A_643 = arith.constant 11.3137083 : f32
      %mul3A_644 = vector.broadcast %mul3A_643 : f32 to vector<16xf32>
      %mul3A_645 = arith.mulf %get3A_642, %mul3A_644 : vector<16xf32>
      %swap3A_646 = arith.constant 3 : i32
      %swap3A_647 = arith.index_cast %swap3A_646 : i32 to index
      %swap3A_648 = arith.index_cast %scan3A_606 : i32 to index
      %swap3A_649 = arith.constant 32 : index
      %swap3A_650 = tpu.vector_load %arg6[%swap3A_647, %swap3A_648, %swap3A_649] {strides = array<i32>} : memref<5x128x128xf32, #tpu.memory_space<vmem>>, vector<1x1x16xf32>,
      %swap3A_651 = vector.shape_cast %swap3A_650 : vector<1x1x16xf32> to vector<16xf32>
      %swap3A_652 = vector.shape_cast %mul3A_645 : vector<16xf32> to vector<1x1x16xf32>
      tpu.vector_store %arg6[%swap3A_647, %swap3A_648, %swap3A_649], %swap3A_652 {strides = array<i32>} : memref<5x128x128xf32, #tpu.memory_space<vmem>>, vector<1x1x16xf32>,
      %get3A_653 = arith.constant 3 : i32
      %get3A_654 = arith.index_cast %get3A_653 : i32 to index
      %get3A_655 = arith.index_cast %scan3A_606 : i32 to index
      %get3A_656 = arith.constant 48 : index
      %get3A_657 = tpu.vector_load %arg6[%get3A_654, %get3A_655, %get3A_656] {strides = array<i32>} : memref<5x128x128xf32, #tpu.memory_space<vmem>>, vector<1x1x16xf32>,
      %get3A_658 = vector.shape_cast %get3A_657 : vector<1x1x16xf32> to vector<16xf32>
      %mul3A_659 = arith.constant 11.3137083 : f32
      %mul3A_660 = vector.broadcast %mul3A_659 : f32 to vector<16xf32>
      %mul3A_661 = arith.mulf %get3A_658, %mul3A_660 : vector<16xf32>
      %swap3A_662 = arith.constant 3 : i32
      %swap3A_663 = arith.index_cast %swap3A_662 : i32 to index
      %swap3A_664 = arith.index_cast %scan3A_606 : i32 to index
      %swap3A_665 = arith.constant 48 : index
      %swap3A_666 = tpu.vector_load %arg6[%swap3A_663, %swap3A_664, %swap3A_665] {strides = array<i32>} : memref<5x128x128xf32, #tpu.memory_space<vmem>>, vector<1x1x16xf32>,
      %swap3A_667 = vector.shape_cast %swap3A_666 : vector<1x1x16xf32> to vector<16xf32>
      %swap3A_668 = vector.shape_cast %mul3A_661 : vector<16xf32> to vector<1x1x16xf32>
      tpu.vector_store %arg6[%swap3A_663, %swap3A_664, %swap3A_665], %swap3A_668 {strides = array<i32>} : memref<5x128x128xf32, #tpu.memory_space<vmem>>, vector<1x1x16xf32>,
      %get3A_669 = arith.constant 3 : i32
      %get3A_670 = arith.index_cast %get3A_669 : i32 to index
      %get3A_671 = arith.index_cast %scan3A_606 : i32 to index
      %get3A_672 = arith.constant 64 : index
      %get3A_673 = tpu.vector_load %arg6[%get3A_670, %get3A_671, %get3A_672] {strides = array<i32>} : memref<5x128x128xf32, #tpu.memory_space<vmem>>, vector<1x1x16xf32>,
      %get3A_674 = vector.shape_cast %get3A_673 : vector<1x1x16xf32> to vector<16xf32>
      %mul3A_675 = arith.constant 11.3137083 : f32
      %mul3A_676 = vector.broadcast %mul3A_675 : f32 to vector<16xf32>
      %mul3A_677 = arith.mulf %get3A_674, %mul3A_676 : vector<16xf32>
      %swap3A_678 = arith.constant 3 : i32
      %swap3A_679 = arith.index_cast %swap3A_678 : i32 to index
      %swap3A_680 = arith.index_cast %scan3A_606 : i32 to index
      %swap3A_681 = arith.constant 64 : index
      %swap3A_682 = tpu.vector_load %arg6[%swap3A_679, %swap3A_680, %swap3A_681] {strides = array<i32>} : memref<5x128x128xf32, #tpu.memory_space<vmem>>, vector<1x1x16xf32>,
      %swap3A_683 = vector.shape_cast %swap3A_682 : vector<1x1x16xf32> to vector<16xf32>
      %swap3A_684 = vector.shape_cast %mul3A_677 : vector<16xf32> to vector<1x1x16xf32>
      tpu.vector_store %arg6[%swap3A_679, %swap3A_680, %swap3A_681], %swap3A_684 {strides = array<i32>} : memref<5x128x128xf32, #tpu.memory_space<vmem>>, vector<1x1x16xf32>,
      %get3A_685 = arith.constant 3 : i32
      %get3A_686 = arith.index_cast %get3A_685 : i32 to index
      %get3A_687 = arith.index_cast %scan3A_606 : i32 to index
      %get3A_688 = arith.constant 80 : index
      %get3A_689 = tpu.vector_load %arg6[%get3A_686, %get3A_687, %get3A_688] {strides = array<i32>} : memref<5x128x128xf32, #tpu.memory_space<vmem>>, vector<1x1x16xf32>,
      %get3A_690 = vector.shape_cast %get3A_689 : vector<1x1x16xf32> to vector<16xf32>
      %mul3A_691 = arith.constant 11.3137083 : f32
      %mul3A_692 = vector.broadcast %mul3A_691 : f32 to vector<16xf32>
      %mul3A_693 = arith.mulf %get3A_690, %mul3A_692 : vector<16xf32>
      %swap3A_694 = arith.constant 3 : i32
      %swap3A_695 = arith.index_cast %swap3A_694 : i32 to index
      %swap3A_696 = arith.index_cast %scan3A_606 : i32 to index
      %swap3A_697 = arith.constant 80 : index
      %swap3A_698 = tpu.vector_load %arg6[%swap3A_695, %swap3A_696, %swap3A_697] {strides = array<i32>} : memref<5x128x128xf32, #tpu.memory_space<vmem>>, vector<1x1x16xf32>,
      %swap3A_699 = vector.shape_cast %swap3A_698 : vector<1x1x16xf32> to vector<16xf32>
      %swap3A_700 = vector.shape_cast %mul3A_693 : vector<16xf32> to vector<1x1x16xf32>
      tpu.vector_store %arg6[%swap3A_695, %swap3A_696, %swap3A_697], %swap3A_700 {strides = array<i32>} : memref<5x128x128xf32, #tpu.memory_space<vmem>>, vector<1x1x16xf32>,
      %get3A_701 = arith.constant 3 : i32
      %get3A_702 = arith.index_cast %get3A_701 : i32 to index
      %get3A_703 = arith.index_cast %scan3A_606 : i32 to index
      %get3A_704 = arith.constant 96 : index
      %get3A_705 = tpu.vector_load %arg6[%get3A_702, %get3A_703, %get3A_704] {strides = array<i32>} : memref<5x128x128xf32, #tpu.memory_space<vmem>>, vector<1x1x16xf32>,
      %get3A_706 = vector.shape_cast %get3A_705 : vector<1x1x16xf32> to vector<16xf32>
      %mul3A_707 = arith.constant 11.3137083 : f32
      %mul3A_708 = vector.broadcast %mul3A_707 : f32 to vector<16xf32>
      %mul3A_709 = arith.mulf %get3A_706, %mul3A_708 : vector<16xf32>
      %swap3A_710 = arith.constant 3 : i32
      %swap3A_711 = arith.index_cast %swap3A_710 : i32 to index
      %swap3A_712 = arith.index_cast %scan3A_606 : i32 to index
      %swap3A_713 = arith.constant 96 : index
      %swap3A_714 = tpu.vector_load %arg6[%swap3A_711, %swap3A_712, %swap3A_713] {strides = array<i32>} : memref<5x128x128xf32, #tpu.memory_space<vmem>>, vector<1x1x16xf32>,
      %swap3A_715 = vector.shape_cast %swap3A_714 : vector<1x1x16xf32> to vector<16xf32>
      %swap3A_716 = vector.shape_cast %mul3A_709 : vector<16xf32> to vector<1x1x16xf32>
      tpu.vector_store %arg6[%swap3A_711, %swap3A_712, %swap3A_713], %swap3A_716 {strides = array<i32>} : memref<5x128x128xf32, #tpu.memory_space<vmem>>, vector<1x1x16xf32>,
      %get3A_717 = arith.constant 3 : i32
      %get3A_718 = arith.index_cast %get3A_717 : i32 to index
      %get3A_719 = arith.index_cast %scan3A_606 : i32 to index
      %get3A_720 = arith.constant 112 : index
      %get3A_721 = tpu.vector_load %arg6[%get3A_718, %get3A_719, %get3A_720] {strides = array<i32>} : memref<5x128x128xf32, #tpu.memory_space<vmem>>, vector<1x1x16xf32>,
      %get3A_722 = vector.shape_cast %get3A_721 : vector<1x1x16xf32> to vector<16xf32>
      %mul3A_723 = arith.constant 11.3137083 : f32
      %mul3A_724 = vector.broadcast %mul3A_723 : f32 to vector<16xf32>
      %mul3A_725 = arith.mulf %get3A_722, %mul3A_724 : vector<16xf32>
      %swap3A_726 = arith.constant 3 : i32
      %swap3A_727 = arith.index_cast %swap3A_726 : i32 to index
      %swap3A_728 = arith.index_cast %scan3A_606 : i32 to index
      %swap3A_729 = arith.constant 112 : index
      %swap3A_730 = tpu.vector_load %arg6[%swap3A_727, %swap3A_728, %swap3A_729] {strides = array<i32>} : memref<5x128x128xf32, #tpu.memory_space<vmem>>, vector<1x1x16xf32>,
      %swap3A_731 = vector.shape_cast %swap3A_730 : vector<1x1x16xf32> to vector<16xf32>
      %swap3A_732 = vector.shape_cast %mul3A_725 : vector<16xf32> to vector<1x1x16xf32>
      tpu.vector_store %arg6[%swap3A_727, %swap3A_728, %swap3A_729], %swap3A_732 {strides = array<i32>} : memref<5x128x128xf32, #tpu.memory_space<vmem>>, vector<1x1x16xf32>,
    }
    %scan3A_203 = arith.constant 128 : i32
    %add3A_204 = arith.constant 384 : i32
    %add3A_205 = arith.addi %mul3A_2, %add3A_204 : i32
    %dma_start3A_206 = arith.constant 3 : i32
    %dma_start3A_207 = arith.constant 0 : i32
    %dma_start3A_208 = arith.constant 0 : i32
    %dma_start3A_209 = tpu.memref_slice %arg6[%dma_start3A_206, %dma_start3A_207, %dma_start3A_208] : memref<5x128x128xf32, #tpu.memory_space<vmem>> -> memref<1x128x128xf32, #tpu.memory_space<vmem>>
    %dma_start3A_210 = tpu.memref_squeeze %dma_start3A_209 : memref<1x128x128xf32, #tpu.memory_space<vmem>> -> memref<128x128xf32, #tpu.memory_space<vmem>>
    %dma_start3A_211 = arith.constant 0 : i32
    %dma_start3A_212 = tpu.memref_slice %arg4[%add3A_205, %dma_start3A_211] : memref<819200x128xf32, #tpu.memory_space<hbm>> -> memref<128x128xf32, #tpu.memory_space<hbm>>
    %dma_start3A_213 = arith.constant 0 : i32
    %dma_start3A_214 = tpu.memref_slice %arg4[%add3A_205, %dma_start3A_213] : memref<819200x128xf32, #tpu.memory_space<hbm>> -> memref<128x128xf32, #tpu.memory_space<hbm>>
    %dma_start3A_215 = arith.constant 0 : i32
    %dma_start3A_216 = arith.constant 0 : i32
    %dma_start3A_217 = tpu.memref_slice %arg6[%dma_start3A_206, %dma_start3A_215, %dma_start3A_216] : memref<5x128x128xf32, #tpu.memory_space<vmem>> -> memref<1x128x128xf32, #tpu.memory_space<vmem>>
    %dma_start3A_218 = tpu.memref_squeeze %dma_start3A_217 : memref<1x128x128xf32, #tpu.memory_space<vmem>> -> memref<128x128xf32, #tpu.memory_space<vmem>>
    tpu.enqueue_dma source(%dma_start3A_218 : memref<128x128xf32, #tpu.memory_space<vmem>>) target(%dma_start3A_214 : memref<128x128xf32, #tpu.memory_space<hbm>>) target_semaphore(%arg8 : memref<!tpu.dma_semaphore, #tpu.memory_space<semaphore_mem>>)
    %add3A_219 = arith.constant 128 : i32
    %add3A_220 = arith.addi %mul3A_2, %add3A_219 : i32
    %dma_wait3A_221 = arith.constant 1 : i32
    %dma_wait3A_222 = arith.constant 0 : i32
    %dma_wait3A_223 = arith.constant 0 : i32
    %dma_wait3A_224 = tpu.memref_slice %arg6[%dma_wait3A_221, %dma_wait3A_222, %dma_wait3A_223] : memref<5x128x128xf32, #tpu.memory_space<vmem>> -> memref<1x128x128xf32, #tpu.memory_space<vmem>>
    %dma_wait3A_225 = tpu.memref_squeeze %dma_wait3A_224 : memref<1x128x128xf32, #tpu.memory_space<vmem>> -> memref<128x128xf32, #tpu.memory_space<vmem>>
    %dma_wait3A_226 = arith.constant 0 : i32
    %dma_wait3A_227 = tpu.memref_slice %arg4[%add3A_220, %dma_wait3A_226] : memref<819200x128xf32, #tpu.memory_space<hbm>> -> memref<128x128xf32, #tpu.memory_space<hbm>>
    %dma_wait3A_228 = arith.constant 0 : i32
    %dma_wait3A_229 = tpu.memref_slice %arg4[%add3A_220, %dma_wait3A_228] : memref<819200x128xf32, #tpu.memory_space<hbm>> -> memref<128x128xf32, #tpu.memory_space<hbm>>
    %dma_wait3A_230 = arith.constant 0 : i32
    %dma_wait3A_231 = arith.constant 0 : i32
    %dma_wait3A_232 = tpu.memref_slice %arg6[%dma_wait3A_221, %dma_wait3A_230, %dma_wait3A_231] : memref<5x128x128xf32, #tpu.memory_space<vmem>> -> memref<1x128x128xf32, #tpu.memory_space<vmem>>
    %dma_wait3A_233 = tpu.memref_squeeze %dma_wait3A_232 : memref<1x128x128xf32, #tpu.memory_space<vmem>> -> memref<128x128xf32, #tpu.memory_space<vmem>>
    tpu.wait_dma2 semaphore(%arg8 : memref<!tpu.dma_semaphore, #tpu.memory_space<semaphore_mem>>) src(%dma_wait3A_233 : memref<128x128xf32, #tpu.memory_space<vmem>>) dst(%dma_wait3A_229 : memref<128x128xf32, #tpu.memory_space<hbm>>)
    %dma_start3A_234 = arith.constant 6 : i32
    %dma_start3A_235 = arith.constant 1 : i32
    %dma_start3A_236 = arith.constant 0 : i32
    %dma_start3A_237 = arith.constant 0 : i32
    %dma_start3A_238 = tpu.memref_slice %arg6[%dma_start3A_235, %dma_start3A_236, %dma_start3A_237] : memref<5x128x128xf32, #tpu.memory_space<vmem>> -> memref<1x128x128xf32, #tpu.memory_space<vmem>>
    %dma_start3A_239 = tpu.memref_squeeze %dma_start3A_238 : memref<1x128x128xf32, #tpu.memory_space<vmem>> -> memref<128x128xf32, #tpu.memory_space<vmem>>
    %dma_start3A_240 = arith.constant 0 : i32
    %dma_start3A_241 = tpu.memref_slice %arg5[%dma_start3A_234, %dma_start3A_240] : memref<200x128xi32, #tpu.memory_space<vmem>> -> memref<1x128xi32, #tpu.memory_space<vmem>>
    %dma_start3A_242 = tpu.memref_squeeze %dma_start3A_241 : memref<1x128xi32, #tpu.memory_space<vmem>> -> memref<128xi32, #tpu.memory_space<vmem>>
    %dma_start3A_243 = arith.constant 0 : i32
    %dma_start3A_244 = arith.constant 0 : i32
    %dma_start3A_245 = tpu.memref_slice %arg3[%dma_start3A_243, %dma_start3A_244] : memref<100000x128xf32, #tpu.memory_space<hbm>> -> memref<100000x128xf32, #tpu.memory_space<hbm>>
    tpu.enqueue_indirect_dma source(%dma_start3A_245 : memref<100000x128xf32, #tpu.memory_space<hbm>>) target(%dma_start3A_239 : memref<128x128xf32, #tpu.memory_space<vmem>>) offsets(%dma_start3A_242 : memref<128xi32, #tpu.memory_space<vmem>>) semaphore(%arg7 : memref<!tpu.dma_semaphore, #tpu.memory_space<semaphore_mem>>)
    %dma_wait3A_246 = arith.constant 4 : i32
    %dma_wait3A_247 = arith.constant 4 : i32
    %dma_wait3A_248 = arith.constant 0 : i32
    %dma_wait3A_249 = arith.constant 0 : i32
    %dma_wait3A_250 = tpu.memref_slice %arg6[%dma_wait3A_247, %dma_wait3A_248, %dma_wait3A_249] : memref<5x128x128xf32, #tpu.memory_space<vmem>> -> memref<1x128x128xf32, #tpu.memory_space<vmem>>
    %dma_wait3A_251 = tpu.memref_squeeze %dma_wait3A_250 : memref<1x128x128xf32, #tpu.memory_space<vmem>> -> memref<128x128xf32, #tpu.memory_space<vmem>>
    %dma_wait3A_252 = arith.constant 0 : i32
    %dma_wait3A_253 = tpu.memref_slice %arg5[%dma_wait3A_246, %dma_wait3A_252] : memref<200x128xi32, #tpu.memory_space<vmem>> -> memref<1x128xi32, #tpu.memory_space<vmem>>
    %dma_wait3A_254 = tpu.memref_squeeze %dma_wait3A_253 : memref<1x128xi32, #tpu.memory_space<vmem>> -> memref<128xi32, #tpu.memory_space<vmem>>
    %dma_wait3A_255 = arith.constant 0 : i32
    %dma_wait3A_256 = arith.constant 0 : i32
    %dma_wait3A_257 = tpu.memref_slice %arg3[%dma_wait3A_255, %dma_wait3A_256] : memref<100000x128xf32, #tpu.memory_space<hbm>> -> memref<100000x128xf32, #tpu.memory_space<hbm>>
    tpu.wait_indirect_dma semaphore(%arg7 : memref<!tpu.dma_semaphore, #tpu.memory_space<semaphore_mem>>) src(%dma_wait3A_257 : memref<100000x128xf32, #tpu.memory_space<hbm>>) dst(%dma_wait3A_251 : memref<128x128xf32, #tpu.memory_space<vmem>>)
    %scan3A_258 = arith.constant 0 : i32
    %scan3A_259 = arith.constant 0 : i32
    %scan3A_260 = arith.constant 128 : i32
    %scan3A_261 = arith.addi %scan3A_259, %scan3A_260 : i32
    %scan3A_262 = arith.constant 1 : i32
    scf.for %scan3A_606 = %scan3A_259 to %scan3A_261 step %scan3A_262  : i32 {
      %get3A = arith.constant 4 : i32
      %get3A_607 = arith.index_cast %get3A : i32 to index
      %get3A_608 = arith.index_cast %scan3A_606 : i32 to index
      %get3A_609 = arith.constant 0 : index
      %get3A_610 = tpu.vector_load %arg6[%get3A_607, %get3A_608, %get3A_609] {strides = array<i32>} : memref<5x128x128xf32, #tpu.memory_space<vmem>>, vector<1x1x16xf32>,
      %get3A_611 = vector.shape_cast %get3A_610 : vector<1x1x16xf32> to vector<16xf32>
      %mul3A_612 = arith.constant 11.3137083 : f32
      %mul3A_613 = vector.broadcast %mul3A_612 : f32 to vector<16xf32>
      %mul3A_614 = arith.mulf %get3A_611, %mul3A_613 : vector<16xf32>
      %swap3A = arith.constant 4 : i32
      %swap3A_615 = arith.index_cast %swap3A : i32 to index
      %swap3A_616 = arith.index_cast %scan3A_606 : i32 to index
      %swap3A_617 = arith.constant 0 : index
      %swap3A_618 = tpu.vector_load %arg6[%swap3A_615, %swap3A_616, %swap3A_617] {strides = array<i32>} : memref<5x128x128xf32, #tpu.memory_space<vmem>>, vector<1x1x16xf32>,
      %swap3A_619 = vector.shape_cast %swap3A_618 : vector<1x1x16xf32> to vector<16xf32>
      %swap3A_620 = vector.shape_cast %mul3A_614 : vector<16xf32> to vector<1x1x16xf32>
      tpu.vector_store %arg6[%swap3A_615, %swap3A_616, %swap3A_617], %swap3A_620 {strides = array<i32>} : memref<5x128x128xf32, #tpu.memory_space<vmem>>, vector<1x1x16xf32>,
      %get3A_621 = arith.constant 4 : i32
      %get3A_622 = arith.index_cast %get3A_621 : i32 to index
      %get3A_623 = arith.index_cast %scan3A_606 : i32 to index
      %get3A_624 = arith.constant 16 : index
      %get3A_625 = tpu.vector_load %arg6[%get3A_622, %get3A_623, %get3A_624] {strides = array<i32>} : memref<5x128x128xf32, #tpu.memory_space<vmem>>, vector<1x1x16xf32>,
      %get3A_626 = vector.shape_cast %get3A_625 : vector<1x1x16xf32> to vector<16xf32>
      %mul3A_627 = arith.constant 11.3137083 : f32
      %mul3A_628 = vector.broadcast %mul3A_627 : f32 to vector<16xf32>
      %mul3A_629 = arith.mulf %get3A_626, %mul3A_628 : vector<16xf32>
      %swap3A_630 = arith.constant 4 : i32
      %swap3A_631 = arith.index_cast %swap3A_630 : i32 to index
      %swap3A_632 = arith.index_cast %scan3A_606 : i32 to index
      %swap3A_633 = arith.constant 16 : index
      %swap3A_634 = tpu.vector_load %arg6[%swap3A_631, %swap3A_632, %swap3A_633] {strides = array<i32>} : memref<5x128x128xf32, #tpu.memory_space<vmem>>, vector<1x1x16xf32>,
      %swap3A_635 = vector.shape_cast %swap3A_634 : vector<1x1x16xf32> to vector<16xf32>
      %swap3A_636 = vector.shape_cast %mul3A_629 : vector<16xf32> to vector<1x1x16xf32>
      tpu.vector_store %arg6[%swap3A_631, %swap3A_632, %swap3A_633], %swap3A_636 {strides = array<i32>} : memref<5x128x128xf32, #tpu.memory_space<vmem>>, vector<1x1x16xf32>,
      %get3A_637 = arith.constant 4 : i32
      %get3A_638 = arith.index_cast %get3A_637 : i32 to index
      %get3A_639 = arith.index_cast %scan3A_606 : i32 to index
      %get3A_640 = arith.constant 32 : index
      %get3A_641 = tpu.vector_load %arg6[%get3A_638, %get3A_639, %get3A_640] {strides = array<i32>} : memref<5x128x128xf32, #tpu.memory_space<vmem>>, vector<1x1x16xf32>,
      %get3A_642 = vector.shape_cast %get3A_641 : vector<1x1x16xf32> to vector<16xf32>
      %mul3A_643 = arith.constant 11.3137083 : f32
      %mul3A_644 = vector.broadcast %mul3A_643 : f32 to vector<16xf32>
      %mul3A_645 = arith.mulf %get3A_642, %mul3A_644 : vector<16xf32>
      %swap3A_646 = arith.constant 4 : i32
      %swap3A_647 = arith.index_cast %swap3A_646 : i32 to index
      %swap3A_648 = arith.index_cast %scan3A_606 : i32 to index
      %swap3A_649 = arith.constant 32 : index
      %swap3A_650 = tpu.vector_load %arg6[%swap3A_647, %swap3A_648, %swap3A_649] {strides = array<i32>} : memref<5x128x128xf32, #tpu.memory_space<vmem>>, vector<1x1x16xf32>,
      %swap3A_651 = vector.shape_cast %swap3A_650 : vector<1x1x16xf32> to vector<16xf32>
      %swap3A_652 = vector.shape_cast %mul3A_645 : vector<16xf32> to vector<1x1x16xf32>
      tpu.vector_store %arg6[%swap3A_647, %swap3A_648, %swap3A_649], %swap3A_652 {strides = array<i32>} : memref<5x128x128xf32, #tpu.memory_space<vmem>>, vector<1x1x16xf32>,
      %get3A_653 = arith.constant 4 : i32
      %get3A_654 = arith.index_cast %get3A_653 : i32 to index
      %get3A_655 = arith.index_cast %scan3A_606 : i32 to index
      %get3A_656 = arith.constant 48 : index
      %get3A_657 = tpu.vector_load %arg6[%get3A_654, %get3A_655, %get3A_656] {strides = array<i32>} : memref<5x128x128xf32, #tpu.memory_space<vmem>>, vector<1x1x16xf32>,
      %get3A_658 = vector.shape_cast %get3A_657 : vector<1x1x16xf32> to vector<16xf32>
      %mul3A_659 = arith.constant 11.3137083 : f32
      %mul3A_660 = vector.broadcast %mul3A_659 : f32 to vector<16xf32>
      %mul3A_661 = arith.mulf %get3A_658, %mul3A_660 : vector<16xf32>
      %swap3A_662 = arith.constant 4 : i32
      %swap3A_663 = arith.index_cast %swap3A_662 : i32 to index
      %swap3A_664 = arith.index_cast %scan3A_606 : i32 to index
      %swap3A_665 = arith.constant 48 : index
      %swap3A_666 = tpu.vector_load %arg6[%swap3A_663, %swap3A_664, %swap3A_665] {strides = array<i32>} : memref<5x128x128xf32, #tpu.memory_space<vmem>>, vector<1x1x16xf32>,
      %swap3A_667 = vector.shape_cast %swap3A_666 : vector<1x1x16xf32> to vector<16xf32>
      %swap3A_668 = vector.shape_cast %mul3A_661 : vector<16xf32> to vector<1x1x16xf32>
      tpu.vector_store %arg6[%swap3A_663, %swap3A_664, %swap3A_665], %swap3A_668 {strides = array<i32>} : memref<5x128x128xf32, #tpu.memory_space<vmem>>, vector<1x1x16xf32>,
      %get3A_669 = arith.constant 4 : i32
      %get3A_670 = arith.index_cast %get3A_669 : i32 to index
      %get3A_671 = arith.index_cast %scan3A_606 : i32 to index
      %get3A_672 = arith.constant 64 : index
      %get3A_673 = tpu.vector_load %arg6[%get3A_670, %get3A_671, %get3A_672] {strides = array<i32>} : memref<5x128x128xf32, #tpu.memory_space<vmem>>, vector<1x1x16xf32>,
      %get3A_674 = vector.shape_cast %get3A_673 : vector<1x1x16xf32> to vector<16xf32>
      %mul3A_675 = arith.constant 11.3137083 : f32
      %mul3A_676 = vector.broadcast %mul3A_675 : f32 to vector<16xf32>
      %mul3A_677 = arith.mulf %get3A_674, %mul3A_676 : vector<16xf32>
      %swap3A_678 = arith.constant 4 : i32
      %swap3A_679 = arith.index_cast %swap3A_678 : i32 to index
      %swap3A_680 = arith.index_cast %scan3A_606 : i32 to index
      %swap3A_681 = arith.constant 64 : index
      %swap3A_682 = tpu.vector_load %arg6[%swap3A_679, %swap3A_680, %swap3A_681] {strides = array<i32>} : memref<5x128x128xf32, #tpu.memory_space<vmem>>, vector<1x1x16xf32>,
      %swap3A_683 = vector.shape_cast %swap3A_682 : vector<1x1x16xf32> to vector<16xf32>
      %swap3A_684 = vector.shape_cast %mul3A_677 : vector<16xf32> to vector<1x1x16xf32>
      tpu.vector_store %arg6[%swap3A_679, %swap3A_680, %swap3A_681], %swap3A_684 {strides = array<i32>} : memref<5x128x128xf32, #tpu.memory_space<vmem>>, vector<1x1x16xf32>,
      %get3A_685 = arith.constant 4 : i32
      %get3A_686 = arith.index_cast %get3A_685 : i32 to index
      %get3A_687 = arith.index_cast %scan3A_606 : i32 to index
      %get3A_688 = arith.constant 80 : index
      %get3A_689 = tpu.vector_load %arg6[%get3A_686, %get3A_687, %get3A_688] {strides = array<i32>} : memref<5x128x128xf32, #tpu.memory_space<vmem>>, vector<1x1x16xf32>,
      %get3A_690 = vector.shape_cast %get3A_689 : vector<1x1x16xf32> to vector<16xf32>
      %mul3A_691 = arith.constant 11.3137083 : f32
      %mul3A_692 = vector.broadcast %mul3A_691 : f32 to vector<16xf32>
      %mul3A_693 = arith.mulf %get3A_690, %mul3A_692 : vector<16xf32>
      %swap3A_694 = arith.constant 4 : i32
      %swap3A_695 = arith.index_cast %swap3A_694 : i32 to index
      %swap3A_696 = arith.index_cast %scan3A_606 : i32 to index
      %swap3A_697 = arith.constant 80 : index
      %swap3A_698 = tpu.vector_load %arg6[%swap3A_695, %swap3A_696, %swap3A_697] {strides = array<i32>} : memref<5x128x128xf32, #tpu.memory_space<vmem>>, vector<1x1x16xf32>,
      %swap3A_699 = vector.shape_cast %swap3A_698 : vector<1x1x16xf32> to vector<16xf32>
      %swap3A_700 = vector.shape_cast %mul3A_693 : vector<16xf32> to vector<1x1x16xf32>
      tpu.vector_store %arg6[%swap3A_695, %swap3A_696, %swap3A_697], %swap3A_700 {strides = array<i32>} : memref<5x128x128xf32, #tpu.memory_space<vmem>>, vector<1x1x16xf32>,
      %get3A_701 = arith.constant 4 : i32
      %get3A_702 = arith.index_cast %get3A_701 : i32 to index
      %get3A_703 = arith.index_cast %scan3A_606 : i32 to index
      %get3A_704 = arith.constant 96 : index
      %get3A_705 = tpu.vector_load %arg6[%get3A_702, %get3A_703, %get3A_704] {strides = array<i32>} : memref<5x128x128xf32, #tpu.memory_space<vmem>>, vector<1x1x16xf32>,
      %get3A_706 = vector.shape_cast %get3A_705 : vector<1x1x16xf32> to vector<16xf32>
      %mul3A_707 = arith.constant 11.3137083 : f32
      %mul3A_708 = vector.broadcast %mul3A_707 : f32 to vector<16xf32>
      %mul3A_709 = arith.mulf %get3A_706, %mul3A_708 : vector<16xf32>
      %swap3A_710 = arith.constant 4 : i32
      %swap3A_711 = arith.index_cast %swap3A_710 : i32 to index
      %swap3A_712 = arith.index_cast %scan3A_606 : i32 to index
      %swap3A_713 = arith.constant 96 : index
      %swap3A_714 = tpu.vector_load %arg6[%swap3A_711, %swap3A_712, %swap3A_713] {strides = array<i32>} : memref<5x128x128xf32, #tpu.memory_space<vmem>>, vector<1x1x16xf32>,
      %swap3A_715 = vector.shape_cast %swap3A_714 : vector<1x1x16xf32> to vector<16xf32>
      %swap3A_716 = vector.shape_cast %mul3A_709 : vector<16xf32> to vector<1x1x16xf32>
      tpu.vector_store %arg6[%swap3A_711, %swap3A_712, %swap3A_713], %swap3A_716 {strides = array<i32>} : memref<5x128x128xf32, #tpu.memory_space<vmem>>, vector<1x1x16xf32>,
      %get3A_717 = arith.constant 4 : i32
      %get3A_718 = arith.index_cast %get3A_717 : i32 to index
      %get3A_719 = arith.index_cast %scan3A_606 : i32 to index
      %get3A_720 = arith.constant 112 : index
      %get3A_721 = tpu.vector_load %arg6[%get3A_718, %get3A_719, %get3A_720] {strides = array<i32>} : memref<5x128x128xf32, #tpu.memory_space<vmem>>, vector<1x1x16xf32>,
      %get3A_722 = vector.shape_cast %get3A_721 : vector<1x1x16xf32> to vector<16xf32>
      %mul3A_723 = arith.constant 11.3137083 : f32
      %mul3A_724 = vector.broadcast %mul3A_723 : f32 to vector<16xf32>
      %mul3A_725 = arith.mulf %get3A_722, %mul3A_724 : vector<16xf32>
      %swap3A_726 = arith.constant 4 : i32
      %swap3A_727 = arith.index_cast %swap3A_726 : i32 to index
      %swap3A_728 = arith.index_cast %scan3A_606 : i32 to index
      %swap3A_729 = arith.constant 112 : index
      %swap3A_730 = tpu.vector_load %arg6[%swap3A_727, %swap3A_728, %swap3A_729] {strides = array<i32>} : memref<5x128x128xf32, #tpu.memory_space<vmem>>, vector<1x1x16xf32>,
      %swap3A_731 = vector.shape_cast %swap3A_730 : vector<1x1x16xf32> to vector<16xf32>
      %swap3A_732 = vector.shape_cast %mul3A_725 : vector<16xf32> to vector<1x1x16xf32>
      tpu.vector_store %arg6[%swap3A_727, %swap3A_728, %swap3A_729], %swap3A_732 {strides = array<i32>} : memref<5x128x128xf32, #tpu.memory_space<vmem>>, vector<1x1x16xf32>,
    }
    %scan3A_263 = arith.constant 128 : i32
    %add3A_264 = arith.constant 512 : i32
    %add3A_265 = arith.addi %mul3A_2, %add3A_264 : i32
    %dma_start3A_266 = arith.constant 4 : i32
    %dma_start3A_267 = arith.constant 0 : i32
    %dma_start3A_268 = arith.constant 0 : i32
    %dma_start3A_269 = tpu.memref_slice %arg6[%dma_start3A_266, %dma_start3A_267, %dma_start3A_268] : memref<5x128x128xf32, #tpu.memory_space<vmem>> -> memref<1x128x128xf32, #tpu.memory_space<vmem>>
    %dma_start3A_270 = tpu.memref_squeeze %dma_start3A_269 : memref<1x128x128xf32, #tpu.memory_space<vmem>> -> memref<128x128xf32, #tpu.memory_space<vmem>>
    %dma_start3A_271 = arith.constant 0 : i32
    %dma_start3A_272 = tpu.memref_slice %arg4[%add3A_265, %dma_start3A_271] : memref<819200x128xf32, #tpu.memory_space<hbm>> -> memref<128x128xf32, #tpu.memory_space<hbm>>
    %dma_start3A_273 = arith.constant 0 : i32
    %dma_start3A_274 = tpu.memref_slice %arg4[%add3A_265, %dma_start3A_273] : memref<819200x128xf32, #tpu.memory_space<hbm>> -> memref<128x128xf32, #tpu.memory_space<hbm>>
    %dma_start3A_275 = arith.constant 0 : i32
    %dma_start3A_276 = arith.constant 0 : i32
    %dma_start3A_277 = tpu.memref_slice %arg6[%dma_start3A_266, %dma_start3A_275, %dma_start3A_276] : memref<5x128x128xf32, #tpu.memory_space<vmem>> -> memref<1x128x128xf32, #tpu.memory_space<vmem>>
    %dma_start3A_278 = tpu.memref_squeeze %dma_start3A_277 : memref<1x128x128xf32, #tpu.memory_space<vmem>> -> memref<128x128xf32, #tpu.memory_space<vmem>>
    tpu.enqueue_dma source(%dma_start3A_278 : memref<128x128xf32, #tpu.memory_space<vmem>>) target(%dma_start3A_274 : memref<128x128xf32, #tpu.memory_space<hbm>>) target_semaphore(%arg8 : memref<!tpu.dma_semaphore, #tpu.memory_space<semaphore_mem>>)
    %add3A_279 = arith.constant 256 : i32
    %add3A_280 = arith.addi %mul3A_2, %add3A_279 : i32
    %dma_wait3A_281 = arith.constant 2 : i32
    %dma_wait3A_282 = arith.constant 0 : i32
    %dma_wait3A_283 = arith.constant 0 : i32
    %dma_wait3A_284 = tpu.memref_slice %arg6[%dma_wait3A_281, %dma_wait3A_282, %dma_wait3A_283] : memref<5x128x128xf32, #tpu.memory_space<vmem>> -> memref<1x128x128xf32, #tpu.memory_space<vmem>>
    %dma_wait3A_285 = tpu.memref_squeeze %dma_wait3A_284 : memref<1x128x128xf32, #tpu.memory_space<vmem>> -> memref<128x128xf32, #tpu.memory_space<vmem>>
    %dma_wait3A_286 = arith.constant 0 : i32
    %dma_wait3A_287 = tpu.memref_slice %arg4[%add3A_280, %dma_wait3A_286] : memref<819200x128xf32, #tpu.memory_space<hbm>> -> memref<128x128xf32, #tpu.memory_space<hbm>>
    %dma_wait3A_288 = arith.constant 0 : i32
    %dma_wait3A_289 = tpu.memref_slice %arg4[%add3A_280, %dma_wait3A_288] : memref<819200x128xf32, #tpu.memory_space<hbm>> -> memref<128x128xf32, #tpu.memory_space<hbm>>
    %dma_wait3A_290 = arith.constant 0 : i32
    %dma_wait3A_291 = arith.constant 0 : i32
    %dma_wait3A_292 = tpu.memref_slice %arg6[%dma_wait3A_281, %dma_wait3A_290, %dma_wait3A_291] : memref<5x128x128xf32, #tpu.memory_space<vmem>> -> memref<1x128x128xf32, #tpu.memory_space<vmem>>
    %dma_wait3A_293 = tpu.memref_squeeze %dma_wait3A_292 : memref<1x128x128xf32, #tpu.memory_space<vmem>> -> memref<128x128xf32, #tpu.memory_space<vmem>>
    tpu.wait_dma2 semaphore(%arg8 : memref<!tpu.dma_semaphore, #tpu.memory_space<semaphore_mem>>) src(%dma_wait3A_293 : memref<128x128xf32, #tpu.memory_space<vmem>>) dst(%dma_wait3A_289 : memref<128x128xf32, #tpu.memory_space<hbm>>)
    %dma_start3A_294 = arith.constant 7 : i32
    %dma_start3A_295 = arith.constant 2 : i32
    %dma_start3A_296 = arith.constant 0 : i32
    %dma_start3A_297 = arith.constant 0 : i32
    %dma_start3A_298 = tpu.memref_slice %arg6[%dma_start3A_295, %dma_start3A_296, %dma_start3A_297] : memref<5x128x128xf32, #tpu.memory_space<vmem>> -> memref<1x128x128xf32, #tpu.memory_space<vmem>>
    %dma_start3A_299 = tpu.memref_squeeze %dma_start3A_298 : memref<1x128x128xf32, #tpu.memory_space<vmem>> -> memref<128x128xf32, #tpu.memory_space<vmem>>
    %dma_start3A_300 = arith.constant 0 : i32
    %dma_start3A_301 = tpu.memref_slice %arg5[%dma_start3A_294, %dma_start3A_300] : memref<200x128xi32, #tpu.memory_space<vmem>> -> memref<1x128xi32, #tpu.memory_space<vmem>>
    %dma_start3A_302 = tpu.memref_squeeze %dma_start3A_301 : memref<1x128xi32, #tpu.memory_space<vmem>> -> memref<128xi32, #tpu.memory_space<vmem>>
    %dma_start3A_303 = arith.constant 0 : i32
    %dma_start3A_304 = arith.constant 0 : i32
    %dma_start3A_305 = tpu.memref_slice %arg3[%dma_start3A_303, %dma_start3A_304] : memref<100000x128xf32, #tpu.memory_space<hbm>> -> memref<100000x128xf32, #tpu.memory_space<hbm>>
    tpu.enqueue_indirect_dma source(%dma_start3A_305 : memref<100000x128xf32, #tpu.memory_space<hbm>>) target(%dma_start3A_299 : memref<128x128xf32, #tpu.memory_space<vmem>>) offsets(%dma_start3A_302 : memref<128xi32, #tpu.memory_space<vmem>>) semaphore(%arg7 : memref<!tpu.dma_semaphore, #tpu.memory_space<semaphore_mem>>)
    %scan3A_306 = arith.constant 0 : i32
    %scan3A_307 = arith.constant 1 : i32
    %scan3A_308 = arith.constant 38 : i32
    %scan3A_309 = arith.addi %scan3A_307, %scan3A_308 : i32
    %scan3A_310 = arith.constant 1 : i32
    scf.for %scan3A_606 = %scan3A_307 to %scan3A_309 step %scan3A_310  : i32 {
      %mul3A_607 = arith.constant 5 : i32
      %mul3A_608 = arith.muli %scan3A_606, %mul3A_607 : i32
      %add3A_609 = arith.constant 0 : i32
      %add3A_610 = arith.addi %mul3A_608, %add3A_609 : i32
      %dma_wait3A_611 = arith.constant 0 : i32
      %dma_wait3A_612 = arith.constant 0 : i32
      %dma_wait3A_613 = arith.constant 0 : i32
      %dma_wait3A_614 = tpu.memref_slice %arg6[%dma_wait3A_611, %dma_wait3A_612, %dma_wait3A_613] : memref<5x128x128xf32, #tpu.memory_space<vmem>> -> memref<1x128x128xf32, #tpu.memory_space<vmem>>
      %dma_wait3A_615 = tpu.memref_squeeze %dma_wait3A_614 : memref<1x128x128xf32, #tpu.memory_space<vmem>> -> memref<128x128xf32, #tpu.memory_space<vmem>>
      %dma_wait3A_616 = arith.constant 0 : i32
      %dma_wait3A_617 = tpu.memref_slice %arg5[%add3A_610, %dma_wait3A_616] : memref<200x128xi32, #tpu.memory_space<vmem>> -> memref<1x128xi32, #tpu.memory_space<vmem>>
      %dma_wait3A_618 = tpu.memref_squeeze %dma_wait3A_617 : memref<1x128xi32, #tpu.memory_space<vmem>> -> memref<128xi32, #tpu.memory_space<vmem>>
      %dma_wait3A_619 = arith.constant 0 : i32
      %dma_wait3A_620 = arith.constant 0 : i32
      %dma_wait3A_621 = tpu.memref_slice %arg3[%dma_wait3A_619, %dma_wait3A_620] : memref<100000x128xf32, #tpu.memory_space<hbm>> -> memref<100000x128xf32, #tpu.memory_space<hbm>>
      tpu.wait_indirect_dma semaphore(%arg7 : memref<!tpu.dma_semaphore, #tpu.memory_space<semaphore_mem>>) src(%dma_wait3A_621 : memref<100000x128xf32, #tpu.memory_space<hbm>>) dst(%dma_wait3A_615 : memref<128x128xf32, #tpu.memory_space<vmem>>)
      %scan3A_622 = arith.constant 0 : i32
      %scan3A_623 = arith.constant 0 : i32
      %scan3A_624 = arith.constant 128 : i32
      %scan3A_625 = arith.addi %scan3A_623, %scan3A_624 : i32
      %scan3A_626 = arith.constant 1 : i32
      scf.for %scan3A_938 = %scan3A_623 to %scan3A_625 step %scan3A_626  : i32 {
        %get3A = arith.constant 0 : i32
        %get3A_939 = arith.index_cast %get3A : i32 to index
        %get3A_940 = arith.index_cast %scan3A_938 : i32 to index
        %get3A_941 = arith.constant 0 : index
        %get3A_942 = tpu.vector_load %arg6[%get3A_939, %get3A_940, %get3A_941] {strides = array<i32>} : memref<5x128x128xf32, #tpu.memory_space<vmem>>, vector<1x1x16xf32>,
        %get3A_943 = vector.shape_cast %get3A_942 : vector<1x1x16xf32> to vector<16xf32>
        %mul3A_944 = arith.constant 11.3137083 : f32
        %mul3A_945 = vector.broadcast %mul3A_944 : f32 to vector<16xf32>
        %mul3A_946 = arith.mulf %get3A_943, %mul3A_945 : vector<16xf32>
        %swap3A = arith.constant 0 : i32
        %swap3A_947 = arith.index_cast %swap3A : i32 to index
        %swap3A_948 = arith.index_cast %scan3A_938 : i32 to index
        %swap3A_949 = arith.constant 0 : index
        %swap3A_950 = tpu.vector_load %arg6[%swap3A_947, %swap3A_948, %swap3A_949] {strides = array<i32>} : memref<5x128x128xf32, #tpu.memory_space<vmem>>, vector<1x1x16xf32>,
        %swap3A_951 = vector.shape_cast %swap3A_950 : vector<1x1x16xf32> to vector<16xf32>
        %swap3A_952 = vector.shape_cast %mul3A_946 : vector<16xf32> to vector<1x1x16xf32>
        tpu.vector_store %arg6[%swap3A_947, %swap3A_948, %swap3A_949], %swap3A_952 {strides = array<i32>} : memref<5x128x128xf32, #tpu.memory_space<vmem>>, vector<1x1x16xf32>,
        %get3A_953 = arith.constant 0 : i32
        %get3A_954 = arith.index_cast %get3A_953 : i32 to index
        %get3A_955 = arith.index_cast %scan3A_938 : i32 to index
        %get3A_956 = arith.constant 16 : index
        %get3A_957 = tpu.vector_load %arg6[%get3A_954, %get3A_955, %get3A_956] {strides = array<i32>} : memref<5x128x128xf32, #tpu.memory_space<vmem>>, vector<1x1x16xf32>,
        %get3A_958 = vector.shape_cast %get3A_957 : vector<1x1x16xf32> to vector<16xf32>
        %mul3A_959 = arith.constant 11.3137083 : f32
        %mul3A_960 = vector.broadcast %mul3A_959 : f32 to vector<16xf32>
        %mul3A_961 = arith.mulf %get3A_958, %mul3A_960 : vector<16xf32>
        %swap3A_962 = arith.constant 0 : i32
        %swap3A_963 = arith.index_cast %swap3A_962 : i32 to index
        %swap3A_964 = arith.index_cast %scan3A_938 : i32 to index
        %swap3A_965 = arith.constant 16 : index
        %swap3A_966 = tpu.vector_load %arg6[%swap3A_963, %swap3A_964, %swap3A_965] {strides = array<i32>} : memref<5x128x128xf32, #tpu.memory_space<vmem>>, vector<1x1x16xf32>,
        %swap3A_967 = vector.shape_cast %swap3A_966 : vector<1x1x16xf32> to vector<16xf32>
        %swap3A_968 = vector.shape_cast %mul3A_961 : vector<16xf32> to vector<1x1x16xf32>
        tpu.vector_store %arg6[%swap3A_963, %swap3A_964, %swap3A_965], %swap3A_968 {strides = array<i32>} : memref<5x128x128xf32, #tpu.memory_space<vmem>>, vector<1x1x16xf32>,
        %get3A_969 = arith.constant 0 : i32
        %get3A_970 = arith.index_cast %get3A_969 : i32 to index
        %get3A_971 = arith.index_cast %scan3A_938 : i32 to index
        %get3A_972 = arith.constant 32 : index
        %get3A_973 = tpu.vector_load %arg6[%get3A_970, %get3A_971, %get3A_972] {strides = array<i32>} : memref<5x128x128xf32, #tpu.memory_space<vmem>>, vector<1x1x16xf32>,
        %get3A_974 = vector.shape_cast %get3A_973 : vector<1x1x16xf32> to vector<16xf32>
        %mul3A_975 = arith.constant 11.3137083 : f32
        %mul3A_976 = vector.broadcast %mul3A_975 : f32 to vector<16xf32>
        %mul3A_977 = arith.mulf %get3A_974, %mul3A_976 : vector<16xf32>
        %swap3A_978 = arith.constant 0 : i32
        %swap3A_979 = arith.index_cast %swap3A_978 : i32 to index
        %swap3A_980 = arith.index_cast %scan3A_938 : i32 to index
        %swap3A_981 = arith.constant 32 : index
        %swap3A_982 = tpu.vector_load %arg6[%swap3A_979, %swap3A_980, %swap3A_981] {strides = array<i32>} : memref<5x128x128xf32, #tpu.memory_space<vmem>>, vector<1x1x16xf32>,
        %swap3A_983 = vector.shape_cast %swap3A_982 : vector<1x1x16xf32> to vector<16xf32>
        %swap3A_984 = vector.shape_cast %mul3A_977 : vector<16xf32> to vector<1x1x16xf32>
        tpu.vector_store %arg6[%swap3A_979, %swap3A_980, %swap3A_981], %swap3A_984 {strides = array<i32>} : memref<5x128x128xf32, #tpu.memory_space<vmem>>, vector<1x1x16xf32>,
        %get3A_985 = arith.constant 0 : i32
        %get3A_986 = arith.index_cast %get3A_985 : i32 to index
        %get3A_987 = arith.index_cast %scan3A_938 : i32 to index
        %get3A_988 = arith.constant 48 : index
        %get3A_989 = tpu.vector_load %arg6[%get3A_986, %get3A_987, %get3A_988] {strides = array<i32>} : memref<5x128x128xf32, #tpu.memory_space<vmem>>, vector<1x1x16xf32>,
        %get3A_990 = vector.shape_cast %get3A_989 : vector<1x1x16xf32> to vector<16xf32>
        %mul3A_991 = arith.constant 11.3137083 : f32
        %mul3A_992 = vector.broadcast %mul3A_991 : f32 to vector<16xf32>
        %mul3A_993 = arith.mulf %get3A_990, %mul3A_992 : vector<16xf32>
        %swap3A_994 = arith.constant 0 : i32
        %swap3A_995 = arith.index_cast %swap3A_994 : i32 to index
        %swap3A_996 = arith.index_cast %scan3A_938 : i32 to index
        %swap3A_997 = arith.constant 48 : index
        %swap3A_998 = tpu.vector_load %arg6[%swap3A_995, %swap3A_996, %swap3A_997] {strides = array<i32>} : memref<5x128x128xf32, #tpu.memory_space<vmem>>, vector<1x1x16xf32>,
        %swap3A_999 = vector.shape_cast %swap3A_998 : vector<1x1x16xf32> to vector<16xf32>
        %swap3A_1000 = vector.shape_cast %mul3A_993 : vector<16xf32> to vector<1x1x16xf32>
        tpu.vector_store %arg6[%swap3A_995, %swap3A_996, %swap3A_997], %swap3A_1000 {strides = array<i32>} : memref<5x128x128xf32, #tpu.memory_space<vmem>>, vector<1x1x16xf32>,
        %get3A_1001 = arith.constant 0 : i32
        %get3A_1002 = arith.index_cast %get3A_1001 : i32 to index
        %get3A_1003 = arith.index_cast %scan3A_938 : i32 to index
        %get3A_1004 = arith.constant 64 : index
        %get3A_1005 = tpu.vector_load %arg6[%get3A_1002, %get3A_1003, %get3A_1004] {strides = array<i32>} : memref<5x128x128xf32, #tpu.memory_space<vmem>>, vector<1x1x16xf32>,
        %get3A_1006 = vector.shape_cast %get3A_1005 : vector<1x1x16xf32> to vector<16xf32>
        %mul3A_1007 = arith.constant 11.3137083 : f32
        %mul3A_1008 = vector.broadcast %mul3A_1007 : f32 to vector<16xf32>
        %mul3A_1009 = arith.mulf %get3A_1006, %mul3A_1008 : vector<16xf32>
        %swap3A_1010 = arith.constant 0 : i32
        %swap3A_1011 = arith.index_cast %swap3A_1010 : i32 to index
        %swap3A_1012 = arith.index_cast %scan3A_938 : i32 to index
        %swap3A_1013 = arith.constant 64 : index
        %swap3A_1014 = tpu.vector_load %arg6[%swap3A_1011, %swap3A_1012, %swap3A_1013] {strides = array<i32>} : memref<5x128x128xf32, #tpu.memory_space<vmem>>, vector<1x1x16xf32>,
        %swap3A_1015 = vector.shape_cast %swap3A_1014 : vector<1x1x16xf32> to vector<16xf32>
        %swap3A_1016 = vector.shape_cast %mul3A_1009 : vector<16xf32> to vector<1x1x16xf32>
        tpu.vector_store %arg6[%swap3A_1011, %swap3A_1012, %swap3A_1013], %swap3A_1016 {strides = array<i32>} : memref<5x128x128xf32, #tpu.memory_space<vmem>>, vector<1x1x16xf32>,
        %get3A_1017 = arith.constant 0 : i32
        %get3A_1018 = arith.index_cast %get3A_1017 : i32 to index
        %get3A_1019 = arith.index_cast %scan3A_938 : i32 to index
        %get3A_1020 = arith.constant 80 : index
        %get3A_1021 = tpu.vector_load %arg6[%get3A_1018, %get3A_1019, %get3A_1020] {strides = array<i32>} : memref<5x128x128xf32, #tpu.memory_space<vmem>>, vector<1x1x16xf32>,
        %get3A_1022 = vector.shape_cast %get3A_1021 : vector<1x1x16xf32> to vector<16xf32>
        %mul3A_1023 = arith.constant 11.3137083 : f32
        %mul3A_1024 = vector.broadcast %mul3A_1023 : f32 to vector<16xf32>
        %mul3A_1025 = arith.mulf %get3A_1022, %mul3A_1024 : vector<16xf32>
        %swap3A_1026 = arith.constant 0 : i32
        %swap3A_1027 = arith.index_cast %swap3A_1026 : i32 to index
        %swap3A_1028 = arith.index_cast %scan3A_938 : i32 to index
        %swap3A_1029 = arith.constant 80 : index
        %swap3A_1030 = tpu.vector_load %arg6[%swap3A_1027, %swap3A_1028, %swap3A_1029] {strides = array<i32>} : memref<5x128x128xf32, #tpu.memory_space<vmem>>, vector<1x1x16xf32>,
        %swap3A_1031 = vector.shape_cast %swap3A_1030 : vector<1x1x16xf32> to vector<16xf32>
        %swap3A_1032 = vector.shape_cast %mul3A_1025 : vector<16xf32> to vector<1x1x16xf32>
        tpu.vector_store %arg6[%swap3A_1027, %swap3A_1028, %swap3A_1029], %swap3A_1032 {strides = array<i32>} : memref<5x128x128xf32, #tpu.memory_space<vmem>>, vector<1x1x16xf32>,
        %get3A_1033 = arith.constant 0 : i32
        %get3A_1034 = arith.index_cast %get3A_1033 : i32 to index
        %get3A_1035 = arith.index_cast %scan3A_938 : i32 to index
        %get3A_1036 = arith.constant 96 : index
        %get3A_1037 = tpu.vector_load %arg6[%get3A_1034, %get3A_1035, %get3A_1036] {strides = array<i32>} : memref<5x128x128xf32, #tpu.memory_space<vmem>>, vector<1x1x16xf32>,
        %get3A_1038 = vector.shape_cast %get3A_1037 : vector<1x1x16xf32> to vector<16xf32>
        %mul3A_1039 = arith.constant 11.3137083 : f32
        %mul3A_1040 = vector.broadcast %mul3A_1039 : f32 to vector<16xf32>
        %mul3A_1041 = arith.mulf %get3A_1038, %mul3A_1040 : vector<16xf32>
        %swap3A_1042 = arith.constant 0 : i32
        %swap3A_1043 = arith.index_cast %swap3A_1042 : i32 to index
        %swap3A_1044 = arith.index_cast %scan3A_938 : i32 to index
        %swap3A_1045 = arith.constant 96 : index
        %swap3A_1046 = tpu.vector_load %arg6[%swap3A_1043, %swap3A_1044, %swap3A_1045] {strides = array<i32>} : memref<5x128x128xf32, #tpu.memory_space<vmem>>, vector<1x1x16xf32>,
        %swap3A_1047 = vector.shape_cast %swap3A_1046 : vector<1x1x16xf32> to vector<16xf32>
        %swap3A_1048 = vector.shape_cast %mul3A_1041 : vector<16xf32> to vector<1x1x16xf32>
        tpu.vector_store %arg6[%swap3A_1043, %swap3A_1044, %swap3A_1045], %swap3A_1048 {strides = array<i32>} : memref<5x128x128xf32, #tpu.memory_space<vmem>>, vector<1x1x16xf32>,
        %get3A_1049 = arith.constant 0 : i32
        %get3A_1050 = arith.index_cast %get3A_1049 : i32 to index
        %get3A_1051 = arith.index_cast %scan3A_938 : i32 to index
        %get3A_1052 = arith.constant 112 : index
        %get3A_1053 = tpu.vector_load %arg6[%get3A_1050, %get3A_1051, %get3A_1052] {strides = array<i32>} : memref<5x128x128xf32, #tpu.memory_space<vmem>>, vector<1x1x16xf32>,
        %get3A_1054 = vector.shape_cast %get3A_1053 : vector<1x1x16xf32> to vector<16xf32>
        %mul3A_1055 = arith.constant 11.3137083 : f32
        %mul3A_1056 = vector.broadcast %mul3A_1055 : f32 to vector<16xf32>
        %mul3A_1057 = arith.mulf %get3A_1054, %mul3A_1056 : vector<16xf32>
        %swap3A_1058 = arith.constant 0 : i32
        %swap3A_1059 = arith.index_cast %swap3A_1058 : i32 to index
        %swap3A_1060 = arith.index_cast %scan3A_938 : i32 to index
        %swap3A_1061 = arith.constant 112 : index
        %swap3A_1062 = tpu.vector_load %arg6[%swap3A_1059, %swap3A_1060, %swap3A_1061] {strides = array<i32>} : memref<5x128x128xf32, #tpu.memory_space<vmem>>, vector<1x1x16xf32>,
        %swap3A_1063 = vector.shape_cast %swap3A_1062 : vector<1x1x16xf32> to vector<16xf32>
        %swap3A_1064 = vector.shape_cast %mul3A_1057 : vector<16xf32> to vector<1x1x16xf32>
        tpu.vector_store %arg6[%swap3A_1059, %swap3A_1060, %swap3A_1061], %swap3A_1064 {strides = array<i32>} : memref<5x128x128xf32, #tpu.memory_space<vmem>>, vector<1x1x16xf32>,
      }
      %scan3A_627 = arith.constant 128 : i32
      %mul3A_628 = arith.constant 128 : i32
      %mul3A_629 = arith.muli %add3A_610, %mul3A_628 : i32
      %add3A_630 = arith.addi %mul3A_2, %mul3A_629 : i32
      %dma_start3A_631 = arith.constant 0 : i32
      %dma_start3A_632 = arith.constant 0 : i32
      %dma_start3A_633 = arith.constant 0 : i32
      %dma_start3A_634 = tpu.memref_slice %arg6[%dma_start3A_631, %dma_start3A_632, %dma_start3A_633] : memref<5x128x128xf32, #tpu.memory_space<vmem>> -> memref<1x128x128xf32, #tpu.memory_space<vmem>>
      %dma_start3A_635 = tpu.memref_squeeze %dma_start3A_634 : memref<1x128x128xf32, #tpu.memory_space<vmem>> -> memref<128x128xf32, #tpu.memory_space<vmem>>
      %dma_start3A_636 = arith.constant 0 : i32
      %dma_start3A_637 = tpu.memref_slice %arg4[%add3A_630, %dma_start3A_636] : memref<819200x128xf32, #tpu.memory_space<hbm>> -> memref<128x128xf32, #tpu.memory_space<hbm>>
      %dma_start3A_638 = arith.constant 0 : i32
      %dma_start3A_639 = tpu.memref_slice %arg4[%add3A_630, %dma_start3A_638] : memref<819200x128xf32, #tpu.memory_space<hbm>> -> memref<128x128xf32, #tpu.memory_space<hbm>>
      %dma_start3A_640 = arith.constant 0 : i32
      %dma_start3A_641 = arith.constant 0 : i32
      %dma_start3A_642 = tpu.memref_slice %arg6[%dma_start3A_631, %dma_start3A_640, %dma_start3A_641] : memref<5x128x128xf32, #tpu.memory_space<vmem>> -> memref<1x128x128xf32, #tpu.memory_space<vmem>>
      %dma_start3A_643 = tpu.memref_squeeze %dma_start3A_642 : memref<1x128x128xf32, #tpu.memory_space<vmem>> -> memref<128x128xf32, #tpu.memory_space<vmem>>
      tpu.enqueue_dma source(%dma_start3A_643 : memref<128x128xf32, #tpu.memory_space<vmem>>) target(%dma_start3A_639 : memref<128x128xf32, #tpu.memory_space<hbm>>) target_semaphore(%arg8 : memref<!tpu.dma_semaphore, #tpu.memory_space<semaphore_mem>>)
      %sub3A = arith.constant 2 : i32
      %sub3A_644 = arith.subi %add3A_610, %sub3A : i32
      %mul3A_645 = arith.constant 128 : i32
      %mul3A_646 = arith.muli %sub3A_644, %mul3A_645 : i32
      %add3A_647 = arith.addi %mul3A_2, %mul3A_646 : i32
      %dma_wait3A_648 = arith.constant 3 : i32
      %dma_wait3A_649 = arith.constant 0 : i32
      %dma_wait3A_650 = arith.constant 0 : i32
      %dma_wait3A_651 = tpu.memref_slice %arg6[%dma_wait3A_648, %dma_wait3A_649, %dma_wait3A_650] : memref<5x128x128xf32, #tpu.memory_space<vmem>> -> memref<1x128x128xf32, #tpu.memory_space<vmem>>
      %dma_wait3A_652 = tpu.memref_squeeze %dma_wait3A_651 : memref<1x128x128xf32, #tpu.memory_space<vmem>> -> memref<128x128xf32, #tpu.memory_space<vmem>>
      %dma_wait3A_653 = arith.constant 0 : i32
      %dma_wait3A_654 = tpu.memref_slice %arg4[%add3A_647, %dma_wait3A_653] : memref<819200x128xf32, #tpu.memory_space<hbm>> -> memref<128x128xf32, #tpu.memory_space<hbm>>
      %dma_wait3A_655 = arith.constant 0 : i32
      %dma_wait3A_656 = tpu.memref_slice %arg4[%add3A_647, %dma_wait3A_655] : memref<819200x128xf32, #tpu.memory_space<hbm>> -> memref<128x128xf32, #tpu.memory_space<hbm>>
      %dma_wait3A_657 = arith.constant 0 : i32
      %dma_wait3A_658 = arith.constant 0 : i32
      %dma_wait3A_659 = tpu.memref_slice %arg6[%dma_wait3A_648, %dma_wait3A_657, %dma_wait3A_658] : memref<5x128x128xf32, #tpu.memory_space<vmem>> -> memref<1x128x128xf32, #tpu.memory_space<vmem>>
      %dma_wait3A_660 = tpu.memref_squeeze %dma_wait3A_659 : memref<1x128x128xf32, #tpu.memory_space<vmem>> -> memref<128x128xf32, #tpu.memory_space<vmem>>
      tpu.wait_dma2 semaphore(%arg8 : memref<!tpu.dma_semaphore, #tpu.memory_space<semaphore_mem>>) src(%dma_wait3A_660 : memref<128x128xf32, #tpu.memory_space<vmem>>) dst(%dma_wait3A_656 : memref<128x128xf32, #tpu.memory_space<hbm>>)
      %add3A_661 = arith.constant 3 : i32
      %add3A_662 = arith.addi %add3A_610, %add3A_661 : i32
      %dma_start3A_663 = arith.constant 3 : i32
      %dma_start3A_664 = arith.constant 0 : i32
      %dma_start3A_665 = arith.constant 0 : i32
      %dma_start3A_666 = tpu.memref_slice %arg6[%dma_start3A_663, %dma_start3A_664, %dma_start3A_665] : memref<5x128x128xf32, #tpu.memory_space<vmem>> -> memref<1x128x128xf32, #tpu.memory_space<vmem>>
      %dma_start3A_667 = tpu.memref_squeeze %dma_start3A_666 : memref<1x128x128xf32, #tpu.memory_space<vmem>> -> memref<128x128xf32, #tpu.memory_space<vmem>>
      %dma_start3A_668 = arith.constant 0 : i32
      %dma_start3A_669 = tpu.memref_slice %arg5[%add3A_662, %dma_start3A_668] : memref<200x128xi32, #tpu.memory_space<vmem>> -> memref<1x128xi32, #tpu.memory_space<vmem>>
      %dma_start3A_670 = tpu.memref_squeeze %dma_start3A_669 : memref<1x128xi32, #tpu.memory_space<vmem>> -> memref<128xi32, #tpu.memory_space<vmem>>
      %dma_start3A_671 = arith.constant 0 : i32
      %dma_start3A_672 = arith.constant 0 : i32
      %dma_start3A_673 = tpu.memref_slice %arg3[%dma_start3A_671, %dma_start3A_672] : memref<100000x128xf32, #tpu.memory_space<hbm>> -> memref<100000x128xf32, #tpu.memory_space<hbm>>
      tpu.enqueue_indirect_dma source(%dma_start3A_673 : memref<100000x128xf32, #tpu.memory_space<hbm>>) target(%dma_start3A_667 : memref<128x128xf32, #tpu.memory_space<vmem>>) offsets(%dma_start3A_670 : memref<128xi32, #tpu.memory_space<vmem>>) semaphore(%arg7 : memref<!tpu.dma_semaphore, #tpu.memory_space<semaphore_mem>>)
      %add3A_674 = arith.constant 1 : i32
      %add3A_675 = arith.addi %mul3A_608, %add3A_674 : i32
      %dma_wait3A_676 = arith.constant 1 : i32
      %dma_wait3A_677 = arith.constant 0 : i32
      %dma_wait3A_678 = arith.constant 0 : i32
      %dma_wait3A_679 = tpu.memref_slice %arg6[%dma_wait3A_676, %dma_wait3A_677, %dma_wait3A_678] : memref<5x128x128xf32, #tpu.memory_space<vmem>> -> memref<1x128x128xf32, #tpu.memory_space<vmem>>
      %dma_wait3A_680 = tpu.memref_squeeze %dma_wait3A_679 : memref<1x128x128xf32, #tpu.memory_space<vmem>> -> memref<128x128xf32, #tpu.memory_space<vmem>>
      %dma_wait3A_681 = arith.constant 0 : i32
      %dma_wait3A_682 = tpu.memref_slice %arg5[%add3A_675, %dma_wait3A_681] : memref<200x128xi32, #tpu.memory_space<vmem>> -> memref<1x128xi32, #tpu.memory_space<vmem>>
      %dma_wait3A_683 = tpu.memref_squeeze %dma_wait3A_682 : memref<1x128xi32, #tpu.memory_space<vmem>> -> memref<128xi32, #tpu.memory_space<vmem>>
      %dma_wait3A_684 = arith.constant 0 : i32
      %dma_wait3A_685 = arith.constant 0 : i32
      %dma_wait3A_686 = tpu.memref_slice %arg3[%dma_wait3A_684, %dma_wait3A_685] : memref<100000x128xf32, #tpu.memory_space<hbm>> -> memref<100000x128xf32, #tpu.memory_space<hbm>>
      tpu.wait_indirect_dma semaphore(%arg7 : memref<!tpu.dma_semaphore, #tpu.memory_space<semaphore_mem>>) src(%dma_wait3A_686 : memref<100000x128xf32, #tpu.memory_space<hbm>>) dst(%dma_wait3A_680 : memref<128x128xf32, #tpu.memory_space<vmem>>)
      %scan3A_687 = arith.constant 0 : i32
      %scan3A_688 = arith.constant 0 : i32
      %scan3A_689 = arith.constant 128 : i32
      %scan3A_690 = arith.addi %scan3A_688, %scan3A_689 : i32
      %scan3A_691 = arith.constant 1 : i32
      scf.for %scan3A_938 = %scan3A_688 to %scan3A_690 step %scan3A_691  : i32 {
        %get3A = arith.constant 1 : i32
        %get3A_939 = arith.index_cast %get3A : i32 to index
        %get3A_940 = arith.index_cast %scan3A_938 : i32 to index
        %get3A_941 = arith.constant 0 : index
        %get3A_942 = tpu.vector_load %arg6[%get3A_939, %get3A_940, %get3A_941] {strides = array<i32>} : memref<5x128x128xf32, #tpu.memory_space<vmem>>, vector<1x1x16xf32>,
        %get3A_943 = vector.shape_cast %get3A_942 : vector<1x1x16xf32> to vector<16xf32>
        %mul3A_944 = arith.constant 11.3137083 : f32
        %mul3A_945 = vector.broadcast %mul3A_944 : f32 to vector<16xf32>
        %mul3A_946 = arith.mulf %get3A_943, %mul3A_945 : vector<16xf32>
        %swap3A = arith.constant 1 : i32
        %swap3A_947 = arith.index_cast %swap3A : i32 to index
        %swap3A_948 = arith.index_cast %scan3A_938 : i32 to index
        %swap3A_949 = arith.constant 0 : index
        %swap3A_950 = tpu.vector_load %arg6[%swap3A_947, %swap3A_948, %swap3A_949] {strides = array<i32>} : memref<5x128x128xf32, #tpu.memory_space<vmem>>, vector<1x1x16xf32>,
        %swap3A_951 = vector.shape_cast %swap3A_950 : vector<1x1x16xf32> to vector<16xf32>
        %swap3A_952 = vector.shape_cast %mul3A_946 : vector<16xf32> to vector<1x1x16xf32>
        tpu.vector_store %arg6[%swap3A_947, %swap3A_948, %swap3A_949], %swap3A_952 {strides = array<i32>} : memref<5x128x128xf32, #tpu.memory_space<vmem>>, vector<1x1x16xf32>,
        %get3A_953 = arith.constant 1 : i32
        %get3A_954 = arith.index_cast %get3A_953 : i32 to index
        %get3A_955 = arith.index_cast %scan3A_938 : i32 to index
        %get3A_956 = arith.constant 16 : index
        %get3A_957 = tpu.vector_load %arg6[%get3A_954, %get3A_955, %get3A_956] {strides = array<i32>} : memref<5x128x128xf32, #tpu.memory_space<vmem>>, vector<1x1x16xf32>,
        %get3A_958 = vector.shape_cast %get3A_957 : vector<1x1x16xf32> to vector<16xf32>
        %mul3A_959 = arith.constant 11.3137083 : f32
        %mul3A_960 = vector.broadcast %mul3A_959 : f32 to vector<16xf32>
        %mul3A_961 = arith.mulf %get3A_958, %mul3A_960 : vector<16xf32>
        %swap3A_962 = arith.constant 1 : i32
        %swap3A_963 = arith.index_cast %swap3A_962 : i32 to index
        %swap3A_964 = arith.index_cast %scan3A_938 : i32 to index
        %swap3A_965 = arith.constant 16 : index
        %swap3A_966 = tpu.vector_load %arg6[%swap3A_963, %swap3A_964, %swap3A_965] {strides = array<i32>} : memref<5x128x128xf32, #tpu.memory_space<vmem>>, vector<1x1x16xf32>,
        %swap3A_967 = vector.shape_cast %swap3A_966 : vector<1x1x16xf32> to vector<16xf32>
        %swap3A_968 = vector.shape_cast %mul3A_961 : vector<16xf32> to vector<1x1x16xf32>
        tpu.vector_store %arg6[%swap3A_963, %swap3A_964, %swap3A_965], %swap3A_968 {strides = array<i32>} : memref<5x128x128xf32, #tpu.memory_space<vmem>>, vector<1x1x16xf32>,
        %get3A_969 = arith.constant 1 : i32
        %get3A_970 = arith.index_cast %get3A_969 : i32 to index
        %get3A_971 = arith.index_cast %scan3A_938 : i32 to index
        %get3A_972 = arith.constant 32 : index
        %get3A_973 = tpu.vector_load %arg6[%get3A_970, %get3A_971, %get3A_972] {strides = array<i32>} : memref<5x128x128xf32, #tpu.memory_space<vmem>>, vector<1x1x16xf32>,
        %get3A_974 = vector.shape_cast %get3A_973 : vector<1x1x16xf32> to vector<16xf32>
        %mul3A_975 = arith.constant 11.3137083 : f32
        %mul3A_976 = vector.broadcast %mul3A_975 : f32 to vector<16xf32>
        %mul3A_977 = arith.mulf %get3A_974, %mul3A_976 : vector<16xf32>
        %swap3A_978 = arith.constant 1 : i32
        %swap3A_979 = arith.index_cast %swap3A_978 : i32 to index
        %swap3A_980 = arith.index_cast %scan3A_938 : i32 to index
        %swap3A_981 = arith.constant 32 : index
        %swap3A_982 = tpu.vector_load %arg6[%swap3A_979, %swap3A_980, %swap3A_981] {strides = array<i32>} : memref<5x128x128xf32, #tpu.memory_space<vmem>>, vector<1x1x16xf32>,
        %swap3A_983 = vector.shape_cast %swap3A_982 : vector<1x1x16xf32> to vector<16xf32>
        %swap3A_984 = vector.shape_cast %mul3A_977 : vector<16xf32> to vector<1x1x16xf32>
        tpu.vector_store %arg6[%swap3A_979, %swap3A_980, %swap3A_981], %swap3A_984 {strides = array<i32>} : memref<5x128x128xf32, #tpu.memory_space<vmem>>, vector<1x1x16xf32>,
        %get3A_985 = arith.constant 1 : i32
        %get3A_986 = arith.index_cast %get3A_985 : i32 to index
        %get3A_987 = arith.index_cast %scan3A_938 : i32 to index
        %get3A_988 = arith.constant 48 : index
        %get3A_989 = tpu.vector_load %arg6[%get3A_986, %get3A_987, %get3A_988] {strides = array<i32>} : memref<5x128x128xf32, #tpu.memory_space<vmem>>, vector<1x1x16xf32>,
        %get3A_990 = vector.shape_cast %get3A_989 : vector<1x1x16xf32> to vector<16xf32>
        %mul3A_991 = arith.constant 11.3137083 : f32
        %mul3A_992 = vector.broadcast %mul3A_991 : f32 to vector<16xf32>
        %mul3A_993 = arith.mulf %get3A_990, %mul3A_992 : vector<16xf32>
        %swap3A_994 = arith.constant 1 : i32
        %swap3A_995 = arith.index_cast %swap3A_994 : i32 to index
        %swap3A_996 = arith.index_cast %scan3A_938 : i32 to index
        %swap3A_997 = arith.constant 48 : index
        %swap3A_998 = tpu.vector_load %arg6[%swap3A_995, %swap3A_996, %swap3A_997] {strides = array<i32>} : memref<5x128x128xf32, #tpu.memory_space<vmem>>, vector<1x1x16xf32>,
        %swap3A_999 = vector.shape_cast %swap3A_998 : vector<1x1x16xf32> to vector<16xf32>
        %swap3A_1000 = vector.shape_cast %mul3A_993 : vector<16xf32> to vector<1x1x16xf32>
        tpu.vector_store %arg6[%swap3A_995, %swap3A_996, %swap3A_997], %swap3A_1000 {strides = array<i32>} : memref<5x128x128xf32, #tpu.memory_space<vmem>>, vector<1x1x16xf32>,
        %get3A_1001 = arith.constant 1 : i32
        %get3A_1002 = arith.index_cast %get3A_1001 : i32 to index
        %get3A_1003 = arith.index_cast %scan3A_938 : i32 to index
        %get3A_1004 = arith.constant 64 : index
        %get3A_1005 = tpu.vector_load %arg6[%get3A_1002, %get3A_1003, %get3A_1004] {strides = array<i32>} : memref<5x128x128xf32, #tpu.memory_space<vmem>>, vector<1x1x16xf32>,
        %get3A_1006 = vector.shape_cast %get3A_1005 : vector<1x1x16xf32> to vector<16xf32>
        %mul3A_1007 = arith.constant 11.3137083 : f32
        %mul3A_1008 = vector.broadcast %mul3A_1007 : f32 to vector<16xf32>
        %mul3A_1009 = arith.mulf %get3A_1006, %mul3A_1008 : vector<16xf32>
        %swap3A_1010 = arith.constant 1 : i32
        %swap3A_1011 = arith.index_cast %swap3A_1010 : i32 to index
        %swap3A_1012 = arith.index_cast %scan3A_938 : i32 to index
        %swap3A_1013 = arith.constant 64 : index
        %swap3A_1014 = tpu.vector_load %arg6[%swap3A_1011, %swap3A_1012, %swap3A_1013] {strides = array<i32>} : memref<5x128x128xf32, #tpu.memory_space<vmem>>, vector<1x1x16xf32>,
        %swap3A_1015 = vector.shape_cast %swap3A_1014 : vector<1x1x16xf32> to vector<16xf32>
        %swap3A_1016 = vector.shape_cast %mul3A_1009 : vector<16xf32> to vector<1x1x16xf32>
        tpu.vector_store %arg6[%swap3A_1011, %swap3A_1012, %swap3A_1013], %swap3A_1016 {strides = array<i32>} : memref<5x128x128xf32, #tpu.memory_space<vmem>>, vector<1x1x16xf32>,
        %get3A_1017 = arith.constant 1 : i32
        %get3A_1018 = arith.index_cast %get3A_1017 : i32 to index
        %get3A_1019 = arith.index_cast %scan3A_938 : i32 to index
        %get3A_1020 = arith.constant 80 : index
        %get3A_1021 = tpu.vector_load %arg6[%get3A_1018, %get3A_1019, %get3A_1020] {strides = array<i32>} : memref<5x128x128xf32, #tpu.memory_space<vmem>>, vector<1x1x16xf32>,
        %get3A_1022 = vector.shape_cast %get3A_1021 : vector<1x1x16xf32> to vector<16xf32>
        %mul3A_1023 = arith.constant 11.3137083 : f32
        %mul3A_1024 = vector.broadcast %mul3A_1023 : f32 to vector<16xf32>
        %mul3A_1025 = arith.mulf %get3A_1022, %mul3A_1024 : vector<16xf32>
        %swap3A_1026 = arith.constant 1 : i32
        %swap3A_1027 = arith.index_cast %swap3A_1026 : i32 to index
        %swap3A_1028 = arith.index_cast %scan3A_938 : i32 to index
        %swap3A_1029 = arith.constant 80 : index
        %swap3A_1030 = tpu.vector_load %arg6[%swap3A_1027, %swap3A_1028, %swap3A_1029] {strides = array<i32>} : memref<5x128x128xf32, #tpu.memory_space<vmem>>, vector<1x1x16xf32>,
        %swap3A_1031 = vector.shape_cast %swap3A_1030 : vector<1x1x16xf32> to vector<16xf32>
        %swap3A_1032 = vector.shape_cast %mul3A_1025 : vector<16xf32> to vector<1x1x16xf32>
        tpu.vector_store %arg6[%swap3A_1027, %swap3A_1028, %swap3A_1029], %swap3A_1032 {strides = array<i32>} : memref<5x128x128xf32, #tpu.memory_space<vmem>>, vector<1x1x16xf32>,
        %get3A_1033 = arith.constant 1 : i32
        %get3A_1034 = arith.index_cast %get3A_1033 : i32 to index
        %get3A_1035 = arith.index_cast %scan3A_938 : i32 to index
        %get3A_1036 = arith.constant 96 : index
        %get3A_1037 = tpu.vector_load %arg6[%get3A_1034, %get3A_1035, %get3A_1036] {strides = array<i32>} : memref<5x128x128xf32, #tpu.memory_space<vmem>>, vector<1x1x16xf32>,
        %get3A_1038 = vector.shape_cast %get3A_1037 : vector<1x1x16xf32> to vector<16xf32>
        %mul3A_1039 = arith.constant 11.3137083 : f32
        %mul3A_1040 = vector.broadcast %mul3A_1039 : f32 to vector<16xf32>
        %mul3A_1041 = arith.mulf %get3A_1038, %mul3A_1040 : vector<16xf32>
        %swap3A_1042 = arith.constant 1 : i32
        %swap3A_1043 = arith.index_cast %swap3A_1042 : i32 to index
        %swap3A_1044 = arith.index_cast %scan3A_938 : i32 to index
        %swap3A_1045 = arith.constant 96 : index
        %swap3A_1046 = tpu.vector_load %arg6[%swap3A_1043, %swap3A_1044, %swap3A_1045] {strides = array<i32>} : memref<5x128x128xf32, #tpu.memory_space<vmem>>, vector<1x1x16xf32>,
        %swap3A_1047 = vector.shape_cast %swap3A_1046 : vector<1x1x16xf32> to vector<16xf32>
        %swap3A_1048 = vector.shape_cast %mul3A_1041 : vector<16xf32> to vector<1x1x16xf32>
        tpu.vector_store %arg6[%swap3A_1043, %swap3A_1044, %swap3A_1045], %swap3A_1048 {strides = array<i32>} : memref<5x128x128xf32, #tpu.memory_space<vmem>>, vector<1x1x16xf32>,
        %get3A_1049 = arith.constant 1 : i32
        %get3A_1050 = arith.index_cast %get3A_1049 : i32 to index
        %get3A_1051 = arith.index_cast %scan3A_938 : i32 to index
        %get3A_1052 = arith.constant 112 : index
        %get3A_1053 = tpu.vector_load %arg6[%get3A_1050, %get3A_1051, %get3A_1052] {strides = array<i32>} : memref<5x128x128xf32, #tpu.memory_space<vmem>>, vector<1x1x16xf32>,
        %get3A_1054 = vector.shape_cast %get3A_1053 : vector<1x1x16xf32> to vector<16xf32>
        %mul3A_1055 = arith.constant 11.3137083 : f32
        %mul3A_1056 = vector.broadcast %mul3A_1055 : f32 to vector<16xf32>
        %mul3A_1057 = arith.mulf %get3A_1054, %mul3A_1056 : vector<16xf32>
        %swap3A_1058 = arith.constant 1 : i32
        %swap3A_1059 = arith.index_cast %swap3A_1058 : i32 to index
        %swap3A_1060 = arith.index_cast %scan3A_938 : i32 to index
        %swap3A_1061 = arith.constant 112 : index
        %swap3A_1062 = tpu.vector_load %arg6[%swap3A_1059, %swap3A_1060, %swap3A_1061] {strides = array<i32>} : memref<5x128x128xf32, #tpu.memory_space<vmem>>, vector<1x1x16xf32>,
        %swap3A_1063 = vector.shape_cast %swap3A_1062 : vector<1x1x16xf32> to vector<16xf32>
        %swap3A_1064 = vector.shape_cast %mul3A_1057 : vector<16xf32> to vector<1x1x16xf32>
        tpu.vector_store %arg6[%swap3A_1059, %swap3A_1060, %swap3A_1061], %swap3A_1064 {strides = array<i32>} : memref<5x128x128xf32, #tpu.memory_space<vmem>>, vector<1x1x16xf32>,
      }
      %scan3A_692 = arith.constant 128 : i32
      %mul3A_693 = arith.constant 128 : i32
      %mul3A_694 = arith.muli %add3A_675, %mul3A_693 : i32
      %add3A_695 = arith.addi %mul3A_2, %mul3A_694 : i32
      %dma_start3A_696 = arith.constant 1 : i32
      %dma_start3A_697 = arith.constant 0 : i32
      %dma_start3A_698 = arith.constant 0 : i32
      %dma_start3A_699 = tpu.memref_slice %arg6[%dma_start3A_696, %dma_start3A_697, %dma_start3A_698] : memref<5x128x128xf32, #tpu.memory_space<vmem>> -> memref<1x128x128xf32, #tpu.memory_space<vmem>>
      %dma_start3A_700 = tpu.memref_squeeze %dma_start3A_699 : memref<1x128x128xf32, #tpu.memory_space<vmem>> -> memref<128x128xf32, #tpu.memory_space<vmem>>
      %dma_start3A_701 = arith.constant 0 : i32
      %dma_start3A_702 = tpu.memref_slice %arg4[%add3A_695, %dma_start3A_701] : memref<819200x128xf32, #tpu.memory_space<hbm>> -> memref<128x128xf32, #tpu.memory_space<hbm>>
      %dma_start3A_703 = arith.constant 0 : i32
      %dma_start3A_704 = tpu.memref_slice %arg4[%add3A_695, %dma_start3A_703] : memref<819200x128xf32, #tpu.memory_space<hbm>> -> memref<128x128xf32, #tpu.memory_space<hbm>>
      %dma_start3A_705 = arith.constant 0 : i32
      %dma_start3A_706 = arith.constant 0 : i32
      %dma_start3A_707 = tpu.memref_slice %arg6[%dma_start3A_696, %dma_start3A_705, %dma_start3A_706] : memref<5x128x128xf32, #tpu.memory_space<vmem>> -> memref<1x128x128xf32, #tpu.memory_space<vmem>>
      %dma_start3A_708 = tpu.memref_squeeze %dma_start3A_707 : memref<1x128x128xf32, #tpu.memory_space<vmem>> -> memref<128x128xf32, #tpu.memory_space<vmem>>
      tpu.enqueue_dma source(%dma_start3A_708 : memref<128x128xf32, #tpu.memory_space<vmem>>) target(%dma_start3A_704 : memref<128x128xf32, #tpu.memory_space<hbm>>) target_semaphore(%arg8 : memref<!tpu.dma_semaphore, #tpu.memory_space<semaphore_mem>>)
      %sub3A_709 = arith.constant 2 : i32
      %sub3A_710 = arith.subi %add3A_675, %sub3A_709 : i32
      %mul3A_711 = arith.constant 128 : i32
      %mul3A_712 = arith.muli %sub3A_710, %mul3A_711 : i32
      %add3A_713 = arith.addi %mul3A_2, %mul3A_712 : i32
      %dma_wait3A_714 = arith.constant 4 : i32
      %dma_wait3A_715 = arith.constant 0 : i32
      %dma_wait3A_716 = arith.constant 0 : i32
      %dma_wait3A_717 = tpu.memref_slice %arg6[%dma_wait3A_714, %dma_wait3A_715, %dma_wait3A_716] : memref<5x128x128xf32, #tpu.memory_space<vmem>> -> memref<1x128x128xf32, #tpu.memory_space<vmem>>
      %dma_wait3A_718 = tpu.memref_squeeze %dma_wait3A_717 : memref<1x128x128xf32, #tpu.memory_space<vmem>> -> memref<128x128xf32, #tpu.memory_space<vmem>>
      %dma_wait3A_719 = arith.constant 0 : i32
      %dma_wait3A_720 = tpu.memref_slice %arg4[%add3A_713, %dma_wait3A_719] : memref<819200x128xf32, #tpu.memory_space<hbm>> -> memref<128x128xf32, #tpu.memory_space<hbm>>
      %dma_wait3A_721 = arith.constant 0 : i32
      %dma_wait3A_722 = tpu.memref_slice %arg4[%add3A_713, %dma_wait3A_721] : memref<819200x128xf32, #tpu.memory_space<hbm>> -> memref<128x128xf32, #tpu.memory_space<hbm>>
      %dma_wait3A_723 = arith.constant 0 : i32
      %dma_wait3A_724 = arith.constant 0 : i32
      %dma_wait3A_725 = tpu.memref_slice %arg6[%dma_wait3A_714, %dma_wait3A_723, %dma_wait3A_724] : memref<5x128x128xf32, #tpu.memory_space<vmem>> -> memref<1x128x128xf32, #tpu.memory_space<vmem>>
      %dma_wait3A_726 = tpu.memref_squeeze %dma_wait3A_725 : memref<1x128x128xf32, #tpu.memory_space<vmem>> -> memref<128x128xf32, #tpu.memory_space<vmem>>
      tpu.wait_dma2 semaphore(%arg8 : memref<!tpu.dma_semaphore, #tpu.memory_space<semaphore_mem>>) src(%dma_wait3A_726 : memref<128x128xf32, #tpu.memory_space<vmem>>) dst(%dma_wait3A_722 : memref<128x128xf32, #tpu.memory_space<hbm>>)
      %add3A_727 = arith.constant 3 : i32
      %add3A_728 = arith.addi %add3A_675, %add3A_727 : i32
      %dma_start3A_729 = arith.constant 4 : i32
      %dma_start3A_730 = arith.constant 0 : i32
      %dma_start3A_731 = arith.constant 0 : i32
      %dma_start3A_732 = tpu.memref_slice %arg6[%dma_start3A_729, %dma_start3A_730, %dma_start3A_731] : memref<5x128x128xf32, #tpu.memory_space<vmem>> -> memref<1x128x128xf32, #tpu.memory_space<vmem>>
      %dma_start3A_733 = tpu.memref_squeeze %dma_start3A_732 : memref<1x128x128xf32, #tpu.memory_space<vmem>> -> memref<128x128xf32, #tpu.memory_space<vmem>>
      %dma_start3A_734 = arith.constant 0 : i32
      %dma_start3A_735 = tpu.memref_slice %arg5[%add3A_728, %dma_start3A_734] : memref<200x128xi32, #tpu.memory_space<vmem>> -> memref<1x128xi32, #tpu.memory_space<vmem>>
      %dma_start3A_736 = tpu.memref_squeeze %dma_start3A_735 : memref<1x128xi32, #tpu.memory_space<vmem>> -> memref<128xi32, #tpu.memory_space<vmem>>
      %dma_start3A_737 = arith.constant 0 : i32
      %dma_start3A_738 = arith.constant 0 : i32
      %dma_start3A_739 = tpu.memref_slice %arg3[%dma_start3A_737, %dma_start3A_738] : memref<100000x128xf32, #tpu.memory_space<hbm>> -> memref<100000x128xf32, #tpu.memory_space<hbm>>
      tpu.enqueue_indirect_dma source(%dma_start3A_739 : memref<100000x128xf32, #tpu.memory_space<hbm>>) target(%dma_start3A_733 : memref<128x128xf32, #tpu.memory_space<vmem>>) offsets(%dma_start3A_736 : memref<128xi32, #tpu.memory_space<vmem>>) semaphore(%arg7 : memref<!tpu.dma_semaphore, #tpu.memory_space<semaphore_mem>>)
      %add3A_740 = arith.constant 2 : i32
      %add3A_741 = arith.addi %mul3A_608, %add3A_740 : i32
      %dma_wait3A_742 = arith.constant 2 : i32
      %dma_wait3A_743 = arith.constant 0 : i32
      %dma_wait3A_744 = arith.constant 0 : i32
      %dma_wait3A_745 = tpu.memref_slice %arg6[%dma_wait3A_742, %dma_wait3A_743, %dma_wait3A_744] : memref<5x128x128xf32, #tpu.memory_space<vmem>> -> memref<1x128x128xf32, #tpu.memory_space<vmem>>
      %dma_wait3A_746 = tpu.memref_squeeze %dma_wait3A_745 : memref<1x128x128xf32, #tpu.memory_space<vmem>> -> memref<128x128xf32, #tpu.memory_space<vmem>>
      %dma_wait3A_747 = arith.constant 0 : i32
      %dma_wait3A_748 = tpu.memref_slice %arg5[%add3A_741, %dma_wait3A_747] : memref<200x128xi32, #tpu.memory_space<vmem>> -> memref<1x128xi32, #tpu.memory_space<vmem>>
      %dma_wait3A_749 = tpu.memref_squeeze %dma_wait3A_748 : memref<1x128xi32, #tpu.memory_space<vmem>> -> memref<128xi32, #tpu.memory_space<vmem>>
      %dma_wait3A_750 = arith.constant 0 : i32
      %dma_wait3A_751 = arith.constant 0 : i32
      %dma_wait3A_752 = tpu.memref_slice %arg3[%dma_wait3A_750, %dma_wait3A_751] : memref<100000x128xf32, #tpu.memory_space<hbm>> -> memref<100000x128xf32, #tpu.memory_space<hbm>>
      tpu.wait_indirect_dma semaphore(%arg7 : memref<!tpu.dma_semaphore, #tpu.memory_space<semaphore_mem>>) src(%dma_wait3A_752 : memref<100000x128xf32, #tpu.memory_space<hbm>>) dst(%dma_wait3A_746 : memref<128x128xf32, #tpu.memory_space<vmem>>)
      %scan3A_753 = arith.constant 0 : i32
      %scan3A_754 = arith.constant 0 : i32
      %scan3A_755 = arith.constant 128 : i32
      %scan3A_756 = arith.addi %scan3A_754, %scan3A_755 : i32
      %scan3A_757 = arith.constant 1 : i32
      scf.for %scan3A_938 = %scan3A_754 to %scan3A_756 step %scan3A_757  : i32 {
        %get3A = arith.constant 2 : i32
        %get3A_939 = arith.index_cast %get3A : i32 to index
        %get3A_940 = arith.index_cast %scan3A_938 : i32 to index
        %get3A_941 = arith.constant 0 : index
        %get3A_942 = tpu.vector_load %arg6[%get3A_939, %get3A_940, %get3A_941] {strides = array<i32>} : memref<5x128x128xf32, #tpu.memory_space<vmem>>, vector<1x1x16xf32>,
        %get3A_943 = vector.shape_cast %get3A_942 : vector<1x1x16xf32> to vector<16xf32>
        %mul3A_944 = arith.constant 11.3137083 : f32
        %mul3A_945 = vector.broadcast %mul3A_944 : f32 to vector<16xf32>
        %mul3A_946 = arith.mulf %get3A_943, %mul3A_945 : vector<16xf32>
        %swap3A = arith.constant 2 : i32
        %swap3A_947 = arith.index_cast %swap3A : i32 to index
        %swap3A_948 = arith.index_cast %scan3A_938 : i32 to index
        %swap3A_949 = arith.constant 0 : index
        %swap3A_950 = tpu.vector_load %arg6[%swap3A_947, %swap3A_948, %swap3A_949] {strides = array<i32>} : memref<5x128x128xf32, #tpu.memory_space<vmem>>, vector<1x1x16xf32>,
        %swap3A_951 = vector.shape_cast %swap3A_950 : vector<1x1x16xf32> to vector<16xf32>
        %swap3A_952 = vector.shape_cast %mul3A_946 : vector<16xf32> to vector<1x1x16xf32>
        tpu.vector_store %arg6[%swap3A_947, %swap3A_948, %swap3A_949], %swap3A_952 {strides = array<i32>} : memref<5x128x128xf32, #tpu.memory_space<vmem>>, vector<1x1x16xf32>,
        %get3A_953 = arith.constant 2 : i32
        %get3A_954 = arith.index_cast %get3A_953 : i32 to index
        %get3A_955 = arith.index_cast %scan3A_938 : i32 to index
        %get3A_956 = arith.constant 16 : index
        %get3A_957 = tpu.vector_load %arg6[%get3A_954, %get3A_955, %get3A_956] {strides = array<i32>} : memref<5x128x128xf32, #tpu.memory_space<vmem>>, vector<1x1x16xf32>,
        %get3A_958 = vector.shape_cast %get3A_957 : vector<1x1x16xf32> to vector<16xf32>
        %mul3A_959 = arith.constant 11.3137083 : f32
        %mul3A_960 = vector.broadcast %mul3A_959 : f32 to vector<16xf32>
        %mul3A_961 = arith.mulf %get3A_958, %mul3A_960 : vector<16xf32>
        %swap3A_962 = arith.constant 2 : i32
        %swap3A_963 = arith.index_cast %swap3A_962 : i32 to index
        %swap3A_964 = arith.index_cast %scan3A_938 : i32 to index
        %swap3A_965 = arith.constant 16 : index
        %swap3A_966 = tpu.vector_load %arg6[%swap3A_963, %swap3A_964, %swap3A_965] {strides = array<i32>} : memref<5x128x128xf32, #tpu.memory_space<vmem>>, vector<1x1x16xf32>,
        %swap3A_967 = vector.shape_cast %swap3A_966 : vector<1x1x16xf32> to vector<16xf32>
        %swap3A_968 = vector.shape_cast %mul3A_961 : vector<16xf32> to vector<1x1x16xf32>
        tpu.vector_store %arg6[%swap3A_963, %swap3A_964, %swap3A_965], %swap3A_968 {strides = array<i32>} : memref<5x128x128xf32, #tpu.memory_space<vmem>>, vector<1x1x16xf32>,
        %get3A_969 = arith.constant 2 : i32
        %get3A_970 = arith.index_cast %get3A_969 : i32 to index
        %get3A_971 = arith.index_cast %scan3A_938 : i32 to index
        %get3A_972 = arith.constant 32 : index
        %get3A_973 = tpu.vector_load %arg6[%get3A_970, %get3A_971, %get3A_972] {strides = array<i32>} : memref<5x128x128xf32, #tpu.memory_space<vmem>>, vector<1x1x16xf32>,
        %get3A_974 = vector.shape_cast %get3A_973 : vector<1x1x16xf32> to vector<16xf32>
        %mul3A_975 = arith.constant 11.3137083 : f32
        %mul3A_976 = vector.broadcast %mul3A_975 : f32 to vector<16xf32>
        %mul3A_977 = arith.mulf %get3A_974, %mul3A_976 : vector<16xf32>
        %swap3A_978 = arith.constant 2 : i32
        %swap3A_979 = arith.index_cast %swap3A_978 : i32 to index
        %swap3A_980 = arith.index_cast %scan3A_938 : i32 to index
        %swap3A_981 = arith.constant 32 : index
        %swap3A_982 = tpu.vector_load %arg6[%swap3A_979, %swap3A_980, %swap3A_981] {strides = array<i32>} : memref<5x128x128xf32, #tpu.memory_space<vmem>>, vector<1x1x16xf32>,
        %swap3A_983 = vector.shape_cast %swap3A_982 : vector<1x1x16xf32> to vector<16xf32>
        %swap3A_984 = vector.shape_cast %mul3A_977 : vector<16xf32> to vector<1x1x16xf32>
        tpu.vector_store %arg6[%swap3A_979, %swap3A_980, %swap3A_981], %swap3A_984 {strides = array<i32>} : memref<5x128x128xf32, #tpu.memory_space<vmem>>, vector<1x1x16xf32>,
        %get3A_985 = arith.constant 2 : i32
        %get3A_986 = arith.index_cast %get3A_985 : i32 to index
        %get3A_987 = arith.index_cast %scan3A_938 : i32 to index
        %get3A_988 = arith.constant 48 : index
        %get3A_989 = tpu.vector_load %arg6[%get3A_986, %get3A_987, %get3A_988] {strides = array<i32>} : memref<5x128x128xf32, #tpu.memory_space<vmem>>, vector<1x1x16xf32>,
        %get3A_990 = vector.shape_cast %get3A_989 : vector<1x1x16xf32> to vector<16xf32>
        %mul3A_991 = arith.constant 11.3137083 : f32
        %mul3A_992 = vector.broadcast %mul3A_991 : f32 to vector<16xf32>
        %mul3A_993 = arith.mulf %get3A_990, %mul3A_992 : vector<16xf32>
        %swap3A_994 = arith.constant 2 : i32
        %swap3A_995 = arith.index_cast %swap3A_994 : i32 to index
        %swap3A_996 = arith.index_cast %scan3A_938 : i32 to index
        %swap3A_997 = arith.constant 48 : index
        %swap3A_998 = tpu.vector_load %arg6[%swap3A_995, %swap3A_996, %swap3A_997] {strides = array<i32>} : memref<5x128x128xf32, #tpu.memory_space<vmem>>, vector<1x1x16xf32>,
        %swap3A_999 = vector.shape_cast %swap3A_998 : vector<1x1x16xf32> to vector<16xf32>
        %swap3A_1000 = vector.shape_cast %mul3A_993 : vector<16xf32> to vector<1x1x16xf32>
        tpu.vector_store %arg6[%swap3A_995, %swap3A_996, %swap3A_997], %swap3A_1000 {strides = array<i32>} : memref<5x128x128xf32, #tpu.memory_space<vmem>>, vector<1x1x16xf32>,
        %get3A_1001 = arith.constant 2 : i32
        %get3A_1002 = arith.index_cast %get3A_1001 : i32 to index
        %get3A_1003 = arith.index_cast %scan3A_938 : i32 to index
        %get3A_1004 = arith.constant 64 : index
        %get3A_1005 = tpu.vector_load %arg6[%get3A_1002, %get3A_1003, %get3A_1004] {strides = array<i32>} : memref<5x128x128xf32, #tpu.memory_space<vmem>>, vector<1x1x16xf32>,
        %get3A_1006 = vector.shape_cast %get3A_1005 : vector<1x1x16xf32> to vector<16xf32>
        %mul3A_1007 = arith.constant 11.3137083 : f32
        %mul3A_1008 = vector.broadcast %mul3A_1007 : f32 to vector<16xf32>
        %mul3A_1009 = arith.mulf %get3A_1006, %mul3A_1008 : vector<16xf32>
        %swap3A_1010 = arith.constant 2 : i32
        %swap3A_1011 = arith.index_cast %swap3A_1010 : i32 to index
        %swap3A_1012 = arith.index_cast %scan3A_938 : i32 to index
        %swap3A_1013 = arith.constant 64 : index
        %swap3A_1014 = tpu.vector_load %arg6[%swap3A_1011, %swap3A_1012, %swap3A_1013] {strides = array<i32>} : memref<5x128x128xf32, #tpu.memory_space<vmem>>, vector<1x1x16xf32>,
        %swap3A_1015 = vector.shape_cast %swap3A_1014 : vector<1x1x16xf32> to vector<16xf32>
        %swap3A_1016 = vector.shape_cast %mul3A_1009 : vector<16xf32> to vector<1x1x16xf32>
        tpu.vector_store %arg6[%swap3A_1011, %swap3A_1012, %swap3A_1013], %swap3A_1016 {strides = array<i32>} : memref<5x128x128xf32, #tpu.memory_space<vmem>>, vector<1x1x16xf32>,
        %get3A_1017 = arith.constant 2 : i32
        %get3A_1018 = arith.index_cast %get3A_1017 : i32 to index
        %get3A_1019 = arith.index_cast %scan3A_938 : i32 to index
        %get3A_1020 = arith.constant 80 : index
        %get3A_1021 = tpu.vector_load %arg6[%get3A_1018, %get3A_1019, %get3A_1020] {strides = array<i32>} : memref<5x128x128xf32, #tpu.memory_space<vmem>>, vector<1x1x16xf32>,
        %get3A_1022 = vector.shape_cast %get3A_1021 : vector<1x1x16xf32> to vector<16xf32>
        %mul3A_1023 = arith.constant 11.3137083 : f32
        %mul3A_1024 = vector.broadcast %mul3A_1023 : f32 to vector<16xf32>
        %mul3A_1025 = arith.mulf %get3A_1022, %mul3A_1024 : vector<16xf32>
        %swap3A_1026 = arith.constant 2 : i32
        %swap3A_1027 = arith.index_cast %swap3A_1026 : i32 to index
        %swap3A_1028 = arith.index_cast %scan3A_938 : i32 to index
        %swap3A_1029 = arith.constant 80 : index
        %swap3A_1030 = tpu.vector_load %arg6[%swap3A_1027, %swap3A_1028, %swap3A_1029] {strides = array<i32>} : memref<5x128x128xf32, #tpu.memory_space<vmem>>, vector<1x1x16xf32>,
        %swap3A_1031 = vector.shape_cast %swap3A_1030 : vector<1x1x16xf32> to vector<16xf32>
        %swap3A_1032 = vector.shape_cast %mul3A_1025 : vector<16xf32> to vector<1x1x16xf32>
        tpu.vector_store %arg6[%swap3A_1027, %swap3A_1028, %swap3A_1029], %swap3A_1032 {strides = array<i32>} : memref<5x128x128xf32, #tpu.memory_space<vmem>>, vector<1x1x16xf32>,
        %get3A_1033 = arith.constant 2 : i32
        %get3A_1034 = arith.index_cast %get3A_1033 : i32 to index
        %get3A_1035 = arith.index_cast %scan3A_938 : i32 to index
        %get3A_1036 = arith.constant 96 : index
        %get3A_1037 = tpu.vector_load %arg6[%get3A_1034, %get3A_1035, %get3A_1036] {strides = array<i32>} : memref<5x128x128xf32, #tpu.memory_space<vmem>>, vector<1x1x16xf32>,
        %get3A_1038 = vector.shape_cast %get3A_1037 : vector<1x1x16xf32> to vector<16xf32>
        %mul3A_1039 = arith.constant 11.3137083 : f32
        %mul3A_1040 = vector.broadcast %mul3A_1039 : f32 to vector<16xf32>
        %mul3A_1041 = arith.mulf %get3A_1038, %mul3A_1040 : vector<16xf32>
        %swap3A_1042 = arith.constant 2 : i32
        %swap3A_1043 = arith.index_cast %swap3A_1042 : i32 to index
        %swap3A_1044 = arith.index_cast %scan3A_938 : i32 to index
        %swap3A_1045 = arith.constant 96 : index
        %swap3A_1046 = tpu.vector_load %arg6[%swap3A_1043, %swap3A_1044, %swap3A_1045] {strides = array<i32>} : memref<5x128x128xf32, #tpu.memory_space<vmem>>, vector<1x1x16xf32>,
        %swap3A_1047 = vector.shape_cast %swap3A_1046 : vector<1x1x16xf32> to vector<16xf32>
        %swap3A_1048 = vector.shape_cast %mul3A_1041 : vector<16xf32> to vector<1x1x16xf32>
        tpu.vector_store %arg6[%swap3A_1043, %swap3A_1044, %swap3A_1045], %swap3A_1048 {strides = array<i32>} : memref<5x128x128xf32, #tpu.memory_space<vmem>>, vector<1x1x16xf32>,
        %get3A_1049 = arith.constant 2 : i32
        %get3A_1050 = arith.index_cast %get3A_1049 : i32 to index
        %get3A_1051 = arith.index_cast %scan3A_938 : i32 to index
        %get3A_1052 = arith.constant 112 : index
        %get3A_1053 = tpu.vector_load %arg6[%get3A_1050, %get3A_1051, %get3A_1052] {strides = array<i32>} : memref<5x128x128xf32, #tpu.memory_space<vmem>>, vector<1x1x16xf32>,
        %get3A_1054 = vector.shape_cast %get3A_1053 : vector<1x1x16xf32> to vector<16xf32>
        %mul3A_1055 = arith.constant 11.3137083 : f32
        %mul3A_1056 = vector.broadcast %mul3A_1055 : f32 to vector<16xf32>
        %mul3A_1057 = arith.mulf %get3A_1054, %mul3A_1056 : vector<16xf32>
        %swap3A_1058 = arith.constant 2 : i32
        %swap3A_1059 = arith.index_cast %swap3A_1058 : i32 to index
        %swap3A_1060 = arith.index_cast %scan3A_938 : i32 to index
        %swap3A_1061 = arith.constant 112 : index
        %swap3A_1062 = tpu.vector_load %arg6[%swap3A_1059, %swap3A_1060, %swap3A_1061] {strides = array<i32>} : memref<5x128x128xf32, #tpu.memory_space<vmem>>, vector<1x1x16xf32>,
        %swap3A_1063 = vector.shape_cast %swap3A_1062 : vector<1x1x16xf32> to vector<16xf32>
        %swap3A_1064 = vector.shape_cast %mul3A_1057 : vector<16xf32> to vector<1x1x16xf32>
        tpu.vector_store %arg6[%swap3A_1059, %swap3A_1060, %swap3A_1061], %swap3A_1064 {strides = array<i32>} : memref<5x128x128xf32, #tpu.memory_space<vmem>>, vector<1x1x16xf32>,
      }
      %scan3A_758 = arith.constant 128 : i32
      %mul3A_759 = arith.constant 128 : i32
      %mul3A_760 = arith.muli %add3A_741, %mul3A_759 : i32
      %add3A_761 = arith.addi %mul3A_2, %mul3A_760 : i32
      %dma_start3A_762 = arith.constant 2 : i32
      %dma_start3A_763 = arith.constant 0 : i32
      %dma_start3A_764 = arith.constant 0 : i32
      %dma_start3A_765 = tpu.memref_slice %arg6[%dma_start3A_762, %dma_start3A_763, %dma_start3A_764] : memref<5x128x128xf32, #tpu.memory_space<vmem>> -> memref<1x128x128xf32, #tpu.memory_space<vmem>>
      %dma_start3A_766 = tpu.memref_squeeze %dma_start3A_765 : memref<1x128x128xf32, #tpu.memory_space<vmem>> -> memref<128x128xf32, #tpu.memory_space<vmem>>
      %dma_start3A_767 = arith.constant 0 : i32
      %dma_start3A_768 = tpu.memref_slice %arg4[%add3A_761, %dma_start3A_767] : memref<819200x128xf32, #tpu.memory_space<hbm>> -> memref<128x128xf32, #tpu.memory_space<hbm>>
      %dma_start3A_769 = arith.constant 0 : i32
      %dma_start3A_770 = tpu.memref_slice %arg4[%add3A_761, %dma_start3A_769] : memref<819200x128xf32, #tpu.memory_space<hbm>> -> memref<128x128xf32, #tpu.memory_space<hbm>>
      %dma_start3A_771 = arith.constant 0 : i32
      %dma_start3A_772 = arith.constant 0 : i32
      %dma_start3A_773 = tpu.memref_slice %arg6[%dma_start3A_762, %dma_start3A_771, %dma_start3A_772] : memref<5x128x128xf32, #tpu.memory_space<vmem>> -> memref<1x128x128xf32, #tpu.memory_space<vmem>>
      %dma_start3A_774 = tpu.memref_squeeze %dma_start3A_773 : memref<1x128x128xf32, #tpu.memory_space<vmem>> -> memref<128x128xf32, #tpu.memory_space<vmem>>
      tpu.enqueue_dma source(%dma_start3A_774 : memref<128x128xf32, #tpu.memory_space<vmem>>) target(%dma_start3A_770 : memref<128x128xf32, #tpu.memory_space<hbm>>) target_semaphore(%arg8 : memref<!tpu.dma_semaphore, #tpu.memory_space<semaphore_mem>>)
      %sub3A_775 = arith.constant 2 : i32
      %sub3A_776 = arith.subi %add3A_741, %sub3A_775 : i32
      %mul3A_777 = arith.constant 128 : i32
      %mul3A_778 = arith.muli %sub3A_776, %mul3A_777 : i32
      %add3A_779 = arith.addi %mul3A_2, %mul3A_778 : i32
      %dma_wait3A_780 = arith.constant 0 : i32
      %dma_wait3A_781 = arith.constant 0 : i32
      %dma_wait3A_782 = arith.constant 0 : i32
      %dma_wait3A_783 = tpu.memref_slice %arg6[%dma_wait3A_780, %dma_wait3A_781, %dma_wait3A_782] : memref<5x128x128xf32, #tpu.memory_space<vmem>> -> memref<1x128x128xf32, #tpu.memory_space<vmem>>
      %dma_wait3A_784 = tpu.memref_squeeze %dma_wait3A_783 : memref<1x128x128xf32, #tpu.memory_space<vmem>> -> memref<128x128xf32, #tpu.memory_space<vmem>>
      %dma_wait3A_785 = arith.constant 0 : i32
      %dma_wait3A_786 = tpu.memref_slice %arg4[%add3A_779, %dma_wait3A_785] : memref<819200x128xf32, #tpu.memory_space<hbm>> -> memref<128x128xf32, #tpu.memory_space<hbm>>
      %dma_wait3A_787 = arith.constant 0 : i32
      %dma_wait3A_788 = tpu.memref_slice %arg4[%add3A_779, %dma_wait3A_787] : memref<819200x128xf32, #tpu.memory_space<hbm>> -> memref<128x128xf32, #tpu.memory_space<hbm>>
      %dma_wait3A_789 = arith.constant 0 : i32
      %dma_wait3A_790 = arith.constant 0 : i32
      %dma_wait3A_791 = tpu.memref_slice %arg6[%dma_wait3A_780, %dma_wait3A_789, %dma_wait3A_790] : memref<5x128x128xf32, #tpu.memory_space<vmem>> -> memref<1x128x128xf32, #tpu.memory_space<vmem>>
      %dma_wait3A_792 = tpu.memref_squeeze %dma_wait3A_791 : memref<1x128x128xf32, #tpu.memory_space<vmem>> -> memref<128x128xf32, #tpu.memory_space<vmem>>
      tpu.wait_dma2 semaphore(%arg8 : memref<!tpu.dma_semaphore, #tpu.memory_space<semaphore_mem>>) src(%dma_wait3A_792 : memref<128x128xf32, #tpu.memory_space<vmem>>) dst(%dma_wait3A_788 : memref<128x128xf32, #tpu.memory_space<hbm>>)
      %add3A_793 = arith.constant 3 : i32
      %add3A_794 = arith.addi %add3A_741, %add3A_793 : i32
      %dma_start3A_795 = arith.constant 0 : i32
      %dma_start3A_796 = arith.constant 0 : i32
      %dma_start3A_797 = arith.constant 0 : i32
      %dma_start3A_798 = tpu.memref_slice %arg6[%dma_start3A_795, %dma_start3A_796, %dma_start3A_797] : memref<5x128x128xf32, #tpu.memory_space<vmem>> -> memref<1x128x128xf32, #tpu.memory_space<vmem>>
      %dma_start3A_799 = tpu.memref_squeeze %dma_start3A_798 : memref<1x128x128xf32, #tpu.memory_space<vmem>> -> memref<128x128xf32, #tpu.memory_space<vmem>>
      %dma_start3A_800 = arith.constant 0 : i32
      %dma_start3A_801 = tpu.memref_slice %arg5[%add3A_794, %dma_start3A_800] : memref<200x128xi32, #tpu.memory_space<vmem>> -> memref<1x128xi32, #tpu.memory_space<vmem>>
      %dma_start3A_802 = tpu.memref_squeeze %dma_start3A_801 : memref<1x128xi32, #tpu.memory_space<vmem>> -> memref<128xi32, #tpu.memory_space<vmem>>
      %dma_start3A_803 = arith.constant 0 : i32
      %dma_start3A_804 = arith.constant 0 : i32
      %dma_start3A_805 = tpu.memref_slice %arg3[%dma_start3A_803, %dma_start3A_804] : memref<100000x128xf32, #tpu.memory_space<hbm>> -> memref<100000x128xf32, #tpu.memory_space<hbm>>
      tpu.enqueue_indirect_dma source(%dma_start3A_805 : memref<100000x128xf32, #tpu.memory_space<hbm>>) target(%dma_start3A_799 : memref<128x128xf32, #tpu.memory_space<vmem>>) offsets(%dma_start3A_802 : memref<128xi32, #tpu.memory_space<vmem>>) semaphore(%arg7 : memref<!tpu.dma_semaphore, #tpu.memory_space<semaphore_mem>>)
      %add3A_806 = arith.constant 3 : i32
      %add3A_807 = arith.addi %mul3A_608, %add3A_806 : i32
      %dma_wait3A_808 = arith.constant 3 : i32
      %dma_wait3A_809 = arith.constant 0 : i32
      %dma_wait3A_810 = arith.constant 0 : i32
      %dma_wait3A_811 = tpu.memref_slice %arg6[%dma_wait3A_808, %dma_wait3A_809, %dma_wait3A_810] : memref<5x128x128xf32, #tpu.memory_space<vmem>> -> memref<1x128x128xf32, #tpu.memory_space<vmem>>
      %dma_wait3A_812 = tpu.memref_squeeze %dma_wait3A_811 : memref<1x128x128xf32, #tpu.memory_space<vmem>> -> memref<128x128xf32, #tpu.memory_space<vmem>>
      %dma_wait3A_813 = arith.constant 0 : i32
      %dma_wait3A_814 = tpu.memref_slice %arg5[%add3A_807, %dma_wait3A_813] : memref<200x128xi32, #tpu.memory_space<vmem>> -> memref<1x128xi32, #tpu.memory_space<vmem>>
      %dma_wait3A_815 = tpu.memref_squeeze %dma_wait3A_814 : memref<1x128xi32, #tpu.memory_space<vmem>> -> memref<128xi32, #tpu.memory_space<vmem>>
      %dma_wait3A_816 = arith.constant 0 : i32
      %dma_wait3A_817 = arith.constant 0 : i32
      %dma_wait3A_818 = tpu.memref_slice %arg3[%dma_wait3A_816, %dma_wait3A_817] : memref<100000x128xf32, #tpu.memory_space<hbm>> -> memref<100000x128xf32, #tpu.memory_space<hbm>>
      tpu.wait_indirect_dma semaphore(%arg7 : memref<!tpu.dma_semaphore, #tpu.memory_space<semaphore_mem>>) src(%dma_wait3A_818 : memref<100000x128xf32, #tpu.memory_space<hbm>>) dst(%dma_wait3A_812 : memref<128x128xf32, #tpu.memory_space<vmem>>)
      %scan3A_819 = arith.constant 0 : i32
      %scan3A_820 = arith.constant 0 : i32
      %scan3A_821 = arith.constant 128 : i32
      %scan3A_822 = arith.addi %scan3A_820, %scan3A_821 : i32
      %scan3A_823 = arith.constant 1 : i32
      scf.for %scan3A_938 = %scan3A_820 to %scan3A_822 step %scan3A_823  : i32 {
        %get3A = arith.constant 3 : i32
        %get3A_939 = arith.index_cast %get3A : i32 to index
        %get3A_940 = arith.index_cast %scan3A_938 : i32 to index
        %get3A_941 = arith.constant 0 : index
        %get3A_942 = tpu.vector_load %arg6[%get3A_939, %get3A_940, %get3A_941] {strides = array<i32>} : memref<5x128x128xf32, #tpu.memory_space<vmem>>, vector<1x1x16xf32>,
        %get3A_943 = vector.shape_cast %get3A_942 : vector<1x1x16xf32> to vector<16xf32>
        %mul3A_944 = arith.constant 11.3137083 : f32
        %mul3A_945 = vector.broadcast %mul3A_944 : f32 to vector<16xf32>
        %mul3A_946 = arith.mulf %get3A_943, %mul3A_945 : vector<16xf32>
        %swap3A = arith.constant 3 : i32
        %swap3A_947 = arith.index_cast %swap3A : i32 to index
        %swap3A_948 = arith.index_cast %scan3A_938 : i32 to index
        %swap3A_949 = arith.constant 0 : index
        %swap3A_950 = tpu.vector_load %arg6[%swap3A_947, %swap3A_948, %swap3A_949] {strides = array<i32>} : memref<5x128x128xf32, #tpu.memory_space<vmem>>, vector<1x1x16xf32>,
        %swap3A_951 = vector.shape_cast %swap3A_950 : vector<1x1x16xf32> to vector<16xf32>
        %swap3A_952 = vector.shape_cast %mul3A_946 : vector<16xf32> to vector<1x1x16xf32>
        tpu.vector_store %arg6[%swap3A_947, %swap3A_948, %swap3A_949], %swap3A_952 {strides = array<i32>} : memref<5x128x128xf32, #tpu.memory_space<vmem>>, vector<1x1x16xf32>,
        %get3A_953 = arith.constant 3 : i32
        %get3A_954 = arith.index_cast %get3A_953 : i32 to index
        %get3A_955 = arith.index_cast %scan3A_938 : i32 to index
        %get3A_956 = arith.constant 16 : index
        %get3A_957 = tpu.vector_load %arg6[%get3A_954, %get3A_955, %get3A_956] {strides = array<i32>} : memref<5x128x128xf32, #tpu.memory_space<vmem>>, vector<1x1x16xf32>,
        %get3A_958 = vector.shape_cast %get3A_957 : vector<1x1x16xf32> to vector<16xf32>
        %mul3A_959 = arith.constant 11.3137083 : f32
        %mul3A_960 = vector.broadcast %mul3A_959 : f32 to vector<16xf32>
        %mul3A_961 = arith.mulf %get3A_958, %mul3A_960 : vector<16xf32>
        %swap3A_962 = arith.constant 3 : i32
        %swap3A_963 = arith.index_cast %swap3A_962 : i32 to index
        %swap3A_964 = arith.index_cast %scan3A_938 : i32 to index
        %swap3A_965 = arith.constant 16 : index
        %swap3A_966 = tpu.vector_load %arg6[%swap3A_963, %swap3A_964, %swap3A_965] {strides = array<i32>} : memref<5x128x128xf32, #tpu.memory_space<vmem>>, vector<1x1x16xf32>,
        %swap3A_967 = vector.shape_cast %swap3A_966 : vector<1x1x16xf32> to vector<16xf32>
        %swap3A_968 = vector.shape_cast %mul3A_961 : vector<16xf32> to vector<1x1x16xf32>
        tpu.vector_store %arg6[%swap3A_963, %swap3A_964, %swap3A_965], %swap3A_968 {strides = array<i32>} : memref<5x128x128xf32, #tpu.memory_space<vmem>>, vector<1x1x16xf32>,
        %get3A_969 = arith.constant 3 : i32
        %get3A_970 = arith.index_cast %get3A_969 : i32 to index
        %get3A_971 = arith.index_cast %scan3A_938 : i32 to index
        %get3A_972 = arith.constant 32 : index
        %get3A_973 = tpu.vector_load %arg6[%get3A_970, %get3A_971, %get3A_972] {strides = array<i32>} : memref<5x128x128xf32, #tpu.memory_space<vmem>>, vector<1x1x16xf32>,
        %get3A_974 = vector.shape_cast %get3A_973 : vector<1x1x16xf32> to vector<16xf32>
        %mul3A_975 = arith.constant 11.3137083 : f32
        %mul3A_976 = vector.broadcast %mul3A_975 : f32 to vector<16xf32>
        %mul3A_977 = arith.mulf %get3A_974, %mul3A_976 : vector<16xf32>
        %swap3A_978 = arith.constant 3 : i32
        %swap3A_979 = arith.index_cast %swap3A_978 : i32 to index
        %swap3A_980 = arith.index_cast %scan3A_938 : i32 to index
        %swap3A_981 = arith.constant 32 : index
        %swap3A_982 = tpu.vector_load %arg6[%swap3A_979, %swap3A_980, %swap3A_981] {strides = array<i32>} : memref<5x128x128xf32, #tpu.memory_space<vmem>>, vector<1x1x16xf32>,
        %swap3A_983 = vector.shape_cast %swap3A_982 : vector<1x1x16xf32> to vector<16xf32>
        %swap3A_984 = vector.shape_cast %mul3A_977 : vector<16xf32> to vector<1x1x16xf32>
        tpu.vector_store %arg6[%swap3A_979, %swap3A_980, %swap3A_981], %swap3A_984 {strides = array<i32>} : memref<5x128x128xf32, #tpu.memory_space<vmem>>, vector<1x1x16xf32>,
        %get3A_985 = arith.constant 3 : i32
        %get3A_986 = arith.index_cast %get3A_985 : i32 to index
        %get3A_987 = arith.index_cast %scan3A_938 : i32 to index
        %get3A_988 = arith.constant 48 : index
        %get3A_989 = tpu.vector_load %arg6[%get3A_986, %get3A_987, %get3A_988] {strides = array<i32>} : memref<5x128x128xf32, #tpu.memory_space<vmem>>, vector<1x1x16xf32>,
        %get3A_990 = vector.shape_cast %get3A_989 : vector<1x1x16xf32> to vector<16xf32>
        %mul3A_991 = arith.constant 11.3137083 : f32
        %mul3A_992 = vector.broadcast %mul3A_991 : f32 to vector<16xf32>
        %mul3A_993 = arith.mulf %get3A_990, %mul3A_992 : vector<16xf32>
        %swap3A_994 = arith.constant 3 : i32
        %swap3A_995 = arith.index_cast %swap3A_994 : i32 to index
        %swap3A_996 = arith.index_cast %scan3A_938 : i32 to index
        %swap3A_997 = arith.constant 48 : index
        %swap3A_998 = tpu.vector_load %arg6[%swap3A_995, %swap3A_996, %swap3A_997] {strides = array<i32>} : memref<5x128x128xf32, #tpu.memory_space<vmem>>, vector<1x1x16xf32>,
        %swap3A_999 = vector.shape_cast %swap3A_998 : vector<1x1x16xf32> to vector<16xf32>
        %swap3A_1000 = vector.shape_cast %mul3A_993 : vector<16xf32> to vector<1x1x16xf32>
        tpu.vector_store %arg6[%swap3A_995, %swap3A_996, %swap3A_997], %swap3A_1000 {strides = array<i32>} : memref<5x128x128xf32, #tpu.memory_space<vmem>>, vector<1x1x16xf32>,
        %get3A_1001 = arith.constant 3 : i32
        %get3A_1002 = arith.index_cast %get3A_1001 : i32 to index
        %get3A_1003 = arith.index_cast %scan3A_938 : i32 to index
        %get3A_1004 = arith.constant 64 : index
        %get3A_1005 = tpu.vector_load %arg6[%get3A_1002, %get3A_1003, %get3A_1004] {strides = array<i32>} : memref<5x128x128xf32, #tpu.memory_space<vmem>>, vector<1x1x16xf32>,
        %get3A_1006 = vector.shape_cast %get3A_1005 : vector<1x1x16xf32> to vector<16xf32>
        %mul3A_1007 = arith.constant 11.3137083 : f32
        %mul3A_1008 = vector.broadcast %mul3A_1007 : f32 to vector<16xf32>
        %mul3A_1009 = arith.mulf %get3A_1006, %mul3A_1008 : vector<16xf32>
        %swap3A_1010 = arith.constant 3 : i32
        %swap3A_1011 = arith.index_cast %swap3A_1010 : i32 to index
        %swap3A_1012 = arith.index_cast %scan3A_938 : i32 to index
        %swap3A_1013 = arith.constant 64 : index
        %swap3A_1014 = tpu.vector_load %arg6[%swap3A_1011, %swap3A_1012, %swap3A_1013] {strides = array<i32>} : memref<5x128x128xf32, #tpu.memory_space<vmem>>, vector<1x1x16xf32>,
        %swap3A_1015 = vector.shape_cast %swap3A_1014 : vector<1x1x16xf32> to vector<16xf32>
        %swap3A_1016 = vector.shape_cast %mul3A_1009 : vector<16xf32> to vector<1x1x16xf32>
        tpu.vector_store %arg6[%swap3A_1011, %swap3A_1012, %swap3A_1013], %swap3A_1016 {strides = array<i32>} : memref<5x128x128xf32, #tpu.memory_space<vmem>>, vector<1x1x16xf32>,
        %get3A_1017 = arith.constant 3 : i32
        %get3A_1018 = arith.index_cast %get3A_1017 : i32 to index
        %get3A_1019 = arith.index_cast %scan3A_938 : i32 to index
        %get3A_1020 = arith.constant 80 : index
        %get3A_1021 = tpu.vector_load %arg6[%get3A_1018, %get3A_1019, %get3A_1020] {strides = array<i32>} : memref<5x128x128xf32, #tpu.memory_space<vmem>>, vector<1x1x16xf32>,
        %get3A_1022 = vector.shape_cast %get3A_1021 : vector<1x1x16xf32> to vector<16xf32>
        %mul3A_1023 = arith.constant 11.3137083 : f32
        %mul3A_1024 = vector.broadcast %mul3A_1023 : f32 to vector<16xf32>
        %mul3A_1025 = arith.mulf %get3A_1022, %mul3A_1024 : vector<16xf32>
        %swap3A_1026 = arith.constant 3 : i32
        %swap3A_1027 = arith.index_cast %swap3A_1026 : i32 to index
        %swap3A_1028 = arith.index_cast %scan3A_938 : i32 to index
        %swap3A_1029 = arith.constant 80 : index
        %swap3A_1030 = tpu.vector_load %arg6[%swap3A_1027, %swap3A_1028, %swap3A_1029] {strides = array<i32>} : memref<5x128x128xf32, #tpu.memory_space<vmem>>, vector<1x1x16xf32>,
        %swap3A_1031 = vector.shape_cast %swap3A_1030 : vector<1x1x16xf32> to vector<16xf32>
        %swap3A_1032 = vector.shape_cast %mul3A_1025 : vector<16xf32> to vector<1x1x16xf32>
        tpu.vector_store %arg6[%swap3A_1027, %swap3A_1028, %swap3A_1029], %swap3A_1032 {strides = array<i32>} : memref<5x128x128xf32, #tpu.memory_space<vmem>>, vector<1x1x16xf32>,
        %get3A_1033 = arith.constant 3 : i32
        %get3A_1034 = arith.index_cast %get3A_1033 : i32 to index
        %get3A_1035 = arith.index_cast %scan3A_938 : i32 to index
        %get3A_1036 = arith.constant 96 : index
        %get3A_1037 = tpu.vector_load %arg6[%get3A_1034, %get3A_1035, %get3A_1036] {strides = array<i32>} : memref<5x128x128xf32, #tpu.memory_space<vmem>>, vector<1x1x16xf32>,
        %get3A_1038 = vector.shape_cast %get3A_1037 : vector<1x1x16xf32> to vector<16xf32>
        %mul3A_1039 = arith.constant 11.3137083 : f32
        %mul3A_1040 = vector.broadcast %mul3A_1039 : f32 to vector<16xf32>
        %mul3A_1041 = arith.mulf %get3A_1038, %mul3A_1040 : vector<16xf32>
        %swap3A_1042 = arith.constant 3 : i32
        %swap3A_1043 = arith.index_cast %swap3A_1042 : i32 to index
        %swap3A_1044 = arith.index_cast %scan3A_938 : i32 to index
        %swap3A_1045 = arith.constant 96 : index
        %swap3A_1046 = tpu.vector_load %arg6[%swap3A_1043, %swap3A_1044, %swap3A_1045] {strides = array<i32>} : memref<5x128x128xf32, #tpu.memory_space<vmem>>, vector<1x1x16xf32>,
        %swap3A_1047 = vector.shape_cast %swap3A_1046 : vector<1x1x16xf32> to vector<16xf32>
        %swap3A_1048 = vector.shape_cast %mul3A_1041 : vector<16xf32> to vector<1x1x16xf32>
        tpu.vector_store %arg6[%swap3A_1043, %swap3A_1044, %swap3A_1045], %swap3A_1048 {strides = array<i32>} : memref<5x128x128xf32, #tpu.memory_space<vmem>>, vector<1x1x16xf32>,
        %get3A_1049 = arith.constant 3 : i32
        %get3A_1050 = arith.index_cast %get3A_1049 : i32 to index
        %get3A_1051 = arith.index_cast %scan3A_938 : i32 to index
        %get3A_1052 = arith.constant 112 : index
        %get3A_1053 = tpu.vector_load %arg6[%get3A_1050, %get3A_1051, %get3A_1052] {strides = array<i32>} : memref<5x128x128xf32, #tpu.memory_space<vmem>>, vector<1x1x16xf32>,
        %get3A_1054 = vector.shape_cast %get3A_1053 : vector<1x1x16xf32> to vector<16xf32>
        %mul3A_1055 = arith.constant 11.3137083 : f32
        %mul3A_1056 = vector.broadcast %mul3A_1055 : f32 to vector<16xf32>
        %mul3A_1057 = arith.mulf %get3A_1054, %mul3A_1056 : vector<16xf32>
        %swap3A_1058 = arith.constant 3 : i32
        %swap3A_1059 = arith.index_cast %swap3A_1058 : i32 to index
        %swap3A_1060 = arith.index_cast %scan3A_938 : i32 to index
        %swap3A_1061 = arith.constant 112 : index
        %swap3A_1062 = tpu.vector_load %arg6[%swap3A_1059, %swap3A_1060, %swap3A_1061] {strides = array<i32>} : memref<5x128x128xf32, #tpu.memory_space<vmem>>, vector<1x1x16xf32>,
        %swap3A_1063 = vector.shape_cast %swap3A_1062 : vector<1x1x16xf32> to vector<16xf32>
        %swap3A_1064 = vector.shape_cast %mul3A_1057 : vector<16xf32> to vector<1x1x16xf32>
        tpu.vector_store %arg6[%swap3A_1059, %swap3A_1060, %swap3A_1061], %swap3A_1064 {strides = array<i32>} : memref<5x128x128xf32, #tpu.memory_space<vmem>>, vector<1x1x16xf32>,
      }
      %scan3A_824 = arith.constant 128 : i32
      %mul3A_825 = arith.constant 128 : i32
      %mul3A_826 = arith.muli %add3A_807, %mul3A_825 : i32
      %add3A_827 = arith.addi %mul3A_2, %mul3A_826 : i32
      %dma_start3A_828 = arith.constant 3 : i32
      %dma_start3A_829 = arith.constant 0 : i32
      %dma_start3A_830 = arith.constant 0 : i32
      %dma_start3A_831 = tpu.memref_slice %arg6[%dma_start3A_828, %dma_start3A_829, %dma_start3A_830] : memref<5x128x128xf32, #tpu.memory_space<vmem>> -> memref<1x128x128xf32, #tpu.memory_space<vmem>>
      %dma_start3A_832 = tpu.memref_squeeze %dma_start3A_831 : memref<1x128x128xf32, #tpu.memory_space<vmem>> -> memref<128x128xf32, #tpu.memory_space<vmem>>
      %dma_start3A_833 = arith.constant 0 : i32
      %dma_start3A_834 = tpu.memref_slice %arg4[%add3A_827, %dma_start3A_833] : memref<819200x128xf32, #tpu.memory_space<hbm>> -> memref<128x128xf32, #tpu.memory_space<hbm>>
      %dma_start3A_835 = arith.constant 0 : i32
      %dma_start3A_836 = tpu.memref_slice %arg4[%add3A_827, %dma_start3A_835] : memref<819200x128xf32, #tpu.memory_space<hbm>> -> memref<128x128xf32, #tpu.memory_space<hbm>>
      %dma_start3A_837 = arith.constant 0 : i32
      %dma_start3A_838 = arith.constant 0 : i32
      %dma_start3A_839 = tpu.memref_slice %arg6[%dma_start3A_828, %dma_start3A_837, %dma_start3A_838] : memref<5x128x128xf32, #tpu.memory_space<vmem>> -> memref<1x128x128xf32, #tpu.memory_space<vmem>>
      %dma_start3A_840 = tpu.memref_squeeze %dma_start3A_839 : memref<1x128x128xf32, #tpu.memory_space<vmem>> -> memref<128x128xf32, #tpu.memory_space<vmem>>
      tpu.enqueue_dma source(%dma_start3A_840 : memref<128x128xf32, #tpu.memory_space<vmem>>) target(%dma_start3A_836 : memref<128x128xf32, #tpu.memory_space<hbm>>) target_semaphore(%arg8 : memref<!tpu.dma_semaphore, #tpu.memory_space<semaphore_mem>>)
      %sub3A_841 = arith.constant 2 : i32
      %sub3A_842 = arith.subi %add3A_807, %sub3A_841 : i32
      %mul3A_843 = arith.constant 128 : i32
      %mul3A_844 = arith.muli %sub3A_842, %mul3A_843 : i32
      %add3A_845 = arith.addi %mul3A_2, %mul3A_844 : i32
      %dma_wait3A_846 = arith.constant 1 : i32
      %dma_wait3A_847 = arith.constant 0 : i32
      %dma_wait3A_848 = arith.constant 0 : i32
      %dma_wait3A_849 = tpu.memref_slice %arg6[%dma_wait3A_846, %dma_wait3A_847, %dma_wait3A_848] : memref<5x128x128xf32, #tpu.memory_space<vmem>> -> memref<1x128x128xf32, #tpu.memory_space<vmem>>
      %dma_wait3A_850 = tpu.memref_squeeze %dma_wait3A_849 : memref<1x128x128xf32, #tpu.memory_space<vmem>> -> memref<128x128xf32, #tpu.memory_space<vmem>>
      %dma_wait3A_851 = arith.constant 0 : i32
      %dma_wait3A_852 = tpu.memref_slice %arg4[%add3A_845, %dma_wait3A_851] : memref<819200x128xf32, #tpu.memory_space<hbm>> -> memref<128x128xf32, #tpu.memory_space<hbm>>
      %dma_wait3A_853 = arith.constant 0 : i32
      %dma_wait3A_854 = tpu.memref_slice %arg4[%add3A_845, %dma_wait3A_853] : memref<819200x128xf32, #tpu.memory_space<hbm>> -> memref<128x128xf32, #tpu.memory_space<hbm>>
      %dma_wait3A_855 = arith.constant 0 : i32
      %dma_wait3A_856 = arith.constant 0 : i32
      %dma_wait3A_857 = tpu.memref_slice %arg6[%dma_wait3A_846, %dma_wait3A_855, %dma_wait3A_856] : memref<5x128x128xf32, #tpu.memory_space<vmem>> -> memref<1x128x128xf32, #tpu.memory_space<vmem>>
      %dma_wait3A_858 = tpu.memref_squeeze %dma_wait3A_857 : memref<1x128x128xf32, #tpu.memory_space<vmem>> -> memref<128x128xf32, #tpu.memory_space<vmem>>
      tpu.wait_dma2 semaphore(%arg8 : memref<!tpu.dma_semaphore, #tpu.memory_space<semaphore_mem>>) src(%dma_wait3A_858 : memref<128x128xf32, #tpu.memory_space<vmem>>) dst(%dma_wait3A_854 : memref<128x128xf32, #tpu.memory_space<hbm>>)
      %add3A_859 = arith.constant 3 : i32
      %add3A_860 = arith.addi %add3A_807, %add3A_859 : i32
      %dma_start3A_861 = arith.constant 1 : i32
      %dma_start3A_862 = arith.constant 0 : i32
      %dma_start3A_863 = arith.constant 0 : i32
      %dma_start3A_864 = tpu.memref_slice %arg6[%dma_start3A_861, %dma_start3A_862, %dma_start3A_863] : memref<5x128x128xf32, #tpu.memory_space<vmem>> -> memref<1x128x128xf32, #tpu.memory_space<vmem>>
      %dma_start3A_865 = tpu.memref_squeeze %dma_start3A_864 : memref<1x128x128xf32, #tpu.memory_space<vmem>> -> memref<128x128xf32, #tpu.memory_space<vmem>>
      %dma_start3A_866 = arith.constant 0 : i32
      %dma_start3A_867 = tpu.memref_slice %arg5[%add3A_860, %dma_start3A_866] : memref<200x128xi32, #tpu.memory_space<vmem>> -> memref<1x128xi32, #tpu.memory_space<vmem>>
      %dma_start3A_868 = tpu.memref_squeeze %dma_start3A_867 : memref<1x128xi32, #tpu.memory_space<vmem>> -> memref<128xi32, #tpu.memory_space<vmem>>
      %dma_start3A_869 = arith.constant 0 : i32
      %dma_start3A_870 = arith.constant 0 : i32
      %dma_start3A_871 = tpu.memref_slice %arg3[%dma_start3A_869, %dma_start3A_870] : memref<100000x128xf32, #tpu.memory_space<hbm>> -> memref<100000x128xf32, #tpu.memory_space<hbm>>
      tpu.enqueue_indirect_dma source(%dma_start3A_871 : memref<100000x128xf32, #tpu.memory_space<hbm>>) target(%dma_start3A_865 : memref<128x128xf32, #tpu.memory_space<vmem>>) offsets(%dma_start3A_868 : memref<128xi32, #tpu.memory_space<vmem>>) semaphore(%arg7 : memref<!tpu.dma_semaphore, #tpu.memory_space<semaphore_mem>>)
      %add3A_872 = arith.constant 4 : i32
      %add3A_873 = arith.addi %mul3A_608, %add3A_872 : i32
      %dma_wait3A_874 = arith.constant 4 : i32
      %dma_wait3A_875 = arith.constant 0 : i32
      %dma_wait3A_876 = arith.constant 0 : i32
      %dma_wait3A_877 = tpu.memref_slice %arg6[%dma_wait3A_874, %dma_wait3A_875, %dma_wait3A_876] : memref<5x128x128xf32, #tpu.memory_space<vmem>> -> memref<1x128x128xf32, #tpu.memory_space<vmem>>
      %dma_wait3A_878 = tpu.memref_squeeze %dma_wait3A_877 : memref<1x128x128xf32, #tpu.memory_space<vmem>> -> memref<128x128xf32, #tpu.memory_space<vmem>>
      %dma_wait3A_879 = arith.constant 0 : i32
      %dma_wait3A_880 = tpu.memref_slice %arg5[%add3A_873, %dma_wait3A_879] : memref<200x128xi32, #tpu.memory_space<vmem>> -> memref<1x128xi32, #tpu.memory_space<vmem>>
      %dma_wait3A_881 = tpu.memref_squeeze %dma_wait3A_880 : memref<1x128xi32, #tpu.memory_space<vmem>> -> memref<128xi32, #tpu.memory_space<vmem>>
      %dma_wait3A_882 = arith.constant 0 : i32
      %dma_wait3A_883 = arith.constant 0 : i32
      %dma_wait3A_884 = tpu.memref_slice %arg3[%dma_wait3A_882, %dma_wait3A_883] : memref<100000x128xf32, #tpu.memory_space<hbm>> -> memref<100000x128xf32, #tpu.memory_space<hbm>>
      tpu.wait_indirect_dma semaphore(%arg7 : memref<!tpu.dma_semaphore, #tpu.memory_space<semaphore_mem>>) src(%dma_wait3A_884 : memref<100000x128xf32, #tpu.memory_space<hbm>>) dst(%dma_wait3A_878 : memref<128x128xf32, #tpu.memory_space<vmem>>)
      %scan3A_885 = arith.constant 0 : i32
      %scan3A_886 = arith.constant 0 : i32
      %scan3A_887 = arith.constant 128 : i32
      %scan3A_888 = arith.addi %scan3A_886, %scan3A_887 : i32
      %scan3A_889 = arith.constant 1 : i32
      scf.for %scan3A_938 = %scan3A_886 to %scan3A_888 step %scan3A_889  : i32 {
        %get3A = arith.constant 4 : i32
        %get3A_939 = arith.index_cast %get3A : i32 to index
        %get3A_940 = arith.index_cast %scan3A_938 : i32 to index
        %get3A_941 = arith.constant 0 : index
        %get3A_942 = tpu.vector_load %arg6[%get3A_939, %get3A_940, %get3A_941] {strides = array<i32>} : memref<5x128x128xf32, #tpu.memory_space<vmem>>, vector<1x1x16xf32>,
        %get3A_943 = vector.shape_cast %get3A_942 : vector<1x1x16xf32> to vector<16xf32>
        %mul3A_944 = arith.constant 11.3137083 : f32
        %mul3A_945 = vector.broadcast %mul3A_944 : f32 to vector<16xf32>
        %mul3A_946 = arith.mulf %get3A_943, %mul3A_945 : vector<16xf32>
        %swap3A = arith.constant 4 : i32
        %swap3A_947 = arith.index_cast %swap3A : i32 to index
        %swap3A_948 = arith.index_cast %scan3A_938 : i32 to index
        %swap3A_949 = arith.constant 0 : index
        %swap3A_950 = tpu.vector_load %arg6[%swap3A_947, %swap3A_948, %swap3A_949] {strides = array<i32>} : memref<5x128x128xf32, #tpu.memory_space<vmem>>, vector<1x1x16xf32>,
        %swap3A_951 = vector.shape_cast %swap3A_950 : vector<1x1x16xf32> to vector<16xf32>
        %swap3A_952 = vector.shape_cast %mul3A_946 : vector<16xf32> to vector<1x1x16xf32>
        tpu.vector_store %arg6[%swap3A_947, %swap3A_948, %swap3A_949], %swap3A_952 {strides = array<i32>} : memref<5x128x128xf32, #tpu.memory_space<vmem>>, vector<1x1x16xf32>,
        %get3A_953 = arith.constant 4 : i32
        %get3A_954 = arith.index_cast %get3A_953 : i32 to index
        %get3A_955 = arith.index_cast %scan3A_938 : i32 to index
        %get3A_956 = arith.constant 16 : index
        %get3A_957 = tpu.vector_load %arg6[%get3A_954, %get3A_955, %get3A_956] {strides = array<i32>} : memref<5x128x128xf32, #tpu.memory_space<vmem>>, vector<1x1x16xf32>,
        %get3A_958 = vector.shape_cast %get3A_957 : vector<1x1x16xf32> to vector<16xf32>
        %mul3A_959 = arith.constant 11.3137083 : f32
        %mul3A_960 = vector.broadcast %mul3A_959 : f32 to vector<16xf32>
        %mul3A_961 = arith.mulf %get3A_958, %mul3A_960 : vector<16xf32>
        %swap3A_962 = arith.constant 4 : i32
        %swap3A_963 = arith.index_cast %swap3A_962 : i32 to index
        %swap3A_964 = arith.index_cast %scan3A_938 : i32 to index
        %swap3A_965 = arith.constant 16 : index
        %swap3A_966 = tpu.vector_load %arg6[%swap3A_963, %swap3A_964, %swap3A_965] {strides = array<i32>} : memref<5x128x128xf32, #tpu.memory_space<vmem>>, vector<1x1x16xf32>,
        %swap3A_967 = vector.shape_cast %swap3A_966 : vector<1x1x16xf32> to vector<16xf32>
        %swap3A_968 = vector.shape_cast %mul3A_961 : vector<16xf32> to vector<1x1x16xf32>
        tpu.vector_store %arg6[%swap3A_963, %swap3A_964, %swap3A_965], %swap3A_968 {strides = array<i32>} : memref<5x128x128xf32, #tpu.memory_space<vmem>>, vector<1x1x16xf32>,
        %get3A_969 = arith.constant 4 : i32
        %get3A_970 = arith.index_cast %get3A_969 : i32 to index
        %get3A_971 = arith.index_cast %scan3A_938 : i32 to index
        %get3A_972 = arith.constant 32 : index
        %get3A_973 = tpu.vector_load %arg6[%get3A_970, %get3A_971, %get3A_972] {strides = array<i32>} : memref<5x128x128xf32, #tpu.memory_space<vmem>>, vector<1x1x16xf32>,
        %get3A_974 = vector.shape_cast %get3A_973 : vector<1x1x16xf32> to vector<16xf32>
        %mul3A_975 = arith.constant 11.3137083 : f32
        %mul3A_976 = vector.broadcast %mul3A_975 : f32 to vector<16xf32>
        %mul3A_977 = arith.mulf %get3A_974, %mul3A_976 : vector<16xf32>
        %swap3A_978 = arith.constant 4 : i32
        %swap3A_979 = arith.index_cast %swap3A_978 : i32 to index
        %swap3A_980 = arith.index_cast %scan3A_938 : i32 to index
        %swap3A_981 = arith.constant 32 : index
        %swap3A_982 = tpu.vector_load %arg6[%swap3A_979, %swap3A_980, %swap3A_981] {strides = array<i32>} : memref<5x128x128xf32, #tpu.memory_space<vmem>>, vector<1x1x16xf32>,
        %swap3A_983 = vector.shape_cast %swap3A_982 : vector<1x1x16xf32> to vector<16xf32>
        %swap3A_984 = vector.shape_cast %mul3A_977 : vector<16xf32> to vector<1x1x16xf32>
        tpu.vector_store %arg6[%swap3A_979, %swap3A_980, %swap3A_981], %swap3A_984 {strides = array<i32>} : memref<5x128x128xf32, #tpu.memory_space<vmem>>, vector<1x1x16xf32>,
        %get3A_985 = arith.constant 4 : i32
        %get3A_986 = arith.index_cast %get3A_985 : i32 to index
        %get3A_987 = arith.index_cast %scan3A_938 : i32 to index
        %get3A_988 = arith.constant 48 : index
        %get3A_989 = tpu.vector_load %arg6[%get3A_986, %get3A_987, %get3A_988] {strides = array<i32>} : memref<5x128x128xf32, #tpu.memory_space<vmem>>, vector<1x1x16xf32>,
        %get3A_990 = vector.shape_cast %get3A_989 : vector<1x1x16xf32> to vector<16xf32>
        %mul3A_991 = arith.constant 11.3137083 : f32
        %mul3A_992 = vector.broadcast %mul3A_991 : f32 to vector<16xf32>
        %mul3A_993 = arith.mulf %get3A_990, %mul3A_992 : vector<16xf32>
        %swap3A_994 = arith.constant 4 : i32
        %swap3A_995 = arith.index_cast %swap3A_994 : i32 to index
        %swap3A_996 = arith.index_cast %scan3A_938 : i32 to index
        %swap3A_997 = arith.constant 48 : index
        %swap3A_998 = tpu.vector_load %arg6[%swap3A_995, %swap3A_996, %swap3A_997] {strides = array<i32>} : memref<5x128x128xf32, #tpu.memory_space<vmem>>, vector<1x1x16xf32>,
        %swap3A_999 = vector.shape_cast %swap3A_998 : vector<1x1x16xf32> to vector<16xf32>
        %swap3A_1000 = vector.shape_cast %mul3A_993 : vector<16xf32> to vector<1x1x16xf32>
        tpu.vector_store %arg6[%swap3A_995, %swap3A_996, %swap3A_997], %swap3A_1000 {strides = array<i32>} : memref<5x128x128xf32, #tpu.memory_space<vmem>>, vector<1x1x16xf32>,
        %get3A_1001 = arith.constant 4 : i32
        %get3A_1002 = arith.index_cast %get3A_1001 : i32 to index
        %get3A_1003 = arith.index_cast %scan3A_938 : i32 to index
        %get3A_1004 = arith.constant 64 : index
        %get3A_1005 = tpu.vector_load %arg6[%get3A_1002, %get3A_1003, %get3A_1004] {strides = array<i32>} : memref<5x128x128xf32, #tpu.memory_space<vmem>>, vector<1x1x16xf32>,
        %get3A_1006 = vector.shape_cast %get3A_1005 : vector<1x1x16xf32> to vector<16xf32>
        %mul3A_1007 = arith.constant 11.3137083 : f32
        %mul3A_1008 = vector.broadcast %mul3A_1007 : f32 to vector<16xf32>
        %mul3A_1009 = arith.mulf %get3A_1006, %mul3A_1008 : vector<16xf32>
        %swap3A_1010 = arith.constant 4 : i32
        %swap3A_1011 = arith.index_cast %swap3A_1010 : i32 to index
        %swap3A_1012 = arith.index_cast %scan3A_938 : i32 to index
        %swap3A_1013 = arith.constant 64 : index
        %swap3A_1014 = tpu.vector_load %arg6[%swap3A_1011, %swap3A_1012, %swap3A_1013] {strides = array<i32>} : memref<5x128x128xf32, #tpu.memory_space<vmem>>, vector<1x1x16xf32>,
        %swap3A_1015 = vector.shape_cast %swap3A_1014 : vector<1x1x16xf32> to vector<16xf32>
        %swap3A_1016 = vector.shape_cast %mul3A_1009 : vector<16xf32> to vector<1x1x16xf32>
        tpu.vector_store %arg6[%swap3A_1011, %swap3A_1012, %swap3A_1013], %swap3A_1016 {strides = array<i32>} : memref<5x128x128xf32, #tpu.memory_space<vmem>>, vector<1x1x16xf32>,
        %get3A_1017 = arith.constant 4 : i32
        %get3A_1018 = arith.index_cast %get3A_1017 : i32 to index
        %get3A_1019 = arith.index_cast %scan3A_938 : i32 to index
        %get3A_1020 = arith.constant 80 : index
        %get3A_1021 = tpu.vector_load %arg6[%get3A_1018, %get3A_1019, %get3A_1020] {strides = array<i32>} : memref<5x128x128xf32, #tpu.memory_space<vmem>>, vector<1x1x16xf32>,
        %get3A_1022 = vector.shape_cast %get3A_1021 : vector<1x1x16xf32> to vector<16xf32>
        %mul3A_1023 = arith.constant 11.3137083 : f32
        %mul3A_1024 = vector.broadcast %mul3A_1023 : f32 to vector<16xf32>
        %mul3A_1025 = arith.mulf %get3A_1022, %mul3A_1024 : vector<16xf32>
        %swap3A_1026 = arith.constant 4 : i32
        %swap3A_1027 = arith.index_cast %swap3A_1026 : i32 to index
        %swap3A_1028 = arith.index_cast %scan3A_938 : i32 to index
        %swap3A_1029 = arith.constant 80 : index
        %swap3A_1030 = tpu.vector_load %arg6[%swap3A_1027, %swap3A_1028, %swap3A_1029] {strides = array<i32>} : memref<5x128x128xf32, #tpu.memory_space<vmem>>, vector<1x1x16xf32>,
        %swap3A_1031 = vector.shape_cast %swap3A_1030 : vector<1x1x16xf32> to vector<16xf32>
        %swap3A_1032 = vector.shape_cast %mul3A_1025 : vector<16xf32> to vector<1x1x16xf32>
        tpu.vector_store %arg6[%swap3A_1027, %swap3A_1028, %swap3A_1029], %swap3A_1032 {strides = array<i32>} : memref<5x128x128xf32, #tpu.memory_space<vmem>>, vector<1x1x16xf32>,
        %get3A_1033 = arith.constant 4 : i32
        %get3A_1034 = arith.index_cast %get3A_1033 : i32 to index
        %get3A_1035 = arith.index_cast %scan3A_938 : i32 to index
        %get3A_1036 = arith.constant 96 : index
        %get3A_1037 = tpu.vector_load %arg6[%get3A_1034, %get3A_1035, %get3A_1036] {strides = array<i32>} : memref<5x128x128xf32, #tpu.memory_space<vmem>>, vector<1x1x16xf32>,
        %get3A_1038 = vector.shape_cast %get3A_1037 : vector<1x1x16xf32> to vector<16xf32>
        %mul3A_1039 = arith.constant 11.3137083 : f32
        %mul3A_1040 = vector.broadcast %mul3A_1039 : f32 to vector<16xf32>
        %mul3A_1041 = arith.mulf %get3A_1038, %mul3A_1040 : vector<16xf32>
        %swap3A_1042 = arith.constant 4 : i32
        %swap3A_1043 = arith.index_cast %swap3A_1042 : i32 to index
        %swap3A_1044 = arith.index_cast %scan3A_938 : i32 to index
        %swap3A_1045 = arith.constant 96 : index
        %swap3A_1046 = tpu.vector_load %arg6[%swap3A_1043, %swap3A_1044, %swap3A_1045] {strides = array<i32>} : memref<5x128x128xf32, #tpu.memory_space<vmem>>, vector<1x1x16xf32>,
        %swap3A_1047 = vector.shape_cast %swap3A_1046 : vector<1x1x16xf32> to vector<16xf32>
        %swap3A_1048 = vector.shape_cast %mul3A_1041 : vector<16xf32> to vector<1x1x16xf32>
        tpu.vector_store %arg6[%swap3A_1043, %swap3A_1044, %swap3A_1045], %swap3A_1048 {strides = array<i32>} : memref<5x128x128xf32, #tpu.memory_space<vmem>>, vector<1x1x16xf32>,
        %get3A_1049 = arith.constant 4 : i32
        %get3A_1050 = arith.index_cast %get3A_1049 : i32 to index
        %get3A_1051 = arith.index_cast %scan3A_938 : i32 to index
        %get3A_1052 = arith.constant 112 : index
        %get3A_1053 = tpu.vector_load %arg6[%get3A_1050, %get3A_1051, %get3A_1052] {strides = array<i32>} : memref<5x128x128xf32, #tpu.memory_space<vmem>>, vector<1x1x16xf32>,
        %get3A_1054 = vector.shape_cast %get3A_1053 : vector<1x1x16xf32> to vector<16xf32>
        %mul3A_1055 = arith.constant 11.3137083 : f32
        %mul3A_1056 = vector.broadcast %mul3A_1055 : f32 to vector<16xf32>
        %mul3A_1057 = arith.mulf %get3A_1054, %mul3A_1056 : vector<16xf32>
        %swap3A_1058 = arith.constant 4 : i32
        %swap3A_1059 = arith.index_cast %swap3A_1058 : i32 to index
        %swap3A_1060 = arith.index_cast %scan3A_938 : i32 to index
        %swap3A_1061 = arith.constant 112 : index
        %swap3A_1062 = tpu.vector_load %arg6[%swap3A_1059, %swap3A_1060, %swap3A_1061] {strides = array<i32>} : memref<5x128x128xf32, #tpu.memory_space<vmem>>, vector<1x1x16xf32>,
        %swap3A_1063 = vector.shape_cast %swap3A_1062 : vector<1x1x16xf32> to vector<16xf32>
        %swap3A_1064 = vector.shape_cast %mul3A_1057 : vector<16xf32> to vector<1x1x16xf32>
        tpu.vector_store %arg6[%swap3A_1059, %swap3A_1060, %swap3A_1061], %swap3A_1064 {strides = array<i32>} : memref<5x128x128xf32, #tpu.memory_space<vmem>>, vector<1x1x16xf32>,
      }
      %scan3A_890 = arith.constant 128 : i32
      %mul3A_891 = arith.constant 128 : i32
      %mul3A_892 = arith.muli %add3A_873, %mul3A_891 : i32
      %add3A_893 = arith.addi %mul3A_2, %mul3A_892 : i32
      %dma_start3A_894 = arith.constant 4 : i32
      %dma_start3A_895 = arith.constant 0 : i32
      %dma_start3A_896 = arith.constant 0 : i32
      %dma_start3A_897 = tpu.memref_slice %arg6[%dma_start3A_894, %dma_start3A_895, %dma_start3A_896] : memref<5x128x128xf32, #tpu.memory_space<vmem>> -> memref<1x128x128xf32, #tpu.memory_space<vmem>>
      %dma_start3A_898 = tpu.memref_squeeze %dma_start3A_897 : memref<1x128x128xf32, #tpu.memory_space<vmem>> -> memref<128x128xf32, #tpu.memory_space<vmem>>
      %dma_start3A_899 = arith.constant 0 : i32
      %dma_start3A_900 = tpu.memref_slice %arg4[%add3A_893, %dma_start3A_899] : memref<819200x128xf32, #tpu.memory_space<hbm>> -> memref<128x128xf32, #tpu.memory_space<hbm>>
      %dma_start3A_901 = arith.constant 0 : i32
      %dma_start3A_902 = tpu.memref_slice %arg4[%add3A_893, %dma_start3A_901] : memref<819200x128xf32, #tpu.memory_space<hbm>> -> memref<128x128xf32, #tpu.memory_space<hbm>>
      %dma_start3A_903 = arith.constant 0 : i32
      %dma_start3A_904 = arith.constant 0 : i32
      %dma_start3A_905 = tpu.memref_slice %arg6[%dma_start3A_894, %dma_start3A_903, %dma_start3A_904] : memref<5x128x128xf32, #tpu.memory_space<vmem>> -> memref<1x128x128xf32, #tpu.memory_space<vmem>>
      %dma_start3A_906 = tpu.memref_squeeze %dma_start3A_905 : memref<1x128x128xf32, #tpu.memory_space<vmem>> -> memref<128x128xf32, #tpu.memory_space<vmem>>
      tpu.enqueue_dma source(%dma_start3A_906 : memref<128x128xf32, #tpu.memory_space<vmem>>) target(%dma_start3A_902 : memref<128x128xf32, #tpu.memory_space<hbm>>) target_semaphore(%arg8 : memref<!tpu.dma_semaphore, #tpu.memory_space<semaphore_mem>>)
      %sub3A_907 = arith.constant 2 : i32
      %sub3A_908 = arith.subi %add3A_873, %sub3A_907 : i32
      %mul3A_909 = arith.constant 128 : i32
      %mul3A_910 = arith.muli %sub3A_908, %mul3A_909 : i32
      %add3A_911 = arith.addi %mul3A_2, %mul3A_910 : i32
      %dma_wait3A_912 = arith.constant 2 : i32
      %dma_wait3A_913 = arith.constant 0 : i32
      %dma_wait3A_914 = arith.constant 0 : i32
      %dma_wait3A_915 = tpu.memref_slice %arg6[%dma_wait3A_912, %dma_wait3A_913, %dma_wait3A_914] : memref<5x128x128xf32, #tpu.memory_space<vmem>> -> memref<1x128x128xf32, #tpu.memory_space<vmem>>
      %dma_wait3A_916 = tpu.memref_squeeze %dma_wait3A_915 : memref<1x128x128xf32, #tpu.memory_space<vmem>> -> memref<128x128xf32, #tpu.memory_space<vmem>>
      %dma_wait3A_917 = arith.constant 0 : i32
      %dma_wait3A_918 = tpu.memref_slice %arg4[%add3A_911, %dma_wait3A_917] : memref<819200x128xf32, #tpu.memory_space<hbm>> -> memref<128x128xf32, #tpu.memory_space<hbm>>
      %dma_wait3A_919 = arith.constant 0 : i32
      %dma_wait3A_920 = tpu.memref_slice %arg4[%add3A_911, %dma_wait3A_919] : memref<819200x128xf32, #tpu.memory_space<hbm>> -> memref<128x128xf32, #tpu.memory_space<hbm>>
      %dma_wait3A_921 = arith.constant 0 : i32
      %dma_wait3A_922 = arith.constant 0 : i32
      %dma_wait3A_923 = tpu.memref_slice %arg6[%dma_wait3A_912, %dma_wait3A_921, %dma_wait3A_922] : memref<5x128x128xf32, #tpu.memory_space<vmem>> -> memref<1x128x128xf32, #tpu.memory_space<vmem>>
      %dma_wait3A_924 = tpu.memref_squeeze %dma_wait3A_923 : memref<1x128x128xf32, #tpu.memory_space<vmem>> -> memref<128x128xf32, #tpu.memory_space<vmem>>
      tpu.wait_dma2 semaphore(%arg8 : memref<!tpu.dma_semaphore, #tpu.memory_space<semaphore_mem>>) src(%dma_wait3A_924 : memref<128x128xf32, #tpu.memory_space<vmem>>) dst(%dma_wait3A_920 : memref<128x128xf32, #tpu.memory_space<hbm>>)
      %add3A_925 = arith.constant 3 : i32
      %add3A_926 = arith.addi %add3A_873, %add3A_925 : i32
      %dma_start3A_927 = arith.constant 2 : i32
      %dma_start3A_928 = arith.constant 0 : i32
      %dma_start3A_929 = arith.constant 0 : i32
      %dma_start3A_930 = tpu.memref_slice %arg6[%dma_start3A_927, %dma_start3A_928, %dma_start3A_929] : memref<5x128x128xf32, #tpu.memory_space<vmem>> -> memref<1x128x128xf32, #tpu.memory_space<vmem>>
      %dma_start3A_931 = tpu.memref_squeeze %dma_start3A_930 : memref<1x128x128xf32, #tpu.memory_space<vmem>> -> memref<128x128xf32, #tpu.memory_space<vmem>>
      %dma_start3A_932 = arith.constant 0 : i32
      %dma_start3A_933 = tpu.memref_slice %arg5[%add3A_926, %dma_start3A_932] : memref<200x128xi32, #tpu.memory_space<vmem>> -> memref<1x128xi32, #tpu.memory_space<vmem>>
      %dma_start3A_934 = tpu.memref_squeeze %dma_start3A_933 : memref<1x128xi32, #tpu.memory_space<vmem>> -> memref<128xi32, #tpu.memory_space<vmem>>
      %dma_start3A_935 = arith.constant 0 : i32
      %dma_start3A_936 = arith.constant 0 : i32
      %dma_start3A_937 = tpu.memref_slice %arg3[%dma_start3A_935, %dma_start3A_936] : memref<100000x128xf32, #tpu.memory_space<hbm>> -> memref<100000x128xf32, #tpu.memory_space<hbm>>
      tpu.enqueue_indirect_dma source(%dma_start3A_937 : memref<100000x128xf32, #tpu.memory_space<hbm>>) target(%dma_start3A_931 : memref<128x128xf32, #tpu.memory_space<vmem>>) offsets(%dma_start3A_934 : memref<128xi32, #tpu.memory_space<vmem>>) semaphore(%arg7 : memref<!tpu.dma_semaphore, #tpu.memory_space<semaphore_mem>>)
    }
    %scan3A_311 = arith.constant 38 : i32
    %dma_wait3A_312 = arith.constant 195 : i32
    %dma_wait3A_313 = arith.constant 0 : i32
    %dma_wait3A_314 = arith.constant 0 : i32
    %dma_wait3A_315 = arith.constant 0 : i32
    %dma_wait3A_316 = tpu.memref_slice %arg6[%dma_wait3A_313, %dma_wait3A_314, %dma_wait3A_315] : memref<5x128x128xf32, #tpu.memory_space<vmem>> -> memref<1x128x128xf32, #tpu.memory_space<vmem>>
    %dma_wait3A_317 = tpu.memref_squeeze %dma_wait3A_316 : memref<1x128x128xf32, #tpu.memory_space<vmem>> -> memref<128x128xf32, #tpu.memory_space<vmem>>
    %dma_wait3A_318 = arith.constant 0 : i32
    %dma_wait3A_319 = tpu.memref_slice %arg5[%dma_wait3A_312, %dma_wait3A_318] : memref<200x128xi32, #tpu.memory_space<vmem>> -> memref<1x128xi32, #tpu.memory_space<vmem>>
    %dma_wait3A_320 = tpu.memref_squeeze %dma_wait3A_319 : memref<1x128xi32, #tpu.memory_space<vmem>> -> memref<128xi32, #tpu.memory_space<vmem>>
    %dma_wait3A_321 = arith.constant 0 : i32
    %dma_wait3A_322 = arith.constant 0 : i32
    %dma_wait3A_323 = tpu.memref_slice %arg3[%dma_wait3A_321, %dma_wait3A_322] : memref<100000x128xf32, #tpu.memory_space<hbm>> -> memref<100000x128xf32, #tpu.memory_space<hbm>>
    tpu.wait_indirect_dma semaphore(%arg7 : memref<!tpu.dma_semaphore, #tpu.memory_space<semaphore_mem>>) src(%dma_wait3A_323 : memref<100000x128xf32, #tpu.memory_space<hbm>>) dst(%dma_wait3A_317 : memref<128x128xf32, #tpu.memory_space<vmem>>)
    %scan3A_324 = arith.constant 0 : i32
    %scan3A_325 = arith.constant 0 : i32
    %scan3A_326 = arith.constant 128 : i32
    %scan3A_327 = arith.addi %scan3A_325, %scan3A_326 : i32
    %scan3A_328 = arith.constant 1 : i32
    scf.for %scan3A_606 = %scan3A_325 to %scan3A_327 step %scan3A_328  : i32 {
      %get3A = arith.constant 0 : i32
      %get3A_607 = arith.index_cast %get3A : i32 to index
      %get3A_608 = arith.index_cast %scan3A_606 : i32 to index
      %get3A_609 = arith.constant 0 : index
      %get3A_610 = tpu.vector_load %arg6[%get3A_607, %get3A_608, %get3A_609] {strides = array<i32>} : memref<5x128x128xf32, #tpu.memory_space<vmem>>, vector<1x1x16xf32>,
      %get3A_611 = vector.shape_cast %get3A_610 : vector<1x1x16xf32> to vector<16xf32>
      %mul3A_612 = arith.constant 11.3137083 : f32
      %mul3A_613 = vector.broadcast %mul3A_612 : f32 to vector<16xf32>
      %mul3A_614 = arith.mulf %get3A_611, %mul3A_613 : vector<16xf32>
      %swap3A = arith.constant 0 : i32
      %swap3A_615 = arith.index_cast %swap3A : i32 to index
      %swap3A_616 = arith.index_cast %scan3A_606 : i32 to index
      %swap3A_617 = arith.constant 0 : index
      %swap3A_618 = tpu.vector_load %arg6[%swap3A_615, %swap3A_616, %swap3A_617] {strides = array<i32>} : memref<5x128x128xf32, #tpu.memory_space<vmem>>, vector<1x1x16xf32>,
      %swap3A_619 = vector.shape_cast %swap3A_618 : vector<1x1x16xf32> to vector<16xf32>
      %swap3A_620 = vector.shape_cast %mul3A_614 : vector<16xf32> to vector<1x1x16xf32>
      tpu.vector_store %arg6[%swap3A_615, %swap3A_616, %swap3A_617], %swap3A_620 {strides = array<i32>} : memref<5x128x128xf32, #tpu.memory_space<vmem>>, vector<1x1x16xf32>,
      %get3A_621 = arith.constant 0 : i32
      %get3A_622 = arith.index_cast %get3A_621 : i32 to index
      %get3A_623 = arith.index_cast %scan3A_606 : i32 to index
      %get3A_624 = arith.constant 16 : index
      %get3A_625 = tpu.vector_load %arg6[%get3A_622, %get3A_623, %get3A_624] {strides = array<i32>} : memref<5x128x128xf32, #tpu.memory_space<vmem>>, vector<1x1x16xf32>,
      %get3A_626 = vector.shape_cast %get3A_625 : vector<1x1x16xf32> to vector<16xf32>
      %mul3A_627 = arith.constant 11.3137083 : f32
      %mul3A_628 = vector.broadcast %mul3A_627 : f32 to vector<16xf32>
      %mul3A_629 = arith.mulf %get3A_626, %mul3A_628 : vector<16xf32>
      %swap3A_630 = arith.constant 0 : i32
      %swap3A_631 = arith.index_cast %swap3A_630 : i32 to index
      %swap3A_632 = arith.index_cast %scan3A_606 : i32 to index
      %swap3A_633 = arith.constant 16 : index
      %swap3A_634 = tpu.vector_load %arg6[%swap3A_631, %swap3A_632, %swap3A_633] {strides = array<i32>} : memref<5x128x128xf32, #tpu.memory_space<vmem>>, vector<1x1x16xf32>,
      %swap3A_635 = vector.shape_cast %swap3A_634 : vector<1x1x16xf32> to vector<16xf32>
      %swap3A_636 = vector.shape_cast %mul3A_629 : vector<16xf32> to vector<1x1x16xf32>
      tpu.vector_store %arg6[%swap3A_631, %swap3A_632, %swap3A_633], %swap3A_636 {strides = array<i32>} : memref<5x128x128xf32, #tpu.memory_space<vmem>>, vector<1x1x16xf32>,
      %get3A_637 = arith.constant 0 : i32
      %get3A_638 = arith.index_cast %get3A_637 : i32 to index
      %get3A_639 = arith.index_cast %scan3A_606 : i32 to index
      %get3A_640 = arith.constant 32 : index
      %get3A_641 = tpu.vector_load %arg6[%get3A_638, %get3A_639, %get3A_640] {strides = array<i32>} : memref<5x128x128xf32, #tpu.memory_space<vmem>>, vector<1x1x16xf32>,
      %get3A_642 = vector.shape_cast %get3A_641 : vector<1x1x16xf32> to vector<16xf32>
      %mul3A_643 = arith.constant 11.3137083 : f32
      %mul3A_644 = vector.broadcast %mul3A_643 : f32 to vector<16xf32>
      %mul3A_645 = arith.mulf %get3A_642, %mul3A_644 : vector<16xf32>
      %swap3A_646 = arith.constant 0 : i32
      %swap3A_647 = arith.index_cast %swap3A_646 : i32 to index
      %swap3A_648 = arith.index_cast %scan3A_606 : i32 to index
      %swap3A_649 = arith.constant 32 : index
      %swap3A_650 = tpu.vector_load %arg6[%swap3A_647, %swap3A_648, %swap3A_649] {strides = array<i32>} : memref<5x128x128xf32, #tpu.memory_space<vmem>>, vector<1x1x16xf32>,
      %swap3A_651 = vector.shape_cast %swap3A_650 : vector<1x1x16xf32> to vector<16xf32>
      %swap3A_652 = vector.shape_cast %mul3A_645 : vector<16xf32> to vector<1x1x16xf32>
      tpu.vector_store %arg6[%swap3A_647, %swap3A_648, %swap3A_649], %swap3A_652 {strides = array<i32>} : memref<5x128x128xf32, #tpu.memory_space<vmem>>, vector<1x1x16xf32>,
      %get3A_653 = arith.constant 0 : i32
      %get3A_654 = arith.index_cast %get3A_653 : i32 to index
      %get3A_655 = arith.index_cast %scan3A_606 : i32 to index
      %get3A_656 = arith.constant 48 : index
      %get3A_657 = tpu.vector_load %arg6[%get3A_654, %get3A_655, %get3A_656] {strides = array<i32>} : memref<5x128x128xf32, #tpu.memory_space<vmem>>, vector<1x1x16xf32>,
      %get3A_658 = vector.shape_cast %get3A_657 : vector<1x1x16xf32> to vector<16xf32>
      %mul3A_659 = arith.constant 11.3137083 : f32
      %mul3A_660 = vector.broadcast %mul3A_659 : f32 to vector<16xf32>
      %mul3A_661 = arith.mulf %get3A_658, %mul3A_660 : vector<16xf32>
      %swap3A_662 = arith.constant 0 : i32
      %swap3A_663 = arith.index_cast %swap3A_662 : i32 to index
      %swap3A_664 = arith.index_cast %scan3A_606 : i32 to index
      %swap3A_665 = arith.constant 48 : index
      %swap3A_666 = tpu.vector_load %arg6[%swap3A_663, %swap3A_664, %swap3A_665] {strides = array<i32>} : memref<5x128x128xf32, #tpu.memory_space<vmem>>, vector<1x1x16xf32>,
      %swap3A_667 = vector.shape_cast %swap3A_666 : vector<1x1x16xf32> to vector<16xf32>
      %swap3A_668 = vector.shape_cast %mul3A_661 : vector<16xf32> to vector<1x1x16xf32>
      tpu.vector_store %arg6[%swap3A_663, %swap3A_664, %swap3A_665], %swap3A_668 {strides = array<i32>} : memref<5x128x128xf32, #tpu.memory_space<vmem>>, vector<1x1x16xf32>,
      %get3A_669 = arith.constant 0 : i32
      %get3A_670 = arith.index_cast %get3A_669 : i32 to index
      %get3A_671 = arith.index_cast %scan3A_606 : i32 to index
      %get3A_672 = arith.constant 64 : index
      %get3A_673 = tpu.vector_load %arg6[%get3A_670, %get3A_671, %get3A_672] {strides = array<i32>} : memref<5x128x128xf32, #tpu.memory_space<vmem>>, vector<1x1x16xf32>,
      %get3A_674 = vector.shape_cast %get3A_673 : vector<1x1x16xf32> to vector<16xf32>
      %mul3A_675 = arith.constant 11.3137083 : f32
      %mul3A_676 = vector.broadcast %mul3A_675 : f32 to vector<16xf32>
      %mul3A_677 = arith.mulf %get3A_674, %mul3A_676 : vector<16xf32>
      %swap3A_678 = arith.constant 0 : i32
      %swap3A_679 = arith.index_cast %swap3A_678 : i32 to index
      %swap3A_680 = arith.index_cast %scan3A_606 : i32 to index
      %swap3A_681 = arith.constant 64 : index
      %swap3A_682 = tpu.vector_load %arg6[%swap3A_679, %swap3A_680, %swap3A_681] {strides = array<i32>} : memref<5x128x128xf32, #tpu.memory_space<vmem>>, vector<1x1x16xf32>,
      %swap3A_683 = vector.shape_cast %swap3A_682 : vector<1x1x16xf32> to vector<16xf32>
      %swap3A_684 = vector.shape_cast %mul3A_677 : vector<16xf32> to vector<1x1x16xf32>
      tpu.vector_store %arg6[%swap3A_679, %swap3A_680, %swap3A_681], %swap3A_684 {strides = array<i32>} : memref<5x128x128xf32, #tpu.memory_space<vmem>>, vector<1x1x16xf32>,
      %get3A_685 = arith.constant 0 : i32
      %get3A_686 = arith.index_cast %get3A_685 : i32 to index
      %get3A_687 = arith.index_cast %scan3A_606 : i32 to index
      %get3A_688 = arith.constant 80 : index
      %get3A_689 = tpu.vector_load %arg6[%get3A_686, %get3A_687, %get3A_688] {strides = array<i32>} : memref<5x128x128xf32, #tpu.memory_space<vmem>>, vector<1x1x16xf32>,
      %get3A_690 = vector.shape_cast %get3A_689 : vector<1x1x16xf32> to vector<16xf32>
      %mul3A_691 = arith.constant 11.3137083 : f32
      %mul3A_692 = vector.broadcast %mul3A_691 : f32 to vector<16xf32>
      %mul3A_693 = arith.mulf %get3A_690, %mul3A_692 : vector<16xf32>
      %swap3A_694 = arith.constant 0 : i32
      %swap3A_695 = arith.index_cast %swap3A_694 : i32 to index
      %swap3A_696 = arith.index_cast %scan3A_606 : i32 to index
      %swap3A_697 = arith.constant 80 : index
      %swap3A_698 = tpu.vector_load %arg6[%swap3A_695, %swap3A_696, %swap3A_697] {strides = array<i32>} : memref<5x128x128xf32, #tpu.memory_space<vmem>>, vector<1x1x16xf32>,
      %swap3A_699 = vector.shape_cast %swap3A_698 : vector<1x1x16xf32> to vector<16xf32>
      %swap3A_700 = vector.shape_cast %mul3A_693 : vector<16xf32> to vector<1x1x16xf32>
      tpu.vector_store %arg6[%swap3A_695, %swap3A_696, %swap3A_697], %swap3A_700 {strides = array<i32>} : memref<5x128x128xf32, #tpu.memory_space<vmem>>, vector<1x1x16xf32>,
      %get3A_701 = arith.constant 0 : i32
      %get3A_702 = arith.index_cast %get3A_701 : i32 to index
      %get3A_703 = arith.index_cast %scan3A_606 : i32 to index
      %get3A_704 = arith.constant 96 : index
      %get3A_705 = tpu.vector_load %arg6[%get3A_702, %get3A_703, %get3A_704] {strides = array<i32>} : memref<5x128x128xf32, #tpu.memory_space<vmem>>, vector<1x1x16xf32>,
      %get3A_706 = vector.shape_cast %get3A_705 : vector<1x1x16xf32> to vector<16xf32>
      %mul3A_707 = arith.constant 11.3137083 : f32
      %mul3A_708 = vector.broadcast %mul3A_707 : f32 to vector<16xf32>
      %mul3A_709 = arith.mulf %get3A_706, %mul3A_708 : vector<16xf32>
      %swap3A_710 = arith.constant 0 : i32
      %swap3A_711 = arith.index_cast %swap3A_710 : i32 to index
      %swap3A_712 = arith.index_cast %scan3A_606 : i32 to index
      %swap3A_713 = arith.constant 96 : index
      %swap3A_714 = tpu.vector_load %arg6[%swap3A_711, %swap3A_712, %swap3A_713] {strides = array<i32>} : memref<5x128x128xf32, #tpu.memory_space<vmem>>, vector<1x1x16xf32>,
      %swap3A_715 = vector.shape_cast %swap3A_714 : vector<1x1x16xf32> to vector<16xf32>
      %swap3A_716 = vector.shape_cast %mul3A_709 : vector<16xf32> to vector<1x1x16xf32>
      tpu.vector_store %arg6[%swap3A_711, %swap3A_712, %swap3A_713], %swap3A_716 {strides = array<i32>} : memref<5x128x128xf32, #tpu.memory_space<vmem>>, vector<1x1x16xf32>,
      %get3A_717 = arith.constant 0 : i32
      %get3A_718 = arith.index_cast %get3A_717 : i32 to index
      %get3A_719 = arith.index_cast %scan3A_606 : i32 to index
      %get3A_720 = arith.constant 112 : index
      %get3A_721 = tpu.vector_load %arg6[%get3A_718, %get3A_719, %get3A_720] {strides = array<i32>} : memref<5x128x128xf32, #tpu.memory_space<vmem>>, vector<1x1x16xf32>,
      %get3A_722 = vector.shape_cast %get3A_721 : vector<1x1x16xf32> to vector<16xf32>
      %mul3A_723 = arith.constant 11.3137083 : f32
      %mul3A_724 = vector.broadcast %mul3A_723 : f32 to vector<16xf32>
      %mul3A_725 = arith.mulf %get3A_722, %mul3A_724 : vector<16xf32>
      %swap3A_726 = arith.constant 0 : i32
      %swap3A_727 = arith.index_cast %swap3A_726 : i32 to index
      %swap3A_728 = arith.index_cast %scan3A_606 : i32 to index
      %swap3A_729 = arith.constant 112 : index
      %swap3A_730 = tpu.vector_load %arg6[%swap3A_727, %swap3A_728, %swap3A_729] {strides = array<i32>} : memref<5x128x128xf32, #tpu.memory_space<vmem>>, vector<1x1x16xf32>,
      %swap3A_731 = vector.shape_cast %swap3A_730 : vector<1x1x16xf32> to vector<16xf32>
      %swap3A_732 = vector.shape_cast %mul3A_725 : vector<16xf32> to vector<1x1x16xf32>
      tpu.vector_store %arg6[%swap3A_727, %swap3A_728, %swap3A_729], %swap3A_732 {strides = array<i32>} : memref<5x128x128xf32, #tpu.memory_space<vmem>>, vector<1x1x16xf32>,
    }
    %scan3A_329 = arith.constant 128 : i32
    %add3A_330 = arith.constant 24960 : i32
    %add3A_331 = arith.addi %mul3A_2, %add3A_330 : i32
    %dma_start3A_332 = arith.constant 0 : i32
    %dma_start3A_333 = arith.constant 0 : i32
    %dma_start3A_334 = arith.constant 0 : i32
    %dma_start3A_335 = tpu.memref_slice %arg6[%dma_start3A_332, %dma_start3A_333, %dma_start3A_334] : memref<5x128x128xf32, #tpu.memory_space<vmem>> -> memref<1x128x128xf32, #tpu.memory_space<vmem>>
    %dma_start3A_336 = tpu.memref_squeeze %dma_start3A_335 : memref<1x128x128xf32, #tpu.memory_space<vmem>> -> memref<128x128xf32, #tpu.memory_space<vmem>>
    %dma_start3A_337 = arith.constant 0 : i32
    %dma_start3A_338 = tpu.memref_slice %arg4[%add3A_331, %dma_start3A_337] : memref<819200x128xf32, #tpu.memory_space<hbm>> -> memref<128x128xf32, #tpu.memory_space<hbm>>
    %dma_start3A_339 = arith.constant 0 : i32
    %dma_start3A_340 = tpu.memref_slice %arg4[%add3A_331, %dma_start3A_339] : memref<819200x128xf32, #tpu.memory_space<hbm>> -> memref<128x128xf32, #tpu.memory_space<hbm>>
    %dma_start3A_341 = arith.constant 0 : i32
    %dma_start3A_342 = arith.constant 0 : i32
    %dma_start3A_343 = tpu.memref_slice %arg6[%dma_start3A_332, %dma_start3A_341, %dma_start3A_342] : memref<5x128x128xf32, #tpu.memory_space<vmem>> -> memref<1x128x128xf32, #tpu.memory_space<vmem>>
    %dma_start3A_344 = tpu.memref_squeeze %dma_start3A_343 : memref<1x128x128xf32, #tpu.memory_space<vmem>> -> memref<128x128xf32, #tpu.memory_space<vmem>>
    tpu.enqueue_dma source(%dma_start3A_344 : memref<128x128xf32, #tpu.memory_space<vmem>>) target(%dma_start3A_340 : memref<128x128xf32, #tpu.memory_space<hbm>>) target_semaphore(%arg8 : memref<!tpu.dma_semaphore, #tpu.memory_space<semaphore_mem>>)
    %add3A_345 = arith.constant 24704 : i32
    %add3A_346 = arith.addi %mul3A_2, %add3A_345 : i32
    %dma_wait3A_347 = arith.constant 3 : i32
    %dma_wait3A_348 = arith.constant 0 : i32
    %dma_wait3A_349 = arith.constant 0 : i32
    %dma_wait3A_350 = tpu.memref_slice %arg6[%dma_wait3A_347, %dma_wait3A_348, %dma_wait3A_349] : memref<5x128x128xf32, #tpu.memory_space<vmem>> -> memref<1x128x128xf32, #tpu.memory_space<vmem>>
    %dma_wait3A_351 = tpu.memref_squeeze %dma_wait3A_350 : memref<1x128x128xf32, #tpu.memory_space<vmem>> -> memref<128x128xf32, #tpu.memory_space<vmem>>
    %dma_wait3A_352 = arith.constant 0 : i32
    %dma_wait3A_353 = tpu.memref_slice %arg4[%add3A_346, %dma_wait3A_352] : memref<819200x128xf32, #tpu.memory_space<hbm>> -> memref<128x128xf32, #tpu.memory_space<hbm>>
    %dma_wait3A_354 = arith.constant 0 : i32
    %dma_wait3A_355 = tpu.memref_slice %arg4[%add3A_346, %dma_wait3A_354] : memref<819200x128xf32, #tpu.memory_space<hbm>> -> memref<128x128xf32, #tpu.memory_space<hbm>>
    %dma_wait3A_356 = arith.constant 0 : i32
    %dma_wait3A_357 = arith.constant 0 : i32
    %dma_wait3A_358 = tpu.memref_slice %arg6[%dma_wait3A_347, %dma_wait3A_356, %dma_wait3A_357] : memref<5x128x128xf32, #tpu.memory_space<vmem>> -> memref<1x128x128xf32, #tpu.memory_space<vmem>>
    %dma_wait3A_359 = tpu.memref_squeeze %dma_wait3A_358 : memref<1x128x128xf32, #tpu.memory_space<vmem>> -> memref<128x128xf32, #tpu.memory_space<vmem>>
    tpu.wait_dma2 semaphore(%arg8 : memref<!tpu.dma_semaphore, #tpu.memory_space<semaphore_mem>>) src(%dma_wait3A_359 : memref<128x128xf32, #tpu.memory_space<vmem>>) dst(%dma_wait3A_355 : memref<128x128xf32, #tpu.memory_space<hbm>>)
    %dma_start3A_360 = arith.constant 198 : i32
    %dma_start3A_361 = arith.constant 3 : i32
    %dma_start3A_362 = arith.constant 0 : i32
    %dma_start3A_363 = arith.constant 0 : i32
    %dma_start3A_364 = tpu.memref_slice %arg6[%dma_start3A_361, %dma_start3A_362, %dma_start3A_363] : memref<5x128x128xf32, #tpu.memory_space<vmem>> -> memref<1x128x128xf32, #tpu.memory_space<vmem>>
    %dma_start3A_365 = tpu.memref_squeeze %dma_start3A_364 : memref<1x128x128xf32, #tpu.memory_space<vmem>> -> memref<128x128xf32, #tpu.memory_space<vmem>>
    %dma_start3A_366 = arith.constant 0 : i32
    %dma_start3A_367 = tpu.memref_slice %arg5[%dma_start3A_360, %dma_start3A_366] : memref<200x128xi32, #tpu.memory_space<vmem>> -> memref<1x128xi32, #tpu.memory_space<vmem>>
    %dma_start3A_368 = tpu.memref_squeeze %dma_start3A_367 : memref<1x128xi32, #tpu.memory_space<vmem>> -> memref<128xi32, #tpu.memory_space<vmem>>
    %dma_start3A_369 = arith.constant 0 : i32
    %dma_start3A_370 = arith.constant 0 : i32
    %dma_start3A_371 = tpu.memref_slice %arg3[%dma_start3A_369, %dma_start3A_370] : memref<100000x128xf32, #tpu.memory_space<hbm>> -> memref<100000x128xf32, #tpu.memory_space<hbm>>
    tpu.enqueue_indirect_dma source(%dma_start3A_371 : memref<100000x128xf32, #tpu.memory_space<hbm>>) target(%dma_start3A_365 : memref<128x128xf32, #tpu.memory_space<vmem>>) offsets(%dma_start3A_368 : memref<128xi32, #tpu.memory_space<vmem>>) semaphore(%arg7 : memref<!tpu.dma_semaphore, #tpu.memory_space<semaphore_mem>>)
    %dma_wait3A_372 = arith.constant 196 : i32
    %dma_wait3A_373 = arith.constant 1 : i32
    %dma_wait3A_374 = arith.constant 0 : i32
    %dma_wait3A_375 = arith.constant 0 : i32
    %dma_wait3A_376 = tpu.memref_slice %arg6[%dma_wait3A_373, %dma_wait3A_374, %dma_wait3A_375] : memref<5x128x128xf32, #tpu.memory_space<vmem>> -> memref<1x128x128xf32, #tpu.memory_space<vmem>>
    %dma_wait3A_377 = tpu.memref_squeeze %dma_wait3A_376 : memref<1x128x128xf32, #tpu.memory_space<vmem>> -> memref<128x128xf32, #tpu.memory_space<vmem>>
    %dma_wait3A_378 = arith.constant 0 : i32
    %dma_wait3A_379 = tpu.memref_slice %arg5[%dma_wait3A_372, %dma_wait3A_378] : memref<200x128xi32, #tpu.memory_space<vmem>> -> memref<1x128xi32, #tpu.memory_space<vmem>>
    %dma_wait3A_380 = tpu.memref_squeeze %dma_wait3A_379 : memref<1x128xi32, #tpu.memory_space<vmem>> -> memref<128xi32, #tpu.memory_space<vmem>>
    %dma_wait3A_381 = arith.constant 0 : i32
    %dma_wait3A_382 = arith.constant 0 : i32
    %dma_wait3A_383 = tpu.memref_slice %arg3[%dma_wait3A_381, %dma_wait3A_382] : memref<100000x128xf32, #tpu.memory_space<hbm>> -> memref<100000x128xf32, #tpu.memory_space<hbm>>
    tpu.wait_indirect_dma semaphore(%arg7 : memref<!tpu.dma_semaphore, #tpu.memory_space<semaphore_mem>>) src(%dma_wait3A_383 : memref<100000x128xf32, #tpu.memory_space<hbm>>) dst(%dma_wait3A_377 : memref<128x128xf32, #tpu.memory_space<vmem>>)
    %scan3A_384 = arith.constant 0 : i32
    %scan3A_385 = arith.constant 0 : i32
    %scan3A_386 = arith.constant 128 : i32
    %scan3A_387 = arith.addi %scan3A_385, %scan3A_386 : i32
    %scan3A_388 = arith.constant 1 : i32
    scf.for %scan3A_606 = %scan3A_385 to %scan3A_387 step %scan3A_388  : i32 {
      %get3A = arith.constant 1 : i32
      %get3A_607 = arith.index_cast %get3A : i32 to index
      %get3A_608 = arith.index_cast %scan3A_606 : i32 to index
      %get3A_609 = arith.constant 0 : index
      %get3A_610 = tpu.vector_load %arg6[%get3A_607, %get3A_608, %get3A_609] {strides = array<i32>} : memref<5x128x128xf32, #tpu.memory_space<vmem>>, vector<1x1x16xf32>,
      %get3A_611 = vector.shape_cast %get3A_610 : vector<1x1x16xf32> to vector<16xf32>
      %mul3A_612 = arith.constant 11.3137083 : f32
      %mul3A_613 = vector.broadcast %mul3A_612 : f32 to vector<16xf32>
      %mul3A_614 = arith.mulf %get3A_611, %mul3A_613 : vector<16xf32>
      %swap3A = arith.constant 1 : i32
      %swap3A_615 = arith.index_cast %swap3A : i32 to index
      %swap3A_616 = arith.index_cast %scan3A_606 : i32 to index
      %swap3A_617 = arith.constant 0 : index
      %swap3A_618 = tpu.vector_load %arg6[%swap3A_615, %swap3A_616, %swap3A_617] {strides = array<i32>} : memref<5x128x128xf32, #tpu.memory_space<vmem>>, vector<1x1x16xf32>,
      %swap3A_619 = vector.shape_cast %swap3A_618 : vector<1x1x16xf32> to vector<16xf32>
      %swap3A_620 = vector.shape_cast %mul3A_614 : vector<16xf32> to vector<1x1x16xf32>
      tpu.vector_store %arg6[%swap3A_615, %swap3A_616, %swap3A_617], %swap3A_620 {strides = array<i32>} : memref<5x128x128xf32, #tpu.memory_space<vmem>>, vector<1x1x16xf32>,
      %get3A_621 = arith.constant 1 : i32
      %get3A_622 = arith.index_cast %get3A_621 : i32 to index
      %get3A_623 = arith.index_cast %scan3A_606 : i32 to index
      %get3A_624 = arith.constant 16 : index
      %get3A_625 = tpu.vector_load %arg6[%get3A_622, %get3A_623, %get3A_624] {strides = array<i32>} : memref<5x128x128xf32, #tpu.memory_space<vmem>>, vector<1x1x16xf32>,
      %get3A_626 = vector.shape_cast %get3A_625 : vector<1x1x16xf32> to vector<16xf32>
      %mul3A_627 = arith.constant 11.3137083 : f32
      %mul3A_628 = vector.broadcast %mul3A_627 : f32 to vector<16xf32>
      %mul3A_629 = arith.mulf %get3A_626, %mul3A_628 : vector<16xf32>
      %swap3A_630 = arith.constant 1 : i32
      %swap3A_631 = arith.index_cast %swap3A_630 : i32 to index
      %swap3A_632 = arith.index_cast %scan3A_606 : i32 to index
      %swap3A_633 = arith.constant 16 : index
      %swap3A_634 = tpu.vector_load %arg6[%swap3A_631, %swap3A_632, %swap3A_633] {strides = array<i32>} : memref<5x128x128xf32, #tpu.memory_space<vmem>>, vector<1x1x16xf32>,
      %swap3A_635 = vector.shape_cast %swap3A_634 : vector<1x1x16xf32> to vector<16xf32>
      %swap3A_636 = vector.shape_cast %mul3A_629 : vector<16xf32> to vector<1x1x16xf32>
      tpu.vector_store %arg6[%swap3A_631, %swap3A_632, %swap3A_633], %swap3A_636 {strides = array<i32>} : memref<5x128x128xf32, #tpu.memory_space<vmem>>, vector<1x1x16xf32>,
      %get3A_637 = arith.constant 1 : i32
      %get3A_638 = arith.index_cast %get3A_637 : i32 to index
      %get3A_639 = arith.index_cast %scan3A_606 : i32 to index
      %get3A_640 = arith.constant 32 : index
      %get3A_641 = tpu.vector_load %arg6[%get3A_638, %get3A_639, %get3A_640] {strides = array<i32>} : memref<5x128x128xf32, #tpu.memory_space<vmem>>, vector<1x1x16xf32>,
      %get3A_642 = vector.shape_cast %get3A_641 : vector<1x1x16xf32> to vector<16xf32>
      %mul3A_643 = arith.constant 11.3137083 : f32
      %mul3A_644 = vector.broadcast %mul3A_643 : f32 to vector<16xf32>
      %mul3A_645 = arith.mulf %get3A_642, %mul3A_644 : vector<16xf32>
      %swap3A_646 = arith.constant 1 : i32
      %swap3A_647 = arith.index_cast %swap3A_646 : i32 to index
      %swap3A_648 = arith.index_cast %scan3A_606 : i32 to index
      %swap3A_649 = arith.constant 32 : index
      %swap3A_650 = tpu.vector_load %arg6[%swap3A_647, %swap3A_648, %swap3A_649] {strides = array<i32>} : memref<5x128x128xf32, #tpu.memory_space<vmem>>, vector<1x1x16xf32>,
      %swap3A_651 = vector.shape_cast %swap3A_650 : vector<1x1x16xf32> to vector<16xf32>
      %swap3A_652 = vector.shape_cast %mul3A_645 : vector<16xf32> to vector<1x1x16xf32>
      tpu.vector_store %arg6[%swap3A_647, %swap3A_648, %swap3A_649], %swap3A_652 {strides = array<i32>} : memref<5x128x128xf32, #tpu.memory_space<vmem>>, vector<1x1x16xf32>,
      %get3A_653 = arith.constant 1 : i32
      %get3A_654 = arith.index_cast %get3A_653 : i32 to index
      %get3A_655 = arith.index_cast %scan3A_606 : i32 to index
      %get3A_656 = arith.constant 48 : index
      %get3A_657 = tpu.vector_load %arg6[%get3A_654, %get3A_655, %get3A_656] {strides = array<i32>} : memref<5x128x128xf32, #tpu.memory_space<vmem>>, vector<1x1x16xf32>,
      %get3A_658 = vector.shape_cast %get3A_657 : vector<1x1x16xf32> to vector<16xf32>
      %mul3A_659 = arith.constant 11.3137083 : f32
      %mul3A_660 = vector.broadcast %mul3A_659 : f32 to vector<16xf32>
      %mul3A_661 = arith.mulf %get3A_658, %mul3A_660 : vector<16xf32>
      %swap3A_662 = arith.constant 1 : i32
      %swap3A_663 = arith.index_cast %swap3A_662 : i32 to index
      %swap3A_664 = arith.index_cast %scan3A_606 : i32 to index
      %swap3A_665 = arith.constant 48 : index
      %swap3A_666 = tpu.vector_load %arg6[%swap3A_663, %swap3A_664, %swap3A_665] {strides = array<i32>} : memref<5x128x128xf32, #tpu.memory_space<vmem>>, vector<1x1x16xf32>,
      %swap3A_667 = vector.shape_cast %swap3A_666 : vector<1x1x16xf32> to vector<16xf32>
      %swap3A_668 = vector.shape_cast %mul3A_661 : vector<16xf32> to vector<1x1x16xf32>
      tpu.vector_store %arg6[%swap3A_663, %swap3A_664, %swap3A_665], %swap3A_668 {strides = array<i32>} : memref<5x128x128xf32, #tpu.memory_space<vmem>>, vector<1x1x16xf32>,
      %get3A_669 = arith.constant 1 : i32
      %get3A_670 = arith.index_cast %get3A_669 : i32 to index
      %get3A_671 = arith.index_cast %scan3A_606 : i32 to index
      %get3A_672 = arith.constant 64 : index
      %get3A_673 = tpu.vector_load %arg6[%get3A_670, %get3A_671, %get3A_672] {strides = array<i32>} : memref<5x128x128xf32, #tpu.memory_space<vmem>>, vector<1x1x16xf32>,
      %get3A_674 = vector.shape_cast %get3A_673 : vector<1x1x16xf32> to vector<16xf32>
      %mul3A_675 = arith.constant 11.3137083 : f32
      %mul3A_676 = vector.broadcast %mul3A_675 : f32 to vector<16xf32>
      %mul3A_677 = arith.mulf %get3A_674, %mul3A_676 : vector<16xf32>
      %swap3A_678 = arith.constant 1 : i32
      %swap3A_679 = arith.index_cast %swap3A_678 : i32 to index
      %swap3A_680 = arith.index_cast %scan3A_606 : i32 to index
      %swap3A_681 = arith.constant 64 : index
      %swap3A_682 = tpu.vector_load %arg6[%swap3A_679, %swap3A_680, %swap3A_681] {strides = array<i32>} : memref<5x128x128xf32, #tpu.memory_space<vmem>>, vector<1x1x16xf32>,
      %swap3A_683 = vector.shape_cast %swap3A_682 : vector<1x1x16xf32> to vector<16xf32>
      %swap3A_684 = vector.shape_cast %mul3A_677 : vector<16xf32> to vector<1x1x16xf32>
      tpu.vector_store %arg6[%swap3A_679, %swap3A_680, %swap3A_681], %swap3A_684 {strides = array<i32>} : memref<5x128x128xf32, #tpu.memory_space<vmem>>, vector<1x1x16xf32>,
      %get3A_685 = arith.constant 1 : i32
      %get3A_686 = arith.index_cast %get3A_685 : i32 to index
      %get3A_687 = arith.index_cast %scan3A_606 : i32 to index
      %get3A_688 = arith.constant 80 : index
      %get3A_689 = tpu.vector_load %arg6[%get3A_686, %get3A_687, %get3A_688] {strides = array<i32>} : memref<5x128x128xf32, #tpu.memory_space<vmem>>, vector<1x1x16xf32>,
      %get3A_690 = vector.shape_cast %get3A_689 : vector<1x1x16xf32> to vector<16xf32>
      %mul3A_691 = arith.constant 11.3137083 : f32
      %mul3A_692 = vector.broadcast %mul3A_691 : f32 to vector<16xf32>
      %mul3A_693 = arith.mulf %get3A_690, %mul3A_692 : vector<16xf32>
      %swap3A_694 = arith.constant 1 : i32
      %swap3A_695 = arith.index_cast %swap3A_694 : i32 to index
      %swap3A_696 = arith.index_cast %scan3A_606 : i32 to index
      %swap3A_697 = arith.constant 80 : index
      %swap3A_698 = tpu.vector_load %arg6[%swap3A_695, %swap3A_696, %swap3A_697] {strides = array<i32>} : memref<5x128x128xf32, #tpu.memory_space<vmem>>, vector<1x1x16xf32>,
      %swap3A_699 = vector.shape_cast %swap3A_698 : vector<1x1x16xf32> to vector<16xf32>
      %swap3A_700 = vector.shape_cast %mul3A_693 : vector<16xf32> to vector<1x1x16xf32>
      tpu.vector_store %arg6[%swap3A_695, %swap3A_696, %swap3A_697], %swap3A_700 {strides = array<i32>} : memref<5x128x128xf32, #tpu.memory_space<vmem>>, vector<1x1x16xf32>,
      %get3A_701 = arith.constant 1 : i32
      %get3A_702 = arith.index_cast %get3A_701 : i32 to index
      %get3A_703 = arith.index_cast %scan3A_606 : i32 to index
      %get3A_704 = arith.constant 96 : index
      %get3A_705 = tpu.vector_load %arg6[%get3A_702, %get3A_703, %get3A_704] {strides = array<i32>} : memref<5x128x128xf32, #tpu.memory_space<vmem>>, vector<1x1x16xf32>,
      %get3A_706 = vector.shape_cast %get3A_705 : vector<1x1x16xf32> to vector<16xf32>
      %mul3A_707 = arith.constant 11.3137083 : f32
      %mul3A_708 = vector.broadcast %mul3A_707 : f32 to vector<16xf32>
      %mul3A_709 = arith.mulf %get3A_706, %mul3A_708 : vector<16xf32>
      %swap3A_710 = arith.constant 1 : i32
      %swap3A_711 = arith.index_cast %swap3A_710 : i32 to index
      %swap3A_712 = arith.index_cast %scan3A_606 : i32 to index
      %swap3A_713 = arith.constant 96 : index
      %swap3A_714 = tpu.vector_load %arg6[%swap3A_711, %swap3A_712, %swap3A_713] {strides = array<i32>} : memref<5x128x128xf32, #tpu.memory_space<vmem>>, vector<1x1x16xf32>,
      %swap3A_715 = vector.shape_cast %swap3A_714 : vector<1x1x16xf32> to vector<16xf32>
      %swap3A_716 = vector.shape_cast %mul3A_709 : vector<16xf32> to vector<1x1x16xf32>
      tpu.vector_store %arg6[%swap3A_711, %swap3A_712, %swap3A_713], %swap3A_716 {strides = array<i32>} : memref<5x128x128xf32, #tpu.memory_space<vmem>>, vector<1x1x16xf32>,
      %get3A_717 = arith.constant 1 : i32
      %get3A_718 = arith.index_cast %get3A_717 : i32 to index
      %get3A_719 = arith.index_cast %scan3A_606 : i32 to index
      %get3A_720 = arith.constant 112 : index
      %get3A_721 = tpu.vector_load %arg6[%get3A_718, %get3A_719, %get3A_720] {strides = array<i32>} : memref<5x128x128xf32, #tpu.memory_space<vmem>>, vector<1x1x16xf32>,
      %get3A_722 = vector.shape_cast %get3A_721 : vector<1x1x16xf32> to vector<16xf32>
      %mul3A_723 = arith.constant 11.3137083 : f32
      %mul3A_724 = vector.broadcast %mul3A_723 : f32 to vector<16xf32>
      %mul3A_725 = arith.mulf %get3A_722, %mul3A_724 : vector<16xf32>
      %swap3A_726 = arith.constant 1 : i32
      %swap3A_727 = arith.index_cast %swap3A_726 : i32 to index
      %swap3A_728 = arith.index_cast %scan3A_606 : i32 to index
      %swap3A_729 = arith.constant 112 : index
      %swap3A_730 = tpu.vector_load %arg6[%swap3A_727, %swap3A_728, %swap3A_729] {strides = array<i32>} : memref<5x128x128xf32, #tpu.memory_space<vmem>>, vector<1x1x16xf32>,
      %swap3A_731 = vector.shape_cast %swap3A_730 : vector<1x1x16xf32> to vector<16xf32>
      %swap3A_732 = vector.shape_cast %mul3A_725 : vector<16xf32> to vector<1x1x16xf32>
      tpu.vector_store %arg6[%swap3A_727, %swap3A_728, %swap3A_729], %swap3A_732 {strides = array<i32>} : memref<5x128x128xf32, #tpu.memory_space<vmem>>, vector<1x1x16xf32>,
    }
    %scan3A_389 = arith.constant 128 : i32
    %add3A_390 = arith.constant 25088 : i32
    %add3A_391 = arith.addi %mul3A_2, %add3A_390 : i32
    %dma_start3A_392 = arith.constant 1 : i32
    %dma_start3A_393 = arith.constant 0 : i32
    %dma_start3A_394 = arith.constant 0 : i32
    %dma_start3A_395 = tpu.memref_slice %arg6[%dma_start3A_392, %dma_start3A_393, %dma_start3A_394] : memref<5x128x128xf32, #tpu.memory_space<vmem>> -> memref<1x128x128xf32, #tpu.memory_space<vmem>>
    %dma_start3A_396 = tpu.memref_squeeze %dma_start3A_395 : memref<1x128x128xf32, #tpu.memory_space<vmem>> -> memref<128x128xf32, #tpu.memory_space<vmem>>
    %dma_start3A_397 = arith.constant 0 : i32
    %dma_start3A_398 = tpu.memref_slice %arg4[%add3A_391, %dma_start3A_397] : memref<819200x128xf32, #tpu.memory_space<hbm>> -> memref<128x128xf32, #tpu.memory_space<hbm>>
    %dma_start3A_399 = arith.constant 0 : i32
    %dma_start3A_400 = tpu.memref_slice %arg4[%add3A_391, %dma_start3A_399] : memref<819200x128xf32, #tpu.memory_space<hbm>> -> memref<128x128xf32, #tpu.memory_space<hbm>>
    %dma_start3A_401 = arith.constant 0 : i32
    %dma_start3A_402 = arith.constant 0 : i32
    %dma_start3A_403 = tpu.memref_slice %arg6[%dma_start3A_392, %dma_start3A_401, %dma_start3A_402] : memref<5x128x128xf32, #tpu.memory_space<vmem>> -> memref<1x128x128xf32, #tpu.memory_space<vmem>>
    %dma_start3A_404 = tpu.memref_squeeze %dma_start3A_403 : memref<1x128x128xf32, #tpu.memory_space<vmem>> -> memref<128x128xf32, #tpu.memory_space<vmem>>
    tpu.enqueue_dma source(%dma_start3A_404 : memref<128x128xf32, #tpu.memory_space<vmem>>) target(%dma_start3A_400 : memref<128x128xf32, #tpu.memory_space<hbm>>) target_semaphore(%arg8 : memref<!tpu.dma_semaphore, #tpu.memory_space<semaphore_mem>>)
    %add3A_405 = arith.constant 24832 : i32
    %add3A_406 = arith.addi %mul3A_2, %add3A_405 : i32
    %dma_wait3A_407 = arith.constant 4 : i32
    %dma_wait3A_408 = arith.constant 0 : i32
    %dma_wait3A_409 = arith.constant 0 : i32
    %dma_wait3A_410 = tpu.memref_slice %arg6[%dma_wait3A_407, %dma_wait3A_408, %dma_wait3A_409] : memref<5x128x128xf32, #tpu.memory_space<vmem>> -> memref<1x128x128xf32, #tpu.memory_space<vmem>>
    %dma_wait3A_411 = tpu.memref_squeeze %dma_wait3A_410 : memref<1x128x128xf32, #tpu.memory_space<vmem>> -> memref<128x128xf32, #tpu.memory_space<vmem>>
    %dma_wait3A_412 = arith.constant 0 : i32
    %dma_wait3A_413 = tpu.memref_slice %arg4[%add3A_406, %dma_wait3A_412] : memref<819200x128xf32, #tpu.memory_space<hbm>> -> memref<128x128xf32, #tpu.memory_space<hbm>>
    %dma_wait3A_414 = arith.constant 0 : i32
    %dma_wait3A_415 = tpu.memref_slice %arg4[%add3A_406, %dma_wait3A_414] : memref<819200x128xf32, #tpu.memory_space<hbm>> -> memref<128x128xf32, #tpu.memory_space<hbm>>
    %dma_wait3A_416 = arith.constant 0 : i32
    %dma_wait3A_417 = arith.constant 0 : i32
    %dma_wait3A_418 = tpu.memref_slice %arg6[%dma_wait3A_407, %dma_wait3A_416, %dma_wait3A_417] : memref<5x128x128xf32, #tpu.memory_space<vmem>> -> memref<1x128x128xf32, #tpu.memory_space<vmem>>
    %dma_wait3A_419 = tpu.memref_squeeze %dma_wait3A_418 : memref<1x128x128xf32, #tpu.memory_space<vmem>> -> memref<128x128xf32, #tpu.memory_space<vmem>>
    tpu.wait_dma2 semaphore(%arg8 : memref<!tpu.dma_semaphore, #tpu.memory_space<semaphore_mem>>) src(%dma_wait3A_419 : memref<128x128xf32, #tpu.memory_space<vmem>>) dst(%dma_wait3A_415 : memref<128x128xf32, #tpu.memory_space<hbm>>)
    %dma_start3A_420 = arith.constant 199 : i32
    %dma_start3A_421 = arith.constant 4 : i32
    %dma_start3A_422 = arith.constant 0 : i32
    %dma_start3A_423 = arith.constant 0 : i32
    %dma_start3A_424 = tpu.memref_slice %arg6[%dma_start3A_421, %dma_start3A_422, %dma_start3A_423] : memref<5x128x128xf32, #tpu.memory_space<vmem>> -> memref<1x128x128xf32, #tpu.memory_space<vmem>>
    %dma_start3A_425 = tpu.memref_squeeze %dma_start3A_424 : memref<1x128x128xf32, #tpu.memory_space<vmem>> -> memref<128x128xf32, #tpu.memory_space<vmem>>
    %dma_start3A_426 = arith.constant 0 : i32
    %dma_start3A_427 = tpu.memref_slice %arg5[%dma_start3A_420, %dma_start3A_426] : memref<200x128xi32, #tpu.memory_space<vmem>> -> memref<1x128xi32, #tpu.memory_space<vmem>>
    %dma_start3A_428 = tpu.memref_squeeze %dma_start3A_427 : memref<1x128xi32, #tpu.memory_space<vmem>> -> memref<128xi32, #tpu.memory_space<vmem>>
    %dma_start3A_429 = arith.constant 0 : i32
    %dma_start3A_430 = arith.constant 0 : i32
    %dma_start3A_431 = tpu.memref_slice %arg3[%dma_start3A_429, %dma_start3A_430] : memref<100000x128xf32, #tpu.memory_space<hbm>> -> memref<100000x128xf32, #tpu.memory_space<hbm>>
    tpu.enqueue_indirect_dma source(%dma_start3A_431 : memref<100000x128xf32, #tpu.memory_space<hbm>>) target(%dma_start3A_425 : memref<128x128xf32, #tpu.memory_space<vmem>>) offsets(%dma_start3A_428 : memref<128xi32, #tpu.memory_space<vmem>>) semaphore(%arg7 : memref<!tpu.dma_semaphore, #tpu.memory_space<semaphore_mem>>)
    %dma_wait3A_432 = arith.constant 197 : i32
    %dma_wait3A_433 = arith.constant 2 : i32
    %dma_wait3A_434 = arith.constant 0 : i32
    %dma_wait3A_435 = arith.constant 0 : i32
    %dma_wait3A_436 = tpu.memref_slice %arg6[%dma_wait3A_433, %dma_wait3A_434, %dma_wait3A_435] : memref<5x128x128xf32, #tpu.memory_space<vmem>> -> memref<1x128x128xf32, #tpu.memory_space<vmem>>
    %dma_wait3A_437 = tpu.memref_squeeze %dma_wait3A_436 : memref<1x128x128xf32, #tpu.memory_space<vmem>> -> memref<128x128xf32, #tpu.memory_space<vmem>>
    %dma_wait3A_438 = arith.constant 0 : i32
    %dma_wait3A_439 = tpu.memref_slice %arg5[%dma_wait3A_432, %dma_wait3A_438] : memref<200x128xi32, #tpu.memory_space<vmem>> -> memref<1x128xi32, #tpu.memory_space<vmem>>
    %dma_wait3A_440 = tpu.memref_squeeze %dma_wait3A_439 : memref<1x128xi32, #tpu.memory_space<vmem>> -> memref<128xi32, #tpu.memory_space<vmem>>
    %dma_wait3A_441 = arith.constant 0 : i32
    %dma_wait3A_442 = arith.constant 0 : i32
    %dma_wait3A_443 = tpu.memref_slice %arg3[%dma_wait3A_441, %dma_wait3A_442] : memref<100000x128xf32, #tpu.memory_space<hbm>> -> memref<100000x128xf32, #tpu.memory_space<hbm>>
    tpu.wait_indirect_dma semaphore(%arg7 : memref<!tpu.dma_semaphore, #tpu.memory_space<semaphore_mem>>) src(%dma_wait3A_443 : memref<100000x128xf32, #tpu.memory_space<hbm>>) dst(%dma_wait3A_437 : memref<128x128xf32, #tpu.memory_space<vmem>>)
    %scan3A_444 = arith.constant 0 : i32
    %scan3A_445 = arith.constant 0 : i32
    %scan3A_446 = arith.constant 128 : i32
    %scan3A_447 = arith.addi %scan3A_445, %scan3A_446 : i32
    %scan3A_448 = arith.constant 1 : i32
    scf.for %scan3A_606 = %scan3A_445 to %scan3A_447 step %scan3A_448  : i32 {
      %get3A = arith.constant 2 : i32
      %get3A_607 = arith.index_cast %get3A : i32 to index
      %get3A_608 = arith.index_cast %scan3A_606 : i32 to index
      %get3A_609 = arith.constant 0 : index
      %get3A_610 = tpu.vector_load %arg6[%get3A_607, %get3A_608, %get3A_609] {strides = array<i32>} : memref<5x128x128xf32, #tpu.memory_space<vmem>>, vector<1x1x16xf32>,
      %get3A_611 = vector.shape_cast %get3A_610 : vector<1x1x16xf32> to vector<16xf32>
      %mul3A_612 = arith.constant 11.3137083 : f32
      %mul3A_613 = vector.broadcast %mul3A_612 : f32 to vector<16xf32>
      %mul3A_614 = arith.mulf %get3A_611, %mul3A_613 : vector<16xf32>
      %swap3A = arith.constant 2 : i32
      %swap3A_615 = arith.index_cast %swap3A : i32 to index
      %swap3A_616 = arith.index_cast %scan3A_606 : i32 to index
      %swap3A_617 = arith.constant 0 : index
      %swap3A_618 = tpu.vector_load %arg6[%swap3A_615, %swap3A_616, %swap3A_617] {strides = array<i32>} : memref<5x128x128xf32, #tpu.memory_space<vmem>>, vector<1x1x16xf32>,
      %swap3A_619 = vector.shape_cast %swap3A_618 : vector<1x1x16xf32> to vector<16xf32>
      %swap3A_620 = vector.shape_cast %mul3A_614 : vector<16xf32> to vector<1x1x16xf32>
      tpu.vector_store %arg6[%swap3A_615, %swap3A_616, %swap3A_617], %swap3A_620 {strides = array<i32>} : memref<5x128x128xf32, #tpu.memory_space<vmem>>, vector<1x1x16xf32>,
      %get3A_621 = arith.constant 2 : i32
      %get3A_622 = arith.index_cast %get3A_621 : i32 to index
      %get3A_623 = arith.index_cast %scan3A_606 : i32 to index
      %get3A_624 = arith.constant 16 : index
      %get3A_625 = tpu.vector_load %arg6[%get3A_622, %get3A_623, %get3A_624] {strides = array<i32>} : memref<5x128x128xf32, #tpu.memory_space<vmem>>, vector<1x1x16xf32>,
      %get3A_626 = vector.shape_cast %get3A_625 : vector<1x1x16xf32> to vector<16xf32>
      %mul3A_627 = arith.constant 11.3137083 : f32
      %mul3A_628 = vector.broadcast %mul3A_627 : f32 to vector<16xf32>
      %mul3A_629 = arith.mulf %get3A_626, %mul3A_628 : vector<16xf32>
      %swap3A_630 = arith.constant 2 : i32
      %swap3A_631 = arith.index_cast %swap3A_630 : i32 to index
      %swap3A_632 = arith.index_cast %scan3A_606 : i32 to index
      %swap3A_633 = arith.constant 16 : index
      %swap3A_634 = tpu.vector_load %arg6[%swap3A_631, %swap3A_632, %swap3A_633] {strides = array<i32>} : memref<5x128x128xf32, #tpu.memory_space<vmem>>, vector<1x1x16xf32>,
      %swap3A_635 = vector.shape_cast %swap3A_634 : vector<1x1x16xf32> to vector<16xf32>
      %swap3A_636 = vector.shape_cast %mul3A_629 : vector<16xf32> to vector<1x1x16xf32>
      tpu.vector_store %arg6[%swap3A_631, %swap3A_632, %swap3A_633], %swap3A_636 {strides = array<i32>} : memref<5x128x128xf32, #tpu.memory_space<vmem>>, vector<1x1x16xf32>,
      %get3A_637 = arith.constant 2 : i32
      %get3A_638 = arith.index_cast %get3A_637 : i32 to index
      %get3A_639 = arith.index_cast %scan3A_606 : i32 to index
      %get3A_640 = arith.constant 32 : index
      %get3A_641 = tpu.vector_load %arg6[%get3A_638, %get3A_639, %get3A_640] {strides = array<i32>} : memref<5x128x128xf32, #tpu.memory_space<vmem>>, vector<1x1x16xf32>,
      %get3A_642 = vector.shape_cast %get3A_641 : vector<1x1x16xf32> to vector<16xf32>
      %mul3A_643 = arith.constant 11.3137083 : f32
      %mul3A_644 = vector.broadcast %mul3A_643 : f32 to vector<16xf32>
      %mul3A_645 = arith.mulf %get3A_642, %mul3A_644 : vector<16xf32>
      %swap3A_646 = arith.constant 2 : i32
      %swap3A_647 = arith.index_cast %swap3A_646 : i32 to index
      %swap3A_648 = arith.index_cast %scan3A_606 : i32 to index
      %swap3A_649 = arith.constant 32 : index
      %swap3A_650 = tpu.vector_load %arg6[%swap3A_647, %swap3A_648, %swap3A_649] {strides = array<i32>} : memref<5x128x128xf32, #tpu.memory_space<vmem>>, vector<1x1x16xf32>,
      %swap3A_651 = vector.shape_cast %swap3A_650 : vector<1x1x16xf32> to vector<16xf32>
      %swap3A_652 = vector.shape_cast %mul3A_645 : vector<16xf32> to vector<1x1x16xf32>
      tpu.vector_store %arg6[%swap3A_647, %swap3A_648, %swap3A_649], %swap3A_652 {strides = array<i32>} : memref<5x128x128xf32, #tpu.memory_space<vmem>>, vector<1x1x16xf32>,
      %get3A_653 = arith.constant 2 : i32
      %get3A_654 = arith.index_cast %get3A_653 : i32 to index
      %get3A_655 = arith.index_cast %scan3A_606 : i32 to index
      %get3A_656 = arith.constant 48 : index
      %get3A_657 = tpu.vector_load %arg6[%get3A_654, %get3A_655, %get3A_656] {strides = array<i32>} : memref<5x128x128xf32, #tpu.memory_space<vmem>>, vector<1x1x16xf32>,
      %get3A_658 = vector.shape_cast %get3A_657 : vector<1x1x16xf32> to vector<16xf32>
      %mul3A_659 = arith.constant 11.3137083 : f32
      %mul3A_660 = vector.broadcast %mul3A_659 : f32 to vector<16xf32>
      %mul3A_661 = arith.mulf %get3A_658, %mul3A_660 : vector<16xf32>
      %swap3A_662 = arith.constant 2 : i32
      %swap3A_663 = arith.index_cast %swap3A_662 : i32 to index
      %swap3A_664 = arith.index_cast %scan3A_606 : i32 to index
      %swap3A_665 = arith.constant 48 : index
      %swap3A_666 = tpu.vector_load %arg6[%swap3A_663, %swap3A_664, %swap3A_665] {strides = array<i32>} : memref<5x128x128xf32, #tpu.memory_space<vmem>>, vector<1x1x16xf32>,
      %swap3A_667 = vector.shape_cast %swap3A_666 : vector<1x1x16xf32> to vector<16xf32>
      %swap3A_668 = vector.shape_cast %mul3A_661 : vector<16xf32> to vector<1x1x16xf32>
      tpu.vector_store %arg6[%swap3A_663, %swap3A_664, %swap3A_665], %swap3A_668 {strides = array<i32>} : memref<5x128x128xf32, #tpu.memory_space<vmem>>, vector<1x1x16xf32>,
      %get3A_669 = arith.constant 2 : i32
      %get3A_670 = arith.index_cast %get3A_669 : i32 to index
      %get3A_671 = arith.index_cast %scan3A_606 : i32 to index
      %get3A_672 = arith.constant 64 : index
      %get3A_673 = tpu.vector_load %arg6[%get3A_670, %get3A_671, %get3A_672] {strides = array<i32>} : memref<5x128x128xf32, #tpu.memory_space<vmem>>, vector<1x1x16xf32>,
      %get3A_674 = vector.shape_cast %get3A_673 : vector<1x1x16xf32> to vector<16xf32>
      %mul3A_675 = arith.constant 11.3137083 : f32
      %mul3A_676 = vector.broadcast %mul3A_675 : f32 to vector<16xf32>
      %mul3A_677 = arith.mulf %get3A_674, %mul3A_676 : vector<16xf32>
      %swap3A_678 = arith.constant 2 : i32
      %swap3A_679 = arith.index_cast %swap3A_678 : i32 to index
      %swap3A_680 = arith.index_cast %scan3A_606 : i32 to index
      %swap3A_681 = arith.constant 64 : index
      %swap3A_682 = tpu.vector_load %arg6[%swap3A_679, %swap3A_680, %swap3A_681] {strides = array<i32>} : memref<5x128x128xf32, #tpu.memory_space<vmem>>, vector<1x1x16xf32>,
      %swap3A_683 = vector.shape_cast %swap3A_682 : vector<1x1x16xf32> to vector<16xf32>
      %swap3A_684 = vector.shape_cast %mul3A_677 : vector<16xf32> to vector<1x1x16xf32>
      tpu.vector_store %arg6[%swap3A_679, %swap3A_680, %swap3A_681], %swap3A_684 {strides = array<i32>} : memref<5x128x128xf32, #tpu.memory_space<vmem>>, vector<1x1x16xf32>,
      %get3A_685 = arith.constant 2 : i32
      %get3A_686 = arith.index_cast %get3A_685 : i32 to index
      %get3A_687 = arith.index_cast %scan3A_606 : i32 to index
      %get3A_688 = arith.constant 80 : index
      %get3A_689 = tpu.vector_load %arg6[%get3A_686, %get3A_687, %get3A_688] {strides = array<i32>} : memref<5x128x128xf32, #tpu.memory_space<vmem>>, vector<1x1x16xf32>,
      %get3A_690 = vector.shape_cast %get3A_689 : vector<1x1x16xf32> to vector<16xf32>
      %mul3A_691 = arith.constant 11.3137083 : f32
      %mul3A_692 = vector.broadcast %mul3A_691 : f32 to vector<16xf32>
      %mul3A_693 = arith.mulf %get3A_690, %mul3A_692 : vector<16xf32>
      %swap3A_694 = arith.constant 2 : i32
      %swap3A_695 = arith.index_cast %swap3A_694 : i32 to index
      %swap3A_696 = arith.index_cast %scan3A_606 : i32 to index
      %swap3A_697 = arith.constant 80 : index
      %swap3A_698 = tpu.vector_load %arg6[%swap3A_695, %swap3A_696, %swap3A_697] {strides = array<i32>} : memref<5x128x128xf32, #tpu.memory_space<vmem>>, vector<1x1x16xf32>,
      %swap3A_699 = vector.shape_cast %swap3A_698 : vector<1x1x16xf32> to vector<16xf32>
      %swap3A_700 = vector.shape_cast %mul3A_693 : vector<16xf32> to vector<1x1x16xf32>
      tpu.vector_store %arg6[%swap3A_695, %swap3A_696, %swap3A_697], %swap3A_700 {strides = array<i32>} : memref<5x128x128xf32, #tpu.memory_space<vmem>>, vector<1x1x16xf32>,
      %get3A_701 = arith.constant 2 : i32
      %get3A_702 = arith.index_cast %get3A_701 : i32 to index
      %get3A_703 = arith.index_cast %scan3A_606 : i32 to index
      %get3A_704 = arith.constant 96 : index
      %get3A_705 = tpu.vector_load %arg6[%get3A_702, %get3A_703, %get3A_704] {strides = array<i32>} : memref<5x128x128xf32, #tpu.memory_space<vmem>>, vector<1x1x16xf32>,
      %get3A_706 = vector.shape_cast %get3A_705 : vector<1x1x16xf32> to vector<16xf32>
      %mul3A_707 = arith.constant 11.3137083 : f32
      %mul3A_708 = vector.broadcast %mul3A_707 : f32 to vector<16xf32>
      %mul3A_709 = arith.mulf %get3A_706, %mul3A_708 : vector<16xf32>
      %swap3A_710 = arith.constant 2 : i32
      %swap3A_711 = arith.index_cast %swap3A_710 : i32 to index
      %swap3A_712 = arith.index_cast %scan3A_606 : i32 to index
      %swap3A_713 = arith.constant 96 : index
      %swap3A_714 = tpu.vector_load %arg6[%swap3A_711, %swap3A_712, %swap3A_713] {strides = array<i32>} : memref<5x128x128xf32, #tpu.memory_space<vmem>>, vector<1x1x16xf32>,
      %swap3A_715 = vector.shape_cast %swap3A_714 : vector<1x1x16xf32> to vector<16xf32>
      %swap3A_716 = vector.shape_cast %mul3A_709 : vector<16xf32> to vector<1x1x16xf32>
      tpu.vector_store %arg6[%swap3A_711, %swap3A_712, %swap3A_713], %swap3A_716 {strides = array<i32>} : memref<5x128x128xf32, #tpu.memory_space<vmem>>, vector<1x1x16xf32>,
      %get3A_717 = arith.constant 2 : i32
      %get3A_718 = arith.index_cast %get3A_717 : i32 to index
      %get3A_719 = arith.index_cast %scan3A_606 : i32 to index
      %get3A_720 = arith.constant 112 : index
      %get3A_721 = tpu.vector_load %arg6[%get3A_718, %get3A_719, %get3A_720] {strides = array<i32>} : memref<5x128x128xf32, #tpu.memory_space<vmem>>, vector<1x1x16xf32>,
      %get3A_722 = vector.shape_cast %get3A_721 : vector<1x1x16xf32> to vector<16xf32>
      %mul3A_723 = arith.constant 11.3137083 : f32
      %mul3A_724 = vector.broadcast %mul3A_723 : f32 to vector<16xf32>
      %mul3A_725 = arith.mulf %get3A_722, %mul3A_724 : vector<16xf32>
      %swap3A_726 = arith.constant 2 : i32
      %swap3A_727 = arith.index_cast %swap3A_726 : i32 to index
      %swap3A_728 = arith.index_cast %scan3A_606 : i32 to index
      %swap3A_729 = arith.constant 112 : index
      %swap3A_730 = tpu.vector_load %arg6[%swap3A_727, %swap3A_728, %swap3A_729] {strides = array<i32>} : memref<5x128x128xf32, #tpu.memory_space<vmem>>, vector<1x1x16xf32>,
      %swap3A_731 = vector.shape_cast %swap3A_730 : vector<1x1x16xf32> to vector<16xf32>
      %swap3A_732 = vector.shape_cast %mul3A_725 : vector<16xf32> to vector<1x1x16xf32>
      tpu.vector_store %arg6[%swap3A_727, %swap3A_728, %swap3A_729], %swap3A_732 {strides = array<i32>} : memref<5x128x128xf32, #tpu.memory_space<vmem>>, vector<1x1x16xf32>,
    }
    %scan3A_449 = arith.constant 128 : i32
    %add3A_450 = arith.constant 25216 : i32
    %add3A_451 = arith.addi %mul3A_2, %add3A_450 : i32
    %dma_start3A_452 = arith.constant 2 : i32
    %dma_start3A_453 = arith.constant 0 : i32
    %dma_start3A_454 = arith.constant 0 : i32
    %dma_start3A_455 = tpu.memref_slice %arg6[%dma_start3A_452, %dma_start3A_453, %dma_start3A_454] : memref<5x128x128xf32, #tpu.memory_space<vmem>> -> memref<1x128x128xf32, #tpu.memory_space<vmem>>
    %dma_start3A_456 = tpu.memref_squeeze %dma_start3A_455 : memref<1x128x128xf32, #tpu.memory_space<vmem>> -> memref<128x128xf32, #tpu.memory_space<vmem>>
    %dma_start3A_457 = arith.constant 0 : i32
    %dma_start3A_458 = tpu.memref_slice %arg4[%add3A_451, %dma_start3A_457] : memref<819200x128xf32, #tpu.memory_space<hbm>> -> memref<128x128xf32, #tpu.memory_space<hbm>>
    %dma_start3A_459 = arith.constant 0 : i32
    %dma_start3A_460 = tpu.memref_slice %arg4[%add3A_451, %dma_start3A_459] : memref<819200x128xf32, #tpu.memory_space<hbm>> -> memref<128x128xf32, #tpu.memory_space<hbm>>
    %dma_start3A_461 = arith.constant 0 : i32
    %dma_start3A_462 = arith.constant 0 : i32
    %dma_start3A_463 = tpu.memref_slice %arg6[%dma_start3A_452, %dma_start3A_461, %dma_start3A_462] : memref<5x128x128xf32, #tpu.memory_space<vmem>> -> memref<1x128x128xf32, #tpu.memory_space<vmem>>
    %dma_start3A_464 = tpu.memref_squeeze %dma_start3A_463 : memref<1x128x128xf32, #tpu.memory_space<vmem>> -> memref<128x128xf32, #tpu.memory_space<vmem>>
    tpu.enqueue_dma source(%dma_start3A_464 : memref<128x128xf32, #tpu.memory_space<vmem>>) target(%dma_start3A_460 : memref<128x128xf32, #tpu.memory_space<hbm>>) target_semaphore(%arg8 : memref<!tpu.dma_semaphore, #tpu.memory_space<semaphore_mem>>)
    %add3A_465 = arith.constant 24960 : i32
    %add3A_466 = arith.addi %mul3A_2, %add3A_465 : i32
    %dma_wait3A_467 = arith.constant 0 : i32
    %dma_wait3A_468 = arith.constant 0 : i32
    %dma_wait3A_469 = arith.constant 0 : i32
    %dma_wait3A_470 = tpu.memref_slice %arg6[%dma_wait3A_467, %dma_wait3A_468, %dma_wait3A_469] : memref<5x128x128xf32, #tpu.memory_space<vmem>> -> memref<1x128x128xf32, #tpu.memory_space<vmem>>
    %dma_wait3A_471 = tpu.memref_squeeze %dma_wait3A_470 : memref<1x128x128xf32, #tpu.memory_space<vmem>> -> memref<128x128xf32, #tpu.memory_space<vmem>>
    %dma_wait3A_472 = arith.constant 0 : i32
    %dma_wait3A_473 = tpu.memref_slice %arg4[%add3A_466, %dma_wait3A_472] : memref<819200x128xf32, #tpu.memory_space<hbm>> -> memref<128x128xf32, #tpu.memory_space<hbm>>
    %dma_wait3A_474 = arith.constant 0 : i32
    %dma_wait3A_475 = tpu.memref_slice %arg4[%add3A_466, %dma_wait3A_474] : memref<819200x128xf32, #tpu.memory_space<hbm>> -> memref<128x128xf32, #tpu.memory_space<hbm>>
    %dma_wait3A_476 = arith.constant 0 : i32
    %dma_wait3A_477 = arith.constant 0 : i32
    %dma_wait3A_478 = tpu.memref_slice %arg6[%dma_wait3A_467, %dma_wait3A_476, %dma_wait3A_477] : memref<5x128x128xf32, #tpu.memory_space<vmem>> -> memref<1x128x128xf32, #tpu.memory_space<vmem>>
    %dma_wait3A_479 = tpu.memref_squeeze %dma_wait3A_478 : memref<1x128x128xf32, #tpu.memory_space<vmem>> -> memref<128x128xf32, #tpu.memory_space<vmem>>
    tpu.wait_dma2 semaphore(%arg8 : memref<!tpu.dma_semaphore, #tpu.memory_space<semaphore_mem>>) src(%dma_wait3A_479 : memref<128x128xf32, #tpu.memory_space<vmem>>) dst(%dma_wait3A_475 : memref<128x128xf32, #tpu.memory_space<hbm>>)
    %dma_wait3A_480 = arith.constant 198 : i32
    %dma_wait3A_481 = arith.constant 3 : i32
    %dma_wait3A_482 = arith.constant 0 : i32
    %dma_wait3A_483 = arith.constant 0 : i32
    %dma_wait3A_484 = tpu.memref_slice %arg6[%dma_wait3A_481, %dma_wait3A_482, %dma_wait3A_483] : memref<5x128x128xf32, #tpu.memory_space<vmem>> -> memref<1x128x128xf32, #tpu.memory_space<vmem>>
    %dma_wait3A_485 = tpu.memref_squeeze %dma_wait3A_484 : memref<1x128x128xf32, #tpu.memory_space<vmem>> -> memref<128x128xf32, #tpu.memory_space<vmem>>
    %dma_wait3A_486 = arith.constant 0 : i32
    %dma_wait3A_487 = tpu.memref_slice %arg5[%dma_wait3A_480, %dma_wait3A_486] : memref<200x128xi32, #tpu.memory_space<vmem>> -> memref<1x128xi32, #tpu.memory_space<vmem>>
    %dma_wait3A_488 = tpu.memref_squeeze %dma_wait3A_487 : memref<1x128xi32, #tpu.memory_space<vmem>> -> memref<128xi32, #tpu.memory_space<vmem>>
    %dma_wait3A_489 = arith.constant 0 : i32
    %dma_wait3A_490 = arith.constant 0 : i32
    %dma_wait3A_491 = tpu.memref_slice %arg3[%dma_wait3A_489, %dma_wait3A_490] : memref<100000x128xf32, #tpu.memory_space<hbm>> -> memref<100000x128xf32, #tpu.memory_space<hbm>>
    tpu.wait_indirect_dma semaphore(%arg7 : memref<!tpu.dma_semaphore, #tpu.memory_space<semaphore_mem>>) src(%dma_wait3A_491 : memref<100000x128xf32, #tpu.memory_space<hbm>>) dst(%dma_wait3A_485 : memref<128x128xf32, #tpu.memory_space<vmem>>)
    %scan3A_492 = arith.constant 0 : i32
    %scan3A_493 = arith.constant 0 : i32
    %scan3A_494 = arith.constant 128 : i32
    %scan3A_495 = arith.addi %scan3A_493, %scan3A_494 : i32
    %scan3A_496 = arith.constant 1 : i32
    scf.for %scan3A_606 = %scan3A_493 to %scan3A_495 step %scan3A_496  : i32 {
      %get3A = arith.constant 3 : i32
      %get3A_607 = arith.index_cast %get3A : i32 to index
      %get3A_608 = arith.index_cast %scan3A_606 : i32 to index
      %get3A_609 = arith.constant 0 : index
      %get3A_610 = tpu.vector_load %arg6[%get3A_607, %get3A_608, %get3A_609] {strides = array<i32>} : memref<5x128x128xf32, #tpu.memory_space<vmem>>, vector<1x1x16xf32>,
      %get3A_611 = vector.shape_cast %get3A_610 : vector<1x1x16xf32> to vector<16xf32>
      %mul3A_612 = arith.constant 11.3137083 : f32
      %mul3A_613 = vector.broadcast %mul3A_612 : f32 to vector<16xf32>
      %mul3A_614 = arith.mulf %get3A_611, %mul3A_613 : vector<16xf32>
      %swap3A = arith.constant 3 : i32
      %swap3A_615 = arith.index_cast %swap3A : i32 to index
      %swap3A_616 = arith.index_cast %scan3A_606 : i32 to index
      %swap3A_617 = arith.constant 0 : index
      %swap3A_618 = tpu.vector_load %arg6[%swap3A_615, %swap3A_616, %swap3A_617] {strides = array<i32>} : memref<5x128x128xf32, #tpu.memory_space<vmem>>, vector<1x1x16xf32>,
      %swap3A_619 = vector.shape_cast %swap3A_618 : vector<1x1x16xf32> to vector<16xf32>
      %swap3A_620 = vector.shape_cast %mul3A_614 : vector<16xf32> to vector<1x1x16xf32>
      tpu.vector_store %arg6[%swap3A_615, %swap3A_616, %swap3A_617], %swap3A_620 {strides = array<i32>} : memref<5x128x128xf32, #tpu.memory_space<vmem>>, vector<1x1x16xf32>,
      %get3A_621 = arith.constant 3 : i32
      %get3A_622 = arith.index_cast %get3A_621 : i32 to index
      %get3A_623 = arith.index_cast %scan3A_606 : i32 to index
      %get3A_624 = arith.constant 16 : index
      %get3A_625 = tpu.vector_load %arg6[%get3A_622, %get3A_623, %get3A_624] {strides = array<i32>} : memref<5x128x128xf32, #tpu.memory_space<vmem>>, vector<1x1x16xf32>,
      %get3A_626 = vector.shape_cast %get3A_625 : vector<1x1x16xf32> to vector<16xf32>
      %mul3A_627 = arith.constant 11.3137083 : f32
      %mul3A_628 = vector.broadcast %mul3A_627 : f32 to vector<16xf32>
      %mul3A_629 = arith.mulf %get3A_626, %mul3A_628 : vector<16xf32>
      %swap3A_630 = arith.constant 3 : i32
      %swap3A_631 = arith.index_cast %swap3A_630 : i32 to index
      %swap3A_632 = arith.index_cast %scan3A_606 : i32 to index
      %swap3A_633 = arith.constant 16 : index
      %swap3A_634 = tpu.vector_load %arg6[%swap3A_631, %swap3A_632, %swap3A_633] {strides = array<i32>} : memref<5x128x128xf32, #tpu.memory_space<vmem>>, vector<1x1x16xf32>,
      %swap3A_635 = vector.shape_cast %swap3A_634 : vector<1x1x16xf32> to vector<16xf32>
      %swap3A_636 = vector.shape_cast %mul3A_629 : vector<16xf32> to vector<1x1x16xf32>
      tpu.vector_store %arg6[%swap3A_631, %swap3A_632, %swap3A_633], %swap3A_636 {strides = array<i32>} : memref<5x128x128xf32, #tpu.memory_space<vmem>>, vector<1x1x16xf32>,
      %get3A_637 = arith.constant 3 : i32
      %get3A_638 = arith.index_cast %get3A_637 : i32 to index
      %get3A_639 = arith.index_cast %scan3A_606 : i32 to index
      %get3A_640 = arith.constant 32 : index
      %get3A_641 = tpu.vector_load %arg6[%get3A_638, %get3A_639, %get3A_640] {strides = array<i32>} : memref<5x128x128xf32, #tpu.memory_space<vmem>>, vector<1x1x16xf32>,
      %get3A_642 = vector.shape_cast %get3A_641 : vector<1x1x16xf32> to vector<16xf32>
      %mul3A_643 = arith.constant 11.3137083 : f32
      %mul3A_644 = vector.broadcast %mul3A_643 : f32 to vector<16xf32>
      %mul3A_645 = arith.mulf %get3A_642, %mul3A_644 : vector<16xf32>
      %swap3A_646 = arith.constant 3 : i32
      %swap3A_647 = arith.index_cast %swap3A_646 : i32 to index
      %swap3A_648 = arith.index_cast %scan3A_606 : i32 to index
      %swap3A_649 = arith.constant 32 : index
      %swap3A_650 = tpu.vector_load %arg6[%swap3A_647, %swap3A_648, %swap3A_649] {strides = array<i32>} : memref<5x128x128xf32, #tpu.memory_space<vmem>>, vector<1x1x16xf32>,
      %swap3A_651 = vector.shape_cast %swap3A_650 : vector<1x1x16xf32> to vector<16xf32>
      %swap3A_652 = vector.shape_cast %mul3A_645 : vector<16xf32> to vector<1x1x16xf32>
      tpu.vector_store %arg6[%swap3A_647, %swap3A_648, %swap3A_649], %swap3A_652 {strides = array<i32>} : memref<5x128x128xf32, #tpu.memory_space<vmem>>, vector<1x1x16xf32>,
      %get3A_653 = arith.constant 3 : i32
      %get3A_654 = arith.index_cast %get3A_653 : i32 to index
      %get3A_655 = arith.index_cast %scan3A_606 : i32 to index
      %get3A_656 = arith.constant 48 : index
      %get3A_657 = tpu.vector_load %arg6[%get3A_654, %get3A_655, %get3A_656] {strides = array<i32>} : memref<5x128x128xf32, #tpu.memory_space<vmem>>, vector<1x1x16xf32>,
      %get3A_658 = vector.shape_cast %get3A_657 : vector<1x1x16xf32> to vector<16xf32>
      %mul3A_659 = arith.constant 11.3137083 : f32
      %mul3A_660 = vector.broadcast %mul3A_659 : f32 to vector<16xf32>
      %mul3A_661 = arith.mulf %get3A_658, %mul3A_660 : vector<16xf32>
      %swap3A_662 = arith.constant 3 : i32
      %swap3A_663 = arith.index_cast %swap3A_662 : i32 to index
      %swap3A_664 = arith.index_cast %scan3A_606 : i32 to index
      %swap3A_665 = arith.constant 48 : index
      %swap3A_666 = tpu.vector_load %arg6[%swap3A_663, %swap3A_664, %swap3A_665] {strides = array<i32>} : memref<5x128x128xf32, #tpu.memory_space<vmem>>, vector<1x1x16xf32>,
      %swap3A_667 = vector.shape_cast %swap3A_666 : vector<1x1x16xf32> to vector<16xf32>
      %swap3A_668 = vector.shape_cast %mul3A_661 : vector<16xf32> to vector<1x1x16xf32>
      tpu.vector_store %arg6[%swap3A_663, %swap3A_664, %swap3A_665], %swap3A_668 {strides = array<i32>} : memref<5x128x128xf32, #tpu.memory_space<vmem>>, vector<1x1x16xf32>,
      %get3A_669 = arith.constant 3 : i32
      %get3A_670 = arith.index_cast %get3A_669 : i32 to index
      %get3A_671 = arith.index_cast %scan3A_606 : i32 to index
      %get3A_672 = arith.constant 64 : index
      %get3A_673 = tpu.vector_load %arg6[%get3A_670, %get3A_671, %get3A_672] {strides = array<i32>} : memref<5x128x128xf32, #tpu.memory_space<vmem>>, vector<1x1x16xf32>,
      %get3A_674 = vector.shape_cast %get3A_673 : vector<1x1x16xf32> to vector<16xf32>
      %mul3A_675 = arith.constant 11.3137083 : f32
      %mul3A_676 = vector.broadcast %mul3A_675 : f32 to vector<16xf32>
      %mul3A_677 = arith.mulf %get3A_674, %mul3A_676 : vector<16xf32>
      %swap3A_678 = arith.constant 3 : i32
      %swap3A_679 = arith.index_cast %swap3A_678 : i32 to index
      %swap3A_680 = arith.index_cast %scan3A_606 : i32 to index
      %swap3A_681 = arith.constant 64 : index
      %swap3A_682 = tpu.vector_load %arg6[%swap3A_679, %swap3A_680, %swap3A_681] {strides = array<i32>} : memref<5x128x128xf32, #tpu.memory_space<vmem>>, vector<1x1x16xf32>,
      %swap3A_683 = vector.shape_cast %swap3A_682 : vector<1x1x16xf32> to vector<16xf32>
      %swap3A_684 = vector.shape_cast %mul3A_677 : vector<16xf32> to vector<1x1x16xf32>
      tpu.vector_store %arg6[%swap3A_679, %swap3A_680, %swap3A_681], %swap3A_684 {strides = array<i32>} : memref<5x128x128xf32, #tpu.memory_space<vmem>>, vector<1x1x16xf32>,
      %get3A_685 = arith.constant 3 : i32
      %get3A_686 = arith.index_cast %get3A_685 : i32 to index
      %get3A_687 = arith.index_cast %scan3A_606 : i32 to index
      %get3A_688 = arith.constant 80 : index
      %get3A_689 = tpu.vector_load %arg6[%get3A_686, %get3A_687, %get3A_688] {strides = array<i32>} : memref<5x128x128xf32, #tpu.memory_space<vmem>>, vector<1x1x16xf32>,
      %get3A_690 = vector.shape_cast %get3A_689 : vector<1x1x16xf32> to vector<16xf32>
      %mul3A_691 = arith.constant 11.3137083 : f32
      %mul3A_692 = vector.broadcast %mul3A_691 : f32 to vector<16xf32>
      %mul3A_693 = arith.mulf %get3A_690, %mul3A_692 : vector<16xf32>
      %swap3A_694 = arith.constant 3 : i32
      %swap3A_695 = arith.index_cast %swap3A_694 : i32 to index
      %swap3A_696 = arith.index_cast %scan3A_606 : i32 to index
      %swap3A_697 = arith.constant 80 : index
      %swap3A_698 = tpu.vector_load %arg6[%swap3A_695, %swap3A_696, %swap3A_697] {strides = array<i32>} : memref<5x128x128xf32, #tpu.memory_space<vmem>>, vector<1x1x16xf32>,
      %swap3A_699 = vector.shape_cast %swap3A_698 : vector<1x1x16xf32> to vector<16xf32>
      %swap3A_700 = vector.shape_cast %mul3A_693 : vector<16xf32> to vector<1x1x16xf32>
      tpu.vector_store %arg6[%swap3A_695, %swap3A_696, %swap3A_697], %swap3A_700 {strides = array<i32>} : memref<5x128x128xf32, #tpu.memory_space<vmem>>, vector<1x1x16xf32>,
      %get3A_701 = arith.constant 3 : i32
      %get3A_702 = arith.index_cast %get3A_701 : i32 to index
      %get3A_703 = arith.index_cast %scan3A_606 : i32 to index
      %get3A_704 = arith.constant 96 : index
      %get3A_705 = tpu.vector_load %arg6[%get3A_702, %get3A_703, %get3A_704] {strides = array<i32>} : memref<5x128x128xf32, #tpu.memory_space<vmem>>, vector<1x1x16xf32>,
      %get3A_706 = vector.shape_cast %get3A_705 : vector<1x1x16xf32> to vector<16xf32>
      %mul3A_707 = arith.constant 11.3137083 : f32
      %mul3A_708 = vector.broadcast %mul3A_707 : f32 to vector<16xf32>
      %mul3A_709 = arith.mulf %get3A_706, %mul3A_708 : vector<16xf32>
      %swap3A_710 = arith.constant 3 : i32
      %swap3A_711 = arith.index_cast %swap3A_710 : i32 to index
      %swap3A_712 = arith.index_cast %scan3A_606 : i32 to index
      %swap3A_713 = arith.constant 96 : index
      %swap3A_714 = tpu.vector_load %arg6[%swap3A_711, %swap3A_712, %swap3A_713] {strides = array<i32>} : memref<5x128x128xf32, #tpu.memory_space<vmem>>, vector<1x1x16xf32>,
      %swap3A_715 = vector.shape_cast %swap3A_714 : vector<1x1x16xf32> to vector<16xf32>
      %swap3A_716 = vector.shape_cast %mul3A_709 : vector<16xf32> to vector<1x1x16xf32>
      tpu.vector_store %arg6[%swap3A_711, %swap3A_712, %swap3A_713], %swap3A_716 {strides = array<i32>} : memref<5x128x128xf32, #tpu.memory_space<vmem>>, vector<1x1x16xf32>,
      %get3A_717 = arith.constant 3 : i32
      %get3A_718 = arith.index_cast %get3A_717 : i32 to index
      %get3A_719 = arith.index_cast %scan3A_606 : i32 to index
      %get3A_720 = arith.constant 112 : index
      %get3A_721 = tpu.vector_load %arg6[%get3A_718, %get3A_719, %get3A_720] {strides = array<i32>} : memref<5x128x128xf32, #tpu.memory_space<vmem>>, vector<1x1x16xf32>,
      %get3A_722 = vector.shape_cast %get3A_721 : vector<1x1x16xf32> to vector<16xf32>
      %mul3A_723 = arith.constant 11.3137083 : f32
      %mul3A_724 = vector.broadcast %mul3A_723 : f32 to vector<16xf32>
      %mul3A_725 = arith.mulf %get3A_722, %mul3A_724 : vector<16xf32>
      %swap3A_726 = arith.constant 3 : i32
      %swap3A_727 = arith.index_cast %swap3A_726 : i32 to index
      %swap3A_728 = arith.index_cast %scan3A_606 : i32 to index
      %swap3A_729 = arith.constant 112 : index
      %swap3A_730 = tpu.vector_load %arg6[%swap3A_727, %swap3A_728, %swap3A_729] {strides = array<i32>} : memref<5x128x128xf32, #tpu.memory_space<vmem>>, vector<1x1x16xf32>,
      %swap3A_731 = vector.shape_cast %swap3A_730 : vector<1x1x16xf32> to vector<16xf32>
      %swap3A_732 = vector.shape_cast %mul3A_725 : vector<16xf32> to vector<1x1x16xf32>
      tpu.vector_store %arg6[%swap3A_727, %swap3A_728, %swap3A_729], %swap3A_732 {strides = array<i32>} : memref<5x128x128xf32, #tpu.memory_space<vmem>>, vector<1x1x16xf32>,
    }
    %scan3A_497 = arith.constant 128 : i32
    %add3A_498 = arith.constant 25344 : i32
    %add3A_499 = arith.addi %mul3A_2, %add3A_498 : i32
    %dma_start3A_500 = arith.constant 3 : i32
    %dma_start3A_501 = arith.constant 0 : i32
    %dma_start3A_502 = arith.constant 0 : i32
    %dma_start3A_503 = tpu.memref_slice %arg6[%dma_start3A_500, %dma_start3A_501, %dma_start3A_502] : memref<5x128x128xf32, #tpu.memory_space<vmem>> -> memref<1x128x128xf32, #tpu.memory_space<vmem>>
    %dma_start3A_504 = tpu.memref_squeeze %dma_start3A_503 : memref<1x128x128xf32, #tpu.memory_space<vmem>> -> memref<128x128xf32, #tpu.memory_space<vmem>>
    %dma_start3A_505 = arith.constant 0 : i32
    %dma_start3A_506 = tpu.memref_slice %arg4[%add3A_499, %dma_start3A_505] : memref<819200x128xf32, #tpu.memory_space<hbm>> -> memref<128x128xf32, #tpu.memory_space<hbm>>
    %dma_start3A_507 = arith.constant 0 : i32
    %dma_start3A_508 = tpu.memref_slice %arg4[%add3A_499, %dma_start3A_507] : memref<819200x128xf32, #tpu.memory_space<hbm>> -> memref<128x128xf32, #tpu.memory_space<hbm>>
    %dma_start3A_509 = arith.constant 0 : i32
    %dma_start3A_510 = arith.constant 0 : i32
    %dma_start3A_511 = tpu.memref_slice %arg6[%dma_start3A_500, %dma_start3A_509, %dma_start3A_510] : memref<5x128x128xf32, #tpu.memory_space<vmem>> -> memref<1x128x128xf32, #tpu.memory_space<vmem>>
    %dma_start3A_512 = tpu.memref_squeeze %dma_start3A_511 : memref<1x128x128xf32, #tpu.memory_space<vmem>> -> memref<128x128xf32, #tpu.memory_space<vmem>>
    tpu.enqueue_dma source(%dma_start3A_512 : memref<128x128xf32, #tpu.memory_space<vmem>>) target(%dma_start3A_508 : memref<128x128xf32, #tpu.memory_space<hbm>>) target_semaphore(%arg8 : memref<!tpu.dma_semaphore, #tpu.memory_space<semaphore_mem>>)
    %add3A_513 = arith.constant 25088 : i32
    %add3A_514 = arith.addi %mul3A_2, %add3A_513 : i32
    %dma_wait3A_515 = arith.constant 1 : i32
    %dma_wait3A_516 = arith.constant 0 : i32
    %dma_wait3A_517 = arith.constant 0 : i32
    %dma_wait3A_518 = tpu.memref_slice %arg6[%dma_wait3A_515, %dma_wait3A_516, %dma_wait3A_517] : memref<5x128x128xf32, #tpu.memory_space<vmem>> -> memref<1x128x128xf32, #tpu.memory_space<vmem>>
    %dma_wait3A_519 = tpu.memref_squeeze %dma_wait3A_518 : memref<1x128x128xf32, #tpu.memory_space<vmem>> -> memref<128x128xf32, #tpu.memory_space<vmem>>
    %dma_wait3A_520 = arith.constant 0 : i32
    %dma_wait3A_521 = tpu.memref_slice %arg4[%add3A_514, %dma_wait3A_520] : memref<819200x128xf32, #tpu.memory_space<hbm>> -> memref<128x128xf32, #tpu.memory_space<hbm>>
    %dma_wait3A_522 = arith.constant 0 : i32
    %dma_wait3A_523 = tpu.memref_slice %arg4[%add3A_514, %dma_wait3A_522] : memref<819200x128xf32, #tpu.memory_space<hbm>> -> memref<128x128xf32, #tpu.memory_space<hbm>>
    %dma_wait3A_524 = arith.constant 0 : i32
    %dma_wait3A_525 = arith.constant 0 : i32
    %dma_wait3A_526 = tpu.memref_slice %arg6[%dma_wait3A_515, %dma_wait3A_524, %dma_wait3A_525] : memref<5x128x128xf32, #tpu.memory_space<vmem>> -> memref<1x128x128xf32, #tpu.memory_space<vmem>>
    %dma_wait3A_527 = tpu.memref_squeeze %dma_wait3A_526 : memref<1x128x128xf32, #tpu.memory_space<vmem>> -> memref<128x128xf32, #tpu.memory_space<vmem>>
    tpu.wait_dma2 semaphore(%arg8 : memref<!tpu.dma_semaphore, #tpu.memory_space<semaphore_mem>>) src(%dma_wait3A_527 : memref<128x128xf32, #tpu.memory_space<vmem>>) dst(%dma_wait3A_523 : memref<128x128xf32, #tpu.memory_space<hbm>>)
    %dma_wait3A_528 = arith.constant 199 : i32
    %dma_wait3A_529 = arith.constant 4 : i32
    %dma_wait3A_530 = arith.constant 0 : i32
    %dma_wait3A_531 = arith.constant 0 : i32
    %dma_wait3A_532 = tpu.memref_slice %arg6[%dma_wait3A_529, %dma_wait3A_530, %dma_wait3A_531] : memref<5x128x128xf32, #tpu.memory_space<vmem>> -> memref<1x128x128xf32, #tpu.memory_space<vmem>>
    %dma_wait3A_533 = tpu.memref_squeeze %dma_wait3A_532 : memref<1x128x128xf32, #tpu.memory_space<vmem>> -> memref<128x128xf32, #tpu.memory_space<vmem>>
    %dma_wait3A_534 = arith.constant 0 : i32
    %dma_wait3A_535 = tpu.memref_slice %arg5[%dma_wait3A_528, %dma_wait3A_534] : memref<200x128xi32, #tpu.memory_space<vmem>> -> memref<1x128xi32, #tpu.memory_space<vmem>>
    %dma_wait3A_536 = tpu.memref_squeeze %dma_wait3A_535 : memref<1x128xi32, #tpu.memory_space<vmem>> -> memref<128xi32, #tpu.memory_space<vmem>>
    %dma_wait3A_537 = arith.constant 0 : i32
    %dma_wait3A_538 = arith.constant 0 : i32
    %dma_wait3A_539 = tpu.memref_slice %arg3[%dma_wait3A_537, %dma_wait3A_538] : memref<100000x128xf32, #tpu.memory_space<hbm>> -> memref<100000x128xf32, #tpu.memory_space<hbm>>
    tpu.wait_indirect_dma semaphore(%arg7 : memref<!tpu.dma_semaphore, #tpu.memory_space<semaphore_mem>>) src(%dma_wait3A_539 : memref<100000x128xf32, #tpu.memory_space<hbm>>) dst(%dma_wait3A_533 : memref<128x128xf32, #tpu.memory_space<vmem>>)
    %scan3A_540 = arith.constant 0 : i32
    %scan3A_541 = arith.constant 0 : i32
    %scan3A_542 = arith.constant 128 : i32
    %scan3A_543 = arith.addi %scan3A_541, %scan3A_542 : i32
    %scan3A_544 = arith.constant 1 : i32
    scf.for %scan3A_606 = %scan3A_541 to %scan3A_543 step %scan3A_544  : i32 {
      %get3A = arith.constant 4 : i32
      %get3A_607 = arith.index_cast %get3A : i32 to index
      %get3A_608 = arith.index_cast %scan3A_606 : i32 to index
      %get3A_609 = arith.constant 0 : index
      %get3A_610 = tpu.vector_load %arg6[%get3A_607, %get3A_608, %get3A_609] {strides = array<i32>} : memref<5x128x128xf32, #tpu.memory_space<vmem>>, vector<1x1x16xf32>,
      %get3A_611 = vector.shape_cast %get3A_610 : vector<1x1x16xf32> to vector<16xf32>
      %mul3A_612 = arith.constant 11.3137083 : f32
      %mul3A_613 = vector.broadcast %mul3A_612 : f32 to vector<16xf32>
      %mul3A_614 = arith.mulf %get3A_611, %mul3A_613 : vector<16xf32>
      %swap3A = arith.constant 4 : i32
      %swap3A_615 = arith.index_cast %swap3A : i32 to index
      %swap3A_616 = arith.index_cast %scan3A_606 : i32 to index
      %swap3A_617 = arith.constant 0 : index
      %swap3A_618 = tpu.vector_load %arg6[%swap3A_615, %swap3A_616, %swap3A_617] {strides = array<i32>} : memref<5x128x128xf32, #tpu.memory_space<vmem>>, vector<1x1x16xf32>,
      %swap3A_619 = vector.shape_cast %swap3A_618 : vector<1x1x16xf32> to vector<16xf32>
      %swap3A_620 = vector.shape_cast %mul3A_614 : vector<16xf32> to vector<1x1x16xf32>
      tpu.vector_store %arg6[%swap3A_615, %swap3A_616, %swap3A_617], %swap3A_620 {strides = array<i32>} : memref<5x128x128xf32, #tpu.memory_space<vmem>>, vector<1x1x16xf32>,
      %get3A_621 = arith.constant 4 : i32
      %get3A_622 = arith.index_cast %get3A_621 : i32 to index
      %get3A_623 = arith.index_cast %scan3A_606 : i32 to index
      %get3A_624 = arith.constant 16 : index
      %get3A_625 = tpu.vector_load %arg6[%get3A_622, %get3A_623, %get3A_624] {strides = array<i32>} : memref<5x128x128xf32, #tpu.memory_space<vmem>>, vector<1x1x16xf32>,
      %get3A_626 = vector.shape_cast %get3A_625 : vector<1x1x16xf32> to vector<16xf32>
      %mul3A_627 = arith.constant 11.3137083 : f32
      %mul3A_628 = vector.broadcast %mul3A_627 : f32 to vector<16xf32>
      %mul3A_629 = arith.mulf %get3A_626, %mul3A_628 : vector<16xf32>
      %swap3A_630 = arith.constant 4 : i32
      %swap3A_631 = arith.index_cast %swap3A_630 : i32 to index
      %swap3A_632 = arith.index_cast %scan3A_606 : i32 to index
      %swap3A_633 = arith.constant 16 : index
      %swap3A_634 = tpu.vector_load %arg6[%swap3A_631, %swap3A_632, %swap3A_633] {strides = array<i32>} : memref<5x128x128xf32, #tpu.memory_space<vmem>>, vector<1x1x16xf32>,
      %swap3A_635 = vector.shape_cast %swap3A_634 : vector<1x1x16xf32> to vector<16xf32>
      %swap3A_636 = vector.shape_cast %mul3A_629 : vector<16xf32> to vector<1x1x16xf32>
      tpu.vector_store %arg6[%swap3A_631, %swap3A_632, %swap3A_633], %swap3A_636 {strides = array<i32>} : memref<5x128x128xf32, #tpu.memory_space<vmem>>, vector<1x1x16xf32>,
      %get3A_637 = arith.constant 4 : i32
      %get3A_638 = arith.index_cast %get3A_637 : i32 to index
      %get3A_639 = arith.index_cast %scan3A_606 : i32 to index
      %get3A_640 = arith.constant 32 : index
      %get3A_641 = tpu.vector_load %arg6[%get3A_638, %get3A_639, %get3A_640] {strides = array<i32>} : memref<5x128x128xf32, #tpu.memory_space<vmem>>, vector<1x1x16xf32>,
      %get3A_642 = vector.shape_cast %get3A_641 : vector<1x1x16xf32> to vector<16xf32>
      %mul3A_643 = arith.constant 11.3137083 : f32
      %mul3A_644 = vector.broadcast %mul3A_643 : f32 to vector<16xf32>
      %mul3A_645 = arith.mulf %get3A_642, %mul3A_644 : vector<16xf32>
      %swap3A_646 = arith.constant 4 : i32
      %swap3A_647 = arith.index_cast %swap3A_646 : i32 to index
      %swap3A_648 = arith.index_cast %scan3A_606 : i32 to index
      %swap3A_649 = arith.constant 32 : index
      %swap3A_650 = tpu.vector_load %arg6[%swap3A_647, %swap3A_648, %swap3A_649] {strides = array<i32>} : memref<5x128x128xf32, #tpu.memory_space<vmem>>, vector<1x1x16xf32>,
      %swap3A_651 = vector.shape_cast %swap3A_650 : vector<1x1x16xf32> to vector<16xf32>
      %swap3A_652 = vector.shape_cast %mul3A_645 : vector<16xf32> to vector<1x1x16xf32>
      tpu.vector_store %arg6[%swap3A_647, %swap3A_648, %swap3A_649], %swap3A_652 {strides = array<i32>} : memref<5x128x128xf32, #tpu.memory_space<vmem>>, vector<1x1x16xf32>,
      %get3A_653 = arith.constant 4 : i32
      %get3A_654 = arith.index_cast %get3A_653 : i32 to index
      %get3A_655 = arith.index_cast %scan3A_606 : i32 to index
      %get3A_656 = arith.constant 48 : index
      %get3A_657 = tpu.vector_load %arg6[%get3A_654, %get3A_655, %get3A_656] {strides = array<i32>} : memref<5x128x128xf32, #tpu.memory_space<vmem>>, vector<1x1x16xf32>,
      %get3A_658 = vector.shape_cast %get3A_657 : vector<1x1x16xf32> to vector<16xf32>
      %mul3A_659 = arith.constant 11.3137083 : f32
      %mul3A_660 = vector.broadcast %mul3A_659 : f32 to vector<16xf32>
      %mul3A_661 = arith.mulf %get3A_658, %mul3A_660 : vector<16xf32>
      %swap3A_662 = arith.constant 4 : i32
      %swap3A_663 = arith.index_cast %swap3A_662 : i32 to index
      %swap3A_664 = arith.index_cast %scan3A_606 : i32 to index
      %swap3A_665 = arith.constant 48 : index
      %swap3A_666 = tpu.vector_load %arg6[%swap3A_663, %swap3A_664, %swap3A_665] {strides = array<i32>} : memref<5x128x128xf32, #tpu.memory_space<vmem>>, vector<1x1x16xf32>,
      %swap3A_667 = vector.shape_cast %swap3A_666 : vector<1x1x16xf32> to vector<16xf32>
      %swap3A_668 = vector.shape_cast %mul3A_661 : vector<16xf32> to vector<1x1x16xf32>
      tpu.vector_store %arg6[%swap3A_663, %swap3A_664, %swap3A_665], %swap3A_668 {strides = array<i32>} : memref<5x128x128xf32, #tpu.memory_space<vmem>>, vector<1x1x16xf32>,
      %get3A_669 = arith.constant 4 : i32
      %get3A_670 = arith.index_cast %get3A_669 : i32 to index
      %get3A_671 = arith.index_cast %scan3A_606 : i32 to index
      %get3A_672 = arith.constant 64 : index
      %get3A_673 = tpu.vector_load %arg6[%get3A_670, %get3A_671, %get3A_672] {strides = array<i32>} : memref<5x128x128xf32, #tpu.memory_space<vmem>>, vector<1x1x16xf32>,
      %get3A_674 = vector.shape_cast %get3A_673 : vector<1x1x16xf32> to vector<16xf32>
      %mul3A_675 = arith.constant 11.3137083 : f32
      %mul3A_676 = vector.broadcast %mul3A_675 : f32 to vector<16xf32>
      %mul3A_677 = arith.mulf %get3A_674, %mul3A_676 : vector<16xf32>
      %swap3A_678 = arith.constant 4 : i32
      %swap3A_679 = arith.index_cast %swap3A_678 : i32 to index
      %swap3A_680 = arith.index_cast %scan3A_606 : i32 to index
      %swap3A_681 = arith.constant 64 : index
      %swap3A_682 = tpu.vector_load %arg6[%swap3A_679, %swap3A_680, %swap3A_681] {strides = array<i32>} : memref<5x128x128xf32, #tpu.memory_space<vmem>>, vector<1x1x16xf32>,
      %swap3A_683 = vector.shape_cast %swap3A_682 : vector<1x1x16xf32> to vector<16xf32>
      %swap3A_684 = vector.shape_cast %mul3A_677 : vector<16xf32> to vector<1x1x16xf32>
      tpu.vector_store %arg6[%swap3A_679, %swap3A_680, %swap3A_681], %swap3A_684 {strides = array<i32>} : memref<5x128x128xf32, #tpu.memory_space<vmem>>, vector<1x1x16xf32>,
      %get3A_685 = arith.constant 4 : i32
      %get3A_686 = arith.index_cast %get3A_685 : i32 to index
      %get3A_687 = arith.index_cast %scan3A_606 : i32 to index
      %get3A_688 = arith.constant 80 : index
      %get3A_689 = tpu.vector_load %arg6[%get3A_686, %get3A_687, %get3A_688] {strides = array<i32>} : memref<5x128x128xf32, #tpu.memory_space<vmem>>, vector<1x1x16xf32>,
      %get3A_690 = vector.shape_cast %get3A_689 : vector<1x1x16xf32> to vector<16xf32>
      %mul3A_691 = arith.constant 11.3137083 : f32
      %mul3A_692 = vector.broadcast %mul3A_691 : f32 to vector<16xf32>
      %mul3A_693 = arith.mulf %get3A_690, %mul3A_692 : vector<16xf32>
      %swap3A_694 = arith.constant 4 : i32
      %swap3A_695 = arith.index_cast %swap3A_694 : i32 to index
      %swap3A_696 = arith.index_cast %scan3A_606 : i32 to index
      %swap3A_697 = arith.constant 80 : index
      %swap3A_698 = tpu.vector_load %arg6[%swap3A_695, %swap3A_696, %swap3A_697] {strides = array<i32>} : memref<5x128x128xf32, #tpu.memory_space<vmem>>, vector<1x1x16xf32>,
      %swap3A_699 = vector.shape_cast %swap3A_698 : vector<1x1x16xf32> to vector<16xf32>
      %swap3A_700 = vector.shape_cast %mul3A_693 : vector<16xf32> to vector<1x1x16xf32>
      tpu.vector_store %arg6[%swap3A_695, %swap3A_696, %swap3A_697], %swap3A_700 {strides = array<i32>} : memref<5x128x128xf32, #tpu.memory_space<vmem>>, vector<1x1x16xf32>,
      %get3A_701 = arith.constant 4 : i32
      %get3A_702 = arith.index_cast %get3A_701 : i32 to index
      %get3A_703 = arith.index_cast %scan3A_606 : i32 to index
      %get3A_704 = arith.constant 96 : index
      %get3A_705 = tpu.vector_load %arg6[%get3A_702, %get3A_703, %get3A_704] {strides = array<i32>} : memref<5x128x128xf32, #tpu.memory_space<vmem>>, vector<1x1x16xf32>,
      %get3A_706 = vector.shape_cast %get3A_705 : vector<1x1x16xf32> to vector<16xf32>
      %mul3A_707 = arith.constant 11.3137083 : f32
      %mul3A_708 = vector.broadcast %mul3A_707 : f32 to vector<16xf32>
      %mul3A_709 = arith.mulf %get3A_706, %mul3A_708 : vector<16xf32>
      %swap3A_710 = arith.constant 4 : i32
      %swap3A_711 = arith.index_cast %swap3A_710 : i32 to index
      %swap3A_712 = arith.index_cast %scan3A_606 : i32 to index
      %swap3A_713 = arith.constant 96 : index
      %swap3A_714 = tpu.vector_load %arg6[%swap3A_711, %swap3A_712, %swap3A_713] {strides = array<i32>} : memref<5x128x128xf32, #tpu.memory_space<vmem>>, vector<1x1x16xf32>,
      %swap3A_715 = vector.shape_cast %swap3A_714 : vector<1x1x16xf32> to vector<16xf32>
      %swap3A_716 = vector.shape_cast %mul3A_709 : vector<16xf32> to vector<1x1x16xf32>
      tpu.vector_store %arg6[%swap3A_711, %swap3A_712, %swap3A_713], %swap3A_716 {strides = array<i32>} : memref<5x128x128xf32, #tpu.memory_space<vmem>>, vector<1x1x16xf32>,
      %get3A_717 = arith.constant 4 : i32
      %get3A_718 = arith.index_cast %get3A_717 : i32 to index
      %get3A_719 = arith.index_cast %scan3A_606 : i32 to index
      %get3A_720 = arith.constant 112 : index
      %get3A_721 = tpu.vector_load %arg6[%get3A_718, %get3A_719, %get3A_720] {strides = array<i32>} : memref<5x128x128xf32, #tpu.memory_space<vmem>>, vector<1x1x16xf32>,
      %get3A_722 = vector.shape_cast %get3A_721 : vector<1x1x16xf32> to vector<16xf32>
      %mul3A_723 = arith.constant 11.3137083 : f32
      %mul3A_724 = vector.broadcast %mul3A_723 : f32 to vector<16xf32>
      %mul3A_725 = arith.mulf %get3A_722, %mul3A_724 : vector<16xf32>
      %swap3A_726 = arith.constant 4 : i32
      %swap3A_727 = arith.index_cast %swap3A_726 : i32 to index
      %swap3A_728 = arith.index_cast %scan3A_606 : i32 to index
      %swap3A_729 = arith.constant 112 : index
      %swap3A_730 = tpu.vector_load %arg6[%swap3A_727, %swap3A_728, %swap3A_729] {strides = array<i32>} : memref<5x128x128xf32, #tpu.memory_space<vmem>>, vector<1x1x16xf32>,
      %swap3A_731 = vector.shape_cast %swap3A_730 : vector<1x1x16xf32> to vector<16xf32>
      %swap3A_732 = vector.shape_cast %mul3A_725 : vector<16xf32> to vector<1x1x16xf32>
      tpu.vector_store %arg6[%swap3A_727, %swap3A_728, %swap3A_729], %swap3A_732 {strides = array<i32>} : memref<5x128x128xf32, #tpu.memory_space<vmem>>, vector<1x1x16xf32>,
    }
    %scan3A_545 = arith.constant 128 : i32
    %add3A_546 = arith.constant 25472 : i32
    %add3A_547 = arith.addi %mul3A_2, %add3A_546 : i32
    %dma_start3A_548 = arith.constant 4 : i32
    %dma_start3A_549 = arith.constant 0 : i32
    %dma_start3A_550 = arith.constant 0 : i32
    %dma_start3A_551 = tpu.memref_slice %arg6[%dma_start3A_548, %dma_start3A_549, %dma_start3A_550] : memref<5x128x128xf32, #tpu.memory_space<vmem>> -> memref<1x128x128xf32, #tpu.memory_space<vmem>>
    %dma_start3A_552 = tpu.memref_squeeze %dma_start3A_551 : memref<1x128x128xf32, #tpu.memory_space<vmem>> -> memref<128x128xf32, #tpu.memory_space<vmem>>
    %dma_start3A_553 = arith.constant 0 : i32
    %dma_start3A_554 = tpu.memref_slice %arg4[%add3A_547, %dma_start3A_553] : memref<819200x128xf32, #tpu.memory_space<hbm>> -> memref<128x128xf32, #tpu.memory_space<hbm>>
    %dma_start3A_555 = arith.constant 0 : i32
    %dma_start3A_556 = tpu.memref_slice %arg4[%add3A_547, %dma_start3A_555] : memref<819200x128xf32, #tpu.memory_space<hbm>> -> memref<128x128xf32, #tpu.memory_space<hbm>>
    %dma_start3A_557 = arith.constant 0 : i32
    %dma_start3A_558 = arith.constant 0 : i32
    %dma_start3A_559 = tpu.memref_slice %arg6[%dma_start3A_548, %dma_start3A_557, %dma_start3A_558] : memref<5x128x128xf32, #tpu.memory_space<vmem>> -> memref<1x128x128xf32, #tpu.memory_space<vmem>>
    %dma_start3A_560 = tpu.memref_squeeze %dma_start3A_559 : memref<1x128x128xf32, #tpu.memory_space<vmem>> -> memref<128x128xf32, #tpu.memory_space<vmem>>
    tpu.enqueue_dma source(%dma_start3A_560 : memref<128x128xf32, #tpu.memory_space<vmem>>) target(%dma_start3A_556 : memref<128x128xf32, #tpu.memory_space<hbm>>) target_semaphore(%arg8 : memref<!tpu.dma_semaphore, #tpu.memory_space<semaphore_mem>>)
    %add3A_561 = arith.constant 25216 : i32
    %add3A_562 = arith.addi %mul3A_2, %add3A_561 : i32
    %dma_wait3A_563 = arith.constant 2 : i32
    %dma_wait3A_564 = arith.constant 0 : i32
    %dma_wait3A_565 = arith.constant 0 : i32
    %dma_wait3A_566 = tpu.memref_slice %arg6[%dma_wait3A_563, %dma_wait3A_564, %dma_wait3A_565] : memref<5x128x128xf32, #tpu.memory_space<vmem>> -> memref<1x128x128xf32, #tpu.memory_space<vmem>>
    %dma_wait3A_567 = tpu.memref_squeeze %dma_wait3A_566 : memref<1x128x128xf32, #tpu.memory_space<vmem>> -> memref<128x128xf32, #tpu.memory_space<vmem>>
    %dma_wait3A_568 = arith.constant 0 : i32
    %dma_wait3A_569 = tpu.memref_slice %arg4[%add3A_562, %dma_wait3A_568] : memref<819200x128xf32, #tpu.memory_space<hbm>> -> memref<128x128xf32, #tpu.memory_space<hbm>>
    %dma_wait3A_570 = arith.constant 0 : i32
    %dma_wait3A_571 = tpu.memref_slice %arg4[%add3A_562, %dma_wait3A_570] : memref<819200x128xf32, #tpu.memory_space<hbm>> -> memref<128x128xf32, #tpu.memory_space<hbm>>
    %dma_wait3A_572 = arith.constant 0 : i32
    %dma_wait3A_573 = arith.constant 0 : i32
    %dma_wait3A_574 = tpu.memref_slice %arg6[%dma_wait3A_563, %dma_wait3A_572, %dma_wait3A_573] : memref<5x128x128xf32, #tpu.memory_space<vmem>> -> memref<1x128x128xf32, #tpu.memory_space<vmem>>
    %dma_wait3A_575 = tpu.memref_squeeze %dma_wait3A_574 : memref<1x128x128xf32, #tpu.memory_space<vmem>> -> memref<128x128xf32, #tpu.memory_space<vmem>>
    tpu.wait_dma2 semaphore(%arg8 : memref<!tpu.dma_semaphore, #tpu.memory_space<semaphore_mem>>) src(%dma_wait3A_575 : memref<128x128xf32, #tpu.memory_space<vmem>>) dst(%dma_wait3A_571 : memref<128x128xf32, #tpu.memory_space<hbm>>)
    %add3A_576 = arith.constant 25344 : i32
    %add3A_577 = arith.addi %mul3A_2, %add3A_576 : i32
    %dma_wait3A_578 = arith.constant 3 : i32
    %dma_wait3A_579 = arith.constant 0 : i32
    %dma_wait3A_580 = arith.constant 0 : i32
    %dma_wait3A_581 = tpu.memref_slice %arg6[%dma_wait3A_578, %dma_wait3A_579, %dma_wait3A_580] : memref<5x128x128xf32, #tpu.memory_space<vmem>> -> memref<1x128x128xf32, #tpu.memory_space<vmem>>
    %dma_wait3A_582 = tpu.memref_squeeze %dma_wait3A_581 : memref<1x128x128xf32, #tpu.memory_space<vmem>> -> memref<128x128xf32, #tpu.memory_space<vmem>>
    %dma_wait3A_583 = arith.constant 0 : i32
    %dma_wait3A_584 = tpu.memref_slice %arg4[%add3A_577, %dma_wait3A_583] : memref<819200x128xf32, #tpu.memory_space<hbm>> -> memref<128x128xf32, #tpu.memory_space<hbm>>
    %dma_wait3A_585 = arith.constant 0 : i32
    %dma_wait3A_586 = tpu.memref_slice %arg4[%add3A_577, %dma_wait3A_585] : memref<819200x128xf32, #tpu.memory_space<hbm>> -> memref<128x128xf32, #tpu.memory_space<hbm>>
    %dma_wait3A_587 = arith.constant 0 : i32
    %dma_wait3A_588 = arith.constant 0 : i32
    %dma_wait3A_589 = tpu.memref_slice %arg6[%dma_wait3A_578, %dma_wait3A_587, %dma_wait3A_588] : memref<5x128x128xf32, #tpu.memory_space<vmem>> -> memref<1x128x128xf32, #tpu.memory_space<vmem>>
    %dma_wait3A_590 = tpu.memref_squeeze %dma_wait3A_589 : memref<1x128x128xf32, #tpu.memory_space<vmem>> -> memref<128x128xf32, #tpu.memory_space<vmem>>
    tpu.wait_dma2 semaphore(%arg8 : memref<!tpu.dma_semaphore, #tpu.memory_space<semaphore_mem>>) src(%dma_wait3A_590 : memref<128x128xf32, #tpu.memory_space<vmem>>) dst(%dma_wait3A_586 : memref<128x128xf32, #tpu.memory_space<hbm>>)
    %add3A_591 = arith.constant 25472 : i32
    %add3A_592 = arith.addi %mul3A_2, %add3A_591 : i32
    %dma_wait3A_593 = arith.constant 4 : i32
    %dma_wait3A_594 = arith.constant 0 : i32
    %dma_wait3A_595 = arith.constant 0 : i32
    %dma_wait3A_596 = tpu.memref_slice %arg6[%dma_wait3A_593, %dma_wait3A_594, %dma_wait3A_595] : memref<5x128x128xf32, #tpu.memory_space<vmem>> -> memref<1x128x128xf32, #tpu.memory_space<vmem>>
    %dma_wait3A_597 = tpu.memref_squeeze %dma_wait3A_596 : memref<1x128x128xf32, #tpu.memory_space<vmem>> -> memref<128x128xf32, #tpu.memory_space<vmem>>
    %dma_wait3A_598 = arith.constant 0 : i32
    %dma_wait3A_599 = tpu.memref_slice %arg4[%add3A_592, %dma_wait3A_598] : memref<819200x128xf32, #tpu.memory_space<hbm>> -> memref<128x128xf32, #tpu.memory_space<hbm>>
    %dma_wait3A_600 = arith.constant 0 : i32
    %dma_wait3A_601 = tpu.memref_slice %arg4[%add3A_592, %dma_wait3A_600] : memref<819200x128xf32, #tpu.memory_space<hbm>> -> memref<128x128xf32, #tpu.memory_space<hbm>>
    %dma_wait3A_602 = arith.constant 0 : i32
    %dma_wait3A_603 = arith.constant 0 : i32
    %dma_wait3A_604 = tpu.memref_slice %arg6[%dma_wait3A_593, %dma_wait3A_602, %dma_wait3A_603] : memref<5x128x128xf32, #tpu.memory_space<vmem>> -> memref<1x128x128xf32, #tpu.memory_space<vmem>>
    %dma_wait3A_605 = tpu.memref_squeeze %dma_wait3A_604 : memref<1x128x128xf32, #tpu.memory_space<vmem>> -> memref<128x128xf32, #tpu.memory_space<vmem>>
    tpu.wait_dma2 semaphore(%arg8 : memref<!tpu.dma_semaphore, #tpu.memory_space<semaphore_mem>>) src(%dma_wait3A_605 : memref<128x128xf32, #tpu.memory_space<vmem>>) dst(%dma_wait3A_601 : memref<128x128xf32, #tpu.memory_space<hbm>>)
    return
  }
}

</mosaic_0001>

<sc_bundles>
// kernel: kernel.3.cloned.1.call-start
scs
__scs_entry_jumppad:
0x0: {  	(pc) =	sbr.rel $0x88, $3  }
0x1: {  	(tag) =	ssettag $0x0;
	lr =	simm.s32 $0x1  }
0x2: {  	[smem:$0x3F9F] =	sst lr;
	_ =	strace $0xD0000000  }
0x3: {  	_ = 	snop  }
0x4: {  	_ = 	snop  }
0x5: {  	_ = 	snop  }
0x6: {  	_ = 	snop  }
0x7: {  	_ = 	snop  }
__scs_overlays_trampoline_lowered:
0x8: {  	[smem:$0x3FAE] =	sst s0  }
0x9: {  	[smem:$0x3FAF] =	sst s1  }
0xa: {  	[smem:$0x3FB0] =	sst s2  }
0xb: {  	[smem:$0x3FB1] =	sst s3  }
0xc: {  	[smem:$0x3FB2] =	sst s4  }
0xd: {  	[smem:$0x3FB3] =	sst s5  }
0xe: {  	[smem:$0x3FB4] =	sst s6  }
0xf: {  	[smem:$0x3FB5] =	sst s7  }
0x10: {  	[smem:$0x3FB6] =	sst s8  }
0x11: {  	[smem:$0x3FB7] =	sst s9;
	s0 =	simm.s32 @!p0 $0x0  }
0x12: {  	s1 =	sld [smem:$0x3F9D];
	s0 =	simm.s32 @p0 $0x1  }
0x13: {  	[smem:$0x3FB8] =	sst s0;
	s0 =	simm.s32 @!p1 $0x0  }
0x14: {  	s2 =	sld [smem:$0x3F9C];
	s0 =	simm.s32 @p1 $0x1  }
0x15: {  	[smem:$0x3FB9] =	sst s0;
	s0 =	simm.s32 @!p2 $0x0  }
0x16: {  	s3 =	sld [smem:$0x3FDB];
	s0 =	simm.s32 @p2 $0x1  }
0x17: {  	s4 =	simm.s32 $0x1BF5;
	[smem:$0x3FBB] =	sst s0  }
0x18: {  	s0 =	sld [smem:$0x3F9E];
	_ =	swait.ge [sflag:s4], $0x0  }
0x19: {  	s7 =	sld [smem:$0x3F9F]  }
0x1a: {  	s8 =	sadd.s32 $0xFFFFE003, lr  }
0x1b: {  	s9 =	sadd.s32 $0xFFFFFEF7, lr;
	s5 =	simm.s32 $0xFFFFFFFF;
	p2 =	slt.u32 s8, $0xFFFFF086  }
0x1c: {  	p1 =	slt.u32 s9, $0xF7A;
	s5 =	simm.s32 @!p2 $0x0  }
0x1d: {  	s5 =	simm.s32 @p1 $0x1;
	p0 =	seq.s32 s7, s2  }
0x1e: {  	s7 =	smul.u32 @!p0 $0xF7A, s2;
	p2 =	seq.s32 @!p0 s5, $0x0  }
0x1f: {  	s9 =	smul.u32 $0xF7A, s1;
	s8 =	simm.s32 @!p0 $0x1BF5;
	p2 =	por !p2, p0  }
0x20: {  	[sflag:s8] =	ssyncset.s32 @!p0 $0xFFFFF086;
	s6 =	sadd.s32 @!p0 s3, s7;
	s7 =	simm.s32 @!p0 $0x108  }
0x21: {  	s3 =	sadd.s32 s3, s9;
	s6 =	sadd.s32 @!p0 $0x88, s6;
	s7 =	simm.s32 @p2 $0x1082  }
0x22: {  	[simem:s7], [sflag:s8] =	dma.local @!p0 [hbm:s6], $0xF7A  }
0x23: {  	s9 =	sor.u32 $0xD0000000, s2;
	s6 =	simm.s32 $0x108;
	_ =	swait.ge @!p0 [sflag:s8], $0x0  }
0x24: {  	s3 =	sadd.s32 $0x88, s3;
	s6 =	simm.s32 @!p1 $0x1082;
	[sflag:s4] =	ssyncset.s32 $0xFFFFF086  }
0x25: {  	[simem:s6], [sflag:s4] =	dma.local [hbm:s3], $0xF7A  }
0x26: {  	[smem:$0x3F9F] =	sst s1;
	(tag) =	ssettag s2;
	_ =	strace s9  }
0x27: {  	s1 =	sld [smem:$0x3FAF]  }
0x28: {  	s2 =	sld [smem:$0x3FB0]  }
0x29: {  	s4 =	sld [smem:$0x3FB2]  }
0x2a: {  	p0 =	seq.s32 s5, $0x0;
	s5 =	sld [smem:$0x3FB3]  }
0x2b: {  	s6 =	sld [smem:$0x3FB4]  }
0x2c: {  	s7 =	sld [smem:$0x3FB5]  }
0x2d: {  	s3 =	simm.s32 $0x108;
	s8 =	sld [smem:$0x3FB6]  }
0x2e: {  	s3 =	simm.s32 @!p0 $0x1082;
	s9 =	sld [smem:$0x3FB7]  }
0x2f: {  	lr =	sadd.s32 s0, s3;
	s0 =	sld [smem:$0x3FAE]  }
0x30: {  	s3 =	sld [smem:$0x3FB1]  }
0x31: {  	[smem:$0x3FBA] =	sst s10  }
0x32: {  	s10 =	sld [smem:$0x3FB8];
	_ =	sdelay $0x3  }
0x33: {  	p0 =	seq.s32 s10, $0x1;
	s10 =	sld [smem:$0x3FBA];
	_ =	sdelay $0x3  }
0x34: {  	[smem:$0x3FBA] =	sst s10  }
0x35: {  	s10 =	sld [smem:$0x3FB9];
	_ =	sdelay $0x3  }
0x36: {  	p1 =	seq.s32 s10, $0x1;
	s10 =	sld [smem:$0x3FBA];
	_ =	sdelay $0x3  }
0x37: {  	[smem:$0x3FBA] =	sst s10  }
0x38: {  	s10 =	sld [smem:$0x3FBB]  }
0x39: {  	_ = 	snop;
	(pc) =	sbr.ind lr, $3  }
0x3a: {  	_ = 	snop  }
0x3b: {  	_ = 	snop  }
0x3c: {  	p2 =	seq.s32 s10, $0x1;
	s10 =	sld [smem:$0x3FBA]  }
0x3d: {  	_ =	shalt  }
0x3e: {  	_ =	shalt  }
0x3f: {  	_ =	shalt  }
0x40: {  	_ =	shalt  }
0x41: {  	_ =	shalt  }
0x42: {  	_ =	shalt  }
0x43: {  	_ =	shalt  }
0x44: {  	_ =	shalt  }
0x45: {  	_ =	shalt  }
0x46: {  	_ =	shalt  }
0x47: {  	_ =	shalt  }
0x48: {  	_ =	shalt  }
0x49: {  	_ =	shalt  }
0x4a: {  	_ =	shalt  }
0x4b: {  	_ =	shalt  }
0x4c: {  	_ =	shalt  }
0x4d: {  	_ =	shalt  }
0x4e: {  	_ =	shalt  }
0x4f: {  	_ =	shalt  }
0x50: {  	_ =	shalt  }
0x51: {  	_ =	shalt  }
0x52: {  	_ =	shalt  }
0x53: {  	_ =	shalt  }
0x54: {  	_ =	shalt  }
0x55: {  	_ =	shalt  }
0x56: {  	_ =	shalt  }
0x57: {  	_ =	shalt  }
0x58: {  	_ =	shalt  }
0x59: {  	_ =	shalt  }
0x5a: {  	_ =	shalt  }
0x5b: {  	_ =	shalt  }
0x5c: {  	_ =	shalt  }
0x5d: {  	_ =	shalt  }
0x5e: {  	_ =	shalt  }
0x5f: {  	_ =	shalt  }
0x60: {  	_ =	shalt  }
0x61: {  	_ =	shalt  }
0x62: {  	_ =	shalt  }
0x63: {  	_ =	shalt  }
0x64: {  	_ =	shalt  }
0x65: {  	_ =	shalt  }
0x66: {  	_ =	shalt  }
0x67: {  	_ =	shalt  }
0x68: {  	_ =	shalt  }
0x69: {  	_ =	shalt  }
0x6a: {  	_ =	shalt  }
0x6b: {  	_ =	shalt  }
0x6c: {  	_ =	shalt  }
0x6d: {  	_ =	shalt  }
0x6e: {  	_ =	shalt  }
0x6f: {  	_ =	shalt  }
0x70: {  	_ =	shalt  }
0x71: {  	_ =	shalt  }
0x72: {  	_ =	shalt  }
0x73: {  	_ =	shalt  }
0x74: {  	_ =	shalt  }
0x75: {  	_ =	shalt  }
0x76: {  	_ =	shalt  }
0x77: {  	_ =	shalt  }
0x78: {  	_ =	shalt  }
0x79: {  	_ =	shalt  }
0x7a: {  	_ =	shalt  }
0x7b: {  	_ =	shalt  }
0x7c: {  	_ =	shalt  }
0x7d: {  	_ =	shalt  }
0x7e: {  	_ =	shalt  }
0x7f: {  	_ =	shalt  }
0x80: {  	_ =	shalt  }
0x81: {  	_ =	shalt  }
0x82: {  	_ =	shalt  }
0x83: {  	_ =	shalt  }
0x84: {  	_ =	shalt  }
0x85: {  	_ =	shalt  }
0x86: {  	_ =	shalt  }
0x87: {  	_ =	shalt  }
.Lfunc_end0:
.L_simem_size_0:
called_computation_lowered:
.L_overlay_start_0:
0x88: {  	s2 =	sld [smem:$0x3FD9]  }
0x89: {  	s3 =	sld [smem:$0x3FFE];
	_ =	sdelay $0x1  }
0x8a: {  	s1 =	srdreg.scid  }
0x8b: {  	s0 =	sand.u32 $0x1, s1  }
0x8c: {  	s17 =	sshll.u32 s0, $0xA;
	s2 =	sadd.s32 s3, s2  }
0x8d: {  	s2 =	sadd.s32 s2, s17  }
0x8e: {  	[smem:$0x3FC6] =	sst s2  }
0x8f: {  	_ = 	snop  }
0x90: {  	s2 =	sld [smem:$0x3FC8]  }
0x91: {  	s18 =	sld [smem:$0x3FD0];
	(tm) =	ssettm $0x1  }
0x92: {  	s4 =	sld [smem:$0x3FFB];
	_ =	sdelay $0x3  }
0x93: {  	_ =	strace s4  }
0x94: {  	s4 =	sld [smem:$0x3FFC];
	_ =	sdelay $0x3  }
0x95: {  	_ =	strace s4  }
0x96: {  	s4 =	sld [smem:$0x3FFD];
	_ =	sdelay $0x3  }
0x97: {  	_ =	strace s4  }
0x98: {  	_ =	strace $0x8FFFFFFF  }
0x99: {  	s19 =	sld [smem:$0x3FDB];
	_ =	sdelay $0x1  }
0x9a: {  	s5 =	simm.s32 $_scs_section_size  }
0x9b: {  	s6 =	simm.s32 $_size__tile_overlayer_lowered;
	s7 =	simm.s32 $_tile_overlayer_lowered  }
0x9c: {  	s22 =	simm.s32 $0x1BFF;
	s21 =	sshll.u32 s7, $0x1;
	s4 =	sadd.s32 s5, s19  }
0x9d: {  	s8 =	simm.s32 $0x0;
	s20 =	sshll.u32 s6, $0x1;
	s6 =	sadd.s32 s21, s4  }
0x9e: {  	[timem:s8], [sflag:s22] =	dma.local [hbm:s6], s20  }
0x9f: {  	_ =	swait.ge [sflag:s22], s20  }
0xa0: {  	s5 =	ssub.s32 $0x0, s20;
	[sflag:s22] =	ssyncset.done $0x0  }
0xa1: {  	[sflag:s22] =	ssyncadd.s32 s5;
	_ =	sdelay $0x1  }
0xa2: {  	s23 =	simm.s32 $0x1B8B  }
0xa3: {  	_ =	swait.ge [sflag:s23], $0x1  }
0xa4: {  	[sflag:s23] =	ssyncset.done $0x0  }
0xa5: {  	s25 =	simm.s32 $0x1B8E;
	s24 =	sld [smem:$0x3FFE];
	[sflag:s23] =	ssyncadd.s32 $0xFFFFFFFF  }
0xa6: {  	s26 =	simm.s32 $execute0_lowered;
	[smem:$0x3FD2] =	sst s25  }
0xa7: {  	s6 =	sshll.u32 s26, $0x1;
	_ =	strace $0x80000046;
	[dreg:$0x1] =	wrdreg $0xFFFFFFFF  }
0xa8: {  	s28 =	simm.s32 $_size_execute0_lowered;
	s4 =	sadd.s32 s4, s6;
	[dreg:$0x0] =	wrdreg $0x0  }
0xa9: {  	s6 =	sshll.u32 s28, $0x1;
	[dreg:$0x2] =	wrdreg s4  }
0xaa: {  	[dreg:$0x3] =	wrdreg s6  }
0xab: {  	[dreg:$0x4] =	wrdreg $0xC0  }
0xac: {  	_ =	task [dreg:s8], $0x5FFFF  }
0xad: {  	[dreg:$0x1] =	wrdreg $0xFFFFFFFF  }
0xae: {  	[dreg:$0x0] =	wrdreg $0x60  }
0xaf: {  	[dreg:$0x2] =	wrdreg s24  }
0xb0: {  	[dreg:$0x3] =	wrdreg s2  }
0xb1: {  	[dreg:$0x4] =	wrdreg s18  }
0xb2: {  	[dreg:$0x5] =	wrdreg $0x9  }
0xb3: {  	_ =	task.clear_ibuf [dreg:s8], $0x6FFFF;
	_ =	strace $0x90000046  }
0xb4: {  	s29 =	simm.s32 $0x9;
	_ =	strace $0x80000048  }
0xb5: {  	_ =	swait.ge [sflag:s29], $0x1  }
0xb6: {  	[sflag:s29] =	ssyncadd.s32 $0xFFFFFFFF  }
0xb7: {  	_ =	strace $0x90000048  }
0xb8: {  	_ =	sfence  }
0xb9: {  	s30 =	sld [smem:$0x0];
	_ =	sdelay $0x2  }
0xba: {  	s31 =	sshll.u32 s1, $0xD;
	s1 =	sshrl.u32 s1, $0x2  }
0xbb: {  	s3 =	sand.u32 $0x4000, s31;
	s1 =	sadd.s32 s1, s30  }
0xbc: {  	s0 =	sor.u32 s3, s0;
	s1 =	sshll.u32 s1, $0x11  }
0xbd: {  	s0 =	sor.u32 s1, s0  }
0xbe: {  	s0 =	sadd.s32 $0x8F2B, s0  }
0xbf: {  	[sflag:s0] =	ssyncadd.remote.s32 $0x1  }
0xc0: {  	_ =	sfence.sel $0xFFFF  }
0xc1: {  	[dreg:$0x0] =	wrdreg $0xFFFFFFFF;
	(pc) =	sbr.abs _section_cstart, $3  }
0xc2: {  	[dreg:$0x1] =	wrdreg $0xFFFFFFFF  }
0xc3: {  	_ =	task.clear_ibuf [dreg:s8], $0x2FFFF;
	_ =	strace $0x9FFFFFFF  }
0xc4: {  	(tm) =	ssettm $0x7FFFFFFF  }
0xc5: {  	_ =	shalt  }
tec
execute0_lowered:
.L_overlay_start_1:
0x0: {  	(tag) =	ssettag $0x1  }
0x1: {  	s0 =	rddreg [dreg:$0x0];
	s1 =	srdreg.scid  }
0x2: {  	s3 =	stileid.u32;
	s2 =	rddreg [dreg:$0x1]  }
0x3: {  	s20 =	simm.s32 $0x3;
	s21 =	simm.s32 $0x80;
	s22 =	simm.s32 $0x6400  }
0x4: {  	s23 =	simm.s32 $0xA400;
	s1 =	sand.u32 $0x1, s1;
	s4 =	sshll.u32 s3, $0x1  }
0x5: {  	s29 =	simm.s32 $0x12400;
	s31 =	simm.s32 $0x16400;
	s7 =	sor.u32 s1, s4  }
0x6: {  	s3 =	rddreg [dreg:$0x2];
	s4 =	simm.s32 $0x0;
	s5 =	smul.u32 $0x6400, s7  }
0x7: {  	s1 =	ssub.s32 $0x2, s1;
	[smem:$0x7FF] =	sst s4;
	s8 =	smul.u32 $0x64000, s7  }
0x8: {  	s24 =	sshrl.u32 s1, $0x1;
	s7 =	smul.u32 $0x320000, s7;
	_ =	strace $0x80000047  }
0x9: {  	s1 =	ssub.s32 s1, s24;
	s24 =	simm.s32 $0x0;
	s6 =	sshrl.u32 s5, $0x3  }
0xa: {  	s30 =	sshrl.u32 s7, $0x3;
	s12 =	sor.u32 $0x80, s5;
	s0 =	sadd.s32 s6, s0  }
0xb: {  	s13 =	sor.u32 $0x100, s5;
	s6 =	sadd.s32 s3, s8;
	s0 =	sadd.s32 $0x400, s0  }
0xc: {  	s19 =	smax.u32 s1, $0x1;
	s25 =	sadd.s32 $0x800, s6;
	[dreg:$0x4] =	wrdreg s0  }
0xd: {  	s1 =	simm.s32 $0x2;
	s26 =	sadd.s32 $0x1000, s6;
	[dreg:$0x5] =	wrdreg s25  }
0xe: {  	s28 =	sadd.s32 $0x1800, s6;
	s11 =	sadd.s32 $0x2000, s6;
	[dreg:$0x6] =	wrdreg s26  }
0xf: {  	[dreg:$0x7] =	wrdreg s28;
	s0 =	sadd.s32 s3, s30;
	s25 =	simm.s32 $0xE400  }
0x10: {  	s26 =	simm.s32 $0x1;
	s14 =	sadd.s32 $0x61800, s0;
	s15 =	sadd.s32 $0x62000, s0  }
0x11: {  	s16 =	sadd.s32 $0x62800, s0;
	s17 =	sadd.s32 $0x63000, s0;
	s18 =	sadd.s32 $0x63800, s0  }
.LBB2_1:
0x12: {  	s0 =	rddreg [dreg:$0x4]  }
0x13: {  	[tilespmem:s4], [sflag:$0x3] =	stream.linear.gather [hbm4b:s0+s4], $0x6400, $0x38;
	[tilespmem:$0x1A400] =	vst v63  }
0x14: {  	_ =	swait.ge [sflag:s20], $0x6400  }
0x15: {  	[sflag:s20] =	ssyncset.done $0x0  }
0x16: {  	[sflag:s20] =	ssyncadd.s32 $0xFFFF9C00  }
0x17: {  	[tilespmem:s22], [sflag:$0x1] =	stream.indirect.gather [hbm4b:s2+s21], $0x80, s4, s21, $0xb8;
	[tilespmem:$0x1A400] =	vst v63  }
0x18: {  	_ = 	snop  }
0x19: {  	[tilespmem:s23], [sflag:$0x1] =	stream.indirect.gather [hbm4b:s2+s21], $0x80, s21, s21, $0xb8;
	[tilespmem:$0x1A400] =	vst v63  }
0x1a: {  	s30 =	simm.s32 $0x100  }
0x1b: {  	[tilespmem:s25], [sflag:$0x1] =	stream.indirect.gather [hbm4b:s2+s21], $0x80, s30, s21, $0xb8;
	[tilespmem:$0x1A400] =	vst v63  }
0x1c: {  	_ =	swait.ge [sflag:s26], $0x4000  }
0x1d: {  	[sflag:s26] =	ssyncset.done $0x0  }
0x1e: {  	s0 =	simm.s32 $0x0;
	[sflag:s26] =	ssyncadd.s32 $0xFFFFC000  }
0x1f: {  	v3 =	vld [tilespmem:s0+$0x6400]  }
0x20: {  	v5 =	vld [tilespmem:s0+$0x6410]  }
0x21: {  	v4 =	vld [tilespmem:s0+$0x6420]  }
0x22: {  	v2 =	vld [tilespmem:s0+$0x6430]  }
0x23: {  	v0 =	vld [tilespmem:s0+$0x6440]  }
0x24: {  	v1 =	vld [tilespmem:s0+$0x6450];
	v6 =	vmul.f32 $1.131370830e+01, v3  }
0x25: {  	s7 =	simm.s32 $0x200;
	v5 =	vmul.f32 $1.131370830e+01, v5;
	v3 =	vld [tilespmem:s0+$0x6460]  }
.LBB2_2:
0x26: {  	s8 =	sshra.s32 s7, $0x2;
	p0 =	sne.s32 s7, $0xFE00;
	[tilespmem:s0+$0x6400] =	vst v6;
	v4 =	vmul.f32 $1.131370830e+01, v4;
	v6 =	vld [tilespmem:s0+$0x6470]  }
0x27: {  	v7 =	vld [tilespmem:s8+$0x6400];
	[tilespmem:s0+$0x6410] =	vst v5;
	v2 =	vmul.f32 $1.131370830e+01, v2  }
0x28: {  	v5 =	vld [tilespmem:s8+$0x6410];
	[tilespmem:s0+$0x6420] =	vst v4;
	v0 =	vmul.f32 $1.131370830e+01, v0  }
.Ltmp0:
0x29: {  	v4 =	vld [tilespmem:s8+$0x6420];
	[tilespmem:s0+$0x6430] =	vst v2;
	v1 =	vmul.f32 $1.131370830e+01, v1;
	(pc) =	sbr.rel @p0 .LBB2_2-.Ltmp0, $4  }
0x2a: {  	v2 =	vld [tilespmem:s8+$0x6430];
	[tilespmem:s0+$0x6440] =	vst v0;
	v3 =	vmul.f32 $1.131370830e+01, v3  }
0x2b: {  	v0 =	vld [tilespmem:s8+$0x6440];
	[tilespmem:s0+$0x6450] =	vst v1;
	v8 =	vmul.f32 $1.131370830e+01, v6  }
0x2c: {  	v6 =	vmul.f32 $1.131370830e+01, v7;
	v1 =	vld [tilespmem:s8+$0x6450];
	[tilespmem:s0+$0x6460] =	vst v3  }
0x2d: {  	s7 =	sadd.s32 $0x200, s7;
	v5 =	vmul.f32 $1.131370830e+01, v5;
	v3 =	vld [tilespmem:s8+$0x6460];
	[tilespmem:s0+$0x6470] =	vst v8;
	s0 =	smov.u32 s8  }
0x2e: {  	[tilespmem:s0+$0x6400] =	vst v6;
	v4 =	vmul.f32 $1.131370830e+01, v4;
	v6 =	vld [tilespmem:s0+$0x6470]  }
0x2f: {  	[tilespmem:s0+$0x6410] =	vst v5;
	v2 =	vmul.f32 $1.131370830e+01, v2  }
0x30: {  	[tilespmem:s0+$0x6420] =	vst v4;
	v0 =	vmul.f32 $1.131370830e+01, v0  }
0x31: {  	[tilespmem:s0+$0x6430] =	vst v2;
	v1 =	vmul.f32 $1.131370830e+01, v1  }
0x32: {  	[tilespmem:s0+$0x6440] =	vst v0;
	v0 =	vmul.f32 $1.131370830e+01, v3  }
0x33: {  	[tilespmem:s0+$0x6450] =	vst v1;
	v1 =	vmul.f32 $1.131370830e+01, v6  }
0x34: {  	[tilespmem:s0+$0x6460] =	vst v0  }
0x35: {  	s28 =	simm.s32 $0x0;
	[tilespmem:s0+$0x6470] =	vst v1  }
0x36: {  	[hbm4b:s6+s28] =	stream.linear.scatter [tilespmem:s22], [sflag:$0x2], $0x4000, $0x38;
	[tilespmem:$0x1A400] =	vst v63  }
0x37: {  	s30 =	simm.s32 $0x180  }
0x38: {  	[tilespmem:s29], [sflag:$0x1] =	stream.indirect.gather [hbm4b:s2+s21], $0x80, s30, s21, $0xb8;
	[tilespmem:$0x1A400] =	vst v63  }
0x39: {  	_ =	swait.ge [sflag:s26], $0x4000  }
0x3a: {  	[sflag:s26] =	ssyncset.done $0x0  }
0x3b: {  	s0 =	simm.s32 $0x0;
	[sflag:s26] =	ssyncadd.s32 $0xFFFFC000  }
0x3c: {  	v3 =	vld [tilespmem:s0+$0xA400]  }
0x3d: {  	v5 =	vld [tilespmem:s0+$0xA410]  }
0x3e: {  	v4 =	vld [tilespmem:s0+$0xA420]  }
0x3f: {  	v2 =	vld [tilespmem:s0+$0xA430]  }
0x40: {  	v0 =	vld [tilespmem:s0+$0xA440]  }
0x41: {  	v1 =	vld [tilespmem:s0+$0xA450];
	v6 =	vmul.f32 $1.131370830e+01, v3  }
0x42: {  	s7 =	simm.s32 $0x200;
	v5 =	vmul.f32 $1.131370830e+01, v5;
	v3 =	vld [tilespmem:s0+$0xA460]  }
.LBB2_4:
0x43: {  	s8 =	sshra.s32 s7, $0x2;
	p0 =	sne.s32 s7, $0xFE00;
	[tilespmem:s0+$0xA400] =	vst v6;
	v4 =	vmul.f32 $1.131370830e+01, v4;
	v6 =	vld [tilespmem:s0+$0xA470]  }
0x44: {  	v7 =	vld [tilespmem:s8+$0xA400];
	[tilespmem:s0+$0xA410] =	vst v5;
	v2 =	vmul.f32 $1.131370830e+01, v2  }
0x45: {  	v5 =	vld [tilespmem:s8+$0xA410];
	[tilespmem:s0+$0xA420] =	vst v4;
	v0 =	vmul.f32 $1.131370830e+01, v0  }
.Ltmp1:
0x46: {  	v4 =	vld [tilespmem:s8+$0xA420];
	[tilespmem:s0+$0xA430] =	vst v2;
	v1 =	vmul.f32 $1.131370830e+01, v1;
	(pc) =	sbr.rel @p0 .LBB2_4-.Ltmp1, $4  }
0x47: {  	v2 =	vld [tilespmem:s8+$0xA430];
	[tilespmem:s0+$0xA440] =	vst v0;
	v3 =	vmul.f32 $1.131370830e+01, v3  }
0x48: {  	v0 =	vld [tilespmem:s8+$0xA440];
	[tilespmem:s0+$0xA450] =	vst v1;
	v8 =	vmul.f32 $1.131370830e+01, v6  }
0x49: {  	v6 =	vmul.f32 $1.131370830e+01, v7;
	v1 =	vld [tilespmem:s8+$0xA450];
	[tilespmem:s0+$0xA460] =	vst v3  }
0x4a: {  	s7 =	sadd.s32 $0x200, s7;
	v5 =	vmul.f32 $1.131370830e+01, v5;
	v3 =	vld [tilespmem:s8+$0xA460];
	[tilespmem:s0+$0xA470] =	vst v8;
	s0 =	smov.u32 s8  }
0x4b: {  	[tilespmem:s0+$0xA400] =	vst v6;
	v4 =	vmul.f32 $1.131370830e+01, v4;
	v6 =	vld [tilespmem:s0+$0xA470]  }
0x4c: {  	[tilespmem:s0+$0xA410] =	vst v5;
	v2 =	vmul.f32 $1.131370830e+01, v2  }
0x4d: {  	[tilespmem:s0+$0xA420] =	vst v4;
	v0 =	vmul.f32 $1.131370830e+01, v0  }
0x4e: {  	[tilespmem:s0+$0xA430] =	vst v2;
	v1 =	vmul.f32 $1.131370830e+01, v1  }
0x4f: {  	[tilespmem:s0+$0xA440] =	vst v0;
	v0 =	vmul.f32 $1.131370830e+01, v3  }
0x50: {  	[tilespmem:s0+$0xA450] =	vst v1;
	v1 =	vmul.f32 $1.131370830e+01, v6  }
0x51: {  	[tilespmem:s0+$0xA460] =	vst v0  }
0x52: {  	s28 =	simm.s32 $0x0;
	s7 =	rddreg [dreg:$0x5];
	[tilespmem:s0+$0xA470] =	vst v1  }
0x53: {  	[hbm4b:s7+s28] =	stream.linear.scatter [tilespmem:s23], [sflag:$0x2], $0x4000, $0x38;
	[tilespmem:$0x1A400] =	vst v63  }
0x54: {  	s30 =	simm.s32 $0x200  }
0x55: {  	[tilespmem:s31], [sflag:$0x1] =	stream.indirect.gather [hbm4b:s2+s21], $0x80, s30, s21, $0xb8;
	[tilespmem:$0x1A400] =	vst v63  }
0x56: {  	_ =	swait.ge [sflag:s26], $0x4000  }
0x57: {  	[sflag:s26] =	ssyncset.done $0x0  }
0x58: {  	s0 =	simm.s32 $0x0;
	[sflag:s26] =	ssyncadd.s32 $0xFFFFC000  }
0x59: {  	v3 =	vld [tilespmem:s0+$0xE400]  }
0x5a: {  	v5 =	vld [tilespmem:s0+$0xE410]  }
0x5b: {  	v4 =	vld [tilespmem:s0+$0xE420]  }
0x5c: {  	v2 =	vld [tilespmem:s0+$0xE430]  }
0x5d: {  	v0 =	vld [tilespmem:s0+$0xE440]  }
0x5e: {  	v1 =	vld [tilespmem:s0+$0xE450];
	v6 =	vmul.f32 $1.131370830e+01, v3  }
0x5f: {  	s7 =	simm.s32 $0x200;
	v5 =	vmul.f32 $1.131370830e+01, v5;
	v3 =	vld [tilespmem:s0+$0xE460]  }
.LBB2_6:
0x60: {  	s8 =	sshra.s32 s7, $0x2;
	p0 =	sne.s32 s7, $0xFE00;
	[tilespmem:s0+$0xE400] =	vst v6;
	v4 =	vmul.f32 $1.131370830e+01, v4;
	v6 =	vld [tilespmem:s0+$0xE470]  }
0x61: {  	v7 =	vld [tilespmem:s8+$0xE400];
	[tilespmem:s0+$0xE410] =	vst v5;
	v2 =	vmul.f32 $1.131370830e+01, v2  }
0x62: {  	v5 =	vld [tilespmem:s8+$0xE410];
	[tilespmem:s0+$0xE420] =	vst v4;
	v0 =	vmul.f32 $1.131370830e+01, v0  }
.Ltmp2:
0x63: {  	v4 =	vld [tilespmem:s8+$0xE420];
	[tilespmem:s0+$0xE430] =	vst v2;
	v1 =	vmul.f32 $1.131370830e+01, v1;
	(pc) =	sbr.rel @p0 .LBB2_6-.Ltmp2, $4  }
0x64: {  	v2 =	vld [tilespmem:s8+$0xE430];
	[tilespmem:s0+$0xE440] =	vst v0;
	v3 =	vmul.f32 $1.131370830e+01, v3  }
0x65: {  	v0 =	vld [tilespmem:s8+$0xE440];
	[tilespmem:s0+$0xE450] =	vst v1;
	v8 =	vmul.f32 $1.131370830e+01, v6  }
0x66: {  	v6 =	vmul.f32 $1.131370830e+01, v7;
	v1 =	vld [tilespmem:s8+$0xE450];
	[tilespmem:s0+$0xE460] =	vst v3  }
0x67: {  	s7 =	sadd.s32 $0x200, s7;
	v5 =	vmul.f32 $1.131370830e+01, v5;
	v3 =	vld [tilespmem:s8+$0xE460];
	[tilespmem:s0+$0xE470] =	vst v8;
	s0 =	smov.u32 s8  }
0x68: {  	[tilespmem:s0+$0xE400] =	vst v6;
	v4 =	vmul.f32 $1.131370830e+01, v4;
	v6 =	vld [tilespmem:s0+$0xE470]  }
0x69: {  	[tilespmem:s0+$0xE410] =	vst v5;
	v2 =	vmul.f32 $1.131370830e+01, v2  }
0x6a: {  	[tilespmem:s0+$0xE420] =	vst v4;
	v0 =	vmul.f32 $1.131370830e+01, v0  }
0x6b: {  	[tilespmem:s0+$0xE430] =	vst v2;
	v1 =	vmul.f32 $1.131370830e+01, v1  }
0x6c: {  	[tilespmem:s0+$0xE440] =	vst v0;
	v0 =	vmul.f32 $1.131370830e+01, v3  }
0x6d: {  	[tilespmem:s0+$0xE450] =	vst v1;
	v1 =	vmul.f32 $1.131370830e+01, v6  }
0x6e: {  	[tilespmem:s0+$0xE460] =	vst v0  }
0x6f: {  	s28 =	simm.s32 $0x0;
	s7 =	rddreg [dreg:$0x6];
	[tilespmem:s0+$0xE470] =	vst v1  }
0x70: {  	[hbm4b:s7+s28] =	stream.linear.scatter [tilespmem:s25], [sflag:$0x2], $0x4000, $0x38;
	[tilespmem:$0x1A400] =	vst v63  }
0x71: {  	_ =	swait.ge [sflag:s1], $0x4000  }
0x72: {  	[sflag:s1] =	ssyncset.done $0x0  }
0x73: {  	s30 =	simm.s32 $0x280;
	[sflag:s1] =	ssyncadd.s32 $0xFFFFC000  }
0x74: {  	[tilespmem:s22], [sflag:$0x1] =	stream.indirect.gather [hbm4b:s2+s21], $0x80, s30, s21, $0xb8;
	[tilespmem:$0x1A400] =	vst v63  }
0x75: {  	_ =	swait.ge [sflag:s26], $0x4000  }
0x76: {  	[sflag:s26] =	ssyncset.done $0x0  }
0x77: {  	s0 =	simm.s32 $0x0;
	[sflag:s26] =	ssyncadd.s32 $0xFFFFC000  }
0x78: {  	v3 =	vld [tilespmem:s0+$0x12400]  }
0x79: {  	v5 =	vld [tilespmem:s0+$0x12410]  }
0x7a: {  	v4 =	vld [tilespmem:s0+$0x12420]  }
0x7b: {  	v2 =	vld [tilespmem:s0+$0x12430]  }
0x7c: {  	v0 =	vld [tilespmem:s0+$0x12440]  }
0x7d: {  	v1 =	vld [tilespmem:s0+$0x12450];
	v6 =	vmul.f32 $1.131370830e+01, v3  }
0x7e: {  	s7 =	simm.s32 $0x200;
	v5 =	vmul.f32 $1.131370830e+01, v5;
	v3 =	vld [tilespmem:s0+$0x12460]  }
.LBB2_8:
0x7f: {  	s8 =	sshra.s32 s7, $0x2;
	p0 =	sne.s32 s7, $0xFE00;
	[tilespmem:s0+$0x12400] =	vst v6;
	v4 =	vmul.f32 $1.131370830e+01, v4;
	v6 =	vld [tilespmem:s0+$0x12470]  }
0x80: {  	v7 =	vld [tilespmem:s8+$0x12400];
	[tilespmem:s0+$0x12410] =	vst v5;
	v2 =	vmul.f32 $1.131370830e+01, v2  }
0x81: {  	v5 =	vld [tilespmem:s8+$0x12410];
	[tilespmem:s0+$0x12420] =	vst v4;
	v0 =	vmul.f32 $1.131370830e+01, v0  }
.Ltmp3:
0x82: {  	v4 =	vld [tilespmem:s8+$0x12420];
	[tilespmem:s0+$0x12430] =	vst v2;
	v1 =	vmul.f32 $1.131370830e+01, v1;
	(pc) =	sbr.rel @p0 .LBB2_8-.Ltmp3, $4  }
0x83: {  	v2 =	vld [tilespmem:s8+$0x12430];
	[tilespmem:s0+$0x12440] =	vst v0;
	v3 =	vmul.f32 $1.131370830e+01, v3  }
0x84: {  	v0 =	vld [tilespmem:s8+$0x12440];
	[tilespmem:s0+$0x12450] =	vst v1;
	v8 =	vmul.f32 $1.131370830e+01, v6  }
0x85: {  	v6 =	vmul.f32 $1.131370830e+01, v7;
	v1 =	vld [tilespmem:s8+$0x12450];
	[tilespmem:s0+$0x12460] =	vst v3  }
0x86: {  	s7 =	sadd.s32 $0x200, s7;
	v5 =	vmul.f32 $1.131370830e+01, v5;
	v3 =	vld [tilespmem:s8+$0x12460];
	[tilespmem:s0+$0x12470] =	vst v8;
	s0 =	smov.u32 s8  }
0x87: {  	[tilespmem:s0+$0x12400] =	vst v6;
	v4 =	vmul.f32 $1.131370830e+01, v4;
	v6 =	vld [tilespmem:s0+$0x12470]  }
0x88: {  	[tilespmem:s0+$0x12410] =	vst v5;
	v2 =	vmul.f32 $1.131370830e+01, v2  }
0x89: {  	[tilespmem:s0+$0x12420] =	vst v4;
	v0 =	vmul.f32 $1.131370830e+01, v0  }
0x8a: {  	[tilespmem:s0+$0x12430] =	vst v2;
	v1 =	vmul.f32 $1.131370830e+01, v1  }
0x8b: {  	[tilespmem:s0+$0x12440] =	vst v0;
	v0 =	vmul.f32 $1.131370830e+01, v3  }
0x8c: {  	[tilespmem:s0+$0x12450] =	vst v1;
	v1 =	vmul.f32 $1.131370830e+01, v6  }
0x8d: {  	[tilespmem:s0+$0x12460] =	vst v0  }
0x8e: {  	s28 =	simm.s32 $0x0;
	s7 =	rddreg [dreg:$0x7];
	[tilespmem:s0+$0x12470] =	vst v1  }
0x8f: {  	[hbm4b:s7+s28] =	stream.linear.scatter [tilespmem:s29], [sflag:$0x2], $0x4000, $0x38;
	[tilespmem:$0x1A400] =	vst v63  }
0x90: {  	_ =	swait.ge [sflag:s1], $0x4000  }
0x91: {  	[sflag:s1] =	ssyncset.done $0x0  }
0x92: {  	s30 =	simm.s32 $0x300;
	[sflag:s1] =	ssyncadd.s32 $0xFFFFC000  }
0x93: {  	[tilespmem:s23], [sflag:$0x1] =	stream.indirect.gather [hbm4b:s2+s21], $0x80, s30, s21, $0xb8;
	[tilespmem:$0x1A400] =	vst v63  }
0x94: {  	_ =	swait.ge [sflag:s26], $0x4000  }
0x95: {  	[sflag:s26] =	ssyncset.done $0x0  }
0x96: {  	s0 =	simm.s32 $0x0;
	[sflag:s26] =	ssyncadd.s32 $0xFFFFC000  }
0x97: {  	v3 =	vld [tilespmem:s0+$0x16400]  }
0x98: {  	v5 =	vld [tilespmem:s0+$0x16410]  }
0x99: {  	v4 =	vld [tilespmem:s0+$0x16420]  }
0x9a: {  	v2 =	vld [tilespmem:s0+$0x16430]  }
0x9b: {  	v0 =	vld [tilespmem:s0+$0x16440]  }
0x9c: {  	v1 =	vld [tilespmem:s0+$0x16450];
	v6 =	vmul.f32 $1.131370830e+01, v3  }
0x9d: {  	s7 =	simm.s32 $0x200;
	v5 =	vmul.f32 $1.131370830e+01, v5;
	v3 =	vld [tilespmem:s0+$0x16460]  }
.LBB2_10:
0x9e: {  	s8 =	sshra.s32 s7, $0x2;
	p0 =	sne.s32 s7, $0xFE00;
	[tilespmem:s0+$0x16400] =	vst v6;
	v4 =	vmul.f32 $1.131370830e+01, v4;
	v6 =	vld [tilespmem:s0+$0x16470]  }
0x9f: {  	v7 =	vld [tilespmem:s8+$0x16400];
	[tilespmem:s0+$0x16410] =	vst v5;
	v2 =	vmul.f32 $1.131370830e+01, v2  }
0xa0: {  	v5 =	vld [tilespmem:s8+$0x16410];
	[tilespmem:s0+$0x16420] =	vst v4;
	v0 =	vmul.f32 $1.131370830e+01, v0  }
.Ltmp4:
0xa1: {  	v4 =	vld [tilespmem:s8+$0x16420];
	[tilespmem:s0+$0x16430] =	vst v2;
	v1 =	vmul.f32 $1.131370830e+01, v1;
	(pc) =	sbr.rel @p0 .LBB2_10-.Ltmp4, $4  }
0xa2: {  	v2 =	vld [tilespmem:s8+$0x16430];
	[tilespmem:s0+$0x16440] =	vst v0;
	v3 =	vmul.f32 $1.131370830e+01, v3  }
0xa3: {  	v0 =	vld [tilespmem:s8+$0x16440];
	[tilespmem:s0+$0x16450] =	vst v1;
	v8 =	vmul.f32 $1.131370830e+01, v6  }
0xa4: {  	v6 =	vmul.f32 $1.131370830e+01, v7;
	v1 =	vld [tilespmem:s8+$0x16450];
	[tilespmem:s0+$0x16460] =	vst v3  }
0xa5: {  	s7 =	sadd.s32 $0x200, s7;
	v5 =	vmul.f32 $1.131370830e+01, v5;
	v3 =	vld [tilespmem:s8+$0x16460];
	[tilespmem:s0+$0x16470] =	vst v8;
	s0 =	smov.u32 s8  }
0xa6: {  	[tilespmem:s0+$0x16400] =	vst v6;
	v4 =	vmul.f32 $1.131370830e+01, v4;
	v61 =	vld [tilespmem:s0+$0x16470]  }
0xa7: {  	[tilespmem:s0+$0x16410] =	vst v5;
	v2 =	vmul.f32 $1.131370830e+01, v2  }
0xa8: {  	[tilespmem:s0+$0x16420] =	vst v4;
	v0 =	vmul.f32 $1.131370830e+01, v0  }
0xa9: {  	[tilespmem:s0+$0x16430] =	vst v2;
	v1 =	vmul.f32 $1.131370830e+01, v1  }
0xaa: {  	[tilespmem:s0+$0x16440] =	vst v0;
	v62 =	vmul.f32 $1.131370830e+01, v3  }
0xab: {  	[tilespmem:s0+$0x16450] =	vst v1;
	v63 =	vmul.f32 $1.131370830e+01, v61  }
0xac: {  	[tilespmem:s0+$0x16460] =	vst v62  }
0xad: {  	[tilespmem:s0+$0x16470] =	vst v63  }
0xae: {  	[hbm4b:s11+s4] =	stream.linear.scatter [tilespmem:s31], [sflag:$0x2], $0x4000, $0x38;
	[tilespmem:$0x1A400] =	vst v63  }
0xaf: {  	_ =	swait.ge [sflag:s1], $0x4000  }
0xb0: {  	[sflag:s1] =	ssyncset.done $0x0  }
0xb1: {  	s30 =	simm.s32 $0x380;
	s28 =	simm.s32 $0x1;
	[sflag:s1] =	ssyncadd.s32 $0xFFFFC000  }
0xb2: {  	[tilespmem:s25], [sflag:$0x1] =	stream.indirect.gather [hbm4b:s2+s21], $0x80, s30, s21, $0xb8;
	[tilespmem:$0x1A400] =	vst v63  }
.LBB2_12:
0xb3: {  	_ =	swait.ge [sflag:s26], $0x4000  }
0xb4: {  	[sflag:s26] =	ssyncset.done $0x0  }
0xb5: {  	s0 =	simm.s32 $0x0;
	[sflag:s26] =	ssyncadd.s32 $0xFFFFC000  }
0xb6: {  	v2 =	vld [tilespmem:s0+$0x6400]  }
0xb7: {  	v5 =	vld [tilespmem:s0+$0x6410]  }
0xb8: {  	v4 =	vld [tilespmem:s0+$0x6420]  }
0xb9: {  	v3 =	vld [tilespmem:s0+$0x6430]  }
0xba: {  	v0 =	vld [tilespmem:s0+$0x6440]  }
0xbb: {  	v1 =	vld [tilespmem:s0+$0x6450];
	v6 =	vmul.f32 $1.131370830e+01, v2  }
0xbc: {  	s7 =	simm.s32 $0x200;
	v5 =	vmul.f32 $1.131370830e+01, v5;
	v2 =	vld [tilespmem:s0+$0x6460]  }
.LBB2_13:
0xbd: {  	s8 =	sshra.s32 s7, $0x2;
	p0 =	sne.s32 s7, $0xFE00;
	[tilespmem:s0+$0x6400] =	vst v6;
	v4 =	vmul.f32 $1.131370830e+01, v4;
	v6 =	vld [tilespmem:s0+$0x6470]  }
0xbe: {  	v7 =	vld [tilespmem:s8+$0x6400];
	[tilespmem:s0+$0x6410] =	vst v5;
	v3 =	vmul.f32 $1.131370830e+01, v3  }
0xbf: {  	v5 =	vld [tilespmem:s8+$0x6410];
	[tilespmem:s0+$0x6420] =	vst v4;
	v0 =	vmul.f32 $1.131370830e+01, v0  }
.Ltmp5:
0xc0: {  	v4 =	vld [tilespmem:s8+$0x6420];
	[tilespmem:s0+$0x6430] =	vst v3;
	v1 =	vmul.f32 $1.131370830e+01, v1;
	(pc) =	sbr.rel @p0 .LBB2_13-.Ltmp5, $4  }
0xc1: {  	v3 =	vld [tilespmem:s8+$0x6430];
	[tilespmem:s0+$0x6440] =	vst v0;
	v2 =	vmul.f32 $1.131370830e+01, v2  }
0xc2: {  	v0 =	vld [tilespmem:s8+$0x6440];
	[tilespmem:s0+$0x6450] =	vst v1;
	v8 =	vmul.f32 $1.131370830e+01, v6  }
0xc3: {  	v6 =	vmul.f32 $1.131370830e+01, v7;
	v1 =	vld [tilespmem:s8+$0x6450];
	[tilespmem:s0+$0x6460] =	vst v2  }
0xc4: {  	s7 =	sadd.s32 $0x200, s7;
	v5 =	vmul.f32 $1.131370830e+01, v5;
	v2 =	vld [tilespmem:s8+$0x6460];
	[tilespmem:s0+$0x6470] =	vst v8;
	s0 =	smov.u32 s8  }
0xc5: {  	[tilespmem:s0+$0x6400] =	vst v6;
	v4 =	vmul.f32 $1.131370830e+01, v4;
	v6 =	vld [tilespmem:s0+$0x6470]  }
0xc6: {  	[tilespmem:s0+$0x6410] =	vst v5;
	v3 =	vmul.f32 $1.131370830e+01, v3  }
0xc7: {  	[tilespmem:s0+$0x6420] =	vst v4;
	v0 =	vmul.f32 $1.131370830e+01, v0  }
0xc8: {  	s7 =	smul.u32 $0x280, s28;
	[tilespmem:s0+$0x6430] =	vst v3;
	v1 =	vmul.f32 $1.131370830e+01, v1  }
0xc9: {  	[tilespmem:s0+$0x6440] =	vst v0;
	v0 =	vmul.f32 $1.131370830e+01, v2  }
0xca: {  	s8 =	sadd.s32 s5, s7;
	[tilespmem:s0+$0x6450] =	vst v1;
	v1 =	vmul.f32 $1.131370830e+01, v6  }
0xcb: {  	s8 =	sshll.u32 s8, $0x4;
	[tilespmem:s0+$0x6460] =	vst v0  }
0xcc: {  	s10 =	simm.s32 $0x0;
	s9 =	sadd.s32 s3, s8;
	[tilespmem:s0+$0x6470] =	vst v1  }
0xcd: {  	[hbm4b:s9+s10] =	stream.linear.scatter [tilespmem:s22], [sflag:$0x2], $0x4000, $0x38;
	[tilespmem:$0x1A400] =	vst v63  }
0xce: {  	_ =	swait.ge [sflag:s1], $0x4000  }
0xcf: {  	[sflag:s1] =	ssyncset.done $0x0  }
0xd0: {  	s30 =	sadd.s32 $0x180, s7;
	[sflag:s1] =	ssyncadd.s32 $0xFFFFC000  }
0xd1: {  	[tilespmem:s29], [sflag:$0x1] =	stream.indirect.gather [hbm4b:s2+s21], $0x80, s30, s21, $0xb8;
	[tilespmem:$0x1A400] =	vst v63  }
0xd2: {  	_ =	swait.ge [sflag:s26], $0x4000  }
0xd3: {  	[sflag:s26] =	ssyncset.done $0x0  }
0xd4: {  	s0 =	simm.s32 $0x0;
	[sflag:s26] =	ssyncadd.s32 $0xFFFFC000  }
0xd5: {  	v3 =	vld [tilespmem:s0+$0xA400]  }
0xd6: {  	v5 =	vld [tilespmem:s0+$0xA410]  }
0xd7: {  	v4 =	vld [tilespmem:s0+$0xA420]  }
0xd8: {  	v2 =	vld [tilespmem:s0+$0xA430]  }
0xd9: {  	v0 =	vld [tilespmem:s0+$0xA440]  }
0xda: {  	v1 =	vld [tilespmem:s0+$0xA450];
	v6 =	vmul.f32 $1.131370830e+01, v3  }
0xdb: {  	s8 =	simm.s32 $0x200;
	v5 =	vmul.f32 $1.131370830e+01, v5;
	v3 =	vld [tilespmem:s0+$0xA460]  }
.LBB2_15:
0xdc: {  	s9 =	sshra.s32 s8, $0x2;
	p0 =	sne.s32 s8, $0xFE00;
	[tilespmem:s0+$0xA400] =	vst v6;
	v4 =	vmul.f32 $1.131370830e+01, v4;
	v6 =	vld [tilespmem:s0+$0xA470]  }
0xdd: {  	v7 =	vld [tilespmem:s9+$0xA400];
	[tilespmem:s0+$0xA410] =	vst v5;
	v2 =	vmul.f32 $1.131370830e+01, v2  }
0xde: {  	v5 =	vld [tilespmem:s9+$0xA410];
	[tilespmem:s0+$0xA420] =	vst v4;
	v0 =	vmul.f32 $1.131370830e+01, v0  }
.Ltmp6:
0xdf: {  	v4 =	vld [tilespmem:s9+$0xA420];
	[tilespmem:s0+$0xA430] =	vst v2;
	v1 =	vmul.f32 $1.131370830e+01, v1;
	(pc) =	sbr.rel @p0 .LBB2_15-.Ltmp6, $4  }
0xe0: {  	v2 =	vld [tilespmem:s9+$0xA430];
	[tilespmem:s0+$0xA440] =	vst v0;
	v3 =	vmul.f32 $1.131370830e+01, v3  }
0xe1: {  	v0 =	vld [tilespmem:s9+$0xA440];
	[tilespmem:s0+$0xA450] =	vst v1;
	v8 =	vmul.f32 $1.131370830e+01, v6  }
0xe2: {  	v6 =	vmul.f32 $1.131370830e+01, v7;
	v1 =	vld [tilespmem:s9+$0xA450];
	[tilespmem:s0+$0xA460] =	vst v3  }
0xe3: {  	s8 =	sadd.s32 $0x200, s8;
	v5 =	vmul.f32 $1.131370830e+01, v5;
	v3 =	vld [tilespmem:s9+$0xA460];
	[tilespmem:s0+$0xA470] =	vst v8;
	s0 =	smov.u32 s9  }
0xe4: {  	[tilespmem:s0+$0xA400] =	vst v6;
	v4 =	vmul.f32 $1.131370830e+01, v4;
	v6 =	vld [tilespmem:s0+$0xA470]  }
0xe5: {  	[tilespmem:s0+$0xA410] =	vst v5;
	v2 =	vmul.f32 $1.131370830e+01, v2  }
0xe6: {  	[tilespmem:s0+$0xA420] =	vst v4;
	v0 =	vmul.f32 $1.131370830e+01, v0  }
0xe7: {  	[tilespmem:s0+$0xA430] =	vst v2;
	v1 =	vmul.f32 $1.131370830e+01, v1  }
0xe8: {  	[tilespmem:s0+$0xA440] =	vst v0;
	v0 =	vmul.f32 $1.131370830e+01, v3  }
0xe9: {  	s8 =	sadd.s32 s7, s12;
	[tilespmem:s0+$0xA450] =	vst v1;
	v1 =	vmul.f32 $1.131370830e+01, v6  }
0xea: {  	s8 =	sshll.u32 s8, $0x4;
	[tilespmem:s0+$0xA460] =	vst v0  }
0xeb: {  	s10 =	simm.s32 $0x0;
	s9 =	sadd.s32 s3, s8;
	[tilespmem:s0+$0xA470] =	vst v1  }
0xec: {  	[hbm4b:s9+s10] =	stream.linear.scatter [tilespmem:s23], [sflag:$0x2], $0x4000, $0x38;
	[tilespmem:$0x1A400] =	vst v63  }
0xed: {  	_ =	swait.ge [sflag:s1], $0x4000  }
0xee: {  	[sflag:s1] =	ssyncset.done $0x0  }
0xef: {  	s0 =	sadd.s32 $0x200, s7;
	[sflag:s1] =	ssyncadd.s32 $0xFFFFC000  }
0xf0: {  	[tilespmem:s31], [sflag:$0x1] =	stream.indirect.gather [hbm4b:s2+s21], $0x80, s0, s21, $0xb8;
	[tilespmem:$0x1A400] =	vst v63  }
0xf1: {  	_ =	swait.ge [sflag:s26], $0x4000  }
0xf2: {  	[sflag:s26] =	ssyncset.done $0x0  }
0xf3: {  	s8 =	simm.s32 $0x0;
	[sflag:s26] =	ssyncadd.s32 $0xFFFFC000  }
0xf4: {  	v3 =	vld [tilespmem:s8+$0xE400]  }
0xf5: {  	v5 =	vld [tilespmem:s8+$0xE410]  }
0xf6: {  	v4 =	vld [tilespmem:s8+$0xE420]  }
0xf7: {  	v2 =	vld [tilespmem:s8+$0xE430]  }
0xf8: {  	v0 =	vld [tilespmem:s8+$0xE440]  }
0xf9: {  	v1 =	vld [tilespmem:s8+$0xE450];
	v6 =	vmul.f32 $1.131370830e+01, v3  }
0xfa: {  	s9 =	simm.s32 $0x200;
	v5 =	vmul.f32 $1.131370830e+01, v5;
	v3 =	vld [tilespmem:s8+$0xE460]  }
.LBB2_17:
0xfb: {  	s10 =	sshra.s32 s9, $0x2;
	p0 =	sne.s32 s9, $0xFE00;
	[tilespmem:s8+$0xE400] =	vst v6;
	v4 =	vmul.f32 $1.131370830e+01, v4;
	v6 =	vld [tilespmem:s8+$0xE470]  }
0xfc: {  	v7 =	vld [tilespmem:s10+$0xE400];
	[tilespmem:s8+$0xE410] =	vst v5;
	v2 =	vmul.f32 $1.131370830e+01, v2  }
0xfd: {  	v5 =	vld [tilespmem:s10+$0xE410];
	[tilespmem:s8+$0xE420] =	vst v4;
	v0 =	vmul.f32 $1.131370830e+01, v0  }
.Ltmp7:
0xfe: {  	v4 =	vld [tilespmem:s10+$0xE420];
	[tilespmem:s8+$0xE430] =	vst v2;
	v1 =	vmul.f32 $1.131370830e+01, v1;
	(pc) =	sbr.rel @p0 .LBB2_17-.Ltmp7, $4  }
0xff: {  	v2 =	vld [tilespmem:s10+$0xE430];
	[tilespmem:s8+$0xE440] =	vst v0;
	v3 =	vmul.f32 $1.131370830e+01, v3  }
0x100: {  	v0 =	vld [tilespmem:s10+$0xE440];
	[tilespmem:s8+$0xE450] =	vst v1;
	v8 =	vmul.f32 $1.131370830e+01, v6  }
0x101: {  	v6 =	vmul.f32 $1.131370830e+01, v7;
	v1 =	vld [tilespmem:s10+$0xE450];
	[tilespmem:s8+$0xE460] =	vst v3  }
0x102: {  	s9 =	sadd.s32 $0x200, s9;
	v5 =	vmul.f32 $1.131370830e+01, v5;
	v3 =	vld [tilespmem:s10+$0xE460];
	[tilespmem:s8+$0xE470] =	vst v8;
	s8 =	smov.u32 s10  }
0x103: {  	[tilespmem:s8+$0xE400] =	vst v6;
	v4 =	vmul.f32 $1.131370830e+01, v4;
	v6 =	vld [tilespmem:s8+$0xE470]  }
0x104: {  	[tilespmem:s8+$0xE410] =	vst v5;
	v2 =	vmul.f32 $1.131370830e+01, v2  }
0x105: {  	[tilespmem:s8+$0xE420] =	vst v4;
	v0 =	vmul.f32 $1.131370830e+01, v0  }
0x106: {  	[tilespmem:s8+$0xE430] =	vst v2;
	v1 =	vmul.f32 $1.131370830e+01, v1  }
0x107: {  	[tilespmem:s8+$0xE440] =	vst v0;
	v0 =	vmul.f32 $1.131370830e+01, v3  }
0x108: {  	s7 =	sadd.s32 s7, s13;
	[tilespmem:s8+$0xE450] =	vst v1;
	v1 =	vmul.f32 $1.131370830e+01, v6  }
0x109: {  	s7 =	sshll.u32 s7, $0x4;
	[tilespmem:s8+$0xE460] =	vst v0  }
0x10a: {  	s10 =	simm.s32 $0x0;
	s9 =	smul.u32 $0xA00, s28;
	s7 =	sadd.s32 s3, s7;
	[tilespmem:s8+$0xE470] =	vst v1  }
0x10b: {  	[hbm4b:s7+s10] =	stream.linear.scatter [tilespmem:s25], [sflag:$0x2], $0x4000, $0x38;
	[tilespmem:$0x1A400] =	vst v63  }
0x10c: {  	_ =	swait.ge [sflag:s1], $0x4000  }
0x10d: {  	s7 =	sshra.s32 s9, $0x2;
	[sflag:s1] =	ssyncset.done $0x0  }
0x10e: {  	s10 =	sadd.s32 $0x280, s7;
	[sflag:s1] =	ssyncadd.s32 $0xFFFFC000  }
0x10f: {  	[tilespmem:s22], [sflag:$0x1] =	stream.indirect.gather [hbm4b:s2+s21], $0x80, s10, s21, $0xb8;
	[tilespmem:$0x1A400] =	vst v63  }
0x110: {  	_ =	swait.ge [sflag:s26], $0x4000  }
0x111: {  	[sflag:s26] =	ssyncset.done $0x0  }
0x112: {  	s8 =	simm.s32 $0x0;
	[sflag:s26] =	ssyncadd.s32 $0xFFFFC000  }
0x113: {  	v3 =	vld [tilespmem:s8+$0x12400]  }
0x114: {  	v5 =	vld [tilespmem:s8+$0x12410]  }
0x115: {  	v4 =	vld [tilespmem:s8+$0x12420]  }
0x116: {  	v2 =	vld [tilespmem:s8+$0x12430]  }
0x117: {  	v0 =	vld [tilespmem:s8+$0x12440]  }
0x118: {  	v1 =	vld [tilespmem:s8+$0x12450];
	v6 =	vmul.f32 $1.131370830e+01, v3  }
0x119: {  	s9 =	simm.s32 $0x200;
	v5 =	vmul.f32 $1.131370830e+01, v5;
	v3 =	vld [tilespmem:s8+$0x12460]  }
.LBB2_19:
0x11a: {  	s10 =	sshra.s32 s9, $0x2;
	p0 =	sne.s32 s9, $0xFE00;
	[tilespmem:s8+$0x12400] =	vst v6;
	v4 =	vmul.f32 $1.131370830e+01, v4;
	v6 =	vld [tilespmem:s8+$0x12470]  }
0x11b: {  	v7 =	vld [tilespmem:s10+$0x12400];
	[tilespmem:s8+$0x12410] =	vst v5;
	v2 =	vmul.f32 $1.131370830e+01, v2  }
0x11c: {  	v5 =	vld [tilespmem:s10+$0x12410];
	[tilespmem:s8+$0x12420] =	vst v4;
	v0 =	vmul.f32 $1.131370830e+01, v0  }
.Ltmp8:
0x11d: {  	v4 =	vld [tilespmem:s10+$0x12420];
	[tilespmem:s8+$0x12430] =	vst v2;
	v1 =	vmul.f32 $1.131370830e+01, v1;
	(pc) =	sbr.rel @p0 .LBB2_19-.Ltmp8, $4  }
0x11e: {  	v2 =	vld [tilespmem:s10+$0x12430];
	[tilespmem:s8+$0x12440] =	vst v0;
	v3 =	vmul.f32 $1.131370830e+01, v3  }
0x11f: {  	v0 =	vld [tilespmem:s10+$0x12440];
	[tilespmem:s8+$0x12450] =	vst v1;
	v8 =	vmul.f32 $1.131370830e+01, v6  }
0x120: {  	v6 =	vmul.f32 $1.131370830e+01, v7;
	v1 =	vld [tilespmem:s10+$0x12450];
	[tilespmem:s8+$0x12460] =	vst v3  }
0x121: {  	s9 =	sadd.s32 $0x200, s9;
	v5 =	vmul.f32 $1.131370830e+01, v5;
	v3 =	vld [tilespmem:s10+$0x12460];
	[tilespmem:s8+$0x12470] =	vst v8;
	s8 =	smov.u32 s10  }
0x122: {  	[tilespmem:s8+$0x12400] =	vst v6;
	v4 =	vmul.f32 $1.131370830e+01, v4;
	v6 =	vld [tilespmem:s8+$0x12470]  }
0x123: {  	[tilespmem:s8+$0x12410] =	vst v5;
	v2 =	vmul.f32 $1.131370830e+01, v2  }
0x124: {  	[tilespmem:s8+$0x12420] =	vst v4;
	v0 =	vmul.f32 $1.131370830e+01, v0  }
0x125: {  	[tilespmem:s8+$0x12430] =	vst v2;
	v1 =	vmul.f32 $1.131370830e+01, v1  }
0x126: {  	[tilespmem:s8+$0x12440] =	vst v0;
	v0 =	vmul.f32 $1.131370830e+01, v3  }
0x127: {  	s9 =	sadd.s32 s5, s30;
	[tilespmem:s8+$0x12450] =	vst v1;
	v1 =	vmul.f32 $1.131370830e+01, v6  }
0x128: {  	s9 =	sshll.u32 s9, $0x4;
	[tilespmem:s8+$0x12460] =	vst v0  }
0x129: {  	s10 =	simm.s32 $0x0;
	s9 =	sadd.s32 s3, s9;
	[tilespmem:s8+$0x12470] =	vst v1  }
0x12a: {  	[hbm4b:s9+s10] =	stream.linear.scatter [tilespmem:s29], [sflag:$0x2], $0x4000, $0x38;
	[tilespmem:$0x1A400] =	vst v63  }
0x12b: {  	_ =	swait.ge [sflag:s1], $0x4000  }
0x12c: {  	[sflag:s1] =	ssyncset.done $0x0  }
0x12d: {  	s30 =	sadd.s32 $0x300, s7;
	[sflag:s1] =	ssyncadd.s32 $0xFFFFC000  }
0x12e: {  	[tilespmem:s23], [sflag:$0x1] =	stream.indirect.gather [hbm4b:s2+s21], $0x80, s30, s21, $0xb8;
	[tilespmem:$0x1A400] =	vst v63  }
0x12f: {  	_ =	swait.ge [sflag:s26], $0x4000  }
0x130: {  	[sflag:s26] =	ssyncset.done $0x0  }
0x131: {  	s8 =	simm.s32 $0x0;
	[sflag:s26] =	ssyncadd.s32 $0xFFFFC000  }
0x132: {  	v3 =	vld [tilespmem:s8+$0x16400]  }
0x133: {  	v5 =	vld [tilespmem:s8+$0x16410]  }
0x134: {  	v4 =	vld [tilespmem:s8+$0x16420]  }
0x135: {  	v2 =	vld [tilespmem:s8+$0x16430]  }
0x136: {  	v0 =	vld [tilespmem:s8+$0x16440]  }
0x137: {  	v1 =	vld [tilespmem:s8+$0x16450];
	v6 =	vmul.f32 $1.131370830e+01, v3  }
0x138: {  	s9 =	simm.s32 $0x200;
	v5 =	vmul.f32 $1.131370830e+01, v5;
	v3 =	vld [tilespmem:s8+$0x16460]  }
.LBB2_21:
0x139: {  	s10 =	sshra.s32 s9, $0x2;
	p0 =	sne.s32 s9, $0xFE00;
	[tilespmem:s8+$0x16400] =	vst v6;
	v4 =	vmul.f32 $1.131370830e+01, v4;
	v6 =	vld [tilespmem:s8+$0x16470]  }
0x13a: {  	v7 =	vld [tilespmem:s10+$0x16400];
	[tilespmem:s8+$0x16410] =	vst v5;
	v2 =	vmul.f32 $1.131370830e+01, v2  }
0x13b: {  	v5 =	vld [tilespmem:s10+$0x16410];
	[tilespmem:s8+$0x16420] =	vst v4;
	v0 =	vmul.f32 $1.131370830e+01, v0  }
.Ltmp9:
0x13c: {  	v4 =	vld [tilespmem:s10+$0x16420];
	[tilespmem:s8+$0x16430] =	vst v2;
	v1 =	vmul.f32 $1.131370830e+01, v1;
	(pc) =	sbr.rel @p0 .LBB2_21-.Ltmp9, $4  }
0x13d: {  	v2 =	vld [tilespmem:s10+$0x16430];
	[tilespmem:s8+$0x16440] =	vst v0;
	v3 =	vmul.f32 $1.131370830e+01, v3  }
0x13e: {  	v0 =	vld [tilespmem:s10+$0x16440];
	[tilespmem:s8+$0x16450] =	vst v1;
	v8 =	vmul.f32 $1.131370830e+01, v6  }
0x13f: {  	v6 =	vmul.f32 $1.131370830e+01, v7;
	v1 =	vld [tilespmem:s10+$0x16450];
	[tilespmem:s8+$0x16460] =	vst v3  }
0x140: {  	s9 =	sadd.s32 $0x200, s9;
	v5 =	vmul.f32 $1.131370830e+01, v5;
	v3 =	vld [tilespmem:s10+$0x16460];
	[tilespmem:s8+$0x16470] =	vst v8;
	s8 =	smov.u32 s10  }
0x141: {  	[tilespmem:s8+$0x16400] =	vst v6;
	v4 =	vmul.f32 $1.131370830e+01, v4;
	v61 =	vld [tilespmem:s8+$0x16470]  }
0x142: {  	[tilespmem:s8+$0x16410] =	vst v5;
	v2 =	vmul.f32 $1.131370830e+01, v2  }
0x143: {  	[tilespmem:s8+$0x16420] =	vst v4;
	v0 =	vmul.f32 $1.131370830e+01, v0  }
0x144: {  	[tilespmem:s8+$0x16430] =	vst v2;
	v1 =	vmul.f32 $1.131370830e+01, v1  }
0x145: {  	[tilespmem:s8+$0x16440] =	vst v0;
	v62 =	vmul.f32 $1.131370830e+01, v3  }
0x146: {  	s0 =	sadd.s32 s5, s0;
	[tilespmem:s8+$0x16450] =	vst v1;
	v63 =	vmul.f32 $1.131370830e+01, v61  }
0x147: {  	s28 =	sadd.s32 $0x1, s28;
	s0 =	sshll.u32 s0, $0x4;
	[tilespmem:s8+$0x16460] =	vst v62  }
0x148: {  	p0 =	sne.s32 s28, $0x27;
	s0 =	sadd.s32 s3, s0;
	[tilespmem:s8+$0x16470] =	vst v63  }
0x149: {  	[hbm4b:s0+s4] =	stream.linear.scatter [tilespmem:s31], [sflag:$0x2], $0x4000, $0x38;
	[tilespmem:$0x1A400] =	vst v63  }
.Ltmp10:
0x14a: {  	_ = 	snop;
	(pc) =	sbr.rel @p0 .LBB2_12-.Ltmp10, $4  }
0x14b: {  	_ =	swait.ge [sflag:s1], $0x4000  }
0x14c: {  	[sflag:s1] =	ssyncset.done $0x0  }
0x14d: {  	s30 =	sadd.s32 $0x380, s7;
	[sflag:s1] =	ssyncadd.s32 $0xFFFFC000  }
0x14e: {  	[tilespmem:s25], [sflag:$0x1] =	stream.indirect.gather [hbm4b:s2+s21], $0x80, s30, s21, $0xb8;
	[tilespmem:$0x1A400] =	vst v63  }
0x14f: {  	_ =	swait.ge [sflag:s26], $0x4000  }
0x150: {  	[sflag:s26] =	ssyncset.done $0x0  }
0x151: {  	s0 =	simm.s32 $0x0;
	[sflag:s26] =	ssyncadd.s32 $0xFFFFC000  }
0x152: {  	v3 =	vld [tilespmem:s0+$0x6400]  }
0x153: {  	v5 =	vld [tilespmem:s0+$0x6410]  }
0x154: {  	v4 =	vld [tilespmem:s0+$0x6420]  }
0x155: {  	v2 =	vld [tilespmem:s0+$0x6430]  }
0x156: {  	v0 =	vld [tilespmem:s0+$0x6440]  }
0x157: {  	v1 =	vld [tilespmem:s0+$0x6450];
	v6 =	vmul.f32 $1.131370830e+01, v3  }
0x158: {  	s7 =	simm.s32 $0x200;
	v5 =	vmul.f32 $1.131370830e+01, v5;
	v3 =	vld [tilespmem:s0+$0x6460]  }
.LBB2_24:
0x159: {  	s8 =	sshra.s32 s7, $0x2;
	p0 =	sne.s32 s7, $0xFE00;
	[tilespmem:s0+$0x6400] =	vst v6;
	v4 =	vmul.f32 $1.131370830e+01, v4;
	v6 =	vld [tilespmem:s0+$0x6470]  }
0x15a: {  	v7 =	vld [tilespmem:s8+$0x6400];
	[tilespmem:s0+$0x6410] =	vst v5;
	v2 =	vmul.f32 $1.131370830e+01, v2  }
0x15b: {  	v5 =	vld [tilespmem:s8+$0x6410];
	[tilespmem:s0+$0x6420] =	vst v4;
	v0 =	vmul.f32 $1.131370830e+01, v0  }
.Ltmp11:
0x15c: {  	v4 =	vld [tilespmem:s8+$0x6420];
	[tilespmem:s0+$0x6430] =	vst v2;
	v1 =	vmul.f32 $1.131370830e+01, v1;
	(pc) =	sbr.rel @p0 .LBB2_24-.Ltmp11, $4  }
0x15d: {  	v2 =	vld [tilespmem:s8+$0x6430];
	[tilespmem:s0+$0x6440] =	vst v0;
	v3 =	vmul.f32 $1.131370830e+01, v3  }
0x15e: {  	v0 =	vld [tilespmem:s8+$0x6440];
	[tilespmem:s0+$0x6450] =	vst v1;
	v8 =	vmul.f32 $1.131370830e+01, v6  }
0x15f: {  	v6 =	vmul.f32 $1.131370830e+01, v7;
	v1 =	vld [tilespmem:s8+$0x6450];
	[tilespmem:s0+$0x6460] =	vst v3  }
0x160: {  	s7 =	sadd.s32 $0x200, s7;
	v5 =	vmul.f32 $1.131370830e+01, v5;
	v3 =	vld [tilespmem:s8+$0x6460];
	[tilespmem:s0+$0x6470] =	vst v8;
	s0 =	smov.u32 s8  }
0x161: {  	[tilespmem:s0+$0x6400] =	vst v6;
	v4 =	vmul.f32 $1.131370830e+01, v4;
	v6 =	vld [tilespmem:s0+$0x6470]  }
0x162: {  	[tilespmem:s0+$0x6410] =	vst v5;
	v2 =	vmul.f32 $1.131370830e+01, v2  }
0x163: {  	[tilespmem:s0+$0x6420] =	vst v4;
	v0 =	vmul.f32 $1.131370830e+01, v0  }
0x164: {  	[tilespmem:s0+$0x6430] =	vst v2;
	v1 =	vmul.f32 $1.131370830e+01, v1  }
0x165: {  	[tilespmem:s0+$0x6440] =	vst v0;
	v0 =	vmul.f32 $1.131370830e+01, v3  }
0x166: {  	[tilespmem:s0+$0x6450] =	vst v1;
	v1 =	vmul.f32 $1.131370830e+01, v6  }
0x167: {  	[tilespmem:s0+$0x6460] =	vst v0  }
0x168: {  	s28 =	simm.s32 $0x0;
	[tilespmem:s0+$0x6470] =	vst v1  }
0x169: {  	[hbm4b:s14+s28] =	stream.linear.scatter [tilespmem:s22], [sflag:$0x2], $0x4000, $0x38;
	[tilespmem:$0x1A400] =	vst v63  }
0x16a: {  	_ =	swait.ge [sflag:s1], $0x4000  }
0x16b: {  	[sflag:s1] =	ssyncset.done $0x0  }
0x16c: {  	s30 =	simm.s32 $0x6300;
	[sflag:s1] =	ssyncadd.s32 $0xFFFFC000  }
0x16d: {  	[tilespmem:s29], [sflag:$0x1] =	stream.indirect.gather [hbm4b:s2+s21], $0x80, s30, s21, $0xb8;
	[tilespmem:$0x1A400] =	vst v63  }
0x16e: {  	_ =	swait.ge [sflag:s26], $0x4000  }
0x16f: {  	[sflag:s26] =	ssyncset.done $0x0  }
0x170: {  	s0 =	simm.s32 $0x0;
	[sflag:s26] =	ssyncadd.s32 $0xFFFFC000  }
0x171: {  	v3 =	vld [tilespmem:s0+$0xA400]  }
0x172: {  	v5 =	vld [tilespmem:s0+$0xA410]  }
0x173: {  	v4 =	vld [tilespmem:s0+$0xA420]  }
0x174: {  	v2 =	vld [tilespmem:s0+$0xA430]  }
0x175: {  	v0 =	vld [tilespmem:s0+$0xA440]  }
0x176: {  	v1 =	vld [tilespmem:s0+$0xA450];
	v6 =	vmul.f32 $1.131370830e+01, v3  }
0x177: {  	s7 =	simm.s32 $0x200;
	v5 =	vmul.f32 $1.131370830e+01, v5;
	v3 =	vld [tilespmem:s0+$0xA460]  }
.LBB2_26:
0x178: {  	s8 =	sshra.s32 s7, $0x2;
	p0 =	sne.s32 s7, $0xFE00;
	[tilespmem:s0+$0xA400] =	vst v6;
	v4 =	vmul.f32 $1.131370830e+01, v4;
	v6 =	vld [tilespmem:s0+$0xA470]  }
0x179: {  	v7 =	vld [tilespmem:s8+$0xA400];
	[tilespmem:s0+$0xA410] =	vst v5;
	v2 =	vmul.f32 $1.131370830e+01, v2  }
0x17a: {  	v5 =	vld [tilespmem:s8+$0xA410];
	[tilespmem:s0+$0xA420] =	vst v4;
	v0 =	vmul.f32 $1.131370830e+01, v0  }
.Ltmp12:
0x17b: {  	v4 =	vld [tilespmem:s8+$0xA420];
	[tilespmem:s0+$0xA430] =	vst v2;
	v1 =	vmul.f32 $1.131370830e+01, v1;
	(pc) =	sbr.rel @p0 .LBB2_26-.Ltmp12, $4  }
0x17c: {  	v2 =	vld [tilespmem:s8+$0xA430];
	[tilespmem:s0+$0xA440] =	vst v0;
	v3 =	vmul.f32 $1.131370830e+01, v3  }
0x17d: {  	v0 =	vld [tilespmem:s8+$0xA440];
	[tilespmem:s0+$0xA450] =	vst v1;
	v8 =	vmul.f32 $1.131370830e+01, v6  }
0x17e: {  	v6 =	vmul.f32 $1.131370830e+01, v7;
	v1 =	vld [tilespmem:s8+$0xA450];
	[tilespmem:s0+$0xA460] =	vst v3  }
0x17f: {  	s7 =	sadd.s32 $0x200, s7;
	v5 =	vmul.f32 $1.131370830e+01, v5;
	v3 =	vld [tilespmem:s8+$0xA460];
	[tilespmem:s0+$0xA470] =	vst v8;
	s0 =	smov.u32 s8  }
0x180: {  	[tilespmem:s0+$0xA400] =	vst v6;
	v4 =	vmul.f32 $1.131370830e+01, v4;
	v6 =	vld [tilespmem:s0+$0xA470]  }
0x181: {  	[tilespmem:s0+$0xA410] =	vst v5;
	v2 =	vmul.f32 $1.131370830e+01, v2  }
0x182: {  	[tilespmem:s0+$0xA420] =	vst v4;
	v0 =	vmul.f32 $1.131370830e+01, v0  }
0x183: {  	[tilespmem:s0+$0xA430] =	vst v2;
	v1 =	vmul.f32 $1.131370830e+01, v1  }
0x184: {  	[tilespmem:s0+$0xA440] =	vst v0;
	v0 =	vmul.f32 $1.131370830e+01, v3  }
0x185: {  	[tilespmem:s0+$0xA450] =	vst v1;
	v1 =	vmul.f32 $1.131370830e+01, v6  }
0x186: {  	[tilespmem:s0+$0xA460] =	vst v0  }
0x187: {  	s28 =	simm.s32 $0x0;
	[tilespmem:s0+$0xA470] =	vst v1  }
0x188: {  	[hbm4b:s15+s28] =	stream.linear.scatter [tilespmem:s23], [sflag:$0x2], $0x4000, $0x38;
	[tilespmem:$0x1A400] =	vst v63  }
0x189: {  	_ =	swait.ge [sflag:s1], $0x4000  }
0x18a: {  	[sflag:s1] =	ssyncset.done $0x0  }
0x18b: {  	s30 =	simm.s32 $0x6380;
	[sflag:s1] =	ssyncadd.s32 $0xFFFFC000  }
0x18c: {  	[tilespmem:s31], [sflag:$0x1] =	stream.indirect.gather [hbm4b:s2+s21], $0x80, s30, s21, $0xb8;
	[tilespmem:$0x1A400] =	vst v63  }
0x18d: {  	_ =	swait.ge [sflag:s26], $0x4000  }
0x18e: {  	[sflag:s26] =	ssyncset.done $0x0  }
0x18f: {  	s0 =	simm.s32 $0x0;
	[sflag:s26] =	ssyncadd.s32 $0xFFFFC000  }
0x190: {  	v3 =	vld [tilespmem:s0+$0xE400]  }
0x191: {  	v5 =	vld [tilespmem:s0+$0xE410]  }
0x192: {  	v4 =	vld [tilespmem:s0+$0xE420]  }
0x193: {  	v2 =	vld [tilespmem:s0+$0xE430]  }
0x194: {  	v0 =	vld [tilespmem:s0+$0xE440]  }
0x195: {  	v1 =	vld [tilespmem:s0+$0xE450];
	v6 =	vmul.f32 $1.131370830e+01, v3  }
0x196: {  	s7 =	simm.s32 $0x200;
	v5 =	vmul.f32 $1.131370830e+01, v5;
	v3 =	vld [tilespmem:s0+$0xE460]  }
.LBB2_28:
0x197: {  	s8 =	sshra.s32 s7, $0x2;
	p0 =	sne.s32 s7, $0xFE00;
	[tilespmem:s0+$0xE400] =	vst v6;
	v4 =	vmul.f32 $1.131370830e+01, v4;
	v6 =	vld [tilespmem:s0+$0xE470]  }
0x198: {  	v7 =	vld [tilespmem:s8+$0xE400];
	[tilespmem:s0+$0xE410] =	vst v5;
	v2 =	vmul.f32 $1.131370830e+01, v2  }
0x199: {  	v5 =	vld [tilespmem:s8+$0xE410];
	[tilespmem:s0+$0xE420] =	vst v4;
	v0 =	vmul.f32 $1.131370830e+01, v0  }
.Ltmp13:
0x19a: {  	v4 =	vld [tilespmem:s8+$0xE420];
	[tilespmem:s0+$0xE430] =	vst v2;
	v1 =	vmul.f32 $1.131370830e+01, v1;
	(pc) =	sbr.rel @p0 .LBB2_28-.Ltmp13, $4  }
0x19b: {  	v2 =	vld [tilespmem:s8+$0xE430];
	[tilespmem:s0+$0xE440] =	vst v0;
	v3 =	vmul.f32 $1.131370830e+01, v3  }
0x19c: {  	v0 =	vld [tilespmem:s8+$0xE440];
	[tilespmem:s0+$0xE450] =	vst v1;
	v8 =	vmul.f32 $1.131370830e+01, v6  }
0x19d: {  	v6 =	vmul.f32 $1.131370830e+01, v7;
	v1 =	vld [tilespmem:s8+$0xE450];
	[tilespmem:s0+$0xE460] =	vst v3  }
0x19e: {  	s7 =	sadd.s32 $0x200, s7;
	v5 =	vmul.f32 $1.131370830e+01, v5;
	v3 =	vld [tilespmem:s8+$0xE460];
	[tilespmem:s0+$0xE470] =	vst v8;
	s0 =	smov.u32 s8  }
0x19f: {  	[tilespmem:s0+$0xE400] =	vst v6;
	v4 =	vmul.f32 $1.131370830e+01, v4;
	v6 =	vld [tilespmem:s0+$0xE470]  }
0x1a0: {  	[tilespmem:s0+$0xE410] =	vst v5;
	v2 =	vmul.f32 $1.131370830e+01, v2  }
0x1a1: {  	[tilespmem:s0+$0xE420] =	vst v4;
	v0 =	vmul.f32 $1.131370830e+01, v0  }
0x1a2: {  	[tilespmem:s0+$0xE430] =	vst v2;
	v1 =	vmul.f32 $1.131370830e+01, v1  }
0x1a3: {  	[tilespmem:s0+$0xE440] =	vst v0;
	v0 =	vmul.f32 $1.131370830e+01, v3  }
0x1a4: {  	[tilespmem:s0+$0xE450] =	vst v1;
	v1 =	vmul.f32 $1.131370830e+01, v6  }
0x1a5: {  	[tilespmem:s0+$0xE460] =	vst v0  }
0x1a6: {  	s30 =	simm.s32 $0x0;
	[tilespmem:s0+$0xE470] =	vst v1  }
0x1a7: {  	[hbm4b:s16+s30] =	stream.linear.scatter [tilespmem:s25], [sflag:$0x2], $0x4000, $0x38;
	[tilespmem:$0x1A400] =	vst v63  }
0x1a8: {  	_ =	swait.ge [sflag:s1], $0x4000  }
0x1a9: {  	[sflag:s1] =	ssyncset.done $0x0  }
0x1aa: {  	[sflag:s1] =	ssyncadd.s32 $0xFFFFC000  }
0x1ab: {  	_ =	swait.ge [sflag:s26], $0x4000  }
0x1ac: {  	[sflag:s26] =	ssyncset.done $0x0  }
0x1ad: {  	s0 =	simm.s32 $0x0;
	[sflag:s26] =	ssyncadd.s32 $0xFFFFC000  }
0x1ae: {  	v3 =	vld [tilespmem:s0+$0x12400]  }
0x1af: {  	v5 =	vld [tilespmem:s0+$0x12410]  }
0x1b0: {  	v4 =	vld [tilespmem:s0+$0x12420]  }
0x1b1: {  	v2 =	vld [tilespmem:s0+$0x12430]  }
0x1b2: {  	v0 =	vld [tilespmem:s0+$0x12440]  }
0x1b3: {  	v1 =	vld [tilespmem:s0+$0x12450];
	v6 =	vmul.f32 $1.131370830e+01, v3  }
0x1b4: {  	s7 =	simm.s32 $0x200;
	v5 =	vmul.f32 $1.131370830e+01, v5;
	v3 =	vld [tilespmem:s0+$0x12460]  }
.LBB2_30:
0x1b5: {  	s8 =	sshra.s32 s7, $0x2;
	p0 =	sne.s32 s7, $0xFE00;
	[tilespmem:s0+$0x12400] =	vst v6;
	v4 =	vmul.f32 $1.131370830e+01, v4;
	v6 =	vld [tilespmem:s0+$0x12470]  }
0x1b6: {  	v7 =	vld [tilespmem:s8+$0x12400];
	[tilespmem:s0+$0x12410] =	vst v5;
	v2 =	vmul.f32 $1.131370830e+01, v2  }
0x1b7: {  	v5 =	vld [tilespmem:s8+$0x12410];
	[tilespmem:s0+$0x12420] =	vst v4;
	v0 =	vmul.f32 $1.131370830e+01, v0  }
.Ltmp14:
0x1b8: {  	v4 =	vld [tilespmem:s8+$0x12420];
	[tilespmem:s0+$0x12430] =	vst v2;
	v1 =	vmul.f32 $1.131370830e+01, v1;
	(pc) =	sbr.rel @p0 .LBB2_30-.Ltmp14, $4  }
0x1b9: {  	v2 =	vld [tilespmem:s8+$0x12430];
	[tilespmem:s0+$0x12440] =	vst v0;
	v3 =	vmul.f32 $1.131370830e+01, v3  }
0x1ba: {  	v0 =	vld [tilespmem:s8+$0x12440];
	[tilespmem:s0+$0x12450] =	vst v1;
	v8 =	vmul.f32 $1.131370830e+01, v6  }
0x1bb: {  	v6 =	vmul.f32 $1.131370830e+01, v7;
	v1 =	vld [tilespmem:s8+$0x12450];
	[tilespmem:s0+$0x12460] =	vst v3  }
0x1bc: {  	s7 =	sadd.s32 $0x200, s7;
	v5 =	vmul.f32 $1.131370830e+01, v5;
	v3 =	vld [tilespmem:s8+$0x12460];
	[tilespmem:s0+$0x12470] =	vst v8;
	s0 =	smov.u32 s8  }
0x1bd: {  	[tilespmem:s0+$0x12400] =	vst v6;
	v4 =	vmul.f32 $1.131370830e+01, v4;
	v6 =	vld [tilespmem:s0+$0x12470]  }
0x1be: {  	[tilespmem:s0+$0x12410] =	vst v5;
	v2 =	vmul.f32 $1.131370830e+01, v2  }
0x1bf: {  	[tilespmem:s0+$0x12420] =	vst v4;
	v0 =	vmul.f32 $1.131370830e+01, v0  }
0x1c0: {  	[tilespmem:s0+$0x12430] =	vst v2;
	v1 =	vmul.f32 $1.131370830e+01, v1  }
0x1c1: {  	[tilespmem:s0+$0x12440] =	vst v0;
	v0 =	vmul.f32 $1.131370830e+01, v3  }
0x1c2: {  	[tilespmem:s0+$0x12450] =	vst v1;
	v1 =	vmul.f32 $1.131370830e+01, v6  }
0x1c3: {  	[tilespmem:s0+$0x12460] =	vst v0  }
0x1c4: {  	s30 =	simm.s32 $0x0;
	[tilespmem:s0+$0x12470] =	vst v1  }
0x1c5: {  	[hbm4b:s17+s30] =	stream.linear.scatter [tilespmem:s29], [sflag:$0x2], $0x4000, $0x38;
	[tilespmem:$0x1A400] =	vst v63  }
0x1c6: {  	_ =	swait.ge [sflag:s1], $0x4000  }
0x1c7: {  	[sflag:s1] =	ssyncset.done $0x0  }
0x1c8: {  	[sflag:s1] =	ssyncadd.s32 $0xFFFFC000  }
0x1c9: {  	_ =	swait.ge [sflag:s26], $0x4000  }
0x1ca: {  	[sflag:s26] =	ssyncset.done $0x0  }
0x1cb: {  	s0 =	simm.s32 $0x0;
	[sflag:s26] =	ssyncadd.s32 $0xFFFFC000  }
0x1cc: {  	v3 =	vld [tilespmem:s0+$0x16400]  }
0x1cd: {  	v5 =	vld [tilespmem:s0+$0x16410]  }
0x1ce: {  	v4 =	vld [tilespmem:s0+$0x16420]  }
0x1cf: {  	v2 =	vld [tilespmem:s0+$0x16430]  }
0x1d0: {  	v0 =	vld [tilespmem:s0+$0x16440]  }
0x1d1: {  	v1 =	vld [tilespmem:s0+$0x16450];
	v6 =	vmul.f32 $1.131370830e+01, v3  }
0x1d2: {  	s7 =	simm.s32 $0x200;
	v5 =	vmul.f32 $1.131370830e+01, v5;
	v3 =	vld [tilespmem:s0+$0x16460]  }
.LBB2_32:
0x1d3: {  	s8 =	sshra.s32 s7, $0x2;
	p0 =	sne.s32 s7, $0xFE00;
	[tilespmem:s0+$0x16400] =	vst v6;
	v4 =	vmul.f32 $1.131370830e+01, v4;
	v6 =	vld [tilespmem:s0+$0x16470]  }
0x1d4: {  	v7 =	vld [tilespmem:s8+$0x16400];
	[tilespmem:s0+$0x16410] =	vst v5;
	v2 =	vmul.f32 $1.131370830e+01, v2  }
0x1d5: {  	v5 =	vld [tilespmem:s8+$0x16410];
	[tilespmem:s0+$0x16420] =	vst v4;
	v0 =	vmul.f32 $1.131370830e+01, v0  }
.Ltmp15:
0x1d6: {  	v4 =	vld [tilespmem:s8+$0x16420];
	[tilespmem:s0+$0x16430] =	vst v2;
	v1 =	vmul.f32 $1.131370830e+01, v1;
	(pc) =	sbr.rel @p0 .LBB2_32-.Ltmp15, $4  }
0x1d7: {  	v2 =	vld [tilespmem:s8+$0x16430];
	[tilespmem:s0+$0x16440] =	vst v0;
	v3 =	vmul.f32 $1.131370830e+01, v3  }
0x1d8: {  	v0 =	vld [tilespmem:s8+$0x16440];
	[tilespmem:s0+$0x16450] =	vst v1;
	v8 =	vmul.f32 $1.131370830e+01, v6  }
0x1d9: {  	v6 =	vmul.f32 $1.131370830e+01, v7;
	v1 =	vld [tilespmem:s8+$0x16450];
	[tilespmem:s0+$0x16460] =	vst v3  }
0x1da: {  	s7 =	sadd.s32 $0x200, s7;
	v5 =	vmul.f32 $1.131370830e+01, v5;
	v3 =	vld [tilespmem:s8+$0x16460];
	[tilespmem:s0+$0x16470] =	vst v8;
	s0 =	smov.u32 s8  }
0x1db: {  	[tilespmem:s0+$0x16400] =	vst v6;
	v4 =	vmul.f32 $1.131370830e+01, v4;
	v61 =	vld [tilespmem:s0+$0x16470]  }
0x1dc: {  	[tilespmem:s0+$0x16410] =	vst v5;
	v2 =	vmul.f32 $1.131370830e+01, v2  }
0x1dd: {  	[tilespmem:s0+$0x16420] =	vst v4;
	v0 =	vmul.f32 $1.131370830e+01, v0  }
0x1de: {  	[tilespmem:s0+$0x16430] =	vst v2;
	v1 =	vmul.f32 $1.131370830e+01, v1  }
0x1df: {  	[tilespmem:s0+$0x16440] =	vst v0;
	v62 =	vmul.f32 $1.131370830e+01, v3  }
0x1e0: {  	[tilespmem:s0+$0x16450] =	vst v1;
	v63 =	vmul.f32 $1.131370830e+01, v61  }
0x1e1: {  	[tilespmem:s0+$0x16460] =	vst v62  }
0x1e2: {  	[tilespmem:s0+$0x16470] =	vst v63  }
0x1e3: {  	[hbm4b:s18+s4] =	stream.linear.scatter [tilespmem:s31], [sflag:$0x2], $0x4000, $0x38;
	[tilespmem:$0x1A400] =	vst v63  }
0x1e4: {  	_ =	swait.ge [sflag:s1], $0x4000  }
0x1e5: {  	[sflag:s1] =	ssyncset.done $0x0  }
0x1e6: {  	s24 =	sadd.s32 $0x1, s24;
	[sflag:s1] =	ssyncadd.s32 $0xFFFFC000  }
0x1e7: {  	p0 =	sne.s32 s24, s19;
	_ =	swait.ge [sflag:s1], $0x4000  }
.Ltmp16:
0x1e8: {  	[sflag:s1] =	ssyncset.done $0x0;
	(pc) =	sbr.rel @p0 .LBB2_1-.Ltmp16, $4  }
0x1e9: {  	[sflag:s1] =	ssyncadd.s32 $0xFFFFC000  }
0x1ea: {  	_ =	swait.ge [sflag:s1], $0x4000  }
0x1eb: {  	[sflag:s1] =	ssyncset.done $0x0  }
0x1ec: {  	[sflag:s1] =	ssyncadd.s32 $0xFFFFC000  }
0x1ed: {  	_ =	sfence.sel $0x180000  }
0x1ee: {  	[bflag:$0x0] =	sbarrier.arrive $0xFFFF  }
0x1ef: {  	_ =	strace $0x90000047  }
0x1f0: {  	s0 =	stileid.u32;
	[bflag:$0x2] =	sbarrier.arrive $0xFFFF  }
0x1f1: {  	p0 =	sne.s32 s0, $0x0;
	s0 =	rddreg [dreg:$0x3]  }
0x1f2: {  	s0 =	sadd.s32 @!p0 $0x100000, s0  }
0x1f3: {  	[sflag:s0] =	ssyncadd.tile.s32 @!p0 $0x1;
	_ =	shalt  }
.Lfunc_end2:
_tile_overlayer_lowered:
.L_overlay_start_2:
0x1f4: {  	(tag) =	ssettag $0x2  }
0x1f5: {  	s0 =	rddreg [dreg:$0x0];
	s2 =	stileid.u32  }
0x1f6: {  	s1 =	rddreg [dreg:$0x1];
	p0 =	sne.s32 s2, $0x0  }
0x1f7: {  	s3 =	rddreg [dreg:$0x2];
	[bflag:$0x3] =	sbarrier.arrive $0xFFFF;
	s2 =	simm.s32 @!p0 $0x1C03  }
0x1f8: {  	[timem:s3], [sflag:s2] =	dma.local @!p0 [hbm:s0], s1  }
0x1f9: {  	s0 =	simm.s32 @!p0 $0x3  }
0x1fa: {  	_ =	swait.ge @!p0 [sflag:s0], s1  }
0x1fb: {  	s1 =	ssub.s32 @!p0 $0x0, s1;
	[sflag:s0] =	ssyncset.done @!p0 $0x0  }
0x1fc: {  	[sflag:s0] =	ssyncadd.s32 @!p0 s1  }
0x1fd: {  	[bflag:$0x3] =	sbarrier.arrive $0xFFFF  }
0x1fe: {  	_ =	shalt  }

</sc_bundles>
